<compile_context>
chip_gen: v7x
topology: tpu7x:2x2x1
jax: 0.10.2.dev20260603
libtpu: 0.0.44.dev20260713+nightly
codegen_flags: <defaults>
</compile_context>

<pallas_src>
import functools

import jax
import jax.numpy as jnp
from jax import lax
from jax.experimental import pallas as pl
from jax.experimental.pallas import tpu as pltpu
from jax.experimental.pallas import tpu_sc as plsc

_P = 262144
_D = 64
_NB = 32
_NW = 32
_PW = _P // _NW
_CH = 128
_NCH = _PW // _CH
_NPV = _CH // 16
_NBUF = 4

_DNUMS = lax.GatherDimensionNumbers(
    offset_dims=(), collapsed_slice_dims=(0,), start_index_map=(0,)
)


def _take16(vec, idx):
    return lax.gather(
        vec, idx[:, None], _DNUMS, slice_sizes=(1,),
        mode=lax.GatherScatterMode.PROMISE_IN_BOUNDS,
    )


def _sc_lookup(scale_vec, shift_vec, base_cantor, basis_t):
    mesh = plsc.VectorSubcoreMesh(core_axis_name="c", subcore_axis_name="s")

    @functools.partial(
        pl.kernel,
        out_type=jax.ShapeDtypeStruct((_D, _P), jnp.float32),
        mesh=mesh,
        scratch_types=[
            pltpu.VMEM((16,), jnp.float32),
            pltpu.VMEM((16,), jnp.float32),
            pltpu.VMEM((_PW,), jnp.float32),
            pltpu.VMEM((_D, _NB), jnp.float32),
            [pltpu.VMEM((_D, _CH), jnp.float32) for _ in range(_NBUF)],
            [pltpu.SemaphoreType.DMA for _ in range(_NBUF)],
        ],
    )
    def body(scale_hbm, shift_hbm, cantor_hbm, tabt_hbm, outt_hbm,
             scale_v, shift_v, cant_v, tabt_v, bufs, osem):
        wid = lax.axis_index("s") * 2 + lax.axis_index("c")
        base = wid * _PW
        pltpu.sync_copy(scale_hbm, scale_v)
        pltpu.sync_copy(shift_hbm, shift_v)
        pltpu.sync_copy(tabt_hbm, tabt_v)
        pltpu.sync_copy(cantor_hbm.at[pl.ds(base, _PW)], cant_v)
        s = scale_v[...]
        t = shift_v[...]

        def outer(jj, carry):
            for b in range(_NBUF):
                j = jj * _NBUF + b
                buf = bufs[b]

                @pl.when(jj > 0)
                def _wait():
                    pltpu.make_async_copy(
                        buf, outt_hbm.at[:, pl.ds(base, _CH)], osem[b]
                    ).wait()

                ilos = []
                msks = []
                for pv in range(_NPV):
                    c = cant_v[pl.ds(j * _CH + pv * 16, 16)]
                    iv = (c * s + t).astype(jnp.int32) & (_NB - 1)
                    ilos.append(iv & 15)
                    msks.append(iv < 16)

                def dloop(d2, carry2):
                    for dd in range(4):
                        d = d2 * 4 + dd
                        lo = tabt_v[d, pl.ds(0, 16)]
                        hi = tabt_v[d, pl.ds(16, 16)]
                        for pv in range(_NPV):
                            g = jnp.where(
                                msks[pv], _take16(lo, ilos[pv]), _take16(hi, ilos[pv])
                            )
                            buf[d, pl.ds(pv * 16, 16)] = g
                    return carry2

                lax.fori_loop(0, _D // 4, dloop, 0)
                pltpu.async_copy(
                    buf, outt_hbm.at[:, pl.ds(base + j * _CH, _CH)], osem[b]
                )
            return carry

        lax.fori_loop(0, _NCH // _NBUF, outer, 0)
        for b in range(_NBUF):
            pltpu.make_async_copy(
                bufs[b], outt_hbm.at[:, pl.ds(base, _CH)], osem[b]
            ).wait()

    return body(scale_vec, shift_vec, base_cantor, basis_t)


def kernel(fingerprint, basis, W, b, base_cantor):
    params = W @ fingerprint + b
    scale = jax.nn.sigmoid(params[0]) * 2.0 + 0.5
    shift = jnp.sum(jnp.tanh(params[1:2]) * 512.0)
    scale_vec = jnp.full((16,), scale, jnp.float32)
    shift_vec = jnp.full((16,), shift, jnp.float32)
    out_t = _sc_lookup(scale_vec, shift_vec, base_cantor, basis.T)
    return out_t.T

# --- scband reference (transcript-rebuilt; emitter-appended) ---
"""Pipeline reference for scband-cantor-behavior-25202868093627 (READ-ONLY COPY).

The authoritative reference and input builder live on the scoring server;
editing this copy changes nothing except your own understanding.
"""

import jax, jax.numpy as jnp
import numpy as np

P = 262144
G = 512
D = 64
NB = 32

def _build_cantor():
    pos = np.arange(P, dtype=np.int64)
    x = pos % G
    y = pos // G
    z = (x + y) * (x + y + 1) // 2 + y
    return jnp.asarray(z, dtype=jnp.float32)

def setup_inputs(seed: int = 0) -> dict:
    key = jax.random.key(seed)
    k1, k2, k3 = jax.random.split(key, 3)
    fingerprint = jax.random.normal(k1, (D,), dtype=jnp.float32)
    basis = jax.random.normal(k2, (NB, D), dtype=jnp.float32) * 0.02
    bound = 1.0 / np.sqrt(D)
    W = jax.random.uniform(k3, (3, D), dtype=jnp.float32, minval=-bound, maxval=bound)
    b = jnp.zeros((3,), dtype=jnp.float32)
    base_cantor = _build_cantor()
    return {"fingerprint": fingerprint, "basis": basis, "W": W, "b": b, "base_cantor": base_cantor}

def reference(fingerprint, basis, W, b, base_cantor):
    # fp_to_offset: Linear(fingerprint_dim, 3)
    params = W @ fingerprint + b
    scale = jax.nn.sigmoid(params[0]) * 2.0 + 0.5
    shift = jnp.tanh(params[1:2]) * float(G)
    offset_cantor = base_cantor * scale + jnp.sum(shift)
    # torch .long() truncates toward zero; torch % gives nonnegative result (sign of divisor)
    basis_idx = offset_cantor.astype(jnp.int32) % NB
    return jnp.take(basis, basis_idx, axis=0)

if __name__ == "__main__":
    import jax
    _d = setup_inputs()
    print(jax.jit(kernel)(*tuple(_d.values())))

</pallas_src>

<mosaic_0001>
#map = affine_map<(d0, d1) -> (0)>
#map1 = affine_map<(d0, d1) -> (0, 0)>
module attributes {stable_mosaic.version = 14 : i64} {
  func.func @body(%arg0: i32, %arg1: i32, %arg2: memref<16xf32, #tpu.memory_space<hbm>>, %arg3: memref<16xf32, #tpu.memory_space<hbm>>, %arg4: memref<262144xf32, #tpu.memory_space<hbm>>, %arg5: memref<64x32xf32, #tpu.memory_space<hbm>>, %arg6: memref<64x262144xf32, #tpu.memory_space<hbm>>, %arg7: memref<16xf32, #tpu.memory_space<vmem>>, %arg8: memref<16xf32, #tpu.memory_space<vmem>>, %arg9: memref<8192xf32, #tpu.memory_space<vmem>>, %arg10: memref<64x32xf32, #tpu.memory_space<vmem>>, %arg11: memref<64x128xf32, #tpu.memory_space<vmem>>, %arg12: memref<64x128xf32, #tpu.memory_space<vmem>>, %arg13: memref<64x128xf32, #tpu.memory_space<vmem>>, %arg14: memref<64x128xf32, #tpu.memory_space<vmem>>, %arg15: memref<!tpu.dma_semaphore, #tpu.memory_space<semaphore_mem>>, %arg16: memref<!tpu.dma_semaphore, #tpu.memory_space<semaphore_mem>>, %arg17: memref<!tpu.dma_semaphore, #tpu.memory_space<semaphore_mem>>, %arg18: memref<!tpu.dma_semaphore, #tpu.memory_space<semaphore_mem>>) attributes {dimension_semantics = [#tpu.dimension_semantics<core_parallel>, #tpu.dimension_semantics<subcore_parallel>], iteration_bounds = array<i64: 2, 16>, scalar_prefetch = 0 : i64, scratch_operands = 12 : i64, tpu.core_type = #tpu.core_type<sc_vector_subcore>, window_params = [{transform_indices = #map}, {transform_indices = #map}, {transform_indices = #map}, {transform_indices = #map1}, {transform_indices = #map1}]} {
    %mul3A = arith.constant 2 : i32
    %mul3A_0 = arith.muli %arg1, %mul3A : i32
    %add3A = arith.addi %mul3A_0, %arg0 : i32
    %mul3A_1 = arith.constant 8192 : i32
    %mul3A_2 = arith.muli %add3A, %mul3A_1 : i32
    "tpu.region"() ({
      %run_scoped3A = tpu.sem_alloc : memref<!tpu.dma_semaphore, #tpu.memory_space<semaphore_mem>>
      tpu.enqueue_dma source(%arg2 : memref<16xf32, #tpu.memory_space<hbm>>) target(%arg7 : memref<16xf32, #tpu.memory_space<vmem>>) target_semaphore(%run_scoped3A : memref<!tpu.dma_semaphore, #tpu.memory_space<semaphore_mem>>)
      tpu.wait_dma2 semaphore(%run_scoped3A : memref<!tpu.dma_semaphore, #tpu.memory_space<semaphore_mem>>) src(%arg2 : memref<16xf32, #tpu.memory_space<hbm>>) dst(%arg7 : memref<16xf32, #tpu.memory_space<vmem>>)
      tpu.yield
    }) : () -> ()
    "tpu.region"() ({
      %run_scoped3A = tpu.sem_alloc : memref<!tpu.dma_semaphore, #tpu.memory_space<semaphore_mem>>
      tpu.enqueue_dma source(%arg3 : memref<16xf32, #tpu.memory_space<hbm>>) target(%arg8 : memref<16xf32, #tpu.memory_space<vmem>>) target_semaphore(%run_scoped3A : memref<!tpu.dma_semaphore, #tpu.memory_space<semaphore_mem>>)
      tpu.wait_dma2 semaphore(%run_scoped3A : memref<!tpu.dma_semaphore, #tpu.memory_space<semaphore_mem>>) src(%arg3 : memref<16xf32, #tpu.memory_space<hbm>>) dst(%arg8 : memref<16xf32, #tpu.memory_space<vmem>>)
      tpu.yield
    }) : () -> ()
    "tpu.region"() ({
      %run_scoped3A = tpu.sem_alloc : memref<!tpu.dma_semaphore, #tpu.memory_space<semaphore_mem>>
      tpu.enqueue_dma source(%arg5 : memref<64x32xf32, #tpu.memory_space<hbm>>) target(%arg10 : memref<64x32xf32, #tpu.memory_space<vmem>>) target_semaphore(%run_scoped3A : memref<!tpu.dma_semaphore, #tpu.memory_space<semaphore_mem>>)
      tpu.wait_dma2 semaphore(%run_scoped3A : memref<!tpu.dma_semaphore, #tpu.memory_space<semaphore_mem>>) src(%arg5 : memref<64x32xf32, #tpu.memory_space<hbm>>) dst(%arg10 : memref<64x32xf32, #tpu.memory_space<vmem>>)
      tpu.yield
    }) : () -> ()
    "tpu.region"() ({
      %run_scoped3A = tpu.sem_alloc : memref<!tpu.dma_semaphore, #tpu.memory_space<semaphore_mem>>
      %dma_start3A = tpu.memref_slice %arg4[%mul3A_2] : memref<262144xf32, #tpu.memory_space<hbm>> -> memref<8192xf32, #tpu.memory_space<hbm>>
      %dma_start3A_28 = tpu.memref_slice %arg4[%mul3A_2] : memref<262144xf32, #tpu.memory_space<hbm>> -> memref<8192xf32, #tpu.memory_space<hbm>>
      tpu.enqueue_dma source(%dma_start3A_28 : memref<8192xf32, #tpu.memory_space<hbm>>) target(%arg9 : memref<8192xf32, #tpu.memory_space<vmem>>) target_semaphore(%run_scoped3A : memref<!tpu.dma_semaphore, #tpu.memory_space<semaphore_mem>>)
      %dma_wait3A_29 = tpu.memref_slice %arg4[%mul3A_2] : memref<262144xf32, #tpu.memory_space<hbm>> -> memref<8192xf32, #tpu.memory_space<hbm>>
      %dma_wait3A_30 = tpu.memref_slice %arg4[%mul3A_2] : memref<262144xf32, #tpu.memory_space<hbm>> -> memref<8192xf32, #tpu.memory_space<hbm>>
      tpu.wait_dma2 semaphore(%run_scoped3A : memref<!tpu.dma_semaphore, #tpu.memory_space<semaphore_mem>>) src(%dma_wait3A_30 : memref<8192xf32, #tpu.memory_space<hbm>>) dst(%arg9 : memref<8192xf32, #tpu.memory_space<vmem>>)
      tpu.yield
    }) : () -> ()
    %get3A = arith.constant 0 : index
    %get3A_3 = tpu.vector_load %arg7[%get3A] {strides = array<i32>} : memref<16xf32, #tpu.memory_space<vmem>>, vector<16xf32>,
    %get3A_4 = vector.shape_cast %get3A_3 : vector<16xf32> to vector<16xf32>
    %get3A_5 = arith.constant 0 : index
    %get3A_6 = tpu.vector_load %arg8[%get3A_5] {strides = array<i32>} : memref<16xf32, #tpu.memory_space<vmem>>, vector<16xf32>,
    %get3A_7 = vector.shape_cast %get3A_6 : vector<16xf32> to vector<16xf32>
    %scan3A = arith.constant 0 : i32
    %scan3A_8 = arith.constant 0 : i32
    %scan3A_9 = arith.constant 16 : i32
    %scan3A_10 = arith.addi %scan3A_8, %scan3A_9 : i32
    %scan3A_11 = arith.constant 1 : i32
    scf.for %scan3A_28 = %scan3A_8 to %scan3A_10 step %scan3A_11  : i32 {
      %mul3A_29 = arith.constant 4 : i32
      %mul3A_30 = arith.muli %scan3A_28, %mul3A_29 : i32
      %add3A_31 = arith.constant 0 : i32
      %add3A_32 = arith.addi %mul3A_30, %add3A_31 : i32
      %gt3A = arith.constant 0 : i32
      %gt3A_33 = arith.cmpi sgt, %scan3A_28, %gt3A : i32
      %convert_element_type3A = arith.extui %gt3A_33 : i1 to i32
      %cond3A = arith.constant 0 : i32
      %cond3A_34 = arith.cmpi ne, %convert_element_type3A, %cond3A : i32
      scf.if %cond3A_34 {
        %dma_wait3A_719 = arith.constant 0 : i32
        %dma_wait3A_720 = tpu.memref_slice %arg6[%dma_wait3A_719, %mul3A_2] : memref<64x262144xf32, #tpu.memory_space<hbm>> -> memref<64x128xf32, #tpu.memory_space<hbm>>
        %dma_wait3A_721 = arith.constant 0 : i32
        %dma_wait3A_722 = tpu.memref_slice %arg6[%dma_wait3A_721, %mul3A_2] : memref<64x262144xf32, #tpu.memory_space<hbm>> -> memref<64x128xf32, #tpu.memory_space<hbm>>
        tpu.wait_dma2 semaphore(%arg15 : memref<!tpu.dma_semaphore, #tpu.memory_space<semaphore_mem>>) src(%arg11 : memref<64x128xf32, #tpu.memory_space<vmem>>) dst(%dma_wait3A_722 : memref<64x128xf32, #tpu.memory_space<hbm>>)
      } else {
      }
      %mul3A_35 = arith.constant 128 : i32
      %mul3A_36 = arith.muli %add3A_32, %mul3A_35 : i32
      %add3A_37 = arith.constant 0 : i32
      %add3A_38 = arith.addi %mul3A_36, %add3A_37 : i32
      %get3A_39 = arith.index_cast %add3A_38 : i32 to index
      %get3A_40 = tpu.vector_load %arg9[%get3A_39] {strides = array<i32>} : memref<8192xf32, #tpu.memory_space<vmem>>, vector<16xf32>,
      %get3A_41 = vector.shape_cast %get3A_40 : vector<16xf32> to vector<16xf32>
      %mul3A_42 = arith.mulf %get3A_41, %get3A_4 : vector<16xf32>
      %add3A_43 = arith.addf %mul3A_42, %get3A_7 : vector<16xf32>
      %convert_element_type3A_44 = arith.fptosi %add3A_43 : vector<16xf32> to vector<16xi32>
      %and3A = arith.constant 31 : i32
      %and3A_45 = vector.broadcast %and3A : i32 to vector<16xi32>
      %and3A_46 = arith.andi %convert_element_type3A_44, %and3A_45 : vector<16xi32>
      %and3A_47 = arith.constant 15 : i32
      %and3A_48 = vector.broadcast %and3A_47 : i32 to vector<16xi32>
      %and3A_49 = arith.andi %and3A_46, %and3A_48 : vector<16xi32>
      %lt3A = arith.constant 16 : i32
      %lt3A_50 = vector.broadcast %lt3A : i32 to vector<16xi32>
      %lt3A_51 = arith.cmpi slt, %and3A_46, %lt3A_50 : vector<16xi32>
      %mul3A_52 = arith.constant 128 : i32
      %mul3A_53 = arith.muli %add3A_32, %mul3A_52 : i32
      %add3A_54 = arith.constant 16 : i32
      %add3A_55 = arith.addi %mul3A_53, %add3A_54 : i32
      %get3A_56 = arith.index_cast %add3A_55 : i32 to index
      %get3A_57 = tpu.vector_load %arg9[%get3A_56] {strides = array<i32>} : memref<8192xf32, #tpu.memory_space<vmem>>, vector<16xf32>,
      %get3A_58 = vector.shape_cast %get3A_57 : vector<16xf32> to vector<16xf32>
      %mul3A_59 = arith.mulf %get3A_58, %get3A_4 : vector<16xf32>
      %add3A_60 = arith.addf %mul3A_59, %get3A_7 : vector<16xf32>
      %convert_element_type3A_61 = arith.fptosi %add3A_60 : vector<16xf32> to vector<16xi32>
      %and3A_62 = arith.constant 31 : i32
      %and3A_63 = vector.broadcast %and3A_62 : i32 to vector<16xi32>
      %and3A_64 = arith.andi %convert_element_type3A_61, %and3A_63 : vector<16xi32>
      %and3A_65 = arith.constant 15 : i32
      %and3A_66 = vector.broadcast %and3A_65 : i32 to vector<16xi32>
      %and3A_67 = arith.andi %and3A_64, %and3A_66 : vector<16xi32>
      %lt3A_68 = arith.constant 16 : i32
      %lt3A_69 = vector.broadcast %lt3A_68 : i32 to vector<16xi32>
      %lt3A_70 = arith.cmpi slt, %and3A_64, %lt3A_69 : vector<16xi32>
      %mul3A_71 = arith.constant 128 : i32
      %mul3A_72 = arith.muli %add3A_32, %mul3A_71 : i32
      %add3A_73 = arith.constant 32 : i32
      %add3A_74 = arith.addi %mul3A_72, %add3A_73 : i32
      %get3A_75 = arith.index_cast %add3A_74 : i32 to index
      %get3A_76 = tpu.vector_load %arg9[%get3A_75] {strides = array<i32>} : memref<8192xf32, #tpu.memory_space<vmem>>, vector<16xf32>,
      %get3A_77 = vector.shape_cast %get3A_76 : vector<16xf32> to vector<16xf32>
      %mul3A_78 = arith.mulf %get3A_77, %get3A_4 : vector<16xf32>
      %add3A_79 = arith.addf %mul3A_78, %get3A_7 : vector<16xf32>
      %convert_element_type3A_80 = arith.fptosi %add3A_79 : vector<16xf32> to vector<16xi32>
      %and3A_81 = arith.constant 31 : i32
      %and3A_82 = vector.broadcast %and3A_81 : i32 to vector<16xi32>
      %and3A_83 = arith.andi %convert_element_type3A_80, %and3A_82 : vector<16xi32>
      %and3A_84 = arith.constant 15 : i32
      %and3A_85 = vector.broadcast %and3A_84 : i32 to vector<16xi32>
      %and3A_86 = arith.andi %and3A_83, %and3A_85 : vector<16xi32>
      %lt3A_87 = arith.constant 16 : i32
      %lt3A_88 = vector.broadcast %lt3A_87 : i32 to vector<16xi32>
      %lt3A_89 = arith.cmpi slt, %and3A_83, %lt3A_88 : vector<16xi32>
      %mul3A_90 = arith.constant 128 : i32
      %mul3A_91 = arith.muli %add3A_32, %mul3A_90 : i32
      %add3A_92 = arith.constant 48 : i32
      %add3A_93 = arith.addi %mul3A_91, %add3A_92 : i32
      %get3A_94 = arith.index_cast %add3A_93 : i32 to index
      %get3A_95 = tpu.vector_load %arg9[%get3A_94] {strides = array<i32>} : memref<8192xf32, #tpu.memory_space<vmem>>, vector<16xf32>,
      %get3A_96 = vector.shape_cast %get3A_95 : vector<16xf32> to vector<16xf32>
      %mul3A_97 = arith.mulf %get3A_96, %get3A_4 : vector<16xf32>
      %add3A_98 = arith.addf %mul3A_97, %get3A_7 : vector<16xf32>
      %convert_element_type3A_99 = arith.fptosi %add3A_98 : vector<16xf32> to vector<16xi32>
      %and3A_100 = arith.constant 31 : i32
      %and3A_101 = vector.broadcast %and3A_100 : i32 to vector<16xi32>
      %and3A_102 = arith.andi %convert_element_type3A_99, %and3A_101 : vector<16xi32>
      %and3A_103 = arith.constant 15 : i32
      %and3A_104 = vector.broadcast %and3A_103 : i32 to vector<16xi32>
      %and3A_105 = arith.andi %and3A_102, %and3A_104 : vector<16xi32>
      %lt3A_106 = arith.constant 16 : i32
      %lt3A_107 = vector.broadcast %lt3A_106 : i32 to vector<16xi32>
      %lt3A_108 = arith.cmpi slt, %and3A_102, %lt3A_107 : vector<16xi32>
      %mul3A_109 = arith.constant 128 : i32
      %mul3A_110 = arith.muli %add3A_32, %mul3A_109 : i32
      %add3A_111 = arith.constant 64 : i32
      %add3A_112 = arith.addi %mul3A_110, %add3A_111 : i32
      %get3A_113 = arith.index_cast %add3A_112 : i32 to index
      %get3A_114 = tpu.vector_load %arg9[%get3A_113] {strides = array<i32>} : memref<8192xf32, #tpu.memory_space<vmem>>, vector<16xf32>,
      %get3A_115 = vector.shape_cast %get3A_114 : vector<16xf32> to vector<16xf32>
      %mul3A_116 = arith.mulf %get3A_115, %get3A_4 : vector<16xf32>
      %add3A_117 = arith.addf %mul3A_116, %get3A_7 : vector<16xf32>
      %convert_element_type3A_118 = arith.fptosi %add3A_117 : vector<16xf32> to vector<16xi32>
      %and3A_119 = arith.constant 31 : i32
      %and3A_120 = vector.broadcast %and3A_119 : i32 to vector<16xi32>
      %and3A_121 = arith.andi %convert_element_type3A_118, %and3A_120 : vector<16xi32>
      %and3A_122 = arith.constant 15 : i32
      %and3A_123 = vector.broadcast %and3A_122 : i32 to vector<16xi32>
      %and3A_124 = arith.andi %and3A_121, %and3A_123 : vector<16xi32>
      %lt3A_125 = arith.constant 16 : i32
      %lt3A_126 = vector.broadcast %lt3A_125 : i32 to vector<16xi32>
      %lt3A_127 = arith.cmpi slt, %and3A_121, %lt3A_126 : vector<16xi32>
      %mul3A_128 = arith.constant 128 : i32
      %mul3A_129 = arith.muli %add3A_32, %mul3A_128 : i32
      %add3A_130 = arith.constant 80 : i32
      %add3A_131 = arith.addi %mul3A_129, %add3A_130 : i32
      %get3A_132 = arith.index_cast %add3A_131 : i32 to index
      %get3A_133 = tpu.vector_load %arg9[%get3A_132] {strides = array<i32>} : memref<8192xf32, #tpu.memory_space<vmem>>, vector<16xf32>,
      %get3A_134 = vector.shape_cast %get3A_133 : vector<16xf32> to vector<16xf32>
      %mul3A_135 = arith.mulf %get3A_134, %get3A_4 : vector<16xf32>
      %add3A_136 = arith.addf %mul3A_135, %get3A_7 : vector<16xf32>
      %convert_element_type3A_137 = arith.fptosi %add3A_136 : vector<16xf32> to vector<16xi32>
      %and3A_138 = arith.constant 31 : i32
      %and3A_139 = vector.broadcast %and3A_138 : i32 to vector<16xi32>
      %and3A_140 = arith.andi %convert_element_type3A_137, %and3A_139 : vector<16xi32>
      %and3A_141 = arith.constant 15 : i32
      %and3A_142 = vector.broadcast %and3A_141 : i32 to vector<16xi32>
      %and3A_143 = arith.andi %and3A_140, %and3A_142 : vector<16xi32>
      %lt3A_144 = arith.constant 16 : i32
      %lt3A_145 = vector.broadcast %lt3A_144 : i32 to vector<16xi32>
      %lt3A_146 = arith.cmpi slt, %and3A_140, %lt3A_145 : vector<16xi32>
      %mul3A_147 = arith.constant 128 : i32
      %mul3A_148 = arith.muli %add3A_32, %mul3A_147 : i32
      %add3A_149 = arith.constant 96 : i32
      %add3A_150 = arith.addi %mul3A_148, %add3A_149 : i32
      %get3A_151 = arith.index_cast %add3A_150 : i32 to index
      %get3A_152 = tpu.vector_load %arg9[%get3A_151] {strides = array<i32>} : memref<8192xf32, #tpu.memory_space<vmem>>, vector<16xf32>,
      %get3A_153 = vector.shape_cast %get3A_152 : vector<16xf32> to vector<16xf32>
      %mul3A_154 = arith.mulf %get3A_153, %get3A_4 : vector<16xf32>
      %add3A_155 = arith.addf %mul3A_154, %get3A_7 : vector<16xf32>
      %convert_element_type3A_156 = arith.fptosi %add3A_155 : vector<16xf32> to vector<16xi32>
      %and3A_157 = arith.constant 31 : i32
      %and3A_158 = vector.broadcast %and3A_157 : i32 to vector<16xi32>
      %and3A_159 = arith.andi %convert_element_type3A_156, %and3A_158 : vector<16xi32>
      %and3A_160 = arith.constant 15 : i32
      %and3A_161 = vector.broadcast %and3A_160 : i32 to vector<16xi32>
      %and3A_162 = arith.andi %and3A_159, %and3A_161 : vector<16xi32>
      %lt3A_163 = arith.constant 16 : i32
      %lt3A_164 = vector.broadcast %lt3A_163 : i32 to vector<16xi32>
      %lt3A_165 = arith.cmpi slt, %and3A_159, %lt3A_164 : vector<16xi32>
      %mul3A_166 = arith.constant 128 : i32
      %mul3A_167 = arith.muli %add3A_32, %mul3A_166 : i32
      %add3A_168 = arith.constant 112 : i32
      %add3A_169 = arith.addi %mul3A_167, %add3A_168 : i32
      %get3A_170 = arith.index_cast %add3A_169 : i32 to index
      %get3A_171 = tpu.vector_load %arg9[%get3A_170] {strides = array<i32>} : memref<8192xf32, #tpu.memory_space<vmem>>, vector<16xf32>,
      %get3A_172 = vector.shape_cast %get3A_171 : vector<16xf32> to vector<16xf32>
      %mul3A_173 = arith.mulf %get3A_172, %get3A_4 : vector<16xf32>
      %add3A_174 = arith.addf %mul3A_173, %get3A_7 : vector<16xf32>
      %convert_element_type3A_175 = arith.fptosi %add3A_174 : vector<16xf32> to vector<16xi32>
      %and3A_176 = arith.constant 31 : i32
      %and3A_177 = vector.broadcast %and3A_176 : i32 to vector<16xi32>
      %and3A_178 = arith.andi %convert_element_type3A_175, %and3A_177 : vector<16xi32>
      %and3A_179 = arith.constant 15 : i32
      %and3A_180 = vector.broadcast %and3A_179 : i32 to vector<16xi32>
      %and3A_181 = arith.andi %and3A_178, %and3A_180 : vector<16xi32>
      %lt3A_182 = arith.constant 16 : i32
      %lt3A_183 = vector.broadcast %lt3A_182 : i32 to vector<16xi32>
      %lt3A_184 = arith.cmpi slt, %and3A_178, %lt3A_183 : vector<16xi32>
      %scan3A_185 = arith.constant 0 : i32
      %scan3A_186 = arith.constant 0 : i32
      %scan3A_187 = arith.constant 16 : i32
      %scan3A_188 = arith.addi %scan3A_186, %scan3A_187 : i32
      %scan3A_189 = arith.constant 1 : i32
      scf.for %scan3A_719 = %scan3A_186 to %scan3A_188 step %scan3A_189  : i32 {
        %mul3A_720 = arith.constant 4 : i32
        %mul3A_721 = arith.muli %scan3A_719, %mul3A_720 : i32
        %add3A_722 = arith.constant 0 : i32
        %add3A_723 = arith.addi %mul3A_721, %add3A_722 : i32
        %get3A_724 = arith.index_cast %add3A_723 : i32 to index
        %get3A_725 = arith.constant 0 : index
        %get3A_726 = tpu.vector_load %arg10[%get3A_724, %get3A_725] {strides = array<i32>} : memref<64x32xf32, #tpu.memory_space<vmem>>, vector<1x16xf32>,
        %get3A_727 = vector.shape_cast %get3A_726 : vector<1x16xf32> to vector<16xf32>
        %get3A_728 = arith.index_cast %add3A_723 : i32 to index
        %get3A_729 = arith.constant 16 : index
        %get3A_730 = tpu.vector_load %arg10[%get3A_728, %get3A_729] {strides = array<i32>} : memref<64x32xf32, #tpu.memory_space<vmem>>, vector<1x16xf32>,
        %get3A_731 = vector.shape_cast %get3A_730 : vector<1x16xf32> to vector<16xf32>
        %broadcast_in_dim3A = vector.shape_cast %and3A_49 : vector<16xi32> to vector<16x1xi32>
        %gather3A = vector.shape_cast %broadcast_in_dim3A : vector<16x1xi32> to vector<16xi32>
        %gather3A_732 = tpu.dynamic_gather %get3A_727[%gather3A] in [0] : vector<16xf32>, vector<16xi32> -> vector<16xf32>
        %broadcast_in_dim3A_733 = vector.shape_cast %and3A_49 : vector<16xi32> to vector<16x1xi32>
        %gather3A_734 = vector.shape_cast %broadcast_in_dim3A_733 : vector<16x1xi32> to vector<16xi32>
        %gather3A_735 = tpu.dynamic_gather %get3A_731[%gather3A_734] in [0] : vector<16xf32>, vector<16xi32> -> vector<16xf32>
        %select_n3A = arith.select %lt3A_51, %gather3A_732, %gather3A_735 : vector<16xi1>, vector<16xf32>
        %swap3A = arith.index_cast %add3A_723 : i32 to index
        %swap3A_736 = arith.constant 0 : index
        %swap3A_737 = tpu.vector_load %arg11[%swap3A, %swap3A_736] {strides = array<i32>} : memref<64x128xf32, #tpu.memory_space<vmem>>, vector<1x16xf32>,
        %swap3A_738 = vector.shape_cast %swap3A_737 : vector<1x16xf32> to vector<16xf32>
        %swap3A_739 = vector.shape_cast %select_n3A : vector<16xf32> to vector<1x16xf32>
        tpu.vector_store %arg11[%swap3A, %swap3A_736], %swap3A_739 {strides = array<i32>} : memref<64x128xf32, #tpu.memory_space<vmem>>, vector<1x16xf32>,
        %broadcast_in_dim3A_740 = vector.shape_cast %and3A_67 : vector<16xi32> to vector<16x1xi32>
        %gather3A_741 = vector.shape_cast %broadcast_in_dim3A_740 : vector<16x1xi32> to vector<16xi32>
        %gather3A_742 = tpu.dynamic_gather %get3A_727[%gather3A_741] in [0] : vector<16xf32>, vector<16xi32> -> vector<16xf32>
        %broadcast_in_dim3A_743 = vector.shape_cast %and3A_67 : vector<16xi32> to vector<16x1xi32>
        %gather3A_744 = vector.shape_cast %broadcast_in_dim3A_743 : vector<16x1xi32> to vector<16xi32>
        %gather3A_745 = tpu.dynamic_gather %get3A_731[%gather3A_744] in [0] : vector<16xf32>, vector<16xi32> -> vector<16xf32>
        %select_n3A_746 = arith.select %lt3A_70, %gather3A_742, %gather3A_745 : vector<16xi1>, vector<16xf32>
        %swap3A_747 = arith.index_cast %add3A_723 : i32 to index
        %swap3A_748 = arith.constant 16 : index
        %swap3A_749 = tpu.vector_load %arg11[%swap3A_747, %swap3A_748] {strides = array<i32>} : memref<64x128xf32, #tpu.memory_space<vmem>>, vector<1x16xf32>,
        %swap3A_750 = vector.shape_cast %swap3A_749 : vector<1x16xf32> to vector<16xf32>
        %swap3A_751 = vector.shape_cast %select_n3A_746 : vector<16xf32> to vector<1x16xf32>
        tpu.vector_store %arg11[%swap3A_747, %swap3A_748], %swap3A_751 {strides = array<i32>} : memref<64x128xf32, #tpu.memory_space<vmem>>, vector<1x16xf32>,
        %broadcast_in_dim3A_752 = vector.shape_cast %and3A_86 : vector<16xi32> to vector<16x1xi32>
        %gather3A_753 = vector.shape_cast %broadcast_in_dim3A_752 : vector<16x1xi32> to vector<16xi32>
        %gather3A_754 = tpu.dynamic_gather %get3A_727[%gather3A_753] in [0] : vector<16xf32>, vector<16xi32> -> vector<16xf32>
        %broadcast_in_dim3A_755 = vector.shape_cast %and3A_86 : vector<16xi32> to vector<16x1xi32>
        %gather3A_756 = vector.shape_cast %broadcast_in_dim3A_755 : vector<16x1xi32> to vector<16xi32>
        %gather3A_757 = tpu.dynamic_gather %get3A_731[%gather3A_756] in [0] : vector<16xf32>, vector<16xi32> -> vector<16xf32>
        %select_n3A_758 = arith.select %lt3A_89, %gather3A_754, %gather3A_757 : vector<16xi1>, vector<16xf32>
        %swap3A_759 = arith.index_cast %add3A_723 : i32 to index
        %swap3A_760 = arith.constant 32 : index
        %swap3A_761 = tpu.vector_load %arg11[%swap3A_759, %swap3A_760] {strides = array<i32>} : memref<64x128xf32, #tpu.memory_space<vmem>>, vector<1x16xf32>,
        %swap3A_762 = vector.shape_cast %swap3A_761 : vector<1x16xf32> to vector<16xf32>
        %swap3A_763 = vector.shape_cast %select_n3A_758 : vector<16xf32> to vector<1x16xf32>
        tpu.vector_store %arg11[%swap3A_759, %swap3A_760], %swap3A_763 {strides = array<i32>} : memref<64x128xf32, #tpu.memory_space<vmem>>, vector<1x16xf32>,
        %broadcast_in_dim3A_764 = vector.shape_cast %and3A_105 : vector<16xi32> to vector<16x1xi32>
        %gather3A_765 = vector.shape_cast %broadcast_in_dim3A_764 : vector<16x1xi32> to vector<16xi32>
        %gather3A_766 = tpu.dynamic_gather %get3A_727[%gather3A_765] in [0] : vector<16xf32>, vector<16xi32> -> vector<16xf32>
        %broadcast_in_dim3A_767 = vector.shape_cast %and3A_105 : vector<16xi32> to vector<16x1xi32>
        %gather3A_768 = vector.shape_cast %broadcast_in_dim3A_767 : vector<16x1xi32> to vector<16xi32>
        %gather3A_769 = tpu.dynamic_gather %get3A_731[%gather3A_768] in [0] : vector<16xf32>, vector<16xi32> -> vector<16xf32>
        %select_n3A_770 = arith.select %lt3A_108, %gather3A_766, %gather3A_769 : vector<16xi1>, vector<16xf32>
        %swap3A_771 = arith.index_cast %add3A_723 : i32 to index
        %swap3A_772 = arith.constant 48 : index
        %swap3A_773 = tpu.vector_load %arg11[%swap3A_771, %swap3A_772] {strides = array<i32>} : memref<64x128xf32, #tpu.memory_space<vmem>>, vector<1x16xf32>,
        %swap3A_774 = vector.shape_cast %swap3A_773 : vector<1x16xf32> to vector<16xf32>
        %swap3A_775 = vector.shape_cast %select_n3A_770 : vector<16xf32> to vector<1x16xf32>
        tpu.vector_store %arg11[%swap3A_771, %swap3A_772], %swap3A_775 {strides = array<i32>} : memref<64x128xf32, #tpu.memory_space<vmem>>, vector<1x16xf32>,
        %broadcast_in_dim3A_776 = vector.shape_cast %and3A_124 : vector<16xi32> to vector<16x1xi32>
        %gather3A_777 = vector.shape_cast %broadcast_in_dim3A_776 : vector<16x1xi32> to vector<16xi32>
        %gather3A_778 = tpu.dynamic_gather %get3A_727[%gather3A_777] in [0] : vector<16xf32>, vector<16xi32> -> vector<16xf32>
        %broadcast_in_dim3A_779 = vector.shape_cast %and3A_124 : vector<16xi32> to vector<16x1xi32>
        %gather3A_780 = vector.shape_cast %broadcast_in_dim3A_779 : vector<16x1xi32> to vector<16xi32>
        %gather3A_781 = tpu.dynamic_gather %get3A_731[%gather3A_780] in [0] : vector<16xf32>, vector<16xi32> -> vector<16xf32>
        %select_n3A_782 = arith.select %lt3A_127, %gather3A_778, %gather3A_781 : vector<16xi1>, vector<16xf32>
        %swap3A_783 = arith.index_cast %add3A_723 : i32 to index
        %swap3A_784 = arith.constant 64 : index
        %swap3A_785 = tpu.vector_load %arg11[%swap3A_783, %swap3A_784] {strides = array<i32>} : memref<64x128xf32, #tpu.memory_space<vmem>>, vector<1x16xf32>,
        %swap3A_786 = vector.shape_cast %swap3A_785 : vector<1x16xf32> to vector<16xf32>
        %swap3A_787 = vector.shape_cast %select_n3A_782 : vector<16xf32> to vector<1x16xf32>
        tpu.vector_store %arg11[%swap3A_783, %swap3A_784], %swap3A_787 {strides = array<i32>} : memref<64x128xf32, #tpu.memory_space<vmem>>, vector<1x16xf32>,
        %broadcast_in_dim3A_788 = vector.shape_cast %and3A_143 : vector<16xi32> to vector<16x1xi32>
        %gather3A_789 = vector.shape_cast %broadcast_in_dim3A_788 : vector<16x1xi32> to vector<16xi32>
        %gather3A_790 = tpu.dynamic_gather %get3A_727[%gather3A_789] in [0] : vector<16xf32>, vector<16xi32> -> vector<16xf32>
        %broadcast_in_dim3A_791 = vector.shape_cast %and3A_143 : vector<16xi32> to vector<16x1xi32>
        %gather3A_792 = vector.shape_cast %broadcast_in_dim3A_791 : vector<16x1xi32> to vector<16xi32>
        %gather3A_793 = tpu.dynamic_gather %get3A_731[%gather3A_792] in [0] : vector<16xf32>, vector<16xi32> -> vector<16xf32>
        %select_n3A_794 = arith.select %lt3A_146, %gather3A_790, %gather3A_793 : vector<16xi1>, vector<16xf32>
        %swap3A_795 = arith.index_cast %add3A_723 : i32 to index
        %swap3A_796 = arith.constant 80 : index
        %swap3A_797 = tpu.vector_load %arg11[%swap3A_795, %swap3A_796] {strides = array<i32>} : memref<64x128xf32, #tpu.memory_space<vmem>>, vector<1x16xf32>,
        %swap3A_798 = vector.shape_cast %swap3A_797 : vector<1x16xf32> to vector<16xf32>
        %swap3A_799 = vector.shape_cast %select_n3A_794 : vector<16xf32> to vector<1x16xf32>
        tpu.vector_store %arg11[%swap3A_795, %swap3A_796], %swap3A_799 {strides = array<i32>} : memref<64x128xf32, #tpu.memory_space<vmem>>, vector<1x16xf32>,
        %broadcast_in_dim3A_800 = vector.shape_cast %and3A_162 : vector<16xi32> to vector<16x1xi32>
        %gather3A_801 = vector.shape_cast %broadcast_in_dim3A_800 : vector<16x1xi32> to vector<16xi32>
        %gather3A_802 = tpu.dynamic_gather %get3A_727[%gather3A_801] in [0] : vector<16xf32>, vector<16xi32> -> vector<16xf32>
        %broadcast_in_dim3A_803 = vector.shape_cast %and3A_162 : vector<16xi32> to vector<16x1xi32>
        %gather3A_804 = vector.shape_cast %broadcast_in_dim3A_803 : vector<16x1xi32> to vector<16xi32>
        %gather3A_805 = tpu.dynamic_gather %get3A_731[%gather3A_804] in [0] : vector<16xf32>, vector<16xi32> -> vector<16xf32>
        %select_n3A_806 = arith.select %lt3A_165, %gather3A_802, %gather3A_805 : vector<16xi1>, vector<16xf32>
        %swap3A_807 = arith.index_cast %add3A_723 : i32 to index
        %swap3A_808 = arith.constant 96 : index
        %swap3A_809 = tpu.vector_load %arg11[%swap3A_807, %swap3A_808] {strides = array<i32>} : memref<64x128xf32, #tpu.memory_space<vmem>>, vector<1x16xf32>,
        %swap3A_810 = vector.shape_cast %swap3A_809 : vector<1x16xf32> to vector<16xf32>
        %swap3A_811 = vector.shape_cast %select_n3A_806 : vector<16xf32> to vector<1x16xf32>
        tpu.vector_store %arg11[%swap3A_807, %swap3A_808], %swap3A_811 {strides = array<i32>} : memref<64x128xf32, #tpu.memory_space<vmem>>, vector<1x16xf32>,
        %broadcast_in_dim3A_812 = vector.shape_cast %and3A_181 : vector<16xi32> to vector<16x1xi32>
        %gather3A_813 = vector.shape_cast %broadcast_in_dim3A_812 : vector<16x1xi32> to vector<16xi32>
        %gather3A_814 = tpu.dynamic_gather %get3A_727[%gather3A_813] in [0] : vector<16xf32>, vector<16xi32> -> vector<16xf32>
        %broadcast_in_dim3A_815 = vector.shape_cast %and3A_181 : vector<16xi32> to vector<16x1xi32>
        %gather3A_816 = vector.shape_cast %broadcast_in_dim3A_815 : vector<16x1xi32> to vector<16xi32>
        %gather3A_817 = tpu.dynamic_gather %get3A_731[%gather3A_816] in [0] : vector<16xf32>, vector<16xi32> -> vector<16xf32>
        %select_n3A_818 = arith.select %lt3A_184, %gather3A_814, %gather3A_817 : vector<16xi1>, vector<16xf32>
        %swap3A_819 = arith.index_cast %add3A_723 : i32 to index
        %swap3A_820 = arith.constant 112 : index
        %swap3A_821 = tpu.vector_load %arg11[%swap3A_819, %swap3A_820] {strides = array<i32>} : memref<64x128xf32, #tpu.memory_space<vmem>>, vector<1x16xf32>,
        %swap3A_822 = vector.shape_cast %swap3A_821 : vector<1x16xf32> to vector<16xf32>
        %swap3A_823 = vector.shape_cast %select_n3A_818 : vector<16xf32> to vector<1x16xf32>
        tpu.vector_store %arg11[%swap3A_819, %swap3A_820], %swap3A_823 {strides = array<i32>} : memref<64x128xf32, #tpu.memory_space<vmem>>, vector<1x16xf32>,
        %mul3A_824 = arith.constant 4 : i32
        %mul3A_825 = arith.muli %scan3A_719, %mul3A_824 : i32
        %add3A_826 = arith.constant 1 : i32
        %add3A_827 = arith.addi %mul3A_825, %add3A_826 : i32
        %get3A_828 = arith.index_cast %add3A_827 : i32 to index
        %get3A_829 = arith.constant 0 : index
        %get3A_830 = tpu.vector_load %arg10[%get3A_828, %get3A_829] {strides = array<i32>} : memref<64x32xf32, #tpu.memory_space<vmem>>, vector<1x16xf32>,
        %get3A_831 = vector.shape_cast %get3A_830 : vector<1x16xf32> to vector<16xf32>
        %get3A_832 = arith.index_cast %add3A_827 : i32 to index
        %get3A_833 = arith.constant 16 : index
        %get3A_834 = tpu.vector_load %arg10[%get3A_832, %get3A_833] {strides = array<i32>} : memref<64x32xf32, #tpu.memory_space<vmem>>, vector<1x16xf32>,
        %get3A_835 = vector.shape_cast %get3A_834 : vector<1x16xf32> to vector<16xf32>
        %broadcast_in_dim3A_836 = vector.shape_cast %and3A_49 : vector<16xi32> to vector<16x1xi32>
        %gather3A_837 = vector.shape_cast %broadcast_in_dim3A_836 : vector<16x1xi32> to vector<16xi32>
        %gather3A_838 = tpu.dynamic_gather %get3A_831[%gather3A_837] in [0] : vector<16xf32>, vector<16xi32> -> vector<16xf32>
        %broadcast_in_dim3A_839 = vector.shape_cast %and3A_49 : vector<16xi32> to vector<16x1xi32>
        %gather3A_840 = vector.shape_cast %broadcast_in_dim3A_839 : vector<16x1xi32> to vector<16xi32>
        %gather3A_841 = tpu.dynamic_gather %get3A_835[%gather3A_840] in [0] : vector<16xf32>, vector<16xi32> -> vector<16xf32>
        %select_n3A_842 = arith.select %lt3A_51, %gather3A_838, %gather3A_841 : vector<16xi1>, vector<16xf32>
        %swap3A_843 = arith.index_cast %add3A_827 : i32 to index
        %swap3A_844 = arith.constant 0 : index
        %swap3A_845 = tpu.vector_load %arg11[%swap3A_843, %swap3A_844] {strides = array<i32>} : memref<64x128xf32, #tpu.memory_space<vmem>>, vector<1x16xf32>,
        %swap3A_846 = vector.shape_cast %swap3A_845 : vector<1x16xf32> to vector<16xf32>
        %swap3A_847 = vector.shape_cast %select_n3A_842 : vector<16xf32> to vector<1x16xf32>
        tpu.vector_store %arg11[%swap3A_843, %swap3A_844], %swap3A_847 {strides = array<i32>} : memref<64x128xf32, #tpu.memory_space<vmem>>, vector<1x16xf32>,
        %broadcast_in_dim3A_848 = vector.shape_cast %and3A_67 : vector<16xi32> to vector<16x1xi32>
        %gather3A_849 = vector.shape_cast %broadcast_in_dim3A_848 : vector<16x1xi32> to vector<16xi32>
        %gather3A_850 = tpu.dynamic_gather %get3A_831[%gather3A_849] in [0] : vector<16xf32>, vector<16xi32> -> vector<16xf32>
        %broadcast_in_dim3A_851 = vector.shape_cast %and3A_67 : vector<16xi32> to vector<16x1xi32>
        %gather3A_852 = vector.shape_cast %broadcast_in_dim3A_851 : vector<16x1xi32> to vector<16xi32>
        %gather3A_853 = tpu.dynamic_gather %get3A_835[%gather3A_852] in [0] : vector<16xf32>, vector<16xi32> -> vector<16xf32>
        %select_n3A_854 = arith.select %lt3A_70, %gather3A_850, %gather3A_853 : vector<16xi1>, vector<16xf32>
        %swap3A_855 = arith.index_cast %add3A_827 : i32 to index
        %swap3A_856 = arith.constant 16 : index
        %swap3A_857 = tpu.vector_load %arg11[%swap3A_855, %swap3A_856] {strides = array<i32>} : memref<64x128xf32, #tpu.memory_space<vmem>>, vector<1x16xf32>,
        %swap3A_858 = vector.shape_cast %swap3A_857 : vector<1x16xf32> to vector<16xf32>
        %swap3A_859 = vector.shape_cast %select_n3A_854 : vector<16xf32> to vector<1x16xf32>
        tpu.vector_store %arg11[%swap3A_855, %swap3A_856], %swap3A_859 {strides = array<i32>} : memref<64x128xf32, #tpu.memory_space<vmem>>, vector<1x16xf32>,
        %broadcast_in_dim3A_860 = vector.shape_cast %and3A_86 : vector<16xi32> to vector<16x1xi32>
        %gather3A_861 = vector.shape_cast %broadcast_in_dim3A_860 : vector<16x1xi32> to vector<16xi32>
        %gather3A_862 = tpu.dynamic_gather %get3A_831[%gather3A_861] in [0] : vector<16xf32>, vector<16xi32> -> vector<16xf32>
        %broadcast_in_dim3A_863 = vector.shape_cast %and3A_86 : vector<16xi32> to vector<16x1xi32>
        %gather3A_864 = vector.shape_cast %broadcast_in_dim3A_863 : vector<16x1xi32> to vector<16xi32>
        %gather3A_865 = tpu.dynamic_gather %get3A_835[%gather3A_864] in [0] : vector<16xf32>, vector<16xi32> -> vector<16xf32>
        %select_n3A_866 = arith.select %lt3A_89, %gather3A_862, %gather3A_865 : vector<16xi1>, vector<16xf32>
        %swap3A_867 = arith.index_cast %add3A_827 : i32 to index
        %swap3A_868 = arith.constant 32 : index
        %swap3A_869 = tpu.vector_load %arg11[%swap3A_867, %swap3A_868] {strides = array<i32>} : memref<64x128xf32, #tpu.memory_space<vmem>>, vector<1x16xf32>,
        %swap3A_870 = vector.shape_cast %swap3A_869 : vector<1x16xf32> to vector<16xf32>
        %swap3A_871 = vector.shape_cast %select_n3A_866 : vector<16xf32> to vector<1x16xf32>
        tpu.vector_store %arg11[%swap3A_867, %swap3A_868], %swap3A_871 {strides = array<i32>} : memref<64x128xf32, #tpu.memory_space<vmem>>, vector<1x16xf32>,
        %broadcast_in_dim3A_872 = vector.shape_cast %and3A_105 : vector<16xi32> to vector<16x1xi32>
        %gather3A_873 = vector.shape_cast %broadcast_in_dim3A_872 : vector<16x1xi32> to vector<16xi32>
        %gather3A_874 = tpu.dynamic_gather %get3A_831[%gather3A_873] in [0] : vector<16xf32>, vector<16xi32> -> vector<16xf32>
        %broadcast_in_dim3A_875 = vector.shape_cast %and3A_105 : vector<16xi32> to vector<16x1xi32>
        %gather3A_876 = vector.shape_cast %broadcast_in_dim3A_875 : vector<16x1xi32> to vector<16xi32>
        %gather3A_877 = tpu.dynamic_gather %get3A_835[%gather3A_876] in [0] : vector<16xf32>, vector<16xi32> -> vector<16xf32>
        %select_n3A_878 = arith.select %lt3A_108, %gather3A_874, %gather3A_877 : vector<16xi1>, vector<16xf32>
        %swap3A_879 = arith.index_cast %add3A_827 : i32 to index
        %swap3A_880 = arith.constant 48 : index
        %swap3A_881 = tpu.vector_load %arg11[%swap3A_879, %swap3A_880] {strides = array<i32>} : memref<64x128xf32, #tpu.memory_space<vmem>>, vector<1x16xf32>,
        %swap3A_882 = vector.shape_cast %swap3A_881 : vector<1x16xf32> to vector<16xf32>
        %swap3A_883 = vector.shape_cast %select_n3A_878 : vector<16xf32> to vector<1x16xf32>
        tpu.vector_store %arg11[%swap3A_879, %swap3A_880], %swap3A_883 {strides = array<i32>} : memref<64x128xf32, #tpu.memory_space<vmem>>, vector<1x16xf32>,
        %broadcast_in_dim3A_884 = vector.shape_cast %and3A_124 : vector<16xi32> to vector<16x1xi32>
        %gather3A_885 = vector.shape_cast %broadcast_in_dim3A_884 : vector<16x1xi32> to vector<16xi32>
        %gather3A_886 = tpu.dynamic_gather %get3A_831[%gather3A_885] in [0] : vector<16xf32>, vector<16xi32> -> vector<16xf32>
        %broadcast_in_dim3A_887 = vector.shape_cast %and3A_124 : vector<16xi32> to vector<16x1xi32>
        %gather3A_888 = vector.shape_cast %broadcast_in_dim3A_887 : vector<16x1xi32> to vector<16xi32>
        %gather3A_889 = tpu.dynamic_gather %get3A_835[%gather3A_888] in [0] : vector<16xf32>, vector<16xi32> -> vector<16xf32>
        %select_n3A_890 = arith.select %lt3A_127, %gather3A_886, %gather3A_889 : vector<16xi1>, vector<16xf32>
        %swap3A_891 = arith.index_cast %add3A_827 : i32 to index
        %swap3A_892 = arith.constant 64 : index
        %swap3A_893 = tpu.vector_load %arg11[%swap3A_891, %swap3A_892] {strides = array<i32>} : memref<64x128xf32, #tpu.memory_space<vmem>>, vector<1x16xf32>,
        %swap3A_894 = vector.shape_cast %swap3A_893 : vector<1x16xf32> to vector<16xf32>
        %swap3A_895 = vector.shape_cast %select_n3A_890 : vector<16xf32> to vector<1x16xf32>
        tpu.vector_store %arg11[%swap3A_891, %swap3A_892], %swap3A_895 {strides = array<i32>} : memref<64x128xf32, #tpu.memory_space<vmem>>, vector<1x16xf32>,
        %broadcast_in_dim3A_896 = vector.shape_cast %and3A_143 : vector<16xi32> to vector<16x1xi32>
        %gather3A_897 = vector.shape_cast %broadcast_in_dim3A_896 : vector<16x1xi32> to vector<16xi32>
        %gather3A_898 = tpu.dynamic_gather %get3A_831[%gather3A_897] in [0] : vector<16xf32>, vector<16xi32> -> vector<16xf32>
        %broadcast_in_dim3A_899 = vector.shape_cast %and3A_143 : vector<16xi32> to vector<16x1xi32>
        %gather3A_900 = vector.shape_cast %broadcast_in_dim3A_899 : vector<16x1xi32> to vector<16xi32>
        %gather3A_901 = tpu.dynamic_gather %get3A_835[%gather3A_900] in [0] : vector<16xf32>, vector<16xi32> -> vector<16xf32>
        %select_n3A_902 = arith.select %lt3A_146, %gather3A_898, %gather3A_901 : vector<16xi1>, vector<16xf32>
        %swap3A_903 = arith.index_cast %add3A_827 : i32 to index
        %swap3A_904 = arith.constant 80 : index
        %swap3A_905 = tpu.vector_load %arg11[%swap3A_903, %swap3A_904] {strides = array<i32>} : memref<64x128xf32, #tpu.memory_space<vmem>>, vector<1x16xf32>,
        %swap3A_906 = vector.shape_cast %swap3A_905 : vector<1x16xf32> to vector<16xf32>
        %swap3A_907 = vector.shape_cast %select_n3A_902 : vector<16xf32> to vector<1x16xf32>
        tpu.vector_store %arg11[%swap3A_903, %swap3A_904], %swap3A_907 {strides = array<i32>} : memref<64x128xf32, #tpu.memory_space<vmem>>, vector<1x16xf32>,
        %broadcast_in_dim3A_908 = vector.shape_cast %and3A_162 : vector<16xi32> to vector<16x1xi32>
        %gather3A_909 = vector.shape_cast %broadcast_in_dim3A_908 : vector<16x1xi32> to vector<16xi32>
        %gather3A_910 = tpu.dynamic_gather %get3A_831[%gather3A_909] in [0] : vector<16xf32>, vector<16xi32> -> vector<16xf32>
        %broadcast_in_dim3A_911 = vector.shape_cast %and3A_162 : vector<16xi32> to vector<16x1xi32>
        %gather3A_912 = vector.shape_cast %broadcast_in_dim3A_911 : vector<16x1xi32> to vector<16xi32>
        %gather3A_913 = tpu.dynamic_gather %get3A_835[%gather3A_912] in [0] : vector<16xf32>, vector<16xi32> -> vector<16xf32>
        %select_n3A_914 = arith.select %lt3A_165, %gather3A_910, %gather3A_913 : vector<16xi1>, vector<16xf32>
        %swap3A_915 = arith.index_cast %add3A_827 : i32 to index
        %swap3A_916 = arith.constant 96 : index
        %swap3A_917 = tpu.vector_load %arg11[%swap3A_915, %swap3A_916] {strides = array<i32>} : memref<64x128xf32, #tpu.memory_space<vmem>>, vector<1x16xf32>,
        %swap3A_918 = vector.shape_cast %swap3A_917 : vector<1x16xf32> to vector<16xf32>
        %swap3A_919 = vector.shape_cast %select_n3A_914 : vector<16xf32> to vector<1x16xf32>
        tpu.vector_store %arg11[%swap3A_915, %swap3A_916], %swap3A_919 {strides = array<i32>} : memref<64x128xf32, #tpu.memory_space<vmem>>, vector<1x16xf32>,
        %broadcast_in_dim3A_920 = vector.shape_cast %and3A_181 : vector<16xi32> to vector<16x1xi32>
        %gather3A_921 = vector.shape_cast %broadcast_in_dim3A_920 : vector<16x1xi32> to vector<16xi32>
        %gather3A_922 = tpu.dynamic_gather %get3A_831[%gather3A_921] in [0] : vector<16xf32>, vector<16xi32> -> vector<16xf32>
        %broadcast_in_dim3A_923 = vector.shape_cast %and3A_181 : vector<16xi32> to vector<16x1xi32>
        %gather3A_924 = vector.shape_cast %broadcast_in_dim3A_923 : vector<16x1xi32> to vector<16xi32>
        %gather3A_925 = tpu.dynamic_gather %get3A_835[%gather3A_924] in [0] : vector<16xf32>, vector<16xi32> -> vector<16xf32>
        %select_n3A_926 = arith.select %lt3A_184, %gather3A_922, %gather3A_925 : vector<16xi1>, vector<16xf32>
        %swap3A_927 = arith.index_cast %add3A_827 : i32 to index
        %swap3A_928 = arith.constant 112 : index
        %swap3A_929 = tpu.vector_load %arg11[%swap3A_927, %swap3A_928] {strides = array<i32>} : memref<64x128xf32, #tpu.memory_space<vmem>>, vector<1x16xf32>,
        %swap3A_930 = vector.shape_cast %swap3A_929 : vector<1x16xf32> to vector<16xf32>
        %swap3A_931 = vector.shape_cast %select_n3A_926 : vector<16xf32> to vector<1x16xf32>
        tpu.vector_store %arg11[%swap3A_927, %swap3A_928], %swap3A_931 {strides = array<i32>} : memref<64x128xf32, #tpu.memory_space<vmem>>, vector<1x16xf32>,
        %mul3A_932 = arith.constant 4 : i32
        %mul3A_933 = arith.muli %scan3A_719, %mul3A_932 : i32
        %add3A_934 = arith.constant 2 : i32
        %add3A_935 = arith.addi %mul3A_933, %add3A_934 : i32
        %get3A_936 = arith.index_cast %add3A_935 : i32 to index
        %get3A_937 = arith.constant 0 : index
        %get3A_938 = tpu.vector_load %arg10[%get3A_936, %get3A_937] {strides = array<i32>} : memref<64x32xf32, #tpu.memory_space<vmem>>, vector<1x16xf32>,
        %get3A_939 = vector.shape_cast %get3A_938 : vector<1x16xf32> to vector<16xf32>
        %get3A_940 = arith.index_cast %add3A_935 : i32 to index
        %get3A_941 = arith.constant 16 : index
        %get3A_942 = tpu.vector_load %arg10[%get3A_940, %get3A_941] {strides = array<i32>} : memref<64x32xf32, #tpu.memory_space<vmem>>, vector<1x16xf32>,
        %get3A_943 = vector.shape_cast %get3A_942 : vector<1x16xf32> to vector<16xf32>
        %broadcast_in_dim3A_944 = vector.shape_cast %and3A_49 : vector<16xi32> to vector<16x1xi32>
        %gather3A_945 = vector.shape_cast %broadcast_in_dim3A_944 : vector<16x1xi32> to vector<16xi32>
        %gather3A_946 = tpu.dynamic_gather %get3A_939[%gather3A_945] in [0] : vector<16xf32>, vector<16xi32> -> vector<16xf32>
        %broadcast_in_dim3A_947 = vector.shape_cast %and3A_49 : vector<16xi32> to vector<16x1xi32>
        %gather3A_948 = vector.shape_cast %broadcast_in_dim3A_947 : vector<16x1xi32> to vector<16xi32>
        %gather3A_949 = tpu.dynamic_gather %get3A_943[%gather3A_948] in [0] : vector<16xf32>, vector<16xi32> -> vector<16xf32>
        %select_n3A_950 = arith.select %lt3A_51, %gather3A_946, %gather3A_949 : vector<16xi1>, vector<16xf32>
        %swap3A_951 = arith.index_cast %add3A_935 : i32 to index
        %swap3A_952 = arith.constant 0 : index
        %swap3A_953 = tpu.vector_load %arg11[%swap3A_951, %swap3A_952] {strides = array<i32>} : memref<64x128xf32, #tpu.memory_space<vmem>>, vector<1x16xf32>,
        %swap3A_954 = vector.shape_cast %swap3A_953 : vector<1x16xf32> to vector<16xf32>
        %swap3A_955 = vector.shape_cast %select_n3A_950 : vector<16xf32> to vector<1x16xf32>
        tpu.vector_store %arg11[%swap3A_951, %swap3A_952], %swap3A_955 {strides = array<i32>} : memref<64x128xf32, #tpu.memory_space<vmem>>, vector<1x16xf32>,
        %broadcast_in_dim3A_956 = vector.shape_cast %and3A_67 : vector<16xi32> to vector<16x1xi32>
        %gather3A_957 = vector.shape_cast %broadcast_in_dim3A_956 : vector<16x1xi32> to vector<16xi32>
        %gather3A_958 = tpu.dynamic_gather %get3A_939[%gather3A_957] in [0] : vector<16xf32>, vector<16xi32> -> vector<16xf32>
        %broadcast_in_dim3A_959 = vector.shape_cast %and3A_67 : vector<16xi32> to vector<16x1xi32>
        %gather3A_960 = vector.shape_cast %broadcast_in_dim3A_959 : vector<16x1xi32> to vector<16xi32>
        %gather3A_961 = tpu.dynamic_gather %get3A_943[%gather3A_960] in [0] : vector<16xf32>, vector<16xi32> -> vector<16xf32>
        %select_n3A_962 = arith.select %lt3A_70, %gather3A_958, %gather3A_961 : vector<16xi1>, vector<16xf32>
        %swap3A_963 = arith.index_cast %add3A_935 : i32 to index
        %swap3A_964 = arith.constant 16 : index
        %swap3A_965 = tpu.vector_load %arg11[%swap3A_963, %swap3A_964] {strides = array<i32>} : memref<64x128xf32, #tpu.memory_space<vmem>>, vector<1x16xf32>,
        %swap3A_966 = vector.shape_cast %swap3A_965 : vector<1x16xf32> to vector<16xf32>
        %swap3A_967 = vector.shape_cast %select_n3A_962 : vector<16xf32> to vector<1x16xf32>
        tpu.vector_store %arg11[%swap3A_963, %swap3A_964], %swap3A_967 {strides = array<i32>} : memref<64x128xf32, #tpu.memory_space<vmem>>, vector<1x16xf32>,
        %broadcast_in_dim3A_968 = vector.shape_cast %and3A_86 : vector<16xi32> to vector<16x1xi32>
        %gather3A_969 = vector.shape_cast %broadcast_in_dim3A_968 : vector<16x1xi32> to vector<16xi32>
        %gather3A_970 = tpu.dynamic_gather %get3A_939[%gather3A_969] in [0] : vector<16xf32>, vector<16xi32> -> vector<16xf32>
        %broadcast_in_dim3A_971 = vector.shape_cast %and3A_86 : vector<16xi32> to vector<16x1xi32>
        %gather3A_972 = vector.shape_cast %broadcast_in_dim3A_971 : vector<16x1xi32> to vector<16xi32>
        %gather3A_973 = tpu.dynamic_gather %get3A_943[%gather3A_972] in [0] : vector<16xf32>, vector<16xi32> -> vector<16xf32>
        %select_n3A_974 = arith.select %lt3A_89, %gather3A_970, %gather3A_973 : vector<16xi1>, vector<16xf32>
        %swap3A_975 = arith.index_cast %add3A_935 : i32 to index
        %swap3A_976 = arith.constant 32 : index
        %swap3A_977 = tpu.vector_load %arg11[%swap3A_975, %swap3A_976] {strides = array<i32>} : memref<64x128xf32, #tpu.memory_space<vmem>>, vector<1x16xf32>,
        %swap3A_978 = vector.shape_cast %swap3A_977 : vector<1x16xf32> to vector<16xf32>
        %swap3A_979 = vector.shape_cast %select_n3A_974 : vector<16xf32> to vector<1x16xf32>
        tpu.vector_store %arg11[%swap3A_975, %swap3A_976], %swap3A_979 {strides = array<i32>} : memref<64x128xf32, #tpu.memory_space<vmem>>, vector<1x16xf32>,
        %broadcast_in_dim3A_980 = vector.shape_cast %and3A_105 : vector<16xi32> to vector<16x1xi32>
        %gather3A_981 = vector.shape_cast %broadcast_in_dim3A_980 : vector<16x1xi32> to vector<16xi32>
        %gather3A_982 = tpu.dynamic_gather %get3A_939[%gather3A_981] in [0] : vector<16xf32>, vector<16xi32> -> vector<16xf32>
        %broadcast_in_dim3A_983 = vector.shape_cast %and3A_105 : vector<16xi32> to vector<16x1xi32>
        %gather3A_984 = vector.shape_cast %broadcast_in_dim3A_983 : vector<16x1xi32> to vector<16xi32>
        %gather3A_985 = tpu.dynamic_gather %get3A_943[%gather3A_984] in [0] : vector<16xf32>, vector<16xi32> -> vector<16xf32>
        %select_n3A_986 = arith.select %lt3A_108, %gather3A_982, %gather3A_985 : vector<16xi1>, vector<16xf32>
        %swap3A_987 = arith.index_cast %add3A_935 : i32 to index
        %swap3A_988 = arith.constant 48 : index
        %swap3A_989 = tpu.vector_load %arg11[%swap3A_987, %swap3A_988] {strides = array<i32>} : memref<64x128xf32, #tpu.memory_space<vmem>>, vector<1x16xf32>,
        %swap3A_990 = vector.shape_cast %swap3A_989 : vector<1x16xf32> to vector<16xf32>
        %swap3A_991 = vector.shape_cast %select_n3A_986 : vector<16xf32> to vector<1x16xf32>
        tpu.vector_store %arg11[%swap3A_987, %swap3A_988], %swap3A_991 {strides = array<i32>} : memref<64x128xf32, #tpu.memory_space<vmem>>, vector<1x16xf32>,
        %broadcast_in_dim3A_992 = vector.shape_cast %and3A_124 : vector<16xi32> to vector<16x1xi32>
        %gather3A_993 = vector.shape_cast %broadcast_in_dim3A_992 : vector<16x1xi32> to vector<16xi32>
        %gather3A_994 = tpu.dynamic_gather %get3A_939[%gather3A_993] in [0] : vector<16xf32>, vector<16xi32> -> vector<16xf32>
        %broadcast_in_dim3A_995 = vector.shape_cast %and3A_124 : vector<16xi32> to vector<16x1xi32>
        %gather3A_996 = vector.shape_cast %broadcast_in_dim3A_995 : vector<16x1xi32> to vector<16xi32>
        %gather3A_997 = tpu.dynamic_gather %get3A_943[%gather3A_996] in [0] : vector<16xf32>, vector<16xi32> -> vector<16xf32>
        %select_n3A_998 = arith.select %lt3A_127, %gather3A_994, %gather3A_997 : vector<16xi1>, vector<16xf32>
        %swap3A_999 = arith.index_cast %add3A_935 : i32 to index
        %swap3A_1000 = arith.constant 64 : index
        %swap3A_1001 = tpu.vector_load %arg11[%swap3A_999, %swap3A_1000] {strides = array<i32>} : memref<64x128xf32, #tpu.memory_space<vmem>>, vector<1x16xf32>,
        %swap3A_1002 = vector.shape_cast %swap3A_1001 : vector<1x16xf32> to vector<16xf32>
        %swap3A_1003 = vector.shape_cast %select_n3A_998 : vector<16xf32> to vector<1x16xf32>
        tpu.vector_store %arg11[%swap3A_999, %swap3A_1000], %swap3A_1003 {strides = array<i32>} : memref<64x128xf32, #tpu.memory_space<vmem>>, vector<1x16xf32>,
        %broadcast_in_dim3A_1004 = vector.shape_cast %and3A_143 : vector<16xi32> to vector<16x1xi32>
        %gather3A_1005 = vector.shape_cast %broadcast_in_dim3A_1004 : vector<16x1xi32> to vector<16xi32>
        %gather3A_1006 = tpu.dynamic_gather %get3A_939[%gather3A_1005] in [0] : vector<16xf32>, vector<16xi32> -> vector<16xf32>
        %broadcast_in_dim3A_1007 = vector.shape_cast %and3A_143 : vector<16xi32> to vector<16x1xi32>
        %gather3A_1008 = vector.shape_cast %broadcast_in_dim3A_1007 : vector<16x1xi32> to vector<16xi32>
        %gather3A_1009 = tpu.dynamic_gather %get3A_943[%gather3A_1008] in [0] : vector<16xf32>, vector<16xi32> -> vector<16xf32>
        %select_n3A_1010 = arith.select %lt3A_146, %gather3A_1006, %gather3A_1009 : vector<16xi1>, vector<16xf32>
        %swap3A_1011 = arith.index_cast %add3A_935 : i32 to index
        %swap3A_1012 = arith.constant 80 : index
        %swap3A_1013 = tpu.vector_load %arg11[%swap3A_1011, %swap3A_1012] {strides = array<i32>} : memref<64x128xf32, #tpu.memory_space<vmem>>, vector<1x16xf32>,
        %swap3A_1014 = vector.shape_cast %swap3A_1013 : vector<1x16xf32> to vector<16xf32>
        %swap3A_1015 = vector.shape_cast %select_n3A_1010 : vector<16xf32> to vector<1x16xf32>
        tpu.vector_store %arg11[%swap3A_1011, %swap3A_1012], %swap3A_1015 {strides = array<i32>} : memref<64x128xf32, #tpu.memory_space<vmem>>, vector<1x16xf32>,
        %broadcast_in_dim3A_1016 = vector.shape_cast %and3A_162 : vector<16xi32> to vector<16x1xi32>
        %gather3A_1017 = vector.shape_cast %broadcast_in_dim3A_1016 : vector<16x1xi32> to vector<16xi32>
        %gather3A_1018 = tpu.dynamic_gather %get3A_939[%gather3A_1017] in [0] : vector<16xf32>, vector<16xi32> -> vector<16xf32>
        %broadcast_in_dim3A_1019 = vector.shape_cast %and3A_162 : vector<16xi32> to vector<16x1xi32>
        %gather3A_1020 = vector.shape_cast %broadcast_in_dim3A_1019 : vector<16x1xi32> to vector<16xi32>
        %gather3A_1021 = tpu.dynamic_gather %get3A_943[%gather3A_1020] in [0] : vector<16xf32>, vector<16xi32> -> vector<16xf32>
        %select_n3A_1022 = arith.select %lt3A_165, %gather3A_1018, %gather3A_1021 : vector<16xi1>, vector<16xf32>
        %swap3A_1023 = arith.index_cast %add3A_935 : i32 to index
        %swap3A_1024 = arith.constant 96 : index
        %swap3A_1025 = tpu.vector_load %arg11[%swap3A_1023, %swap3A_1024] {strides = array<i32>} : memref<64x128xf32, #tpu.memory_space<vmem>>, vector<1x16xf32>,
        %swap3A_1026 = vector.shape_cast %swap3A_1025 : vector<1x16xf32> to vector<16xf32>
        %swap3A_1027 = vector.shape_cast %select_n3A_1022 : vector<16xf32> to vector<1x16xf32>
        tpu.vector_store %arg11[%swap3A_1023, %swap3A_1024], %swap3A_1027 {strides = array<i32>} : memref<64x128xf32, #tpu.memory_space<vmem>>, vector<1x16xf32>,
        %broadcast_in_dim3A_1028 = vector.shape_cast %and3A_181 : vector<16xi32> to vector<16x1xi32>
        %gather3A_1029 = vector.shape_cast %broadcast_in_dim3A_1028 : vector<16x1xi32> to vector<16xi32>
        %gather3A_1030 = tpu.dynamic_gather %get3A_939[%gather3A_1029] in [0] : vector<16xf32>, vector<16xi32> -> vector<16xf32>
        %broadcast_in_dim3A_1031 = vector.shape_cast %and3A_181 : vector<16xi32> to vector<16x1xi32>
        %gather3A_1032 = vector.shape_cast %broadcast_in_dim3A_1031 : vector<16x1xi32> to vector<16xi32>
        %gather3A_1033 = tpu.dynamic_gather %get3A_943[%gather3A_1032] in [0] : vector<16xf32>, vector<16xi32> -> vector<16xf32>
        %select_n3A_1034 = arith.select %lt3A_184, %gather3A_1030, %gather3A_1033 : vector<16xi1>, vector<16xf32>
        %swap3A_1035 = arith.index_cast %add3A_935 : i32 to index
        %swap3A_1036 = arith.constant 112 : index
        %swap3A_1037 = tpu.vector_load %arg11[%swap3A_1035, %swap3A_1036] {strides = array<i32>} : memref<64x128xf32, #tpu.memory_space<vmem>>, vector<1x16xf32>,
        %swap3A_1038 = vector.shape_cast %swap3A_1037 : vector<1x16xf32> to vector<16xf32>
        %swap3A_1039 = vector.shape_cast %select_n3A_1034 : vector<16xf32> to vector<1x16xf32>
        tpu.vector_store %arg11[%swap3A_1035, %swap3A_1036], %swap3A_1039 {strides = array<i32>} : memref<64x128xf32, #tpu.memory_space<vmem>>, vector<1x16xf32>,
        %mul3A_1040 = arith.constant 4 : i32
        %mul3A_1041 = arith.muli %scan3A_719, %mul3A_1040 : i32
        %add3A_1042 = arith.constant 3 : i32
        %add3A_1043 = arith.addi %mul3A_1041, %add3A_1042 : i32
        %get3A_1044 = arith.index_cast %add3A_1043 : i32 to index
        %get3A_1045 = arith.constant 0 : index
        %get3A_1046 = tpu.vector_load %arg10[%get3A_1044, %get3A_1045] {strides = array<i32>} : memref<64x32xf32, #tpu.memory_space<vmem>>, vector<1x16xf32>,
        %get3A_1047 = vector.shape_cast %get3A_1046 : vector<1x16xf32> to vector<16xf32>
        %get3A_1048 = arith.index_cast %add3A_1043 : i32 to index
        %get3A_1049 = arith.constant 16 : index
        %get3A_1050 = tpu.vector_load %arg10[%get3A_1048, %get3A_1049] {strides = array<i32>} : memref<64x32xf32, #tpu.memory_space<vmem>>, vector<1x16xf32>,
        %get3A_1051 = vector.shape_cast %get3A_1050 : vector<1x16xf32> to vector<16xf32>
        %broadcast_in_dim3A_1052 = vector.shape_cast %and3A_49 : vector<16xi32> to vector<16x1xi32>
        %gather3A_1053 = vector.shape_cast %broadcast_in_dim3A_1052 : vector<16x1xi32> to vector<16xi32>
        %gather3A_1054 = tpu.dynamic_gather %get3A_1047[%gather3A_1053] in [0] : vector<16xf32>, vector<16xi32> -> vector<16xf32>
        %broadcast_in_dim3A_1055 = vector.shape_cast %and3A_49 : vector<16xi32> to vector<16x1xi32>
        %gather3A_1056 = vector.shape_cast %broadcast_in_dim3A_1055 : vector<16x1xi32> to vector<16xi32>
        %gather3A_1057 = tpu.dynamic_gather %get3A_1051[%gather3A_1056] in [0] : vector<16xf32>, vector<16xi32> -> vector<16xf32>
        %select_n3A_1058 = arith.select %lt3A_51, %gather3A_1054, %gather3A_1057 : vector<16xi1>, vector<16xf32>
        %swap3A_1059 = arith.index_cast %add3A_1043 : i32 to index
        %swap3A_1060 = arith.constant 0 : index
        %swap3A_1061 = tpu.vector_load %arg11[%swap3A_1059, %swap3A_1060] {strides = array<i32>} : memref<64x128xf32, #tpu.memory_space<vmem>>, vector<1x16xf32>,
        %swap3A_1062 = vector.shape_cast %swap3A_1061 : vector<1x16xf32> to vector<16xf32>
        %swap3A_1063 = vector.shape_cast %select_n3A_1058 : vector<16xf32> to vector<1x16xf32>
        tpu.vector_store %arg11[%swap3A_1059, %swap3A_1060], %swap3A_1063 {strides = array<i32>} : memref<64x128xf32, #tpu.memory_space<vmem>>, vector<1x16xf32>,
        %broadcast_in_dim3A_1064 = vector.shape_cast %and3A_67 : vector<16xi32> to vector<16x1xi32>
        %gather3A_1065 = vector.shape_cast %broadcast_in_dim3A_1064 : vector<16x1xi32> to vector<16xi32>
        %gather3A_1066 = tpu.dynamic_gather %get3A_1047[%gather3A_1065] in [0] : vector<16xf32>, vector<16xi32> -> vector<16xf32>
        %broadcast_in_dim3A_1067 = vector.shape_cast %and3A_67 : vector<16xi32> to vector<16x1xi32>
        %gather3A_1068 = vector.shape_cast %broadcast_in_dim3A_1067 : vector<16x1xi32> to vector<16xi32>
        %gather3A_1069 = tpu.dynamic_gather %get3A_1051[%gather3A_1068] in [0] : vector<16xf32>, vector<16xi32> -> vector<16xf32>
        %select_n3A_1070 = arith.select %lt3A_70, %gather3A_1066, %gather3A_1069 : vector<16xi1>, vector<16xf32>
        %swap3A_1071 = arith.index_cast %add3A_1043 : i32 to index
        %swap3A_1072 = arith.constant 16 : index
        %swap3A_1073 = tpu.vector_load %arg11[%swap3A_1071, %swap3A_1072] {strides = array<i32>} : memref<64x128xf32, #tpu.memory_space<vmem>>, vector<1x16xf32>,
        %swap3A_1074 = vector.shape_cast %swap3A_1073 : vector<1x16xf32> to vector<16xf32>
        %swap3A_1075 = vector.shape_cast %select_n3A_1070 : vector<16xf32> to vector<1x16xf32>
        tpu.vector_store %arg11[%swap3A_1071, %swap3A_1072], %swap3A_1075 {strides = array<i32>} : memref<64x128xf32, #tpu.memory_space<vmem>>, vector<1x16xf32>,
        %broadcast_in_dim3A_1076 = vector.shape_cast %and3A_86 : vector<16xi32> to vector<16x1xi32>
        %gather3A_1077 = vector.shape_cast %broadcast_in_dim3A_1076 : vector<16x1xi32> to vector<16xi32>
        %gather3A_1078 = tpu.dynamic_gather %get3A_1047[%gather3A_1077] in [0] : vector<16xf32>, vector<16xi32> -> vector<16xf32>
        %broadcast_in_dim3A_1079 = vector.shape_cast %and3A_86 : vector<16xi32> to vector<16x1xi32>
        %gather3A_1080 = vector.shape_cast %broadcast_in_dim3A_1079 : vector<16x1xi32> to vector<16xi32>
        %gather3A_1081 = tpu.dynamic_gather %get3A_1051[%gather3A_1080] in [0] : vector<16xf32>, vector<16xi32> -> vector<16xf32>
        %select_n3A_1082 = arith.select %lt3A_89, %gather3A_1078, %gather3A_1081 : vector<16xi1>, vector<16xf32>
        %swap3A_1083 = arith.index_cast %add3A_1043 : i32 to index
        %swap3A_1084 = arith.constant 32 : index
        %swap3A_1085 = tpu.vector_load %arg11[%swap3A_1083, %swap3A_1084] {strides = array<i32>} : memref<64x128xf32, #tpu.memory_space<vmem>>, vector<1x16xf32>,
        %swap3A_1086 = vector.shape_cast %swap3A_1085 : vector<1x16xf32> to vector<16xf32>
        %swap3A_1087 = vector.shape_cast %select_n3A_1082 : vector<16xf32> to vector<1x16xf32>
        tpu.vector_store %arg11[%swap3A_1083, %swap3A_1084], %swap3A_1087 {strides = array<i32>} : memref<64x128xf32, #tpu.memory_space<vmem>>, vector<1x16xf32>,
        %broadcast_in_dim3A_1088 = vector.shape_cast %and3A_105 : vector<16xi32> to vector<16x1xi32>
        %gather3A_1089 = vector.shape_cast %broadcast_in_dim3A_1088 : vector<16x1xi32> to vector<16xi32>
        %gather3A_1090 = tpu.dynamic_gather %get3A_1047[%gather3A_1089] in [0] : vector<16xf32>, vector<16xi32> -> vector<16xf32>
        %broadcast_in_dim3A_1091 = vector.shape_cast %and3A_105 : vector<16xi32> to vector<16x1xi32>
        %gather3A_1092 = vector.shape_cast %broadcast_in_dim3A_1091 : vector<16x1xi32> to vector<16xi32>
        %gather3A_1093 = tpu.dynamic_gather %get3A_1051[%gather3A_1092] in [0] : vector<16xf32>, vector<16xi32> -> vector<16xf32>
        %select_n3A_1094 = arith.select %lt3A_108, %gather3A_1090, %gather3A_1093 : vector<16xi1>, vector<16xf32>
        %swap3A_1095 = arith.index_cast %add3A_1043 : i32 to index
        %swap3A_1096 = arith.constant 48 : index
        %swap3A_1097 = tpu.vector_load %arg11[%swap3A_1095, %swap3A_1096] {strides = array<i32>} : memref<64x128xf32, #tpu.memory_space<vmem>>, vector<1x16xf32>,
        %swap3A_1098 = vector.shape_cast %swap3A_1097 : vector<1x16xf32> to vector<16xf32>
        %swap3A_1099 = vector.shape_cast %select_n3A_1094 : vector<16xf32> to vector<1x16xf32>
        tpu.vector_store %arg11[%swap3A_1095, %swap3A_1096], %swap3A_1099 {strides = array<i32>} : memref<64x128xf32, #tpu.memory_space<vmem>>, vector<1x16xf32>,
        %broadcast_in_dim3A_1100 = vector.shape_cast %and3A_124 : vector<16xi32> to vector<16x1xi32>
        %gather3A_1101 = vector.shape_cast %broadcast_in_dim3A_1100 : vector<16x1xi32> to vector<16xi32>
        %gather3A_1102 = tpu.dynamic_gather %get3A_1047[%gather3A_1101] in [0] : vector<16xf32>, vector<16xi32> -> vector<16xf32>
        %broadcast_in_dim3A_1103 = vector.shape_cast %and3A_124 : vector<16xi32> to vector<16x1xi32>
        %gather3A_1104 = vector.shape_cast %broadcast_in_dim3A_1103 : vector<16x1xi32> to vector<16xi32>
        %gather3A_1105 = tpu.dynamic_gather %get3A_1051[%gather3A_1104] in [0] : vector<16xf32>, vector<16xi32> -> vector<16xf32>
        %select_n3A_1106 = arith.select %lt3A_127, %gather3A_1102, %gather3A_1105 : vector<16xi1>, vector<16xf32>
        %swap3A_1107 = arith.index_cast %add3A_1043 : i32 to index
        %swap3A_1108 = arith.constant 64 : index
        %swap3A_1109 = tpu.vector_load %arg11[%swap3A_1107, %swap3A_1108] {strides = array<i32>} : memref<64x128xf32, #tpu.memory_space<vmem>>, vector<1x16xf32>,
        %swap3A_1110 = vector.shape_cast %swap3A_1109 : vector<1x16xf32> to vector<16xf32>
        %swap3A_1111 = vector.shape_cast %select_n3A_1106 : vector<16xf32> to vector<1x16xf32>
        tpu.vector_store %arg11[%swap3A_1107, %swap3A_1108], %swap3A_1111 {strides = array<i32>} : memref<64x128xf32, #tpu.memory_space<vmem>>, vector<1x16xf32>,
        %broadcast_in_dim3A_1112 = vector.shape_cast %and3A_143 : vector<16xi32> to vector<16x1xi32>
        %gather3A_1113 = vector.shape_cast %broadcast_in_dim3A_1112 : vector<16x1xi32> to vector<16xi32>
        %gather3A_1114 = tpu.dynamic_gather %get3A_1047[%gather3A_1113] in [0] : vector<16xf32>, vector<16xi32> -> vector<16xf32>
        %broadcast_in_dim3A_1115 = vector.shape_cast %and3A_143 : vector<16xi32> to vector<16x1xi32>
        %gather3A_1116 = vector.shape_cast %broadcast_in_dim3A_1115 : vector<16x1xi32> to vector<16xi32>
        %gather3A_1117 = tpu.dynamic_gather %get3A_1051[%gather3A_1116] in [0] : vector<16xf32>, vector<16xi32> -> vector<16xf32>
        %select_n3A_1118 = arith.select %lt3A_146, %gather3A_1114, %gather3A_1117 : vector<16xi1>, vector<16xf32>
        %swap3A_1119 = arith.index_cast %add3A_1043 : i32 to index
        %swap3A_1120 = arith.constant 80 : index
        %swap3A_1121 = tpu.vector_load %arg11[%swap3A_1119, %swap3A_1120] {strides = array<i32>} : memref<64x128xf32, #tpu.memory_space<vmem>>, vector<1x16xf32>,
        %swap3A_1122 = vector.shape_cast %swap3A_1121 : vector<1x16xf32> to vector<16xf32>
        %swap3A_1123 = vector.shape_cast %select_n3A_1118 : vector<16xf32> to vector<1x16xf32>
        tpu.vector_store %arg11[%swap3A_1119, %swap3A_1120], %swap3A_1123 {strides = array<i32>} : memref<64x128xf32, #tpu.memory_space<vmem>>, vector<1x16xf32>,
        %broadcast_in_dim3A_1124 = vector.shape_cast %and3A_162 : vector<16xi32> to vector<16x1xi32>
        %gather3A_1125 = vector.shape_cast %broadcast_in_dim3A_1124 : vector<16x1xi32> to vector<16xi32>
        %gather3A_1126 = tpu.dynamic_gather %get3A_1047[%gather3A_1125] in [0] : vector<16xf32>, vector<16xi32> -> vector<16xf32>
        %broadcast_in_dim3A_1127 = vector.shape_cast %and3A_162 : vector<16xi32> to vector<16x1xi32>
        %gather3A_1128 = vector.shape_cast %broadcast_in_dim3A_1127 : vector<16x1xi32> to vector<16xi32>
        %gather3A_1129 = tpu.dynamic_gather %get3A_1051[%gather3A_1128] in [0] : vector<16xf32>, vector<16xi32> -> vector<16xf32>
        %select_n3A_1130 = arith.select %lt3A_165, %gather3A_1126, %gather3A_1129 : vector<16xi1>, vector<16xf32>
        %swap3A_1131 = arith.index_cast %add3A_1043 : i32 to index
        %swap3A_1132 = arith.constant 96 : index
        %swap3A_1133 = tpu.vector_load %arg11[%swap3A_1131, %swap3A_1132] {strides = array<i32>} : memref<64x128xf32, #tpu.memory_space<vmem>>, vector<1x16xf32>,
        %swap3A_1134 = vector.shape_cast %swap3A_1133 : vector<1x16xf32> to vector<16xf32>
        %swap3A_1135 = vector.shape_cast %select_n3A_1130 : vector<16xf32> to vector<1x16xf32>
        tpu.vector_store %arg11[%swap3A_1131, %swap3A_1132], %swap3A_1135 {strides = array<i32>} : memref<64x128xf32, #tpu.memory_space<vmem>>, vector<1x16xf32>,
        %broadcast_in_dim3A_1136 = vector.shape_cast %and3A_181 : vector<16xi32> to vector<16x1xi32>
        %gather3A_1137 = vector.shape_cast %broadcast_in_dim3A_1136 : vector<16x1xi32> to vector<16xi32>
        %gather3A_1138 = tpu.dynamic_gather %get3A_1047[%gather3A_1137] in [0] : vector<16xf32>, vector<16xi32> -> vector<16xf32>
        %broadcast_in_dim3A_1139 = vector.shape_cast %and3A_181 : vector<16xi32> to vector<16x1xi32>
        %gather3A_1140 = vector.shape_cast %broadcast_in_dim3A_1139 : vector<16x1xi32> to vector<16xi32>
        %gather3A_1141 = tpu.dynamic_gather %get3A_1051[%gather3A_1140] in [0] : vector<16xf32>, vector<16xi32> -> vector<16xf32>
        %select_n3A_1142 = arith.select %lt3A_184, %gather3A_1138, %gather3A_1141 : vector<16xi1>, vector<16xf32>
        %swap3A_1143 = arith.index_cast %add3A_1043 : i32 to index
        %swap3A_1144 = arith.constant 112 : index
        %swap3A_1145 = tpu.vector_load %arg11[%swap3A_1143, %swap3A_1144] {strides = array<i32>} : memref<64x128xf32, #tpu.memory_space<vmem>>, vector<1x16xf32>,
        %swap3A_1146 = vector.shape_cast %swap3A_1145 : vector<1x16xf32> to vector<16xf32>
        %swap3A_1147 = vector.shape_cast %select_n3A_1142 : vector<16xf32> to vector<1x16xf32>
        tpu.vector_store %arg11[%swap3A_1143, %swap3A_1144], %swap3A_1147 {strides = array<i32>} : memref<64x128xf32, #tpu.memory_space<vmem>>, vector<1x16xf32>,
      }
      %scan3A_190 = arith.constant 16 : i32
      %mul3A_191 = arith.constant 128 : i32
      %mul3A_192 = arith.muli %add3A_32, %mul3A_191 : i32
      %add3A_193 = arith.addi %mul3A_2, %mul3A_192 : i32
      %dma_start3A = arith.constant 0 : i32
      %dma_start3A_194 = tpu.memref_slice %arg6[%dma_start3A, %add3A_193] : memref<64x262144xf32, #tpu.memory_space<hbm>> -> memref<64x128xf32, #tpu.memory_space<hbm>>
      %dma_start3A_195 = arith.constant 0 : i32
      %dma_start3A_196 = tpu.memref_slice %arg6[%dma_start3A_195, %add3A_193] : memref<64x262144xf32, #tpu.memory_space<hbm>> -> memref<64x128xf32, #tpu.memory_space<hbm>>
      tpu.enqueue_dma source(%arg11 : memref<64x128xf32, #tpu.memory_space<vmem>>) target(%dma_start3A_196 : memref<64x128xf32, #tpu.memory_space<hbm>>) target_semaphore(%arg15 : memref<!tpu.dma_semaphore, #tpu.memory_space<semaphore_mem>>)
      %mul3A_197 = arith.constant 4 : i32
      %mul3A_198 = arith.muli %scan3A_28, %mul3A_197 : i32
      %add3A_199 = arith.constant 1 : i32
      %add3A_200 = arith.addi %mul3A_198, %add3A_199 : i32
      %gt3A_201 = arith.constant 0 : i32
      %gt3A_202 = arith.cmpi sgt, %scan3A_28, %gt3A_201 : i32
      %convert_element_type3A_203 = arith.extui %gt3A_202 : i1 to i32
      %cond3A_204 = arith.constant 0 : i32
      %cond3A_205 = arith.cmpi ne, %convert_element_type3A_203, %cond3A_204 : i32
      scf.if %cond3A_205 {
        %dma_wait3A_719 = arith.constant 0 : i32
        %dma_wait3A_720 = tpu.memref_slice %arg6[%dma_wait3A_719, %mul3A_2] : memref<64x262144xf32, #tpu.memory_space<hbm>> -> memref<64x128xf32, #tpu.memory_space<hbm>>
        %dma_wait3A_721 = arith.constant 0 : i32
        %dma_wait3A_722 = tpu.memref_slice %arg6[%dma_wait3A_721, %mul3A_2] : memref<64x262144xf32, #tpu.memory_space<hbm>> -> memref<64x128xf32, #tpu.memory_space<hbm>>
        tpu.wait_dma2 semaphore(%arg16 : memref<!tpu.dma_semaphore, #tpu.memory_space<semaphore_mem>>) src(%arg12 : memref<64x128xf32, #tpu.memory_space<vmem>>) dst(%dma_wait3A_722 : memref<64x128xf32, #tpu.memory_space<hbm>>)
      } else {
      }
      %mul3A_206 = arith.constant 128 : i32
      %mul3A_207 = arith.muli %add3A_200, %mul3A_206 : i32
      %add3A_208 = arith.constant 0 : i32
      %add3A_209 = arith.addi %mul3A_207, %add3A_208 : i32
      %get3A_210 = arith.index_cast %add3A_209 : i32 to index
      %get3A_211 = tpu.vector_load %arg9[%get3A_210] {strides = array<i32>} : memref<8192xf32, #tpu.memory_space<vmem>>, vector<16xf32>,
      %get3A_212 = vector.shape_cast %get3A_211 : vector<16xf32> to vector<16xf32>
      %mul3A_213 = arith.mulf %get3A_212, %get3A_4 : vector<16xf32>
      %add3A_214 = arith.addf %mul3A_213, %get3A_7 : vector<16xf32>
      %convert_element_type3A_215 = arith.fptosi %add3A_214 : vector<16xf32> to vector<16xi32>
      %and3A_216 = arith.constant 31 : i32
      %and3A_217 = vector.broadcast %and3A_216 : i32 to vector<16xi32>
      %and3A_218 = arith.andi %convert_element_type3A_215, %and3A_217 : vector<16xi32>
      %and3A_219 = arith.constant 15 : i32
      %and3A_220 = vector.broadcast %and3A_219 : i32 to vector<16xi32>
      %and3A_221 = arith.andi %and3A_218, %and3A_220 : vector<16xi32>
      %lt3A_222 = arith.constant 16 : i32
      %lt3A_223 = vector.broadcast %lt3A_222 : i32 to vector<16xi32>
      %lt3A_224 = arith.cmpi slt, %and3A_218, %lt3A_223 : vector<16xi32>
      %mul3A_225 = arith.constant 128 : i32
      %mul3A_226 = arith.muli %add3A_200, %mul3A_225 : i32
      %add3A_227 = arith.constant 16 : i32
      %add3A_228 = arith.addi %mul3A_226, %add3A_227 : i32
      %get3A_229 = arith.index_cast %add3A_228 : i32 to index
      %get3A_230 = tpu.vector_load %arg9[%get3A_229] {strides = array<i32>} : memref<8192xf32, #tpu.memory_space<vmem>>, vector<16xf32>,
      %get3A_231 = vector.shape_cast %get3A_230 : vector<16xf32> to vector<16xf32>
      %mul3A_232 = arith.mulf %get3A_231, %get3A_4 : vector<16xf32>
      %add3A_233 = arith.addf %mul3A_232, %get3A_7 : vector<16xf32>
      %convert_element_type3A_234 = arith.fptosi %add3A_233 : vector<16xf32> to vector<16xi32>
      %and3A_235 = arith.constant 31 : i32
      %and3A_236 = vector.broadcast %and3A_235 : i32 to vector<16xi32>
      %and3A_237 = arith.andi %convert_element_type3A_234, %and3A_236 : vector<16xi32>
      %and3A_238 = arith.constant 15 : i32
      %and3A_239 = vector.broadcast %and3A_238 : i32 to vector<16xi32>
      %and3A_240 = arith.andi %and3A_237, %and3A_239 : vector<16xi32>
      %lt3A_241 = arith.constant 16 : i32
      %lt3A_242 = vector.broadcast %lt3A_241 : i32 to vector<16xi32>
      %lt3A_243 = arith.cmpi slt, %and3A_237, %lt3A_242 : vector<16xi32>
      %mul3A_244 = arith.constant 128 : i32
      %mul3A_245 = arith.muli %add3A_200, %mul3A_244 : i32
      %add3A_246 = arith.constant 32 : i32
      %add3A_247 = arith.addi %mul3A_245, %add3A_246 : i32
      %get3A_248 = arith.index_cast %add3A_247 : i32 to index
      %get3A_249 = tpu.vector_load %arg9[%get3A_248] {strides = array<i32>} : memref<8192xf32, #tpu.memory_space<vmem>>, vector<16xf32>,
      %get3A_250 = vector.shape_cast %get3A_249 : vector<16xf32> to vector<16xf32>
      %mul3A_251 = arith.mulf %get3A_250, %get3A_4 : vector<16xf32>
      %add3A_252 = arith.addf %mul3A_251, %get3A_7 : vector<16xf32>
      %convert_element_type3A_253 = arith.fptosi %add3A_252 : vector<16xf32> to vector<16xi32>
      %and3A_254 = arith.constant 31 : i32
      %and3A_255 = vector.broadcast %and3A_254 : i32 to vector<16xi32>
      %and3A_256 = arith.andi %convert_element_type3A_253, %and3A_255 : vector<16xi32>
      %and3A_257 = arith.constant 15 : i32
      %and3A_258 = vector.broadcast %and3A_257 : i32 to vector<16xi32>
      %and3A_259 = arith.andi %and3A_256, %and3A_258 : vector<16xi32>
      %lt3A_260 = arith.constant 16 : i32
      %lt3A_261 = vector.broadcast %lt3A_260 : i32 to vector<16xi32>
      %lt3A_262 = arith.cmpi slt, %and3A_256, %lt3A_261 : vector<16xi32>
      %mul3A_263 = arith.constant 128 : i32
      %mul3A_264 = arith.muli %add3A_200, %mul3A_263 : i32
      %add3A_265 = arith.constant 48 : i32
      %add3A_266 = arith.addi %mul3A_264, %add3A_265 : i32
      %get3A_267 = arith.index_cast %add3A_266 : i32 to index
      %get3A_268 = tpu.vector_load %arg9[%get3A_267] {strides = array<i32>} : memref<8192xf32, #tpu.memory_space<vmem>>, vector<16xf32>,
      %get3A_269 = vector.shape_cast %get3A_268 : vector<16xf32> to vector<16xf32>
      %mul3A_270 = arith.mulf %get3A_269, %get3A_4 : vector<16xf32>
      %add3A_271 = arith.addf %mul3A_270, %get3A_7 : vector<16xf32>
      %convert_element_type3A_272 = arith.fptosi %add3A_271 : vector<16xf32> to vector<16xi32>
      %and3A_273 = arith.constant 31 : i32
      %and3A_274 = vector.broadcast %and3A_273 : i32 to vector<16xi32>
      %and3A_275 = arith.andi %convert_element_type3A_272, %and3A_274 : vector<16xi32>
      %and3A_276 = arith.constant 15 : i32
      %and3A_277 = vector.broadcast %and3A_276 : i32 to vector<16xi32>
      %and3A_278 = arith.andi %and3A_275, %and3A_277 : vector<16xi32>
      %lt3A_279 = arith.constant 16 : i32
      %lt3A_280 = vector.broadcast %lt3A_279 : i32 to vector<16xi32>
      %lt3A_281 = arith.cmpi slt, %and3A_275, %lt3A_280 : vector<16xi32>
      %mul3A_282 = arith.constant 128 : i32
      %mul3A_283 = arith.muli %add3A_200, %mul3A_282 : i32
      %add3A_284 = arith.constant 64 : i32
      %add3A_285 = arith.addi %mul3A_283, %add3A_284 : i32
      %get3A_286 = arith.index_cast %add3A_285 : i32 to index
      %get3A_287 = tpu.vector_load %arg9[%get3A_286] {strides = array<i32>} : memref<8192xf32, #tpu.memory_space<vmem>>, vector<16xf32>,
      %get3A_288 = vector.shape_cast %get3A_287 : vector<16xf32> to vector<16xf32>
      %mul3A_289 = arith.mulf %get3A_288, %get3A_4 : vector<16xf32>
      %add3A_290 = arith.addf %mul3A_289, %get3A_7 : vector<16xf32>
      %convert_element_type3A_291 = arith.fptosi %add3A_290 : vector<16xf32> to vector<16xi32>
      %and3A_292 = arith.constant 31 : i32
      %and3A_293 = vector.broadcast %and3A_292 : i32 to vector<16xi32>
      %and3A_294 = arith.andi %convert_element_type3A_291, %and3A_293 : vector<16xi32>
      %and3A_295 = arith.constant 15 : i32
      %and3A_296 = vector.broadcast %and3A_295 : i32 to vector<16xi32>
      %and3A_297 = arith.andi %and3A_294, %and3A_296 : vector<16xi32>
      %lt3A_298 = arith.constant 16 : i32
      %lt3A_299 = vector.broadcast %lt3A_298 : i32 to vector<16xi32>
      %lt3A_300 = arith.cmpi slt, %and3A_294, %lt3A_299 : vector<16xi32>
      %mul3A_301 = arith.constant 128 : i32
      %mul3A_302 = arith.muli %add3A_200, %mul3A_301 : i32
      %add3A_303 = arith.constant 80 : i32
      %add3A_304 = arith.addi %mul3A_302, %add3A_303 : i32
      %get3A_305 = arith.index_cast %add3A_304 : i32 to index
      %get3A_306 = tpu.vector_load %arg9[%get3A_305] {strides = array<i32>} : memref<8192xf32, #tpu.memory_space<vmem>>, vector<16xf32>,
      %get3A_307 = vector.shape_cast %get3A_306 : vector<16xf32> to vector<16xf32>
      %mul3A_308 = arith.mulf %get3A_307, %get3A_4 : vector<16xf32>
      %add3A_309 = arith.addf %mul3A_308, %get3A_7 : vector<16xf32>
      %convert_element_type3A_310 = arith.fptosi %add3A_309 : vector<16xf32> to vector<16xi32>
      %and3A_311 = arith.constant 31 : i32
      %and3A_312 = vector.broadcast %and3A_311 : i32 to vector<16xi32>
      %and3A_313 = arith.andi %convert_element_type3A_310, %and3A_312 : vector<16xi32>
      %and3A_314 = arith.constant 15 : i32
      %and3A_315 = vector.broadcast %and3A_314 : i32 to vector<16xi32>
      %and3A_316 = arith.andi %and3A_313, %and3A_315 : vector<16xi32>
      %lt3A_317 = arith.constant 16 : i32
      %lt3A_318 = vector.broadcast %lt3A_317 : i32 to vector<16xi32>
      %lt3A_319 = arith.cmpi slt, %and3A_313, %lt3A_318 : vector<16xi32>
      %mul3A_320 = arith.constant 128 : i32
      %mul3A_321 = arith.muli %add3A_200, %mul3A_320 : i32
      %add3A_322 = arith.constant 96 : i32
      %add3A_323 = arith.addi %mul3A_321, %add3A_322 : i32
      %get3A_324 = arith.index_cast %add3A_323 : i32 to index
      %get3A_325 = tpu.vector_load %arg9[%get3A_324] {strides = array<i32>} : memref<8192xf32, #tpu.memory_space<vmem>>, vector<16xf32>,
      %get3A_326 = vector.shape_cast %get3A_325 : vector<16xf32> to vector<16xf32>
      %mul3A_327 = arith.mulf %get3A_326, %get3A_4 : vector<16xf32>
      %add3A_328 = arith.addf %mul3A_327, %get3A_7 : vector<16xf32>
      %convert_element_type3A_329 = arith.fptosi %add3A_328 : vector<16xf32> to vector<16xi32>
      %and3A_330 = arith.constant 31 : i32
      %and3A_331 = vector.broadcast %and3A_330 : i32 to vector<16xi32>
      %and3A_332 = arith.andi %convert_element_type3A_329, %and3A_331 : vector<16xi32>
      %and3A_333 = arith.constant 15 : i32
      %and3A_334 = vector.broadcast %and3A_333 : i32 to vector<16xi32>
      %and3A_335 = arith.andi %and3A_332, %and3A_334 : vector<16xi32>
      %lt3A_336 = arith.constant 16 : i32
      %lt3A_337 = vector.broadcast %lt3A_336 : i32 to vector<16xi32>
      %lt3A_338 = arith.cmpi slt, %and3A_332, %lt3A_337 : vector<16xi32>
      %mul3A_339 = arith.constant 128 : i32
      %mul3A_340 = arith.muli %add3A_200, %mul3A_339 : i32
      %add3A_341 = arith.constant 112 : i32
      %add3A_342 = arith.addi %mul3A_340, %add3A_341 : i32
      %get3A_343 = arith.index_cast %add3A_342 : i32 to index
      %get3A_344 = tpu.vector_load %arg9[%get3A_343] {strides = array<i32>} : memref<8192xf32, #tpu.memory_space<vmem>>, vector<16xf32>,
      %get3A_345 = vector.shape_cast %get3A_344 : vector<16xf32> to vector<16xf32>
      %mul3A_346 = arith.mulf %get3A_345, %get3A_4 : vector<16xf32>
      %add3A_347 = arith.addf %mul3A_346, %get3A_7 : vector<16xf32>
      %convert_element_type3A_348 = arith.fptosi %add3A_347 : vector<16xf32> to vector<16xi32>
      %and3A_349 = arith.constant 31 : i32
      %and3A_350 = vector.broadcast %and3A_349 : i32 to vector<16xi32>
      %and3A_351 = arith.andi %convert_element_type3A_348, %and3A_350 : vector<16xi32>
      %and3A_352 = arith.constant 15 : i32
      %and3A_353 = vector.broadcast %and3A_352 : i32 to vector<16xi32>
      %and3A_354 = arith.andi %and3A_351, %and3A_353 : vector<16xi32>
      %lt3A_355 = arith.constant 16 : i32
      %lt3A_356 = vector.broadcast %lt3A_355 : i32 to vector<16xi32>
      %lt3A_357 = arith.cmpi slt, %and3A_351, %lt3A_356 : vector<16xi32>
      %scan3A_358 = arith.constant 0 : i32
      %scan3A_359 = arith.constant 0 : i32
      %scan3A_360 = arith.constant 16 : i32
      %scan3A_361 = arith.addi %scan3A_359, %scan3A_360 : i32
      %scan3A_362 = arith.constant 1 : i32
      scf.for %scan3A_719 = %scan3A_359 to %scan3A_361 step %scan3A_362  : i32 {
        %mul3A_720 = arith.constant 4 : i32
        %mul3A_721 = arith.muli %scan3A_719, %mul3A_720 : i32
        %add3A_722 = arith.constant 0 : i32
        %add3A_723 = arith.addi %mul3A_721, %add3A_722 : i32
        %get3A_724 = arith.index_cast %add3A_723 : i32 to index
        %get3A_725 = arith.constant 0 : index
        %get3A_726 = tpu.vector_load %arg10[%get3A_724, %get3A_725] {strides = array<i32>} : memref<64x32xf32, #tpu.memory_space<vmem>>, vector<1x16xf32>,
        %get3A_727 = vector.shape_cast %get3A_726 : vector<1x16xf32> to vector<16xf32>
        %get3A_728 = arith.index_cast %add3A_723 : i32 to index
        %get3A_729 = arith.constant 16 : index
        %get3A_730 = tpu.vector_load %arg10[%get3A_728, %get3A_729] {strides = array<i32>} : memref<64x32xf32, #tpu.memory_space<vmem>>, vector<1x16xf32>,
        %get3A_731 = vector.shape_cast %get3A_730 : vector<1x16xf32> to vector<16xf32>
        %broadcast_in_dim3A = vector.shape_cast %and3A_221 : vector<16xi32> to vector<16x1xi32>
        %gather3A = vector.shape_cast %broadcast_in_dim3A : vector<16x1xi32> to vector<16xi32>
        %gather3A_732 = tpu.dynamic_gather %get3A_727[%gather3A] in [0] : vector<16xf32>, vector<16xi32> -> vector<16xf32>
        %broadcast_in_dim3A_733 = vector.shape_cast %and3A_221 : vector<16xi32> to vector<16x1xi32>
        %gather3A_734 = vector.shape_cast %broadcast_in_dim3A_733 : vector<16x1xi32> to vector<16xi32>
        %gather3A_735 = tpu.dynamic_gather %get3A_731[%gather3A_734] in [0] : vector<16xf32>, vector<16xi32> -> vector<16xf32>
        %select_n3A = arith.select %lt3A_224, %gather3A_732, %gather3A_735 : vector<16xi1>, vector<16xf32>
        %swap3A = arith.index_cast %add3A_723 : i32 to index
        %swap3A_736 = arith.constant 0 : index
        %swap3A_737 = tpu.vector_load %arg12[%swap3A, %swap3A_736] {strides = array<i32>} : memref<64x128xf32, #tpu.memory_space<vmem>>, vector<1x16xf32>,
        %swap3A_738 = vector.shape_cast %swap3A_737 : vector<1x16xf32> to vector<16xf32>
        %swap3A_739 = vector.shape_cast %select_n3A : vector<16xf32> to vector<1x16xf32>
        tpu.vector_store %arg12[%swap3A, %swap3A_736], %swap3A_739 {strides = array<i32>} : memref<64x128xf32, #tpu.memory_space<vmem>>, vector<1x16xf32>,
        %broadcast_in_dim3A_740 = vector.shape_cast %and3A_240 : vector<16xi32> to vector<16x1xi32>
        %gather3A_741 = vector.shape_cast %broadcast_in_dim3A_740 : vector<16x1xi32> to vector<16xi32>
        %gather3A_742 = tpu.dynamic_gather %get3A_727[%gather3A_741] in [0] : vector<16xf32>, vector<16xi32> -> vector<16xf32>
        %broadcast_in_dim3A_743 = vector.shape_cast %and3A_240 : vector<16xi32> to vector<16x1xi32>
        %gather3A_744 = vector.shape_cast %broadcast_in_dim3A_743 : vector<16x1xi32> to vector<16xi32>
        %gather3A_745 = tpu.dynamic_gather %get3A_731[%gather3A_744] in [0] : vector<16xf32>, vector<16xi32> -> vector<16xf32>
        %select_n3A_746 = arith.select %lt3A_243, %gather3A_742, %gather3A_745 : vector<16xi1>, vector<16xf32>
        %swap3A_747 = arith.index_cast %add3A_723 : i32 to index
        %swap3A_748 = arith.constant 16 : index
        %swap3A_749 = tpu.vector_load %arg12[%swap3A_747, %swap3A_748] {strides = array<i32>} : memref<64x128xf32, #tpu.memory_space<vmem>>, vector<1x16xf32>,
        %swap3A_750 = vector.shape_cast %swap3A_749 : vector<1x16xf32> to vector<16xf32>
        %swap3A_751 = vector.shape_cast %select_n3A_746 : vector<16xf32> to vector<1x16xf32>
        tpu.vector_store %arg12[%swap3A_747, %swap3A_748], %swap3A_751 {strides = array<i32>} : memref<64x128xf32, #tpu.memory_space<vmem>>, vector<1x16xf32>,
        %broadcast_in_dim3A_752 = vector.shape_cast %and3A_259 : vector<16xi32> to vector<16x1xi32>
        %gather3A_753 = vector.shape_cast %broadcast_in_dim3A_752 : vector<16x1xi32> to vector<16xi32>
        %gather3A_754 = tpu.dynamic_gather %get3A_727[%gather3A_753] in [0] : vector<16xf32>, vector<16xi32> -> vector<16xf32>
        %broadcast_in_dim3A_755 = vector.shape_cast %and3A_259 : vector<16xi32> to vector<16x1xi32>
        %gather3A_756 = vector.shape_cast %broadcast_in_dim3A_755 : vector<16x1xi32> to vector<16xi32>
        %gather3A_757 = tpu.dynamic_gather %get3A_731[%gather3A_756] in [0] : vector<16xf32>, vector<16xi32> -> vector<16xf32>
        %select_n3A_758 = arith.select %lt3A_262, %gather3A_754, %gather3A_757 : vector<16xi1>, vector<16xf32>
        %swap3A_759 = arith.index_cast %add3A_723 : i32 to index
        %swap3A_760 = arith.constant 32 : index
        %swap3A_761 = tpu.vector_load %arg12[%swap3A_759, %swap3A_760] {strides = array<i32>} : memref<64x128xf32, #tpu.memory_space<vmem>>, vector<1x16xf32>,
        %swap3A_762 = vector.shape_cast %swap3A_761 : vector<1x16xf32> to vector<16xf32>
        %swap3A_763 = vector.shape_cast %select_n3A_758 : vector<16xf32> to vector<1x16xf32>
        tpu.vector_store %arg12[%swap3A_759, %swap3A_760], %swap3A_763 {strides = array<i32>} : memref<64x128xf32, #tpu.memory_space<vmem>>, vector<1x16xf32>,
        %broadcast_in_dim3A_764 = vector.shape_cast %and3A_278 : vector<16xi32> to vector<16x1xi32>
        %gather3A_765 = vector.shape_cast %broadcast_in_dim3A_764 : vector<16x1xi32> to vector<16xi32>
        %gather3A_766 = tpu.dynamic_gather %get3A_727[%gather3A_765] in [0] : vector<16xf32>, vector<16xi32> -> vector<16xf32>
        %broadcast_in_dim3A_767 = vector.shape_cast %and3A_278 : vector<16xi32> to vector<16x1xi32>
        %gather3A_768 = vector.shape_cast %broadcast_in_dim3A_767 : vector<16x1xi32> to vector<16xi32>
        %gather3A_769 = tpu.dynamic_gather %get3A_731[%gather3A_768] in [0] : vector<16xf32>, vector<16xi32> -> vector<16xf32>
        %select_n3A_770 = arith.select %lt3A_281, %gather3A_766, %gather3A_769 : vector<16xi1>, vector<16xf32>
        %swap3A_771 = arith.index_cast %add3A_723 : i32 to index
        %swap3A_772 = arith.constant 48 : index
        %swap3A_773 = tpu.vector_load %arg12[%swap3A_771, %swap3A_772] {strides = array<i32>} : memref<64x128xf32, #tpu.memory_space<vmem>>, vector<1x16xf32>,
        %swap3A_774 = vector.shape_cast %swap3A_773 : vector<1x16xf32> to vector<16xf32>
        %swap3A_775 = vector.shape_cast %select_n3A_770 : vector<16xf32> to vector<1x16xf32>
        tpu.vector_store %arg12[%swap3A_771, %swap3A_772], %swap3A_775 {strides = array<i32>} : memref<64x128xf32, #tpu.memory_space<vmem>>, vector<1x16xf32>,
        %broadcast_in_dim3A_776 = vector.shape_cast %and3A_297 : vector<16xi32> to vector<16x1xi32>
        %gather3A_777 = vector.shape_cast %broadcast_in_dim3A_776 : vector<16x1xi32> to vector<16xi32>
        %gather3A_778 = tpu.dynamic_gather %get3A_727[%gather3A_777] in [0] : vector<16xf32>, vector<16xi32> -> vector<16xf32>
        %broadcast_in_dim3A_779 = vector.shape_cast %and3A_297 : vector<16xi32> to vector<16x1xi32>
        %gather3A_780 = vector.shape_cast %broadcast_in_dim3A_779 : vector<16x1xi32> to vector<16xi32>
        %gather3A_781 = tpu.dynamic_gather %get3A_731[%gather3A_780] in [0] : vector<16xf32>, vector<16xi32> -> vector<16xf32>
        %select_n3A_782 = arith.select %lt3A_300, %gather3A_778, %gather3A_781 : vector<16xi1>, vector<16xf32>
        %swap3A_783 = arith.index_cast %add3A_723 : i32 to index
        %swap3A_784 = arith.constant 64 : index
        %swap3A_785 = tpu.vector_load %arg12[%swap3A_783, %swap3A_784] {strides = array<i32>} : memref<64x128xf32, #tpu.memory_space<vmem>>, vector<1x16xf32>,
        %swap3A_786 = vector.shape_cast %swap3A_785 : vector<1x16xf32> to vector<16xf32>
        %swap3A_787 = vector.shape_cast %select_n3A_782 : vector<16xf32> to vector<1x16xf32>
        tpu.vector_store %arg12[%swap3A_783, %swap3A_784], %swap3A_787 {strides = array<i32>} : memref<64x128xf32, #tpu.memory_space<vmem>>, vector<1x16xf32>,
        %broadcast_in_dim3A_788 = vector.shape_cast %and3A_316 : vector<16xi32> to vector<16x1xi32>
        %gather3A_789 = vector.shape_cast %broadcast_in_dim3A_788 : vector<16x1xi32> to vector<16xi32>
        %gather3A_790 = tpu.dynamic_gather %get3A_727[%gather3A_789] in [0] : vector<16xf32>, vector<16xi32> -> vector<16xf32>
        %broadcast_in_dim3A_791 = vector.shape_cast %and3A_316 : vector<16xi32> to vector<16x1xi32>
        %gather3A_792 = vector.shape_cast %broadcast_in_dim3A_791 : vector<16x1xi32> to vector<16xi32>
        %gather3A_793 = tpu.dynamic_gather %get3A_731[%gather3A_792] in [0] : vector<16xf32>, vector<16xi32> -> vector<16xf32>
        %select_n3A_794 = arith.select %lt3A_319, %gather3A_790, %gather3A_793 : vector<16xi1>, vector<16xf32>
        %swap3A_795 = arith.index_cast %add3A_723 : i32 to index
        %swap3A_796 = arith.constant 80 : index
        %swap3A_797 = tpu.vector_load %arg12[%swap3A_795, %swap3A_796] {strides = array<i32>} : memref<64x128xf32, #tpu.memory_space<vmem>>, vector<1x16xf32>,
        %swap3A_798 = vector.shape_cast %swap3A_797 : vector<1x16xf32> to vector<16xf32>
        %swap3A_799 = vector.shape_cast %select_n3A_794 : vector<16xf32> to vector<1x16xf32>
        tpu.vector_store %arg12[%swap3A_795, %swap3A_796], %swap3A_799 {strides = array<i32>} : memref<64x128xf32, #tpu.memory_space<vmem>>, vector<1x16xf32>,
        %broadcast_in_dim3A_800 = vector.shape_cast %and3A_335 : vector<16xi32> to vector<16x1xi32>
        %gather3A_801 = vector.shape_cast %broadcast_in_dim3A_800 : vector<16x1xi32> to vector<16xi32>
        %gather3A_802 = tpu.dynamic_gather %get3A_727[%gather3A_801] in [0] : vector<16xf32>, vector<16xi32> -> vector<16xf32>
        %broadcast_in_dim3A_803 = vector.shape_cast %and3A_335 : vector<16xi32> to vector<16x1xi32>
        %gather3A_804 = vector.shape_cast %broadcast_in_dim3A_803 : vector<16x1xi32> to vector<16xi32>
        %gather3A_805 = tpu.dynamic_gather %get3A_731[%gather3A_804] in [0] : vector<16xf32>, vector<16xi32> -> vector<16xf32>
        %select_n3A_806 = arith.select %lt3A_338, %gather3A_802, %gather3A_805 : vector<16xi1>, vector<16xf32>
        %swap3A_807 = arith.index_cast %add3A_723 : i32 to index
        %swap3A_808 = arith.constant 96 : index
        %swap3A_809 = tpu.vector_load %arg12[%swap3A_807, %swap3A_808] {strides = array<i32>} : memref<64x128xf32, #tpu.memory_space<vmem>>, vector<1x16xf32>,
        %swap3A_810 = vector.shape_cast %swap3A_809 : vector<1x16xf32> to vector<16xf32>
        %swap3A_811 = vector.shape_cast %select_n3A_806 : vector<16xf32> to vector<1x16xf32>
        tpu.vector_store %arg12[%swap3A_807, %swap3A_808], %swap3A_811 {strides = array<i32>} : memref<64x128xf32, #tpu.memory_space<vmem>>, vector<1x16xf32>,
        %broadcast_in_dim3A_812 = vector.shape_cast %and3A_354 : vector<16xi32> to vector<16x1xi32>
        %gather3A_813 = vector.shape_cast %broadcast_in_dim3A_812 : vector<16x1xi32> to vector<16xi32>
        %gather3A_814 = tpu.dynamic_gather %get3A_727[%gather3A_813] in [0] : vector<16xf32>, vector<16xi32> -> vector<16xf32>
        %broadcast_in_dim3A_815 = vector.shape_cast %and3A_354 : vector<16xi32> to vector<16x1xi32>
        %gather3A_816 = vector.shape_cast %broadcast_in_dim3A_815 : vector<16x1xi32> to vector<16xi32>
        %gather3A_817 = tpu.dynamic_gather %get3A_731[%gather3A_816] in [0] : vector<16xf32>, vector<16xi32> -> vector<16xf32>
        %select_n3A_818 = arith.select %lt3A_357, %gather3A_814, %gather3A_817 : vector<16xi1>, vector<16xf32>
        %swap3A_819 = arith.index_cast %add3A_723 : i32 to index
        %swap3A_820 = arith.constant 112 : index
        %swap3A_821 = tpu.vector_load %arg12[%swap3A_819, %swap3A_820] {strides = array<i32>} : memref<64x128xf32, #tpu.memory_space<vmem>>, vector<1x16xf32>,
        %swap3A_822 = vector.shape_cast %swap3A_821 : vector<1x16xf32> to vector<16xf32>
        %swap3A_823 = vector.shape_cast %select_n3A_818 : vector<16xf32> to vector<1x16xf32>
        tpu.vector_store %arg12[%swap3A_819, %swap3A_820], %swap3A_823 {strides = array<i32>} : memref<64x128xf32, #tpu.memory_space<vmem>>, vector<1x16xf32>,
        %mul3A_824 = arith.constant 4 : i32
        %mul3A_825 = arith.muli %scan3A_719, %mul3A_824 : i32
        %add3A_826 = arith.constant 1 : i32
        %add3A_827 = arith.addi %mul3A_825, %add3A_826 : i32
        %get3A_828 = arith.index_cast %add3A_827 : i32 to index
        %get3A_829 = arith.constant 0 : index
        %get3A_830 = tpu.vector_load %arg10[%get3A_828, %get3A_829] {strides = array<i32>} : memref<64x32xf32, #tpu.memory_space<vmem>>, vector<1x16xf32>,
        %get3A_831 = vector.shape_cast %get3A_830 : vector<1x16xf32> to vector<16xf32>
        %get3A_832 = arith.index_cast %add3A_827 : i32 to index
        %get3A_833 = arith.constant 16 : index
        %get3A_834 = tpu.vector_load %arg10[%get3A_832, %get3A_833] {strides = array<i32>} : memref<64x32xf32, #tpu.memory_space<vmem>>, vector<1x16xf32>,
        %get3A_835 = vector.shape_cast %get3A_834 : vector<1x16xf32> to vector<16xf32>
        %broadcast_in_dim3A_836 = vector.shape_cast %and3A_221 : vector<16xi32> to vector<16x1xi32>
        %gather3A_837 = vector.shape_cast %broadcast_in_dim3A_836 : vector<16x1xi32> to vector<16xi32>
        %gather3A_838 = tpu.dynamic_gather %get3A_831[%gather3A_837] in [0] : vector<16xf32>, vector<16xi32> -> vector<16xf32>
        %broadcast_in_dim3A_839 = vector.shape_cast %and3A_221 : vector<16xi32> to vector<16x1xi32>
        %gather3A_840 = vector.shape_cast %broadcast_in_dim3A_839 : vector<16x1xi32> to vector<16xi32>
        %gather3A_841 = tpu.dynamic_gather %get3A_835[%gather3A_840] in [0] : vector<16xf32>, vector<16xi32> -> vector<16xf32>
        %select_n3A_842 = arith.select %lt3A_224, %gather3A_838, %gather3A_841 : vector<16xi1>, vector<16xf32>
        %swap3A_843 = arith.index_cast %add3A_827 : i32 to index
        %swap3A_844 = arith.constant 0 : index
        %swap3A_845 = tpu.vector_load %arg12[%swap3A_843, %swap3A_844] {strides = array<i32>} : memref<64x128xf32, #tpu.memory_space<vmem>>, vector<1x16xf32>,
        %swap3A_846 = vector.shape_cast %swap3A_845 : vector<1x16xf32> to vector<16xf32>
        %swap3A_847 = vector.shape_cast %select_n3A_842 : vector<16xf32> to vector<1x16xf32>
        tpu.vector_store %arg12[%swap3A_843, %swap3A_844], %swap3A_847 {strides = array<i32>} : memref<64x128xf32, #tpu.memory_space<vmem>>, vector<1x16xf32>,
        %broadcast_in_dim3A_848 = vector.shape_cast %and3A_240 : vector<16xi32> to vector<16x1xi32>
        %gather3A_849 = vector.shape_cast %broadcast_in_dim3A_848 : vector<16x1xi32> to vector<16xi32>
        %gather3A_850 = tpu.dynamic_gather %get3A_831[%gather3A_849] in [0] : vector<16xf32>, vector<16xi32> -> vector<16xf32>
        %broadcast_in_dim3A_851 = vector.shape_cast %and3A_240 : vector<16xi32> to vector<16x1xi32>
        %gather3A_852 = vector.shape_cast %broadcast_in_dim3A_851 : vector<16x1xi32> to vector<16xi32>
        %gather3A_853 = tpu.dynamic_gather %get3A_835[%gather3A_852] in [0] : vector<16xf32>, vector<16xi32> -> vector<16xf32>
        %select_n3A_854 = arith.select %lt3A_243, %gather3A_850, %gather3A_853 : vector<16xi1>, vector<16xf32>
        %swap3A_855 = arith.index_cast %add3A_827 : i32 to index
        %swap3A_856 = arith.constant 16 : index
        %swap3A_857 = tpu.vector_load %arg12[%swap3A_855, %swap3A_856] {strides = array<i32>} : memref<64x128xf32, #tpu.memory_space<vmem>>, vector<1x16xf32>,
        %swap3A_858 = vector.shape_cast %swap3A_857 : vector<1x16xf32> to vector<16xf32>
        %swap3A_859 = vector.shape_cast %select_n3A_854 : vector<16xf32> to vector<1x16xf32>
        tpu.vector_store %arg12[%swap3A_855, %swap3A_856], %swap3A_859 {strides = array<i32>} : memref<64x128xf32, #tpu.memory_space<vmem>>, vector<1x16xf32>,
        %broadcast_in_dim3A_860 = vector.shape_cast %and3A_259 : vector<16xi32> to vector<16x1xi32>
        %gather3A_861 = vector.shape_cast %broadcast_in_dim3A_860 : vector<16x1xi32> to vector<16xi32>
        %gather3A_862 = tpu.dynamic_gather %get3A_831[%gather3A_861] in [0] : vector<16xf32>, vector<16xi32> -> vector<16xf32>
        %broadcast_in_dim3A_863 = vector.shape_cast %and3A_259 : vector<16xi32> to vector<16x1xi32>
        %gather3A_864 = vector.shape_cast %broadcast_in_dim3A_863 : vector<16x1xi32> to vector<16xi32>
        %gather3A_865 = tpu.dynamic_gather %get3A_835[%gather3A_864] in [0] : vector<16xf32>, vector<16xi32> -> vector<16xf32>
        %select_n3A_866 = arith.select %lt3A_262, %gather3A_862, %gather3A_865 : vector<16xi1>, vector<16xf32>
        %swap3A_867 = arith.index_cast %add3A_827 : i32 to index
        %swap3A_868 = arith.constant 32 : index
        %swap3A_869 = tpu.vector_load %arg12[%swap3A_867, %swap3A_868] {strides = array<i32>} : memref<64x128xf32, #tpu.memory_space<vmem>>, vector<1x16xf32>,
        %swap3A_870 = vector.shape_cast %swap3A_869 : vector<1x16xf32> to vector<16xf32>
        %swap3A_871 = vector.shape_cast %select_n3A_866 : vector<16xf32> to vector<1x16xf32>
        tpu.vector_store %arg12[%swap3A_867, %swap3A_868], %swap3A_871 {strides = array<i32>} : memref<64x128xf32, #tpu.memory_space<vmem>>, vector<1x16xf32>,
        %broadcast_in_dim3A_872 = vector.shape_cast %and3A_278 : vector<16xi32> to vector<16x1xi32>
        %gather3A_873 = vector.shape_cast %broadcast_in_dim3A_872 : vector<16x1xi32> to vector<16xi32>
        %gather3A_874 = tpu.dynamic_gather %get3A_831[%gather3A_873] in [0] : vector<16xf32>, vector<16xi32> -> vector<16xf32>
        %broadcast_in_dim3A_875 = vector.shape_cast %and3A_278 : vector<16xi32> to vector<16x1xi32>
        %gather3A_876 = vector.shape_cast %broadcast_in_dim3A_875 : vector<16x1xi32> to vector<16xi32>
        %gather3A_877 = tpu.dynamic_gather %get3A_835[%gather3A_876] in [0] : vector<16xf32>, vector<16xi32> -> vector<16xf32>
        %select_n3A_878 = arith.select %lt3A_281, %gather3A_874, %gather3A_877 : vector<16xi1>, vector<16xf32>
        %swap3A_879 = arith.index_cast %add3A_827 : i32 to index
        %swap3A_880 = arith.constant 48 : index
        %swap3A_881 = tpu.vector_load %arg12[%swap3A_879, %swap3A_880] {strides = array<i32>} : memref<64x128xf32, #tpu.memory_space<vmem>>, vector<1x16xf32>,
        %swap3A_882 = vector.shape_cast %swap3A_881 : vector<1x16xf32> to vector<16xf32>
        %swap3A_883 = vector.shape_cast %select_n3A_878 : vector<16xf32> to vector<1x16xf32>
        tpu.vector_store %arg12[%swap3A_879, %swap3A_880], %swap3A_883 {strides = array<i32>} : memref<64x128xf32, #tpu.memory_space<vmem>>, vector<1x16xf32>,
        %broadcast_in_dim3A_884 = vector.shape_cast %and3A_297 : vector<16xi32> to vector<16x1xi32>
        %gather3A_885 = vector.shape_cast %broadcast_in_dim3A_884 : vector<16x1xi32> to vector<16xi32>
        %gather3A_886 = tpu.dynamic_gather %get3A_831[%gather3A_885] in [0] : vector<16xf32>, vector<16xi32> -> vector<16xf32>
        %broadcast_in_dim3A_887 = vector.shape_cast %and3A_297 : vector<16xi32> to vector<16x1xi32>
        %gather3A_888 = vector.shape_cast %broadcast_in_dim3A_887 : vector<16x1xi32> to vector<16xi32>
        %gather3A_889 = tpu.dynamic_gather %get3A_835[%gather3A_888] in [0] : vector<16xf32>, vector<16xi32> -> vector<16xf32>
        %select_n3A_890 = arith.select %lt3A_300, %gather3A_886, %gather3A_889 : vector<16xi1>, vector<16xf32>
        %swap3A_891 = arith.index_cast %add3A_827 : i32 to index
        %swap3A_892 = arith.constant 64 : index
        %swap3A_893 = tpu.vector_load %arg12[%swap3A_891, %swap3A_892] {strides = array<i32>} : memref<64x128xf32, #tpu.memory_space<vmem>>, vector<1x16xf32>,
        %swap3A_894 = vector.shape_cast %swap3A_893 : vector<1x16xf32> to vector<16xf32>
        %swap3A_895 = vector.shape_cast %select_n3A_890 : vector<16xf32> to vector<1x16xf32>
        tpu.vector_store %arg12[%swap3A_891, %swap3A_892], %swap3A_895 {strides = array<i32>} : memref<64x128xf32, #tpu.memory_space<vmem>>, vector<1x16xf32>,
        %broadcast_in_dim3A_896 = vector.shape_cast %and3A_316 : vector<16xi32> to vector<16x1xi32>
        %gather3A_897 = vector.shape_cast %broadcast_in_dim3A_896 : vector<16x1xi32> to vector<16xi32>
        %gather3A_898 = tpu.dynamic_gather %get3A_831[%gather3A_897] in [0] : vector<16xf32>, vector<16xi32> -> vector<16xf32>
        %broadcast_in_dim3A_899 = vector.shape_cast %and3A_316 : vector<16xi32> to vector<16x1xi32>
        %gather3A_900 = vector.shape_cast %broadcast_in_dim3A_899 : vector<16x1xi32> to vector<16xi32>
        %gather3A_901 = tpu.dynamic_gather %get3A_835[%gather3A_900] in [0] : vector<16xf32>, vector<16xi32> -> vector<16xf32>
        %select_n3A_902 = arith.select %lt3A_319, %gather3A_898, %gather3A_901 : vector<16xi1>, vector<16xf32>
        %swap3A_903 = arith.index_cast %add3A_827 : i32 to index
        %swap3A_904 = arith.constant 80 : index
        %swap3A_905 = tpu.vector_load %arg12[%swap3A_903, %swap3A_904] {strides = array<i32>} : memref<64x128xf32, #tpu.memory_space<vmem>>, vector<1x16xf32>,
        %swap3A_906 = vector.shape_cast %swap3A_905 : vector<1x16xf32> to vector<16xf32>
        %swap3A_907 = vector.shape_cast %select_n3A_902 : vector<16xf32> to vector<1x16xf32>
        tpu.vector_store %arg12[%swap3A_903, %swap3A_904], %swap3A_907 {strides = array<i32>} : memref<64x128xf32, #tpu.memory_space<vmem>>, vector<1x16xf32>,
        %broadcast_in_dim3A_908 = vector.shape_cast %and3A_335 : vector<16xi32> to vector<16x1xi32>
        %gather3A_909 = vector.shape_cast %broadcast_in_dim3A_908 : vector<16x1xi32> to vector<16xi32>
        %gather3A_910 = tpu.dynamic_gather %get3A_831[%gather3A_909] in [0] : vector<16xf32>, vector<16xi32> -> vector<16xf32>
        %broadcast_in_dim3A_911 = vector.shape_cast %and3A_335 : vector<16xi32> to vector<16x1xi32>
        %gather3A_912 = vector.shape_cast %broadcast_in_dim3A_911 : vector<16x1xi32> to vector<16xi32>
        %gather3A_913 = tpu.dynamic_gather %get3A_835[%gather3A_912] in [0] : vector<16xf32>, vector<16xi32> -> vector<16xf32>
        %select_n3A_914 = arith.select %lt3A_338, %gather3A_910, %gather3A_913 : vector<16xi1>, vector<16xf32>
        %swap3A_915 = arith.index_cast %add3A_827 : i32 to index
        %swap3A_916 = arith.constant 96 : index
        %swap3A_917 = tpu.vector_load %arg12[%swap3A_915, %swap3A_916] {strides = array<i32>} : memref<64x128xf32, #tpu.memory_space<vmem>>, vector<1x16xf32>,
        %swap3A_918 = vector.shape_cast %swap3A_917 : vector<1x16xf32> to vector<16xf32>
        %swap3A_919 = vector.shape_cast %select_n3A_914 : vector<16xf32> to vector<1x16xf32>
        tpu.vector_store %arg12[%swap3A_915, %swap3A_916], %swap3A_919 {strides = array<i32>} : memref<64x128xf32, #tpu.memory_space<vmem>>, vector<1x16xf32>,
        %broadcast_in_dim3A_920 = vector.shape_cast %and3A_354 : vector<16xi32> to vector<16x1xi32>
        %gather3A_921 = vector.shape_cast %broadcast_in_dim3A_920 : vector<16x1xi32> to vector<16xi32>
        %gather3A_922 = tpu.dynamic_gather %get3A_831[%gather3A_921] in [0] : vector<16xf32>, vector<16xi32> -> vector<16xf32>
        %broadcast_in_dim3A_923 = vector.shape_cast %and3A_354 : vector<16xi32> to vector<16x1xi32>
        %gather3A_924 = vector.shape_cast %broadcast_in_dim3A_923 : vector<16x1xi32> to vector<16xi32>
        %gather3A_925 = tpu.dynamic_gather %get3A_835[%gather3A_924] in [0] : vector<16xf32>, vector<16xi32> -> vector<16xf32>
        %select_n3A_926 = arith.select %lt3A_357, %gather3A_922, %gather3A_925 : vector<16xi1>, vector<16xf32>
        %swap3A_927 = arith.index_cast %add3A_827 : i32 to index
        %swap3A_928 = arith.constant 112 : index
        %swap3A_929 = tpu.vector_load %arg12[%swap3A_927, %swap3A_928] {strides = array<i32>} : memref<64x128xf32, #tpu.memory_space<vmem>>, vector<1x16xf32>,
        %swap3A_930 = vector.shape_cast %swap3A_929 : vector<1x16xf32> to vector<16xf32>
        %swap3A_931 = vector.shape_cast %select_n3A_926 : vector<16xf32> to vector<1x16xf32>
        tpu.vector_store %arg12[%swap3A_927, %swap3A_928], %swap3A_931 {strides = array<i32>} : memref<64x128xf32, #tpu.memory_space<vmem>>, vector<1x16xf32>,
        %mul3A_932 = arith.constant 4 : i32
        %mul3A_933 = arith.muli %scan3A_719, %mul3A_932 : i32
        %add3A_934 = arith.constant 2 : i32
        %add3A_935 = arith.addi %mul3A_933, %add3A_934 : i32
        %get3A_936 = arith.index_cast %add3A_935 : i32 to index
        %get3A_937 = arith.constant 0 : index
        %get3A_938 = tpu.vector_load %arg10[%get3A_936, %get3A_937] {strides = array<i32>} : memref<64x32xf32, #tpu.memory_space<vmem>>, vector<1x16xf32>,
        %get3A_939 = vector.shape_cast %get3A_938 : vector<1x16xf32> to vector<16xf32>
        %get3A_940 = arith.index_cast %add3A_935 : i32 to index
        %get3A_941 = arith.constant 16 : index
        %get3A_942 = tpu.vector_load %arg10[%get3A_940, %get3A_941] {strides = array<i32>} : memref<64x32xf32, #tpu.memory_space<vmem>>, vector<1x16xf32>,
        %get3A_943 = vector.shape_cast %get3A_942 : vector<1x16xf32> to vector<16xf32>
        %broadcast_in_dim3A_944 = vector.shape_cast %and3A_221 : vector<16xi32> to vector<16x1xi32>
        %gather3A_945 = vector.shape_cast %broadcast_in_dim3A_944 : vector<16x1xi32> to vector<16xi32>
        %gather3A_946 = tpu.dynamic_gather %get3A_939[%gather3A_945] in [0] : vector<16xf32>, vector<16xi32> -> vector<16xf32>
        %broadcast_in_dim3A_947 = vector.shape_cast %and3A_221 : vector<16xi32> to vector<16x1xi32>
        %gather3A_948 = vector.shape_cast %broadcast_in_dim3A_947 : vector<16x1xi32> to vector<16xi32>
        %gather3A_949 = tpu.dynamic_gather %get3A_943[%gather3A_948] in [0] : vector<16xf32>, vector<16xi32> -> vector<16xf32>
        %select_n3A_950 = arith.select %lt3A_224, %gather3A_946, %gather3A_949 : vector<16xi1>, vector<16xf32>
        %swap3A_951 = arith.index_cast %add3A_935 : i32 to index
        %swap3A_952 = arith.constant 0 : index
        %swap3A_953 = tpu.vector_load %arg12[%swap3A_951, %swap3A_952] {strides = array<i32>} : memref<64x128xf32, #tpu.memory_space<vmem>>, vector<1x16xf32>,
        %swap3A_954 = vector.shape_cast %swap3A_953 : vector<1x16xf32> to vector<16xf32>
        %swap3A_955 = vector.shape_cast %select_n3A_950 : vector<16xf32> to vector<1x16xf32>
        tpu.vector_store %arg12[%swap3A_951, %swap3A_952], %swap3A_955 {strides = array<i32>} : memref<64x128xf32, #tpu.memory_space<vmem>>, vector<1x16xf32>,
        %broadcast_in_dim3A_956 = vector.shape_cast %and3A_240 : vector<16xi32> to vector<16x1xi32>
        %gather3A_957 = vector.shape_cast %broadcast_in_dim3A_956 : vector<16x1xi32> to vector<16xi32>
        %gather3A_958 = tpu.dynamic_gather %get3A_939[%gather3A_957] in [0] : vector<16xf32>, vector<16xi32> -> vector<16xf32>
        %broadcast_in_dim3A_959 = vector.shape_cast %and3A_240 : vector<16xi32> to vector<16x1xi32>
        %gather3A_960 = vector.shape_cast %broadcast_in_dim3A_959 : vector<16x1xi32> to vector<16xi32>
        %gather3A_961 = tpu.dynamic_gather %get3A_943[%gather3A_960] in [0] : vector<16xf32>, vector<16xi32> -> vector<16xf32>
        %select_n3A_962 = arith.select %lt3A_243, %gather3A_958, %gather3A_961 : vector<16xi1>, vector<16xf32>
        %swap3A_963 = arith.index_cast %add3A_935 : i32 to index
        %swap3A_964 = arith.constant 16 : index
        %swap3A_965 = tpu.vector_load %arg12[%swap3A_963, %swap3A_964] {strides = array<i32>} : memref<64x128xf32, #tpu.memory_space<vmem>>, vector<1x16xf32>,
        %swap3A_966 = vector.shape_cast %swap3A_965 : vector<1x16xf32> to vector<16xf32>
        %swap3A_967 = vector.shape_cast %select_n3A_962 : vector<16xf32> to vector<1x16xf32>
        tpu.vector_store %arg12[%swap3A_963, %swap3A_964], %swap3A_967 {strides = array<i32>} : memref<64x128xf32, #tpu.memory_space<vmem>>, vector<1x16xf32>,
        %broadcast_in_dim3A_968 = vector.shape_cast %and3A_259 : vector<16xi32> to vector<16x1xi32>
        %gather3A_969 = vector.shape_cast %broadcast_in_dim3A_968 : vector<16x1xi32> to vector<16xi32>
        %gather3A_970 = tpu.dynamic_gather %get3A_939[%gather3A_969] in [0] : vector<16xf32>, vector<16xi32> -> vector<16xf32>
        %broadcast_in_dim3A_971 = vector.shape_cast %and3A_259 : vector<16xi32> to vector<16x1xi32>
        %gather3A_972 = vector.shape_cast %broadcast_in_dim3A_971 : vector<16x1xi32> to vector<16xi32>
        %gather3A_973 = tpu.dynamic_gather %get3A_943[%gather3A_972] in [0] : vector<16xf32>, vector<16xi32> -> vector<16xf32>
        %select_n3A_974 = arith.select %lt3A_262, %gather3A_970, %gather3A_973 : vector<16xi1>, vector<16xf32>
        %swap3A_975 = arith.index_cast %add3A_935 : i32 to index
        %swap3A_976 = arith.constant 32 : index
        %swap3A_977 = tpu.vector_load %arg12[%swap3A_975, %swap3A_976] {strides = array<i32>} : memref<64x128xf32, #tpu.memory_space<vmem>>, vector<1x16xf32>,
        %swap3A_978 = vector.shape_cast %swap3A_977 : vector<1x16xf32> to vector<16xf32>
        %swap3A_979 = vector.shape_cast %select_n3A_974 : vector<16xf32> to vector<1x16xf32>
        tpu.vector_store %arg12[%swap3A_975, %swap3A_976], %swap3A_979 {strides = array<i32>} : memref<64x128xf32, #tpu.memory_space<vmem>>, vector<1x16xf32>,
        %broadcast_in_dim3A_980 = vector.shape_cast %and3A_278 : vector<16xi32> to vector<16x1xi32>
        %gather3A_981 = vector.shape_cast %broadcast_in_dim3A_980 : vector<16x1xi32> to vector<16xi32>
        %gather3A_982 = tpu.dynamic_gather %get3A_939[%gather3A_981] in [0] : vector<16xf32>, vector<16xi32> -> vector<16xf32>
        %broadcast_in_dim3A_983 = vector.shape_cast %and3A_278 : vector<16xi32> to vector<16x1xi32>
        %gather3A_984 = vector.shape_cast %broadcast_in_dim3A_983 : vector<16x1xi32> to vector<16xi32>
        %gather3A_985 = tpu.dynamic_gather %get3A_943[%gather3A_984] in [0] : vector<16xf32>, vector<16xi32> -> vector<16xf32>
        %select_n3A_986 = arith.select %lt3A_281, %gather3A_982, %gather3A_985 : vector<16xi1>, vector<16xf32>
        %swap3A_987 = arith.index_cast %add3A_935 : i32 to index
        %swap3A_988 = arith.constant 48 : index
        %swap3A_989 = tpu.vector_load %arg12[%swap3A_987, %swap3A_988] {strides = array<i32>} : memref<64x128xf32, #tpu.memory_space<vmem>>, vector<1x16xf32>,
        %swap3A_990 = vector.shape_cast %swap3A_989 : vector<1x16xf32> to vector<16xf32>
        %swap3A_991 = vector.shape_cast %select_n3A_986 : vector<16xf32> to vector<1x16xf32>
        tpu.vector_store %arg12[%swap3A_987, %swap3A_988], %swap3A_991 {strides = array<i32>} : memref<64x128xf32, #tpu.memory_space<vmem>>, vector<1x16xf32>,
        %broadcast_in_dim3A_992 = vector.shape_cast %and3A_297 : vector<16xi32> to vector<16x1xi32>
        %gather3A_993 = vector.shape_cast %broadcast_in_dim3A_992 : vector<16x1xi32> to vector<16xi32>
        %gather3A_994 = tpu.dynamic_gather %get3A_939[%gather3A_993] in [0] : vector<16xf32>, vector<16xi32> -> vector<16xf32>
        %broadcast_in_dim3A_995 = vector.shape_cast %and3A_297 : vector<16xi32> to vector<16x1xi32>
        %gather3A_996 = vector.shape_cast %broadcast_in_dim3A_995 : vector<16x1xi32> to vector<16xi32>
        %gather3A_997 = tpu.dynamic_gather %get3A_943[%gather3A_996] in [0] : vector<16xf32>, vector<16xi32> -> vector<16xf32>
        %select_n3A_998 = arith.select %lt3A_300, %gather3A_994, %gather3A_997 : vector<16xi1>, vector<16xf32>
        %swap3A_999 = arith.index_cast %add3A_935 : i32 to index
        %swap3A_1000 = arith.constant 64 : index
        %swap3A_1001 = tpu.vector_load %arg12[%swap3A_999, %swap3A_1000] {strides = array<i32>} : memref<64x128xf32, #tpu.memory_space<vmem>>, vector<1x16xf32>,
        %swap3A_1002 = vector.shape_cast %swap3A_1001 : vector<1x16xf32> to vector<16xf32>
        %swap3A_1003 = vector.shape_cast %select_n3A_998 : vector<16xf32> to vector<1x16xf32>
        tpu.vector_store %arg12[%swap3A_999, %swap3A_1000], %swap3A_1003 {strides = array<i32>} : memref<64x128xf32, #tpu.memory_space<vmem>>, vector<1x16xf32>,
        %broadcast_in_dim3A_1004 = vector.shape_cast %and3A_316 : vector<16xi32> to vector<16x1xi32>
        %gather3A_1005 = vector.shape_cast %broadcast_in_dim3A_1004 : vector<16x1xi32> to vector<16xi32>
        %gather3A_1006 = tpu.dynamic_gather %get3A_939[%gather3A_1005] in [0] : vector<16xf32>, vector<16xi32> -> vector<16xf32>
        %broadcast_in_dim3A_1007 = vector.shape_cast %and3A_316 : vector<16xi32> to vector<16x1xi32>
        %gather3A_1008 = vector.shape_cast %broadcast_in_dim3A_1007 : vector<16x1xi32> to vector<16xi32>
        %gather3A_1009 = tpu.dynamic_gather %get3A_943[%gather3A_1008] in [0] : vector<16xf32>, vector<16xi32> -> vector<16xf32>
        %select_n3A_1010 = arith.select %lt3A_319, %gather3A_1006, %gather3A_1009 : vector<16xi1>, vector<16xf32>
        %swap3A_1011 = arith.index_cast %add3A_935 : i32 to index
        %swap3A_1012 = arith.constant 80 : index
        %swap3A_1013 = tpu.vector_load %arg12[%swap3A_1011, %swap3A_1012] {strides = array<i32>} : memref<64x128xf32, #tpu.memory_space<vmem>>, vector<1x16xf32>,
        %swap3A_1014 = vector.shape_cast %swap3A_1013 : vector<1x16xf32> to vector<16xf32>
        %swap3A_1015 = vector.shape_cast %select_n3A_1010 : vector<16xf32> to vector<1x16xf32>
        tpu.vector_store %arg12[%swap3A_1011, %swap3A_1012], %swap3A_1015 {strides = array<i32>} : memref<64x128xf32, #tpu.memory_space<vmem>>, vector<1x16xf32>,
        %broadcast_in_dim3A_1016 = vector.shape_cast %and3A_335 : vector<16xi32> to vector<16x1xi32>
        %gather3A_1017 = vector.shape_cast %broadcast_in_dim3A_1016 : vector<16x1xi32> to vector<16xi32>
        %gather3A_1018 = tpu.dynamic_gather %get3A_939[%gather3A_1017] in [0] : vector<16xf32>, vector<16xi32> -> vector<16xf32>
        %broadcast_in_dim3A_1019 = vector.shape_cast %and3A_335 : vector<16xi32> to vector<16x1xi32>
        %gather3A_1020 = vector.shape_cast %broadcast_in_dim3A_1019 : vector<16x1xi32> to vector<16xi32>
        %gather3A_1021 = tpu.dynamic_gather %get3A_943[%gather3A_1020] in [0] : vector<16xf32>, vector<16xi32> -> vector<16xf32>
        %select_n3A_1022 = arith.select %lt3A_338, %gather3A_1018, %gather3A_1021 : vector<16xi1>, vector<16xf32>
        %swap3A_1023 = arith.index_cast %add3A_935 : i32 to index
        %swap3A_1024 = arith.constant 96 : index
        %swap3A_1025 = tpu.vector_load %arg12[%swap3A_1023, %swap3A_1024] {strides = array<i32>} : memref<64x128xf32, #tpu.memory_space<vmem>>, vector<1x16xf32>,
        %swap3A_1026 = vector.shape_cast %swap3A_1025 : vector<1x16xf32> to vector<16xf32>
        %swap3A_1027 = vector.shape_cast %select_n3A_1022 : vector<16xf32> to vector<1x16xf32>
        tpu.vector_store %arg12[%swap3A_1023, %swap3A_1024], %swap3A_1027 {strides = array<i32>} : memref<64x128xf32, #tpu.memory_space<vmem>>, vector<1x16xf32>,
        %broadcast_in_dim3A_1028 = vector.shape_cast %and3A_354 : vector<16xi32> to vector<16x1xi32>
        %gather3A_1029 = vector.shape_cast %broadcast_in_dim3A_1028 : vector<16x1xi32> to vector<16xi32>
        %gather3A_1030 = tpu.dynamic_gather %get3A_939[%gather3A_1029] in [0] : vector<16xf32>, vector<16xi32> -> vector<16xf32>
        %broadcast_in_dim3A_1031 = vector.shape_cast %and3A_354 : vector<16xi32> to vector<16x1xi32>
        %gather3A_1032 = vector.shape_cast %broadcast_in_dim3A_1031 : vector<16x1xi32> to vector<16xi32>
        %gather3A_1033 = tpu.dynamic_gather %get3A_943[%gather3A_1032] in [0] : vector<16xf32>, vector<16xi32> -> vector<16xf32>
        %select_n3A_1034 = arith.select %lt3A_357, %gather3A_1030, %gather3A_1033 : vector<16xi1>, vector<16xf32>
        %swap3A_1035 = arith.index_cast %add3A_935 : i32 to index
        %swap3A_1036 = arith.constant 112 : index
        %swap3A_1037 = tpu.vector_load %arg12[%swap3A_1035, %swap3A_1036] {strides = array<i32>} : memref<64x128xf32, #tpu.memory_space<vmem>>, vector<1x16xf32>,
        %swap3A_1038 = vector.shape_cast %swap3A_1037 : vector<1x16xf32> to vector<16xf32>
        %swap3A_1039 = vector.shape_cast %select_n3A_1034 : vector<16xf32> to vector<1x16xf32>
        tpu.vector_store %arg12[%swap3A_1035, %swap3A_1036], %swap3A_1039 {strides = array<i32>} : memref<64x128xf32, #tpu.memory_space<vmem>>, vector<1x16xf32>,
        %mul3A_1040 = arith.constant 4 : i32
        %mul3A_1041 = arith.muli %scan3A_719, %mul3A_1040 : i32
        %add3A_1042 = arith.constant 3 : i32
        %add3A_1043 = arith.addi %mul3A_1041, %add3A_1042 : i32
        %get3A_1044 = arith.index_cast %add3A_1043 : i32 to index
        %get3A_1045 = arith.constant 0 : index
        %get3A_1046 = tpu.vector_load %arg10[%get3A_1044, %get3A_1045] {strides = array<i32>} : memref<64x32xf32, #tpu.memory_space<vmem>>, vector<1x16xf32>,
        %get3A_1047 = vector.shape_cast %get3A_1046 : vector<1x16xf32> to vector<16xf32>
        %get3A_1048 = arith.index_cast %add3A_1043 : i32 to index
        %get3A_1049 = arith.constant 16 : index
        %get3A_1050 = tpu.vector_load %arg10[%get3A_1048, %get3A_1049] {strides = array<i32>} : memref<64x32xf32, #tpu.memory_space<vmem>>, vector<1x16xf32>,
        %get3A_1051 = vector.shape_cast %get3A_1050 : vector<1x16xf32> to vector<16xf32>
        %broadcast_in_dim3A_1052 = vector.shape_cast %and3A_221 : vector<16xi32> to vector<16x1xi32>
        %gather3A_1053 = vector.shape_cast %broadcast_in_dim3A_1052 : vector<16x1xi32> to vector<16xi32>
        %gather3A_1054 = tpu.dynamic_gather %get3A_1047[%gather3A_1053] in [0] : vector<16xf32>, vector<16xi32> -> vector<16xf32>
        %broadcast_in_dim3A_1055 = vector.shape_cast %and3A_221 : vector<16xi32> to vector<16x1xi32>
        %gather3A_1056 = vector.shape_cast %broadcast_in_dim3A_1055 : vector<16x1xi32> to vector<16xi32>
        %gather3A_1057 = tpu.dynamic_gather %get3A_1051[%gather3A_1056] in [0] : vector<16xf32>, vector<16xi32> -> vector<16xf32>
        %select_n3A_1058 = arith.select %lt3A_224, %gather3A_1054, %gather3A_1057 : vector<16xi1>, vector<16xf32>
        %swap3A_1059 = arith.index_cast %add3A_1043 : i32 to index
        %swap3A_1060 = arith.constant 0 : index
        %swap3A_1061 = tpu.vector_load %arg12[%swap3A_1059, %swap3A_1060] {strides = array<i32>} : memref<64x128xf32, #tpu.memory_space<vmem>>, vector<1x16xf32>,
        %swap3A_1062 = vector.shape_cast %swap3A_1061 : vector<1x16xf32> to vector<16xf32>
        %swap3A_1063 = vector.shape_cast %select_n3A_1058 : vector<16xf32> to vector<1x16xf32>
        tpu.vector_store %arg12[%swap3A_1059, %swap3A_1060], %swap3A_1063 {strides = array<i32>} : memref<64x128xf32, #tpu.memory_space<vmem>>, vector<1x16xf32>,
        %broadcast_in_dim3A_1064 = vector.shape_cast %and3A_240 : vector<16xi32> to vector<16x1xi32>
        %gather3A_1065 = vector.shape_cast %broadcast_in_dim3A_1064 : vector<16x1xi32> to vector<16xi32>
        %gather3A_1066 = tpu.dynamic_gather %get3A_1047[%gather3A_1065] in [0] : vector<16xf32>, vector<16xi32> -> vector<16xf32>
        %broadcast_in_dim3A_1067 = vector.shape_cast %and3A_240 : vector<16xi32> to vector<16x1xi32>
        %gather3A_1068 = vector.shape_cast %broadcast_in_dim3A_1067 : vector<16x1xi32> to vector<16xi32>
        %gather3A_1069 = tpu.dynamic_gather %get3A_1051[%gather3A_1068] in [0] : vector<16xf32>, vector<16xi32> -> vector<16xf32>
        %select_n3A_1070 = arith.select %lt3A_243, %gather3A_1066, %gather3A_1069 : vector<16xi1>, vector<16xf32>
        %swap3A_1071 = arith.index_cast %add3A_1043 : i32 to index
        %swap3A_1072 = arith.constant 16 : index
        %swap3A_1073 = tpu.vector_load %arg12[%swap3A_1071, %swap3A_1072] {strides = array<i32>} : memref<64x128xf32, #tpu.memory_space<vmem>>, vector<1x16xf32>,
        %swap3A_1074 = vector.shape_cast %swap3A_1073 : vector<1x16xf32> to vector<16xf32>
        %swap3A_1075 = vector.shape_cast %select_n3A_1070 : vector<16xf32> to vector<1x16xf32>
        tpu.vector_store %arg12[%swap3A_1071, %swap3A_1072], %swap3A_1075 {strides = array<i32>} : memref<64x128xf32, #tpu.memory_space<vmem>>, vector<1x16xf32>,
        %broadcast_in_dim3A_1076 = vector.shape_cast %and3A_259 : vector<16xi32> to vector<16x1xi32>
        %gather3A_1077 = vector.shape_cast %broadcast_in_dim3A_1076 : vector<16x1xi32> to vector<16xi32>
        %gather3A_1078 = tpu.dynamic_gather %get3A_1047[%gather3A_1077] in [0] : vector<16xf32>, vector<16xi32> -> vector<16xf32>
        %broadcast_in_dim3A_1079 = vector.shape_cast %and3A_259 : vector<16xi32> to vector<16x1xi32>
        %gather3A_1080 = vector.shape_cast %broadcast_in_dim3A_1079 : vector<16x1xi32> to vector<16xi32>
        %gather3A_1081 = tpu.dynamic_gather %get3A_1051[%gather3A_1080] in [0] : vector<16xf32>, vector<16xi32> -> vector<16xf32>
        %select_n3A_1082 = arith.select %lt3A_262, %gather3A_1078, %gather3A_1081 : vector<16xi1>, vector<16xf32>
        %swap3A_1083 = arith.index_cast %add3A_1043 : i32 to index
        %swap3A_1084 = arith.constant 32 : index
        %swap3A_1085 = tpu.vector_load %arg12[%swap3A_1083, %swap3A_1084] {strides = array<i32>} : memref<64x128xf32, #tpu.memory_space<vmem>>, vector<1x16xf32>,
        %swap3A_1086 = vector.shape_cast %swap3A_1085 : vector<1x16xf32> to vector<16xf32>
        %swap3A_1087 = vector.shape_cast %select_n3A_1082 : vector<16xf32> to vector<1x16xf32>
        tpu.vector_store %arg12[%swap3A_1083, %swap3A_1084], %swap3A_1087 {strides = array<i32>} : memref<64x128xf32, #tpu.memory_space<vmem>>, vector<1x16xf32>,
        %broadcast_in_dim3A_1088 = vector.shape_cast %and3A_278 : vector<16xi32> to vector<16x1xi32>
        %gather3A_1089 = vector.shape_cast %broadcast_in_dim3A_1088 : vector<16x1xi32> to vector<16xi32>
        %gather3A_1090 = tpu.dynamic_gather %get3A_1047[%gather3A_1089] in [0] : vector<16xf32>, vector<16xi32> -> vector<16xf32>
        %broadcast_in_dim3A_1091 = vector.shape_cast %and3A_278 : vector<16xi32> to vector<16x1xi32>
        %gather3A_1092 = vector.shape_cast %broadcast_in_dim3A_1091 : vector<16x1xi32> to vector<16xi32>
        %gather3A_1093 = tpu.dynamic_gather %get3A_1051[%gather3A_1092] in [0] : vector<16xf32>, vector<16xi32> -> vector<16xf32>
        %select_n3A_1094 = arith.select %lt3A_281, %gather3A_1090, %gather3A_1093 : vector<16xi1>, vector<16xf32>
        %swap3A_1095 = arith.index_cast %add3A_1043 : i32 to index
        %swap3A_1096 = arith.constant 48 : index
        %swap3A_1097 = tpu.vector_load %arg12[%swap3A_1095, %swap3A_1096] {strides = array<i32>} : memref<64x128xf32, #tpu.memory_space<vmem>>, vector<1x16xf32>,
        %swap3A_1098 = vector.shape_cast %swap3A_1097 : vector<1x16xf32> to vector<16xf32>
        %swap3A_1099 = vector.shape_cast %select_n3A_1094 : vector<16xf32> to vector<1x16xf32>
        tpu.vector_store %arg12[%swap3A_1095, %swap3A_1096], %swap3A_1099 {strides = array<i32>} : memref<64x128xf32, #tpu.memory_space<vmem>>, vector<1x16xf32>,
        %broadcast_in_dim3A_1100 = vector.shape_cast %and3A_297 : vector<16xi32> to vector<16x1xi32>
        %gather3A_1101 = vector.shape_cast %broadcast_in_dim3A_1100 : vector<16x1xi32> to vector<16xi32>
        %gather3A_1102 = tpu.dynamic_gather %get3A_1047[%gather3A_1101] in [0] : vector<16xf32>, vector<16xi32> -> vector<16xf32>
        %broadcast_in_dim3A_1103 = vector.shape_cast %and3A_297 : vector<16xi32> to vector<16x1xi32>
        %gather3A_1104 = vector.shape_cast %broadcast_in_dim3A_1103 : vector<16x1xi32> to vector<16xi32>
        %gather3A_1105 = tpu.dynamic_gather %get3A_1051[%gather3A_1104] in [0] : vector<16xf32>, vector<16xi32> -> vector<16xf32>
        %select_n3A_1106 = arith.select %lt3A_300, %gather3A_1102, %gather3A_1105 : vector<16xi1>, vector<16xf32>
        %swap3A_1107 = arith.index_cast %add3A_1043 : i32 to index
        %swap3A_1108 = arith.constant 64 : index
        %swap3A_1109 = tpu.vector_load %arg12[%swap3A_1107, %swap3A_1108] {strides = array<i32>} : memref<64x128xf32, #tpu.memory_space<vmem>>, vector<1x16xf32>,
        %swap3A_1110 = vector.shape_cast %swap3A_1109 : vector<1x16xf32> to vector<16xf32>
        %swap3A_1111 = vector.shape_cast %select_n3A_1106 : vector<16xf32> to vector<1x16xf32>
        tpu.vector_store %arg12[%swap3A_1107, %swap3A_1108], %swap3A_1111 {strides = array<i32>} : memref<64x128xf32, #tpu.memory_space<vmem>>, vector<1x16xf32>,
        %broadcast_in_dim3A_1112 = vector.shape_cast %and3A_316 : vector<16xi32> to vector<16x1xi32>
        %gather3A_1113 = vector.shape_cast %broadcast_in_dim3A_1112 : vector<16x1xi32> to vector<16xi32>
        %gather3A_1114 = tpu.dynamic_gather %get3A_1047[%gather3A_1113] in [0] : vector<16xf32>, vector<16xi32> -> vector<16xf32>
        %broadcast_in_dim3A_1115 = vector.shape_cast %and3A_316 : vector<16xi32> to vector<16x1xi32>
        %gather3A_1116 = vector.shape_cast %broadcast_in_dim3A_1115 : vector<16x1xi32> to vector<16xi32>
        %gather3A_1117 = tpu.dynamic_gather %get3A_1051[%gather3A_1116] in [0] : vector<16xf32>, vector<16xi32> -> vector<16xf32>
        %select_n3A_1118 = arith.select %lt3A_319, %gather3A_1114, %gather3A_1117 : vector<16xi1>, vector<16xf32>
        %swap3A_1119 = arith.index_cast %add3A_1043 : i32 to index
        %swap3A_1120 = arith.constant 80 : index
        %swap3A_1121 = tpu.vector_load %arg12[%swap3A_1119, %swap3A_1120] {strides = array<i32>} : memref<64x128xf32, #tpu.memory_space<vmem>>, vector<1x16xf32>,
        %swap3A_1122 = vector.shape_cast %swap3A_1121 : vector<1x16xf32> to vector<16xf32>
        %swap3A_1123 = vector.shape_cast %select_n3A_1118 : vector<16xf32> to vector<1x16xf32>
        tpu.vector_store %arg12[%swap3A_1119, %swap3A_1120], %swap3A_1123 {strides = array<i32>} : memref<64x128xf32, #tpu.memory_space<vmem>>, vector<1x16xf32>,
        %broadcast_in_dim3A_1124 = vector.shape_cast %and3A_335 : vector<16xi32> to vector<16x1xi32>
        %gather3A_1125 = vector.shape_cast %broadcast_in_dim3A_1124 : vector<16x1xi32> to vector<16xi32>
        %gather3A_1126 = tpu.dynamic_gather %get3A_1047[%gather3A_1125] in [0] : vector<16xf32>, vector<16xi32> -> vector<16xf32>
        %broadcast_in_dim3A_1127 = vector.shape_cast %and3A_335 : vector<16xi32> to vector<16x1xi32>
        %gather3A_1128 = vector.shape_cast %broadcast_in_dim3A_1127 : vector<16x1xi32> to vector<16xi32>
        %gather3A_1129 = tpu.dynamic_gather %get3A_1051[%gather3A_1128] in [0] : vector<16xf32>, vector<16xi32> -> vector<16xf32>
        %select_n3A_1130 = arith.select %lt3A_338, %gather3A_1126, %gather3A_1129 : vector<16xi1>, vector<16xf32>
        %swap3A_1131 = arith.index_cast %add3A_1043 : i32 to index
        %swap3A_1132 = arith.constant 96 : index
        %swap3A_1133 = tpu.vector_load %arg12[%swap3A_1131, %swap3A_1132] {strides = array<i32>} : memref<64x128xf32, #tpu.memory_space<vmem>>, vector<1x16xf32>,
        %swap3A_1134 = vector.shape_cast %swap3A_1133 : vector<1x16xf32> to vector<16xf32>
        %swap3A_1135 = vector.shape_cast %select_n3A_1130 : vector<16xf32> to vector<1x16xf32>
        tpu.vector_store %arg12[%swap3A_1131, %swap3A_1132], %swap3A_1135 {strides = array<i32>} : memref<64x128xf32, #tpu.memory_space<vmem>>, vector<1x16xf32>,
        %broadcast_in_dim3A_1136 = vector.shape_cast %and3A_354 : vector<16xi32> to vector<16x1xi32>
        %gather3A_1137 = vector.shape_cast %broadcast_in_dim3A_1136 : vector<16x1xi32> to vector<16xi32>
        %gather3A_1138 = tpu.dynamic_gather %get3A_1047[%gather3A_1137] in [0] : vector<16xf32>, vector<16xi32> -> vector<16xf32>
        %broadcast_in_dim3A_1139 = vector.shape_cast %and3A_354 : vector<16xi32> to vector<16x1xi32>
        %gather3A_1140 = vector.shape_cast %broadcast_in_dim3A_1139 : vector<16x1xi32> to vector<16xi32>
        %gather3A_1141 = tpu.dynamic_gather %get3A_1051[%gather3A_1140] in [0] : vector<16xf32>, vector<16xi32> -> vector<16xf32>
        %select_n3A_1142 = arith.select %lt3A_357, %gather3A_1138, %gather3A_1141 : vector<16xi1>, vector<16xf32>
        %swap3A_1143 = arith.index_cast %add3A_1043 : i32 to index
        %swap3A_1144 = arith.constant 112 : index
        %swap3A_1145 = tpu.vector_load %arg12[%swap3A_1143, %swap3A_1144] {strides = array<i32>} : memref<64x128xf32, #tpu.memory_space<vmem>>, vector<1x16xf32>,
        %swap3A_1146 = vector.shape_cast %swap3A_1145 : vector<1x16xf32> to vector<16xf32>
        %swap3A_1147 = vector.shape_cast %select_n3A_1142 : vector<16xf32> to vector<1x16xf32>
        tpu.vector_store %arg12[%swap3A_1143, %swap3A_1144], %swap3A_1147 {strides = array<i32>} : memref<64x128xf32, #tpu.memory_space<vmem>>, vector<1x16xf32>,
      }
      %scan3A_363 = arith.constant 16 : i32
      %mul3A_364 = arith.constant 128 : i32
      %mul3A_365 = arith.muli %add3A_200, %mul3A_364 : i32
      %add3A_366 = arith.addi %mul3A_2, %mul3A_365 : i32
      %dma_start3A_367 = arith.constant 0 : i32
      %dma_start3A_368 = tpu.memref_slice %arg6[%dma_start3A_367, %add3A_366] : memref<64x262144xf32, #tpu.memory_space<hbm>> -> memref<64x128xf32, #tpu.memory_space<hbm>>
      %dma_start3A_369 = arith.constant 0 : i32
      %dma_start3A_370 = tpu.memref_slice %arg6[%dma_start3A_369, %add3A_366] : memref<64x262144xf32, #tpu.memory_space<hbm>> -> memref<64x128xf32, #tpu.memory_space<hbm>>
      tpu.enqueue_dma source(%arg12 : memref<64x128xf32, #tpu.memory_space<vmem>>) target(%dma_start3A_370 : memref<64x128xf32, #tpu.memory_space<hbm>>) target_semaphore(%arg16 : memref<!tpu.dma_semaphore, #tpu.memory_space<semaphore_mem>>)
      %mul3A_371 = arith.constant 4 : i32
      %mul3A_372 = arith.muli %scan3A_28, %mul3A_371 : i32
      %add3A_373 = arith.constant 2 : i32
      %add3A_374 = arith.addi %mul3A_372, %add3A_373 : i32
      %gt3A_375 = arith.constant 0 : i32
      %gt3A_376 = arith.cmpi sgt, %scan3A_28, %gt3A_375 : i32
      %convert_element_type3A_377 = arith.extui %gt3A_376 : i1 to i32
      %cond3A_378 = arith.constant 0 : i32
      %cond3A_379 = arith.cmpi ne, %convert_element_type3A_377, %cond3A_378 : i32
      scf.if %cond3A_379 {
        %dma_wait3A_719 = arith.constant 0 : i32
        %dma_wait3A_720 = tpu.memref_slice %arg6[%dma_wait3A_719, %mul3A_2] : memref<64x262144xf32, #tpu.memory_space<hbm>> -> memref<64x128xf32, #tpu.memory_space<hbm>>
        %dma_wait3A_721 = arith.constant 0 : i32
        %dma_wait3A_722 = tpu.memref_slice %arg6[%dma_wait3A_721, %mul3A_2] : memref<64x262144xf32, #tpu.memory_space<hbm>> -> memref<64x128xf32, #tpu.memory_space<hbm>>
        tpu.wait_dma2 semaphore(%arg17 : memref<!tpu.dma_semaphore, #tpu.memory_space<semaphore_mem>>) src(%arg13 : memref<64x128xf32, #tpu.memory_space<vmem>>) dst(%dma_wait3A_722 : memref<64x128xf32, #tpu.memory_space<hbm>>)
      } else {
      }
      %mul3A_380 = arith.constant 128 : i32
      %mul3A_381 = arith.muli %add3A_374, %mul3A_380 : i32
      %add3A_382 = arith.constant 0 : i32
      %add3A_383 = arith.addi %mul3A_381, %add3A_382 : i32
      %get3A_384 = arith.index_cast %add3A_383 : i32 to index
      %get3A_385 = tpu.vector_load %arg9[%get3A_384] {strides = array<i32>} : memref<8192xf32, #tpu.memory_space<vmem>>, vector<16xf32>,
      %get3A_386 = vector.shape_cast %get3A_385 : vector<16xf32> to vector<16xf32>
      %mul3A_387 = arith.mulf %get3A_386, %get3A_4 : vector<16xf32>
      %add3A_388 = arith.addf %mul3A_387, %get3A_7 : vector<16xf32>
      %convert_element_type3A_389 = arith.fptosi %add3A_388 : vector<16xf32> to vector<16xi32>
      %and3A_390 = arith.constant 31 : i32
      %and3A_391 = vector.broadcast %and3A_390 : i32 to vector<16xi32>
      %and3A_392 = arith.andi %convert_element_type3A_389, %and3A_391 : vector<16xi32>
      %and3A_393 = arith.constant 15 : i32
      %and3A_394 = vector.broadcast %and3A_393 : i32 to vector<16xi32>
      %and3A_395 = arith.andi %and3A_392, %and3A_394 : vector<16xi32>
      %lt3A_396 = arith.constant 16 : i32
      %lt3A_397 = vector.broadcast %lt3A_396 : i32 to vector<16xi32>
      %lt3A_398 = arith.cmpi slt, %and3A_392, %lt3A_397 : vector<16xi32>
      %mul3A_399 = arith.constant 128 : i32
      %mul3A_400 = arith.muli %add3A_374, %mul3A_399 : i32
      %add3A_401 = arith.constant 16 : i32
      %add3A_402 = arith.addi %mul3A_400, %add3A_401 : i32
      %get3A_403 = arith.index_cast %add3A_402 : i32 to index
      %get3A_404 = tpu.vector_load %arg9[%get3A_403] {strides = array<i32>} : memref<8192xf32, #tpu.memory_space<vmem>>, vector<16xf32>,
      %get3A_405 = vector.shape_cast %get3A_404 : vector<16xf32> to vector<16xf32>
      %mul3A_406 = arith.mulf %get3A_405, %get3A_4 : vector<16xf32>
      %add3A_407 = arith.addf %mul3A_406, %get3A_7 : vector<16xf32>
      %convert_element_type3A_408 = arith.fptosi %add3A_407 : vector<16xf32> to vector<16xi32>
      %and3A_409 = arith.constant 31 : i32
      %and3A_410 = vector.broadcast %and3A_409 : i32 to vector<16xi32>
      %and3A_411 = arith.andi %convert_element_type3A_408, %and3A_410 : vector<16xi32>
      %and3A_412 = arith.constant 15 : i32
      %and3A_413 = vector.broadcast %and3A_412 : i32 to vector<16xi32>
      %and3A_414 = arith.andi %and3A_411, %and3A_413 : vector<16xi32>
      %lt3A_415 = arith.constant 16 : i32
      %lt3A_416 = vector.broadcast %lt3A_415 : i32 to vector<16xi32>
      %lt3A_417 = arith.cmpi slt, %and3A_411, %lt3A_416 : vector<16xi32>
      %mul3A_418 = arith.constant 128 : i32
      %mul3A_419 = arith.muli %add3A_374, %mul3A_418 : i32
      %add3A_420 = arith.constant 32 : i32
      %add3A_421 = arith.addi %mul3A_419, %add3A_420 : i32
      %get3A_422 = arith.index_cast %add3A_421 : i32 to index
      %get3A_423 = tpu.vector_load %arg9[%get3A_422] {strides = array<i32>} : memref<8192xf32, #tpu.memory_space<vmem>>, vector<16xf32>,
      %get3A_424 = vector.shape_cast %get3A_423 : vector<16xf32> to vector<16xf32>
      %mul3A_425 = arith.mulf %get3A_424, %get3A_4 : vector<16xf32>
      %add3A_426 = arith.addf %mul3A_425, %get3A_7 : vector<16xf32>
      %convert_element_type3A_427 = arith.fptosi %add3A_426 : vector<16xf32> to vector<16xi32>
      %and3A_428 = arith.constant 31 : i32
      %and3A_429 = vector.broadcast %and3A_428 : i32 to vector<16xi32>
      %and3A_430 = arith.andi %convert_element_type3A_427, %and3A_429 : vector<16xi32>
      %and3A_431 = arith.constant 15 : i32
      %and3A_432 = vector.broadcast %and3A_431 : i32 to vector<16xi32>
      %and3A_433 = arith.andi %and3A_430, %and3A_432 : vector<16xi32>
      %lt3A_434 = arith.constant 16 : i32
      %lt3A_435 = vector.broadcast %lt3A_434 : i32 to vector<16xi32>
      %lt3A_436 = arith.cmpi slt, %and3A_430, %lt3A_435 : vector<16xi32>
      %mul3A_437 = arith.constant 128 : i32
      %mul3A_438 = arith.muli %add3A_374, %mul3A_437 : i32
      %add3A_439 = arith.constant 48 : i32
      %add3A_440 = arith.addi %mul3A_438, %add3A_439 : i32
      %get3A_441 = arith.index_cast %add3A_440 : i32 to index
      %get3A_442 = tpu.vector_load %arg9[%get3A_441] {strides = array<i32>} : memref<8192xf32, #tpu.memory_space<vmem>>, vector<16xf32>,
      %get3A_443 = vector.shape_cast %get3A_442 : vector<16xf32> to vector<16xf32>
      %mul3A_444 = arith.mulf %get3A_443, %get3A_4 : vector<16xf32>
      %add3A_445 = arith.addf %mul3A_444, %get3A_7 : vector<16xf32>
      %convert_element_type3A_446 = arith.fptosi %add3A_445 : vector<16xf32> to vector<16xi32>
      %and3A_447 = arith.constant 31 : i32
      %and3A_448 = vector.broadcast %and3A_447 : i32 to vector<16xi32>
      %and3A_449 = arith.andi %convert_element_type3A_446, %and3A_448 : vector<16xi32>
      %and3A_450 = arith.constant 15 : i32
      %and3A_451 = vector.broadcast %and3A_450 : i32 to vector<16xi32>
      %and3A_452 = arith.andi %and3A_449, %and3A_451 : vector<16xi32>
      %lt3A_453 = arith.constant 16 : i32
      %lt3A_454 = vector.broadcast %lt3A_453 : i32 to vector<16xi32>
      %lt3A_455 = arith.cmpi slt, %and3A_449, %lt3A_454 : vector<16xi32>
      %mul3A_456 = arith.constant 128 : i32
      %mul3A_457 = arith.muli %add3A_374, %mul3A_456 : i32
      %add3A_458 = arith.constant 64 : i32
      %add3A_459 = arith.addi %mul3A_457, %add3A_458 : i32
      %get3A_460 = arith.index_cast %add3A_459 : i32 to index
      %get3A_461 = tpu.vector_load %arg9[%get3A_460] {strides = array<i32>} : memref<8192xf32, #tpu.memory_space<vmem>>, vector<16xf32>,
      %get3A_462 = vector.shape_cast %get3A_461 : vector<16xf32> to vector<16xf32>
      %mul3A_463 = arith.mulf %get3A_462, %get3A_4 : vector<16xf32>
      %add3A_464 = arith.addf %mul3A_463, %get3A_7 : vector<16xf32>
      %convert_element_type3A_465 = arith.fptosi %add3A_464 : vector<16xf32> to vector<16xi32>
      %and3A_466 = arith.constant 31 : i32
      %and3A_467 = vector.broadcast %and3A_466 : i32 to vector<16xi32>
      %and3A_468 = arith.andi %convert_element_type3A_465, %and3A_467 : vector<16xi32>
      %and3A_469 = arith.constant 15 : i32
      %and3A_470 = vector.broadcast %and3A_469 : i32 to vector<16xi32>
      %and3A_471 = arith.andi %and3A_468, %and3A_470 : vector<16xi32>
      %lt3A_472 = arith.constant 16 : i32
      %lt3A_473 = vector.broadcast %lt3A_472 : i32 to vector<16xi32>
      %lt3A_474 = arith.cmpi slt, %and3A_468, %lt3A_473 : vector<16xi32>
      %mul3A_475 = arith.constant 128 : i32
      %mul3A_476 = arith.muli %add3A_374, %mul3A_475 : i32
      %add3A_477 = arith.constant 80 : i32
      %add3A_478 = arith.addi %mul3A_476, %add3A_477 : i32
      %get3A_479 = arith.index_cast %add3A_478 : i32 to index
      %get3A_480 = tpu.vector_load %arg9[%get3A_479] {strides = array<i32>} : memref<8192xf32, #tpu.memory_space<vmem>>, vector<16xf32>,
      %get3A_481 = vector.shape_cast %get3A_480 : vector<16xf32> to vector<16xf32>
      %mul3A_482 = arith.mulf %get3A_481, %get3A_4 : vector<16xf32>
      %add3A_483 = arith.addf %mul3A_482, %get3A_7 : vector<16xf32>
      %convert_element_type3A_484 = arith.fptosi %add3A_483 : vector<16xf32> to vector<16xi32>
      %and3A_485 = arith.constant 31 : i32
      %and3A_486 = vector.broadcast %and3A_485 : i32 to vector<16xi32>
      %and3A_487 = arith.andi %convert_element_type3A_484, %and3A_486 : vector<16xi32>
      %and3A_488 = arith.constant 15 : i32
      %and3A_489 = vector.broadcast %and3A_488 : i32 to vector<16xi32>
      %and3A_490 = arith.andi %and3A_487, %and3A_489 : vector<16xi32>
      %lt3A_491 = arith.constant 16 : i32
      %lt3A_492 = vector.broadcast %lt3A_491 : i32 to vector<16xi32>
      %lt3A_493 = arith.cmpi slt, %and3A_487, %lt3A_492 : vector<16xi32>
      %mul3A_494 = arith.constant 128 : i32
      %mul3A_495 = arith.muli %add3A_374, %mul3A_494 : i32
      %add3A_496 = arith.constant 96 : i32
      %add3A_497 = arith.addi %mul3A_495, %add3A_496 : i32
      %get3A_498 = arith.index_cast %add3A_497 : i32 to index
      %get3A_499 = tpu.vector_load %arg9[%get3A_498] {strides = array<i32>} : memref<8192xf32, #tpu.memory_space<vmem>>, vector<16xf32>,
      %get3A_500 = vector.shape_cast %get3A_499 : vector<16xf32> to vector<16xf32>
      %mul3A_501 = arith.mulf %get3A_500, %get3A_4 : vector<16xf32>
      %add3A_502 = arith.addf %mul3A_501, %get3A_7 : vector<16xf32>
      %convert_element_type3A_503 = arith.fptosi %add3A_502 : vector<16xf32> to vector<16xi32>
      %and3A_504 = arith.constant 31 : i32
      %and3A_505 = vector.broadcast %and3A_504 : i32 to vector<16xi32>
      %and3A_506 = arith.andi %convert_element_type3A_503, %and3A_505 : vector<16xi32>
      %and3A_507 = arith.constant 15 : i32
      %and3A_508 = vector.broadcast %and3A_507 : i32 to vector<16xi32>
      %and3A_509 = arith.andi %and3A_506, %and3A_508 : vector<16xi32>
      %lt3A_510 = arith.constant 16 : i32
      %lt3A_511 = vector.broadcast %lt3A_510 : i32 to vector<16xi32>
      %lt3A_512 = arith.cmpi slt, %and3A_506, %lt3A_511 : vector<16xi32>
      %mul3A_513 = arith.constant 128 : i32
      %mul3A_514 = arith.muli %add3A_374, %mul3A_513 : i32
      %add3A_515 = arith.constant 112 : i32
      %add3A_516 = arith.addi %mul3A_514, %add3A_515 : i32
      %get3A_517 = arith.index_cast %add3A_516 : i32 to index
      %get3A_518 = tpu.vector_load %arg9[%get3A_517] {strides = array<i32>} : memref<8192xf32, #tpu.memory_space<vmem>>, vector<16xf32>,
      %get3A_519 = vector.shape_cast %get3A_518 : vector<16xf32> to vector<16xf32>
      %mul3A_520 = arith.mulf %get3A_519, %get3A_4 : vector<16xf32>
      %add3A_521 = arith.addf %mul3A_520, %get3A_7 : vector<16xf32>
      %convert_element_type3A_522 = arith.fptosi %add3A_521 : vector<16xf32> to vector<16xi32>
      %and3A_523 = arith.constant 31 : i32
      %and3A_524 = vector.broadcast %and3A_523 : i32 to vector<16xi32>
      %and3A_525 = arith.andi %convert_element_type3A_522, %and3A_524 : vector<16xi32>
      %and3A_526 = arith.constant 15 : i32
      %and3A_527 = vector.broadcast %and3A_526 : i32 to vector<16xi32>
      %and3A_528 = arith.andi %and3A_525, %and3A_527 : vector<16xi32>
      %lt3A_529 = arith.constant 16 : i32
      %lt3A_530 = vector.broadcast %lt3A_529 : i32 to vector<16xi32>
      %lt3A_531 = arith.cmpi slt, %and3A_525, %lt3A_530 : vector<16xi32>
      %scan3A_532 = arith.constant 0 : i32
      %scan3A_533 = arith.constant 0 : i32
      %scan3A_534 = arith.constant 16 : i32
      %scan3A_535 = arith.addi %scan3A_533, %scan3A_534 : i32
      %scan3A_536 = arith.constant 1 : i32
      scf.for %scan3A_719 = %scan3A_533 to %scan3A_535 step %scan3A_536  : i32 {
        %mul3A_720 = arith.constant 4 : i32
        %mul3A_721 = arith.muli %scan3A_719, %mul3A_720 : i32
        %add3A_722 = arith.constant 0 : i32
        %add3A_723 = arith.addi %mul3A_721, %add3A_722 : i32
        %get3A_724 = arith.index_cast %add3A_723 : i32 to index
        %get3A_725 = arith.constant 0 : index
        %get3A_726 = tpu.vector_load %arg10[%get3A_724, %get3A_725] {strides = array<i32>} : memref<64x32xf32, #tpu.memory_space<vmem>>, vector<1x16xf32>,
        %get3A_727 = vector.shape_cast %get3A_726 : vector<1x16xf32> to vector<16xf32>
        %get3A_728 = arith.index_cast %add3A_723 : i32 to index
        %get3A_729 = arith.constant 16 : index
        %get3A_730 = tpu.vector_load %arg10[%get3A_728, %get3A_729] {strides = array<i32>} : memref<64x32xf32, #tpu.memory_space<vmem>>, vector<1x16xf32>,
        %get3A_731 = vector.shape_cast %get3A_730 : vector<1x16xf32> to vector<16xf32>
        %broadcast_in_dim3A = vector.shape_cast %and3A_395 : vector<16xi32> to vector<16x1xi32>
        %gather3A = vector.shape_cast %broadcast_in_dim3A : vector<16x1xi32> to vector<16xi32>
        %gather3A_732 = tpu.dynamic_gather %get3A_727[%gather3A] in [0] : vector<16xf32>, vector<16xi32> -> vector<16xf32>
        %broadcast_in_dim3A_733 = vector.shape_cast %and3A_395 : vector<16xi32> to vector<16x1xi32>
        %gather3A_734 = vector.shape_cast %broadcast_in_dim3A_733 : vector<16x1xi32> to vector<16xi32>
        %gather3A_735 = tpu.dynamic_gather %get3A_731[%gather3A_734] in [0] : vector<16xf32>, vector<16xi32> -> vector<16xf32>
        %select_n3A = arith.select %lt3A_398, %gather3A_732, %gather3A_735 : vector<16xi1>, vector<16xf32>
        %swap3A = arith.index_cast %add3A_723 : i32 to index
        %swap3A_736 = arith.constant 0 : index
        %swap3A_737 = tpu.vector_load %arg13[%swap3A, %swap3A_736] {strides = array<i32>} : memref<64x128xf32, #tpu.memory_space<vmem>>, vector<1x16xf32>,
        %swap3A_738 = vector.shape_cast %swap3A_737 : vector<1x16xf32> to vector<16xf32>
        %swap3A_739 = vector.shape_cast %select_n3A : vector<16xf32> to vector<1x16xf32>
        tpu.vector_store %arg13[%swap3A, %swap3A_736], %swap3A_739 {strides = array<i32>} : memref<64x128xf32, #tpu.memory_space<vmem>>, vector<1x16xf32>,
        %broadcast_in_dim3A_740 = vector.shape_cast %and3A_414 : vector<16xi32> to vector<16x1xi32>
        %gather3A_741 = vector.shape_cast %broadcast_in_dim3A_740 : vector<16x1xi32> to vector<16xi32>
        %gather3A_742 = tpu.dynamic_gather %get3A_727[%gather3A_741] in [0] : vector<16xf32>, vector<16xi32> -> vector<16xf32>
        %broadcast_in_dim3A_743 = vector.shape_cast %and3A_414 : vector<16xi32> to vector<16x1xi32>
        %gather3A_744 = vector.shape_cast %broadcast_in_dim3A_743 : vector<16x1xi32> to vector<16xi32>
        %gather3A_745 = tpu.dynamic_gather %get3A_731[%gather3A_744] in [0] : vector<16xf32>, vector<16xi32> -> vector<16xf32>
        %select_n3A_746 = arith.select %lt3A_417, %gather3A_742, %gather3A_745 : vector<16xi1>, vector<16xf32>
        %swap3A_747 = arith.index_cast %add3A_723 : i32 to index
        %swap3A_748 = arith.constant 16 : index
        %swap3A_749 = tpu.vector_load %arg13[%swap3A_747, %swap3A_748] {strides = array<i32>} : memref<64x128xf32, #tpu.memory_space<vmem>>, vector<1x16xf32>,
        %swap3A_750 = vector.shape_cast %swap3A_749 : vector<1x16xf32> to vector<16xf32>
        %swap3A_751 = vector.shape_cast %select_n3A_746 : vector<16xf32> to vector<1x16xf32>
        tpu.vector_store %arg13[%swap3A_747, %swap3A_748], %swap3A_751 {strides = array<i32>} : memref<64x128xf32, #tpu.memory_space<vmem>>, vector<1x16xf32>,
        %broadcast_in_dim3A_752 = vector.shape_cast %and3A_433 : vector<16xi32> to vector<16x1xi32>
        %gather3A_753 = vector.shape_cast %broadcast_in_dim3A_752 : vector<16x1xi32> to vector<16xi32>
        %gather3A_754 = tpu.dynamic_gather %get3A_727[%gather3A_753] in [0] : vector<16xf32>, vector<16xi32> -> vector<16xf32>
        %broadcast_in_dim3A_755 = vector.shape_cast %and3A_433 : vector<16xi32> to vector<16x1xi32>
        %gather3A_756 = vector.shape_cast %broadcast_in_dim3A_755 : vector<16x1xi32> to vector<16xi32>
        %gather3A_757 = tpu.dynamic_gather %get3A_731[%gather3A_756] in [0] : vector<16xf32>, vector<16xi32> -> vector<16xf32>
        %select_n3A_758 = arith.select %lt3A_436, %gather3A_754, %gather3A_757 : vector<16xi1>, vector<16xf32>
        %swap3A_759 = arith.index_cast %add3A_723 : i32 to index
        %swap3A_760 = arith.constant 32 : index
        %swap3A_761 = tpu.vector_load %arg13[%swap3A_759, %swap3A_760] {strides = array<i32>} : memref<64x128xf32, #tpu.memory_space<vmem>>, vector<1x16xf32>,
        %swap3A_762 = vector.shape_cast %swap3A_761 : vector<1x16xf32> to vector<16xf32>
        %swap3A_763 = vector.shape_cast %select_n3A_758 : vector<16xf32> to vector<1x16xf32>
        tpu.vector_store %arg13[%swap3A_759, %swap3A_760], %swap3A_763 {strides = array<i32>} : memref<64x128xf32, #tpu.memory_space<vmem>>, vector<1x16xf32>,
        %broadcast_in_dim3A_764 = vector.shape_cast %and3A_452 : vector<16xi32> to vector<16x1xi32>
        %gather3A_765 = vector.shape_cast %broadcast_in_dim3A_764 : vector<16x1xi32> to vector<16xi32>
        %gather3A_766 = tpu.dynamic_gather %get3A_727[%gather3A_765] in [0] : vector<16xf32>, vector<16xi32> -> vector<16xf32>
        %broadcast_in_dim3A_767 = vector.shape_cast %and3A_452 : vector<16xi32> to vector<16x1xi32>
        %gather3A_768 = vector.shape_cast %broadcast_in_dim3A_767 : vector<16x1xi32> to vector<16xi32>
        %gather3A_769 = tpu.dynamic_gather %get3A_731[%gather3A_768] in [0] : vector<16xf32>, vector<16xi32> -> vector<16xf32>
        %select_n3A_770 = arith.select %lt3A_455, %gather3A_766, %gather3A_769 : vector<16xi1>, vector<16xf32>
        %swap3A_771 = arith.index_cast %add3A_723 : i32 to index
        %swap3A_772 = arith.constant 48 : index
        %swap3A_773 = tpu.vector_load %arg13[%swap3A_771, %swap3A_772] {strides = array<i32>} : memref<64x128xf32, #tpu.memory_space<vmem>>, vector<1x16xf32>,
        %swap3A_774 = vector.shape_cast %swap3A_773 : vector<1x16xf32> to vector<16xf32>
        %swap3A_775 = vector.shape_cast %select_n3A_770 : vector<16xf32> to vector<1x16xf32>
        tpu.vector_store %arg13[%swap3A_771, %swap3A_772], %swap3A_775 {strides = array<i32>} : memref<64x128xf32, #tpu.memory_space<vmem>>, vector<1x16xf32>,
        %broadcast_in_dim3A_776 = vector.shape_cast %and3A_471 : vector<16xi32> to vector<16x1xi32>
        %gather3A_777 = vector.shape_cast %broadcast_in_dim3A_776 : vector<16x1xi32> to vector<16xi32>
        %gather3A_778 = tpu.dynamic_gather %get3A_727[%gather3A_777] in [0] : vector<16xf32>, vector<16xi32> -> vector<16xf32>
        %broadcast_in_dim3A_779 = vector.shape_cast %and3A_471 : vector<16xi32> to vector<16x1xi32>
        %gather3A_780 = vector.shape_cast %broadcast_in_dim3A_779 : vector<16x1xi32> to vector<16xi32>
        %gather3A_781 = tpu.dynamic_gather %get3A_731[%gather3A_780] in [0] : vector<16xf32>, vector<16xi32> -> vector<16xf32>
        %select_n3A_782 = arith.select %lt3A_474, %gather3A_778, %gather3A_781 : vector<16xi1>, vector<16xf32>
        %swap3A_783 = arith.index_cast %add3A_723 : i32 to index
        %swap3A_784 = arith.constant 64 : index
        %swap3A_785 = tpu.vector_load %arg13[%swap3A_783, %swap3A_784] {strides = array<i32>} : memref<64x128xf32, #tpu.memory_space<vmem>>, vector<1x16xf32>,
        %swap3A_786 = vector.shape_cast %swap3A_785 : vector<1x16xf32> to vector<16xf32>
        %swap3A_787 = vector.shape_cast %select_n3A_782 : vector<16xf32> to vector<1x16xf32>
        tpu.vector_store %arg13[%swap3A_783, %swap3A_784], %swap3A_787 {strides = array<i32>} : memref<64x128xf32, #tpu.memory_space<vmem>>, vector<1x16xf32>,
        %broadcast_in_dim3A_788 = vector.shape_cast %and3A_490 : vector<16xi32> to vector<16x1xi32>
        %gather3A_789 = vector.shape_cast %broadcast_in_dim3A_788 : vector<16x1xi32> to vector<16xi32>
        %gather3A_790 = tpu.dynamic_gather %get3A_727[%gather3A_789] in [0] : vector<16xf32>, vector<16xi32> -> vector<16xf32>
        %broadcast_in_dim3A_791 = vector.shape_cast %and3A_490 : vector<16xi32> to vector<16x1xi32>
        %gather3A_792 = vector.shape_cast %broadcast_in_dim3A_791 : vector<16x1xi32> to vector<16xi32>
        %gather3A_793 = tpu.dynamic_gather %get3A_731[%gather3A_792] in [0] : vector<16xf32>, vector<16xi32> -> vector<16xf32>
        %select_n3A_794 = arith.select %lt3A_493, %gather3A_790, %gather3A_793 : vector<16xi1>, vector<16xf32>
        %swap3A_795 = arith.index_cast %add3A_723 : i32 to index
        %swap3A_796 = arith.constant 80 : index
        %swap3A_797 = tpu.vector_load %arg13[%swap3A_795, %swap3A_796] {strides = array<i32>} : memref<64x128xf32, #tpu.memory_space<vmem>>, vector<1x16xf32>,
        %swap3A_798 = vector.shape_cast %swap3A_797 : vector<1x16xf32> to vector<16xf32>
        %swap3A_799 = vector.shape_cast %select_n3A_794 : vector<16xf32> to vector<1x16xf32>
        tpu.vector_store %arg13[%swap3A_795, %swap3A_796], %swap3A_799 {strides = array<i32>} : memref<64x128xf32, #tpu.memory_space<vmem>>, vector<1x16xf32>,
        %broadcast_in_dim3A_800 = vector.shape_cast %and3A_509 : vector<16xi32> to vector<16x1xi32>
        %gather3A_801 = vector.shape_cast %broadcast_in_dim3A_800 : vector<16x1xi32> to vector<16xi32>
        %gather3A_802 = tpu.dynamic_gather %get3A_727[%gather3A_801] in [0] : vector<16xf32>, vector<16xi32> -> vector<16xf32>
        %broadcast_in_dim3A_803 = vector.shape_cast %and3A_509 : vector<16xi32> to vector<16x1xi32>
        %gather3A_804 = vector.shape_cast %broadcast_in_dim3A_803 : vector<16x1xi32> to vector<16xi32>
        %gather3A_805 = tpu.dynamic_gather %get3A_731[%gather3A_804] in [0] : vector<16xf32>, vector<16xi32> -> vector<16xf32>
        %select_n3A_806 = arith.select %lt3A_512, %gather3A_802, %gather3A_805 : vector<16xi1>, vector<16xf32>
        %swap3A_807 = arith.index_cast %add3A_723 : i32 to index
        %swap3A_808 = arith.constant 96 : index
        %swap3A_809 = tpu.vector_load %arg13[%swap3A_807, %swap3A_808] {strides = array<i32>} : memref<64x128xf32, #tpu.memory_space<vmem>>, vector<1x16xf32>,
        %swap3A_810 = vector.shape_cast %swap3A_809 : vector<1x16xf32> to vector<16xf32>
        %swap3A_811 = vector.shape_cast %select_n3A_806 : vector<16xf32> to vector<1x16xf32>
        tpu.vector_store %arg13[%swap3A_807, %swap3A_808], %swap3A_811 {strides = array<i32>} : memref<64x128xf32, #tpu.memory_space<vmem>>, vector<1x16xf32>,
        %broadcast_in_dim3A_812 = vector.shape_cast %and3A_528 : vector<16xi32> to vector<16x1xi32>
        %gather3A_813 = vector.shape_cast %broadcast_in_dim3A_812 : vector<16x1xi32> to vector<16xi32>
        %gather3A_814 = tpu.dynamic_gather %get3A_727[%gather3A_813] in [0] : vector<16xf32>, vector<16xi32> -> vector<16xf32>
        %broadcast_in_dim3A_815 = vector.shape_cast %and3A_528 : vector<16xi32> to vector<16x1xi32>
        %gather3A_816 = vector.shape_cast %broadcast_in_dim3A_815 : vector<16x1xi32> to vector<16xi32>
        %gather3A_817 = tpu.dynamic_gather %get3A_731[%gather3A_816] in [0] : vector<16xf32>, vector<16xi32> -> vector<16xf32>
        %select_n3A_818 = arith.select %lt3A_531, %gather3A_814, %gather3A_817 : vector<16xi1>, vector<16xf32>
        %swap3A_819 = arith.index_cast %add3A_723 : i32 to index
        %swap3A_820 = arith.constant 112 : index
        %swap3A_821 = tpu.vector_load %arg13[%swap3A_819, %swap3A_820] {strides = array<i32>} : memref<64x128xf32, #tpu.memory_space<vmem>>, vector<1x16xf32>,
        %swap3A_822 = vector.shape_cast %swap3A_821 : vector<1x16xf32> to vector<16xf32>
        %swap3A_823 = vector.shape_cast %select_n3A_818 : vector<16xf32> to vector<1x16xf32>
        tpu.vector_store %arg13[%swap3A_819, %swap3A_820], %swap3A_823 {strides = array<i32>} : memref<64x128xf32, #tpu.memory_space<vmem>>, vector<1x16xf32>,
        %mul3A_824 = arith.constant 4 : i32
        %mul3A_825 = arith.muli %scan3A_719, %mul3A_824 : i32
        %add3A_826 = arith.constant 1 : i32
        %add3A_827 = arith.addi %mul3A_825, %add3A_826 : i32
        %get3A_828 = arith.index_cast %add3A_827 : i32 to index
        %get3A_829 = arith.constant 0 : index
        %get3A_830 = tpu.vector_load %arg10[%get3A_828, %get3A_829] {strides = array<i32>} : memref<64x32xf32, #tpu.memory_space<vmem>>, vector<1x16xf32>,
        %get3A_831 = vector.shape_cast %get3A_830 : vector<1x16xf32> to vector<16xf32>
        %get3A_832 = arith.index_cast %add3A_827 : i32 to index
        %get3A_833 = arith.constant 16 : index
        %get3A_834 = tpu.vector_load %arg10[%get3A_832, %get3A_833] {strides = array<i32>} : memref<64x32xf32, #tpu.memory_space<vmem>>, vector<1x16xf32>,
        %get3A_835 = vector.shape_cast %get3A_834 : vector<1x16xf32> to vector<16xf32>
        %broadcast_in_dim3A_836 = vector.shape_cast %and3A_395 : vector<16xi32> to vector<16x1xi32>
        %gather3A_837 = vector.shape_cast %broadcast_in_dim3A_836 : vector<16x1xi32> to vector<16xi32>
        %gather3A_838 = tpu.dynamic_gather %get3A_831[%gather3A_837] in [0] : vector<16xf32>, vector<16xi32> -> vector<16xf32>
        %broadcast_in_dim3A_839 = vector.shape_cast %and3A_395 : vector<16xi32> to vector<16x1xi32>
        %gather3A_840 = vector.shape_cast %broadcast_in_dim3A_839 : vector<16x1xi32> to vector<16xi32>
        %gather3A_841 = tpu.dynamic_gather %get3A_835[%gather3A_840] in [0] : vector<16xf32>, vector<16xi32> -> vector<16xf32>
        %select_n3A_842 = arith.select %lt3A_398, %gather3A_838, %gather3A_841 : vector<16xi1>, vector<16xf32>
        %swap3A_843 = arith.index_cast %add3A_827 : i32 to index
        %swap3A_844 = arith.constant 0 : index
        %swap3A_845 = tpu.vector_load %arg13[%swap3A_843, %swap3A_844] {strides = array<i32>} : memref<64x128xf32, #tpu.memory_space<vmem>>, vector<1x16xf32>,
        %swap3A_846 = vector.shape_cast %swap3A_845 : vector<1x16xf32> to vector<16xf32>
        %swap3A_847 = vector.shape_cast %select_n3A_842 : vector<16xf32> to vector<1x16xf32>
        tpu.vector_store %arg13[%swap3A_843, %swap3A_844], %swap3A_847 {strides = array<i32>} : memref<64x128xf32, #tpu.memory_space<vmem>>, vector<1x16xf32>,
        %broadcast_in_dim3A_848 = vector.shape_cast %and3A_414 : vector<16xi32> to vector<16x1xi32>
        %gather3A_849 = vector.shape_cast %broadcast_in_dim3A_848 : vector<16x1xi32> to vector<16xi32>
        %gather3A_850 = tpu.dynamic_gather %get3A_831[%gather3A_849] in [0] : vector<16xf32>, vector<16xi32> -> vector<16xf32>
        %broadcast_in_dim3A_851 = vector.shape_cast %and3A_414 : vector<16xi32> to vector<16x1xi32>
        %gather3A_852 = vector.shape_cast %broadcast_in_dim3A_851 : vector<16x1xi32> to vector<16xi32>
        %gather3A_853 = tpu.dynamic_gather %get3A_835[%gather3A_852] in [0] : vector<16xf32>, vector<16xi32> -> vector<16xf32>
        %select_n3A_854 = arith.select %lt3A_417, %gather3A_850, %gather3A_853 : vector<16xi1>, vector<16xf32>
        %swap3A_855 = arith.index_cast %add3A_827 : i32 to index
        %swap3A_856 = arith.constant 16 : index
        %swap3A_857 = tpu.vector_load %arg13[%swap3A_855, %swap3A_856] {strides = array<i32>} : memref<64x128xf32, #tpu.memory_space<vmem>>, vector<1x16xf32>,
        %swap3A_858 = vector.shape_cast %swap3A_857 : vector<1x16xf32> to vector<16xf32>
        %swap3A_859 = vector.shape_cast %select_n3A_854 : vector<16xf32> to vector<1x16xf32>
        tpu.vector_store %arg13[%swap3A_855, %swap3A_856], %swap3A_859 {strides = array<i32>} : memref<64x128xf32, #tpu.memory_space<vmem>>, vector<1x16xf32>,
        %broadcast_in_dim3A_860 = vector.shape_cast %and3A_433 : vector<16xi32> to vector<16x1xi32>
        %gather3A_861 = vector.shape_cast %broadcast_in_dim3A_860 : vector<16x1xi32> to vector<16xi32>
        %gather3A_862 = tpu.dynamic_gather %get3A_831[%gather3A_861] in [0] : vector<16xf32>, vector<16xi32> -> vector<16xf32>
        %broadcast_in_dim3A_863 = vector.shape_cast %and3A_433 : vector<16xi32> to vector<16x1xi32>
        %gather3A_864 = vector.shape_cast %broadcast_in_dim3A_863 : vector<16x1xi32> to vector<16xi32>
        %gather3A_865 = tpu.dynamic_gather %get3A_835[%gather3A_864] in [0] : vector<16xf32>, vector<16xi32> -> vector<16xf32>
        %select_n3A_866 = arith.select %lt3A_436, %gather3A_862, %gather3A_865 : vector<16xi1>, vector<16xf32>
        %swap3A_867 = arith.index_cast %add3A_827 : i32 to index
        %swap3A_868 = arith.constant 32 : index
        %swap3A_869 = tpu.vector_load %arg13[%swap3A_867, %swap3A_868] {strides = array<i32>} : memref<64x128xf32, #tpu.memory_space<vmem>>, vector<1x16xf32>,
        %swap3A_870 = vector.shape_cast %swap3A_869 : vector<1x16xf32> to vector<16xf32>
        %swap3A_871 = vector.shape_cast %select_n3A_866 : vector<16xf32> to vector<1x16xf32>
        tpu.vector_store %arg13[%swap3A_867, %swap3A_868], %swap3A_871 {strides = array<i32>} : memref<64x128xf32, #tpu.memory_space<vmem>>, vector<1x16xf32>,
        %broadcast_in_dim3A_872 = vector.shape_cast %and3A_452 : vector<16xi32> to vector<16x1xi32>
        %gather3A_873 = vector.shape_cast %broadcast_in_dim3A_872 : vector<16x1xi32> to vector<16xi32>
        %gather3A_874 = tpu.dynamic_gather %get3A_831[%gather3A_873] in [0] : vector<16xf32>, vector<16xi32> -> vector<16xf32>
        %broadcast_in_dim3A_875 = vector.shape_cast %and3A_452 : vector<16xi32> to vector<16x1xi32>
        %gather3A_876 = vector.shape_cast %broadcast_in_dim3A_875 : vector<16x1xi32> to vector<16xi32>
        %gather3A_877 = tpu.dynamic_gather %get3A_835[%gather3A_876] in [0] : vector<16xf32>, vector<16xi32> -> vector<16xf32>
        %select_n3A_878 = arith.select %lt3A_455, %gather3A_874, %gather3A_877 : vector<16xi1>, vector<16xf32>
        %swap3A_879 = arith.index_cast %add3A_827 : i32 to index
        %swap3A_880 = arith.constant 48 : index
        %swap3A_881 = tpu.vector_load %arg13[%swap3A_879, %swap3A_880] {strides = array<i32>} : memref<64x128xf32, #tpu.memory_space<vmem>>, vector<1x16xf32>,
        %swap3A_882 = vector.shape_cast %swap3A_881 : vector<1x16xf32> to vector<16xf32>
        %swap3A_883 = vector.shape_cast %select_n3A_878 : vector<16xf32> to vector<1x16xf32>
        tpu.vector_store %arg13[%swap3A_879, %swap3A_880], %swap3A_883 {strides = array<i32>} : memref<64x128xf32, #tpu.memory_space<vmem>>, vector<1x16xf32>,
        %broadcast_in_dim3A_884 = vector.shape_cast %and3A_471 : vector<16xi32> to vector<16x1xi32>
        %gather3A_885 = vector.shape_cast %broadcast_in_dim3A_884 : vector<16x1xi32> to vector<16xi32>
        %gather3A_886 = tpu.dynamic_gather %get3A_831[%gather3A_885] in [0] : vector<16xf32>, vector<16xi32> -> vector<16xf32>
        %broadcast_in_dim3A_887 = vector.shape_cast %and3A_471 : vector<16xi32> to vector<16x1xi32>
        %gather3A_888 = vector.shape_cast %broadcast_in_dim3A_887 : vector<16x1xi32> to vector<16xi32>
        %gather3A_889 = tpu.dynamic_gather %get3A_835[%gather3A_888] in [0] : vector<16xf32>, vector<16xi32> -> vector<16xf32>
        %select_n3A_890 = arith.select %lt3A_474, %gather3A_886, %gather3A_889 : vector<16xi1>, vector<16xf32>
        %swap3A_891 = arith.index_cast %add3A_827 : i32 to index
        %swap3A_892 = arith.constant 64 : index
        %swap3A_893 = tpu.vector_load %arg13[%swap3A_891, %swap3A_892] {strides = array<i32>} : memref<64x128xf32, #tpu.memory_space<vmem>>, vector<1x16xf32>,
        %swap3A_894 = vector.shape_cast %swap3A_893 : vector<1x16xf32> to vector<16xf32>
        %swap3A_895 = vector.shape_cast %select_n3A_890 : vector<16xf32> to vector<1x16xf32>
        tpu.vector_store %arg13[%swap3A_891, %swap3A_892], %swap3A_895 {strides = array<i32>} : memref<64x128xf32, #tpu.memory_space<vmem>>, vector<1x16xf32>,
        %broadcast_in_dim3A_896 = vector.shape_cast %and3A_490 : vector<16xi32> to vector<16x1xi32>
        %gather3A_897 = vector.shape_cast %broadcast_in_dim3A_896 : vector<16x1xi32> to vector<16xi32>
        %gather3A_898 = tpu.dynamic_gather %get3A_831[%gather3A_897] in [0] : vector<16xf32>, vector<16xi32> -> vector<16xf32>
        %broadcast_in_dim3A_899 = vector.shape_cast %and3A_490 : vector<16xi32> to vector<16x1xi32>
        %gather3A_900 = vector.shape_cast %broadcast_in_dim3A_899 : vector<16x1xi32> to vector<16xi32>
        %gather3A_901 = tpu.dynamic_gather %get3A_835[%gather3A_900] in [0] : vector<16xf32>, vector<16xi32> -> vector<16xf32>
        %select_n3A_902 = arith.select %lt3A_493, %gather3A_898, %gather3A_901 : vector<16xi1>, vector<16xf32>
        %swap3A_903 = arith.index_cast %add3A_827 : i32 to index
        %swap3A_904 = arith.constant 80 : index
        %swap3A_905 = tpu.vector_load %arg13[%swap3A_903, %swap3A_904] {strides = array<i32>} : memref<64x128xf32, #tpu.memory_space<vmem>>, vector<1x16xf32>,
        %swap3A_906 = vector.shape_cast %swap3A_905 : vector<1x16xf32> to vector<16xf32>
        %swap3A_907 = vector.shape_cast %select_n3A_902 : vector<16xf32> to vector<1x16xf32>
        tpu.vector_store %arg13[%swap3A_903, %swap3A_904], %swap3A_907 {strides = array<i32>} : memref<64x128xf32, #tpu.memory_space<vmem>>, vector<1x16xf32>,
        %broadcast_in_dim3A_908 = vector.shape_cast %and3A_509 : vector<16xi32> to vector<16x1xi32>
        %gather3A_909 = vector.shape_cast %broadcast_in_dim3A_908 : vector<16x1xi32> to vector<16xi32>
        %gather3A_910 = tpu.dynamic_gather %get3A_831[%gather3A_909] in [0] : vector<16xf32>, vector<16xi32> -> vector<16xf32>
        %broadcast_in_dim3A_911 = vector.shape_cast %and3A_509 : vector<16xi32> to vector<16x1xi32>
        %gather3A_912 = vector.shape_cast %broadcast_in_dim3A_911 : vector<16x1xi32> to vector<16xi32>
        %gather3A_913 = tpu.dynamic_gather %get3A_835[%gather3A_912] in [0] : vector<16xf32>, vector<16xi32> -> vector<16xf32>
        %select_n3A_914 = arith.select %lt3A_512, %gather3A_910, %gather3A_913 : vector<16xi1>, vector<16xf32>
        %swap3A_915 = arith.index_cast %add3A_827 : i32 to index
        %swap3A_916 = arith.constant 96 : index
        %swap3A_917 = tpu.vector_load %arg13[%swap3A_915, %swap3A_916] {strides = array<i32>} : memref<64x128xf32, #tpu.memory_space<vmem>>, vector<1x16xf32>,
        %swap3A_918 = vector.shape_cast %swap3A_917 : vector<1x16xf32> to vector<16xf32>
        %swap3A_919 = vector.shape_cast %select_n3A_914 : vector<16xf32> to vector<1x16xf32>
        tpu.vector_store %arg13[%swap3A_915, %swap3A_916], %swap3A_919 {strides = array<i32>} : memref<64x128xf32, #tpu.memory_space<vmem>>, vector<1x16xf32>,
        %broadcast_in_dim3A_920 = vector.shape_cast %and3A_528 : vector<16xi32> to vector<16x1xi32>
        %gather3A_921 = vector.shape_cast %broadcast_in_dim3A_920 : vector<16x1xi32> to vector<16xi32>
        %gather3A_922 = tpu.dynamic_gather %get3A_831[%gather3A_921] in [0] : vector<16xf32>, vector<16xi32> -> vector<16xf32>
        %broadcast_in_dim3A_923 = vector.shape_cast %and3A_528 : vector<16xi32> to vector<16x1xi32>
        %gather3A_924 = vector.shape_cast %broadcast_in_dim3A_923 : vector<16x1xi32> to vector<16xi32>
        %gather3A_925 = tpu.dynamic_gather %get3A_835[%gather3A_924] in [0] : vector<16xf32>, vector<16xi32> -> vector<16xf32>
        %select_n3A_926 = arith.select %lt3A_531, %gather3A_922, %gather3A_925 : vector<16xi1>, vector<16xf32>
        %swap3A_927 = arith.index_cast %add3A_827 : i32 to index
        %swap3A_928 = arith.constant 112 : index
        %swap3A_929 = tpu.vector_load %arg13[%swap3A_927, %swap3A_928] {strides = array<i32>} : memref<64x128xf32, #tpu.memory_space<vmem>>, vector<1x16xf32>,
        %swap3A_930 = vector.shape_cast %swap3A_929 : vector<1x16xf32> to vector<16xf32>
        %swap3A_931 = vector.shape_cast %select_n3A_926 : vector<16xf32> to vector<1x16xf32>
        tpu.vector_store %arg13[%swap3A_927, %swap3A_928], %swap3A_931 {strides = array<i32>} : memref<64x128xf32, #tpu.memory_space<vmem>>, vector<1x16xf32>,
        %mul3A_932 = arith.constant 4 : i32
        %mul3A_933 = arith.muli %scan3A_719, %mul3A_932 : i32
        %add3A_934 = arith.constant 2 : i32
        %add3A_935 = arith.addi %mul3A_933, %add3A_934 : i32
        %get3A_936 = arith.index_cast %add3A_935 : i32 to index
        %get3A_937 = arith.constant 0 : index
        %get3A_938 = tpu.vector_load %arg10[%get3A_936, %get3A_937] {strides = array<i32>} : memref<64x32xf32, #tpu.memory_space<vmem>>, vector<1x16xf32>,
        %get3A_939 = vector.shape_cast %get3A_938 : vector<1x16xf32> to vector<16xf32>
        %get3A_940 = arith.index_cast %add3A_935 : i32 to index
        %get3A_941 = arith.constant 16 : index
        %get3A_942 = tpu.vector_load %arg10[%get3A_940, %get3A_941] {strides = array<i32>} : memref<64x32xf32, #tpu.memory_space<vmem>>, vector<1x16xf32>,
        %get3A_943 = vector.shape_cast %get3A_942 : vector<1x16xf32> to vector<16xf32>
        %broadcast_in_dim3A_944 = vector.shape_cast %and3A_395 : vector<16xi32> to vector<16x1xi32>
        %gather3A_945 = vector.shape_cast %broadcast_in_dim3A_944 : vector<16x1xi32> to vector<16xi32>
        %gather3A_946 = tpu.dynamic_gather %get3A_939[%gather3A_945] in [0] : vector<16xf32>, vector<16xi32> -> vector<16xf32>
        %broadcast_in_dim3A_947 = vector.shape_cast %and3A_395 : vector<16xi32> to vector<16x1xi32>
        %gather3A_948 = vector.shape_cast %broadcast_in_dim3A_947 : vector<16x1xi32> to vector<16xi32>
        %gather3A_949 = tpu.dynamic_gather %get3A_943[%gather3A_948] in [0] : vector<16xf32>, vector<16xi32> -> vector<16xf32>
        %select_n3A_950 = arith.select %lt3A_398, %gather3A_946, %gather3A_949 : vector<16xi1>, vector<16xf32>
        %swap3A_951 = arith.index_cast %add3A_935 : i32 to index
        %swap3A_952 = arith.constant 0 : index
        %swap3A_953 = tpu.vector_load %arg13[%swap3A_951, %swap3A_952] {strides = array<i32>} : memref<64x128xf32, #tpu.memory_space<vmem>>, vector<1x16xf32>,
        %swap3A_954 = vector.shape_cast %swap3A_953 : vector<1x16xf32> to vector<16xf32>
        %swap3A_955 = vector.shape_cast %select_n3A_950 : vector<16xf32> to vector<1x16xf32>
        tpu.vector_store %arg13[%swap3A_951, %swap3A_952], %swap3A_955 {strides = array<i32>} : memref<64x128xf32, #tpu.memory_space<vmem>>, vector<1x16xf32>,
        %broadcast_in_dim3A_956 = vector.shape_cast %and3A_414 : vector<16xi32> to vector<16x1xi32>
        %gather3A_957 = vector.shape_cast %broadcast_in_dim3A_956 : vector<16x1xi32> to vector<16xi32>
        %gather3A_958 = tpu.dynamic_gather %get3A_939[%gather3A_957] in [0] : vector<16xf32>, vector<16xi32> -> vector<16xf32>
        %broadcast_in_dim3A_959 = vector.shape_cast %and3A_414 : vector<16xi32> to vector<16x1xi32>
        %gather3A_960 = vector.shape_cast %broadcast_in_dim3A_959 : vector<16x1xi32> to vector<16xi32>
        %gather3A_961 = tpu.dynamic_gather %get3A_943[%gather3A_960] in [0] : vector<16xf32>, vector<16xi32> -> vector<16xf32>
        %select_n3A_962 = arith.select %lt3A_417, %gather3A_958, %gather3A_961 : vector<16xi1>, vector<16xf32>
        %swap3A_963 = arith.index_cast %add3A_935 : i32 to index
        %swap3A_964 = arith.constant 16 : index
        %swap3A_965 = tpu.vector_load %arg13[%swap3A_963, %swap3A_964] {strides = array<i32>} : memref<64x128xf32, #tpu.memory_space<vmem>>, vector<1x16xf32>,
        %swap3A_966 = vector.shape_cast %swap3A_965 : vector<1x16xf32> to vector<16xf32>
        %swap3A_967 = vector.shape_cast %select_n3A_962 : vector<16xf32> to vector<1x16xf32>
        tpu.vector_store %arg13[%swap3A_963, %swap3A_964], %swap3A_967 {strides = array<i32>} : memref<64x128xf32, #tpu.memory_space<vmem>>, vector<1x16xf32>,
        %broadcast_in_dim3A_968 = vector.shape_cast %and3A_433 : vector<16xi32> to vector<16x1xi32>
        %gather3A_969 = vector.shape_cast %broadcast_in_dim3A_968 : vector<16x1xi32> to vector<16xi32>
        %gather3A_970 = tpu.dynamic_gather %get3A_939[%gather3A_969] in [0] : vector<16xf32>, vector<16xi32> -> vector<16xf32>
        %broadcast_in_dim3A_971 = vector.shape_cast %and3A_433 : vector<16xi32> to vector<16x1xi32>
        %gather3A_972 = vector.shape_cast %broadcast_in_dim3A_971 : vector<16x1xi32> to vector<16xi32>
        %gather3A_973 = tpu.dynamic_gather %get3A_943[%gather3A_972] in [0] : vector<16xf32>, vector<16xi32> -> vector<16xf32>
        %select_n3A_974 = arith.select %lt3A_436, %gather3A_970, %gather3A_973 : vector<16xi1>, vector<16xf32>
        %swap3A_975 = arith.index_cast %add3A_935 : i32 to index
        %swap3A_976 = arith.constant 32 : index
        %swap3A_977 = tpu.vector_load %arg13[%swap3A_975, %swap3A_976] {strides = array<i32>} : memref<64x128xf32, #tpu.memory_space<vmem>>, vector<1x16xf32>,
        %swap3A_978 = vector.shape_cast %swap3A_977 : vector<1x16xf32> to vector<16xf32>
        %swap3A_979 = vector.shape_cast %select_n3A_974 : vector<16xf32> to vector<1x16xf32>
        tpu.vector_store %arg13[%swap3A_975, %swap3A_976], %swap3A_979 {strides = array<i32>} : memref<64x128xf32, #tpu.memory_space<vmem>>, vector<1x16xf32>,
        %broadcast_in_dim3A_980 = vector.shape_cast %and3A_452 : vector<16xi32> to vector<16x1xi32>
        %gather3A_981 = vector.shape_cast %broadcast_in_dim3A_980 : vector<16x1xi32> to vector<16xi32>
        %gather3A_982 = tpu.dynamic_gather %get3A_939[%gather3A_981] in [0] : vector<16xf32>, vector<16xi32> -> vector<16xf32>
        %broadcast_in_dim3A_983 = vector.shape_cast %and3A_452 : vector<16xi32> to vector<16x1xi32>
        %gather3A_984 = vector.shape_cast %broadcast_in_dim3A_983 : vector<16x1xi32> to vector<16xi32>
        %gather3A_985 = tpu.dynamic_gather %get3A_943[%gather3A_984] in [0] : vector<16xf32>, vector<16xi32> -> vector<16xf32>
        %select_n3A_986 = arith.select %lt3A_455, %gather3A_982, %gather3A_985 : vector<16xi1>, vector<16xf32>
        %swap3A_987 = arith.index_cast %add3A_935 : i32 to index
        %swap3A_988 = arith.constant 48 : index
        %swap3A_989 = tpu.vector_load %arg13[%swap3A_987, %swap3A_988] {strides = array<i32>} : memref<64x128xf32, #tpu.memory_space<vmem>>, vector<1x16xf32>,
        %swap3A_990 = vector.shape_cast %swap3A_989 : vector<1x16xf32> to vector<16xf32>
        %swap3A_991 = vector.shape_cast %select_n3A_986 : vector<16xf32> to vector<1x16xf32>
        tpu.vector_store %arg13[%swap3A_987, %swap3A_988], %swap3A_991 {strides = array<i32>} : memref<64x128xf32, #tpu.memory_space<vmem>>, vector<1x16xf32>,
        %broadcast_in_dim3A_992 = vector.shape_cast %and3A_471 : vector<16xi32> to vector<16x1xi32>
        %gather3A_993 = vector.shape_cast %broadcast_in_dim3A_992 : vector<16x1xi32> to vector<16xi32>
        %gather3A_994 = tpu.dynamic_gather %get3A_939[%gather3A_993] in [0] : vector<16xf32>, vector<16xi32> -> vector<16xf32>
        %broadcast_in_dim3A_995 = vector.shape_cast %and3A_471 : vector<16xi32> to vector<16x1xi32>
        %gather3A_996 = vector.shape_cast %broadcast_in_dim3A_995 : vector<16x1xi32> to vector<16xi32>
        %gather3A_997 = tpu.dynamic_gather %get3A_943[%gather3A_996] in [0] : vector<16xf32>, vector<16xi32> -> vector<16xf32>
        %select_n3A_998 = arith.select %lt3A_474, %gather3A_994, %gather3A_997 : vector<16xi1>, vector<16xf32>
        %swap3A_999 = arith.index_cast %add3A_935 : i32 to index
        %swap3A_1000 = arith.constant 64 : index
        %swap3A_1001 = tpu.vector_load %arg13[%swap3A_999, %swap3A_1000] {strides = array<i32>} : memref<64x128xf32, #tpu.memory_space<vmem>>, vector<1x16xf32>,
        %swap3A_1002 = vector.shape_cast %swap3A_1001 : vector<1x16xf32> to vector<16xf32>
        %swap3A_1003 = vector.shape_cast %select_n3A_998 : vector<16xf32> to vector<1x16xf32>
        tpu.vector_store %arg13[%swap3A_999, %swap3A_1000], %swap3A_1003 {strides = array<i32>} : memref<64x128xf32, #tpu.memory_space<vmem>>, vector<1x16xf32>,
        %broadcast_in_dim3A_1004 = vector.shape_cast %and3A_490 : vector<16xi32> to vector<16x1xi32>
        %gather3A_1005 = vector.shape_cast %broadcast_in_dim3A_1004 : vector<16x1xi32> to vector<16xi32>
        %gather3A_1006 = tpu.dynamic_gather %get3A_939[%gather3A_1005] in [0] : vector<16xf32>, vector<16xi32> -> vector<16xf32>
        %broadcast_in_dim3A_1007 = vector.shape_cast %and3A_490 : vector<16xi32> to vector<16x1xi32>
        %gather3A_1008 = vector.shape_cast %broadcast_in_dim3A_1007 : vector<16x1xi32> to vector<16xi32>
        %gather3A_1009 = tpu.dynamic_gather %get3A_943[%gather3A_1008] in [0] : vector<16xf32>, vector<16xi32> -> vector<16xf32>
        %select_n3A_1010 = arith.select %lt3A_493, %gather3A_1006, %gather3A_1009 : vector<16xi1>, vector<16xf32>
        %swap3A_1011 = arith.index_cast %add3A_935 : i32 to index
        %swap3A_1012 = arith.constant 80 : index
        %swap3A_1013 = tpu.vector_load %arg13[%swap3A_1011, %swap3A_1012] {strides = array<i32>} : memref<64x128xf32, #tpu.memory_space<vmem>>, vector<1x16xf32>,
        %swap3A_1014 = vector.shape_cast %swap3A_1013 : vector<1x16xf32> to vector<16xf32>
        %swap3A_1015 = vector.shape_cast %select_n3A_1010 : vector<16xf32> to vector<1x16xf32>
        tpu.vector_store %arg13[%swap3A_1011, %swap3A_1012], %swap3A_1015 {strides = array<i32>} : memref<64x128xf32, #tpu.memory_space<vmem>>, vector<1x16xf32>,
        %broadcast_in_dim3A_1016 = vector.shape_cast %and3A_509 : vector<16xi32> to vector<16x1xi32>
        %gather3A_1017 = vector.shape_cast %broadcast_in_dim3A_1016 : vector<16x1xi32> to vector<16xi32>
        %gather3A_1018 = tpu.dynamic_gather %get3A_939[%gather3A_1017] in [0] : vector<16xf32>, vector<16xi32> -> vector<16xf32>
        %broadcast_in_dim3A_1019 = vector.shape_cast %and3A_509 : vector<16xi32> to vector<16x1xi32>
        %gather3A_1020 = vector.shape_cast %broadcast_in_dim3A_1019 : vector<16x1xi32> to vector<16xi32>
        %gather3A_1021 = tpu.dynamic_gather %get3A_943[%gather3A_1020] in [0] : vector<16xf32>, vector<16xi32> -> vector<16xf32>
        %select_n3A_1022 = arith.select %lt3A_512, %gather3A_1018, %gather3A_1021 : vector<16xi1>, vector<16xf32>
        %swap3A_1023 = arith.index_cast %add3A_935 : i32 to index
        %swap3A_1024 = arith.constant 96 : index
        %swap3A_1025 = tpu.vector_load %arg13[%swap3A_1023, %swap3A_1024] {strides = array<i32>} : memref<64x128xf32, #tpu.memory_space<vmem>>, vector<1x16xf32>,
        %swap3A_1026 = vector.shape_cast %swap3A_1025 : vector<1x16xf32> to vector<16xf32>
        %swap3A_1027 = vector.shape_cast %select_n3A_1022 : vector<16xf32> to vector<1x16xf32>
        tpu.vector_store %arg13[%swap3A_1023, %swap3A_1024], %swap3A_1027 {strides = array<i32>} : memref<64x128xf32, #tpu.memory_space<vmem>>, vector<1x16xf32>,
        %broadcast_in_dim3A_1028 = vector.shape_cast %and3A_528 : vector<16xi32> to vector<16x1xi32>
        %gather3A_1029 = vector.shape_cast %broadcast_in_dim3A_1028 : vector<16x1xi32> to vector<16xi32>
        %gather3A_1030 = tpu.dynamic_gather %get3A_939[%gather3A_1029] in [0] : vector<16xf32>, vector<16xi32> -> vector<16xf32>
        %broadcast_in_dim3A_1031 = vector.shape_cast %and3A_528 : vector<16xi32> to vector<16x1xi32>
        %gather3A_1032 = vector.shape_cast %broadcast_in_dim3A_1031 : vector<16x1xi32> to vector<16xi32>
        %gather3A_1033 = tpu.dynamic_gather %get3A_943[%gather3A_1032] in [0] : vector<16xf32>, vector<16xi32> -> vector<16xf32>
        %select_n3A_1034 = arith.select %lt3A_531, %gather3A_1030, %gather3A_1033 : vector<16xi1>, vector<16xf32>
        %swap3A_1035 = arith.index_cast %add3A_935 : i32 to index
        %swap3A_1036 = arith.constant 112 : index
        %swap3A_1037 = tpu.vector_load %arg13[%swap3A_1035, %swap3A_1036] {strides = array<i32>} : memref<64x128xf32, #tpu.memory_space<vmem>>, vector<1x16xf32>,
        %swap3A_1038 = vector.shape_cast %swap3A_1037 : vector<1x16xf32> to vector<16xf32>
        %swap3A_1039 = vector.shape_cast %select_n3A_1034 : vector<16xf32> to vector<1x16xf32>
        tpu.vector_store %arg13[%swap3A_1035, %swap3A_1036], %swap3A_1039 {strides = array<i32>} : memref<64x128xf32, #tpu.memory_space<vmem>>, vector<1x16xf32>,
        %mul3A_1040 = arith.constant 4 : i32
        %mul3A_1041 = arith.muli %scan3A_719, %mul3A_1040 : i32
        %add3A_1042 = arith.constant 3 : i32
        %add3A_1043 = arith.addi %mul3A_1041, %add3A_1042 : i32
        %get3A_1044 = arith.index_cast %add3A_1043 : i32 to index
        %get3A_1045 = arith.constant 0 : index
        %get3A_1046 = tpu.vector_load %arg10[%get3A_1044, %get3A_1045] {strides = array<i32>} : memref<64x32xf32, #tpu.memory_space<vmem>>, vector<1x16xf32>,
        %get3A_1047 = vector.shape_cast %get3A_1046 : vector<1x16xf32> to vector<16xf32>
        %get3A_1048 = arith.index_cast %add3A_1043 : i32 to index
        %get3A_1049 = arith.constant 16 : index
        %get3A_1050 = tpu.vector_load %arg10[%get3A_1048, %get3A_1049] {strides = array<i32>} : memref<64x32xf32, #tpu.memory_space<vmem>>, vector<1x16xf32>,
        %get3A_1051 = vector.shape_cast %get3A_1050 : vector<1x16xf32> to vector<16xf32>
        %broadcast_in_dim3A_1052 = vector.shape_cast %and3A_395 : vector<16xi32> to vector<16x1xi32>
        %gather3A_1053 = vector.shape_cast %broadcast_in_dim3A_1052 : vector<16x1xi32> to vector<16xi32>
        %gather3A_1054 = tpu.dynamic_gather %get3A_1047[%gather3A_1053] in [0] : vector<16xf32>, vector<16xi32> -> vector<16xf32>
        %broadcast_in_dim3A_1055 = vector.shape_cast %and3A_395 : vector<16xi32> to vector<16x1xi32>
        %gather3A_1056 = vector.shape_cast %broadcast_in_dim3A_1055 : vector<16x1xi32> to vector<16xi32>
        %gather3A_1057 = tpu.dynamic_gather %get3A_1051[%gather3A_1056] in [0] : vector<16xf32>, vector<16xi32> -> vector<16xf32>
        %select_n3A_1058 = arith.select %lt3A_398, %gather3A_1054, %gather3A_1057 : vector<16xi1>, vector<16xf32>
        %swap3A_1059 = arith.index_cast %add3A_1043 : i32 to index
        %swap3A_1060 = arith.constant 0 : index
        %swap3A_1061 = tpu.vector_load %arg13[%swap3A_1059, %swap3A_1060] {strides = array<i32>} : memref<64x128xf32, #tpu.memory_space<vmem>>, vector<1x16xf32>,
        %swap3A_1062 = vector.shape_cast %swap3A_1061 : vector<1x16xf32> to vector<16xf32>
        %swap3A_1063 = vector.shape_cast %select_n3A_1058 : vector<16xf32> to vector<1x16xf32>
        tpu.vector_store %arg13[%swap3A_1059, %swap3A_1060], %swap3A_1063 {strides = array<i32>} : memref<64x128xf32, #tpu.memory_space<vmem>>, vector<1x16xf32>,
        %broadcast_in_dim3A_1064 = vector.shape_cast %and3A_414 : vector<16xi32> to vector<16x1xi32>
        %gather3A_1065 = vector.shape_cast %broadcast_in_dim3A_1064 : vector<16x1xi32> to vector<16xi32>
        %gather3A_1066 = tpu.dynamic_gather %get3A_1047[%gather3A_1065] in [0] : vector<16xf32>, vector<16xi32> -> vector<16xf32>
        %broadcast_in_dim3A_1067 = vector.shape_cast %and3A_414 : vector<16xi32> to vector<16x1xi32>
        %gather3A_1068 = vector.shape_cast %broadcast_in_dim3A_1067 : vector<16x1xi32> to vector<16xi32>
        %gather3A_1069 = tpu.dynamic_gather %get3A_1051[%gather3A_1068] in [0] : vector<16xf32>, vector<16xi32> -> vector<16xf32>
        %select_n3A_1070 = arith.select %lt3A_417, %gather3A_1066, %gather3A_1069 : vector<16xi1>, vector<16xf32>
        %swap3A_1071 = arith.index_cast %add3A_1043 : i32 to index
        %swap3A_1072 = arith.constant 16 : index
        %swap3A_1073 = tpu.vector_load %arg13[%swap3A_1071, %swap3A_1072] {strides = array<i32>} : memref<64x128xf32, #tpu.memory_space<vmem>>, vector<1x16xf32>,
        %swap3A_1074 = vector.shape_cast %swap3A_1073 : vector<1x16xf32> to vector<16xf32>
        %swap3A_1075 = vector.shape_cast %select_n3A_1070 : vector<16xf32> to vector<1x16xf32>
        tpu.vector_store %arg13[%swap3A_1071, %swap3A_1072], %swap3A_1075 {strides = array<i32>} : memref<64x128xf32, #tpu.memory_space<vmem>>, vector<1x16xf32>,
        %broadcast_in_dim3A_1076 = vector.shape_cast %and3A_433 : vector<16xi32> to vector<16x1xi32>
        %gather3A_1077 = vector.shape_cast %broadcast_in_dim3A_1076 : vector<16x1xi32> to vector<16xi32>
        %gather3A_1078 = tpu.dynamic_gather %get3A_1047[%gather3A_1077] in [0] : vector<16xf32>, vector<16xi32> -> vector<16xf32>
        %broadcast_in_dim3A_1079 = vector.shape_cast %and3A_433 : vector<16xi32> to vector<16x1xi32>
        %gather3A_1080 = vector.shape_cast %broadcast_in_dim3A_1079 : vector<16x1xi32> to vector<16xi32>
        %gather3A_1081 = tpu.dynamic_gather %get3A_1051[%gather3A_1080] in [0] : vector<16xf32>, vector<16xi32> -> vector<16xf32>
        %select_n3A_1082 = arith.select %lt3A_436, %gather3A_1078, %gather3A_1081 : vector<16xi1>, vector<16xf32>
        %swap3A_1083 = arith.index_cast %add3A_1043 : i32 to index
        %swap3A_1084 = arith.constant 32 : index
        %swap3A_1085 = tpu.vector_load %arg13[%swap3A_1083, %swap3A_1084] {strides = array<i32>} : memref<64x128xf32, #tpu.memory_space<vmem>>, vector<1x16xf32>,
        %swap3A_1086 = vector.shape_cast %swap3A_1085 : vector<1x16xf32> to vector<16xf32>
        %swap3A_1087 = vector.shape_cast %select_n3A_1082 : vector<16xf32> to vector<1x16xf32>
        tpu.vector_store %arg13[%swap3A_1083, %swap3A_1084], %swap3A_1087 {strides = array<i32>} : memref<64x128xf32, #tpu.memory_space<vmem>>, vector<1x16xf32>,
        %broadcast_in_dim3A_1088 = vector.shape_cast %and3A_452 : vector<16xi32> to vector<16x1xi32>
        %gather3A_1089 = vector.shape_cast %broadcast_in_dim3A_1088 : vector<16x1xi32> to vector<16xi32>
        %gather3A_1090 = tpu.dynamic_gather %get3A_1047[%gather3A_1089] in [0] : vector<16xf32>, vector<16xi32> -> vector<16xf32>
        %broadcast_in_dim3A_1091 = vector.shape_cast %and3A_452 : vector<16xi32> to vector<16x1xi32>
        %gather3A_1092 = vector.shape_cast %broadcast_in_dim3A_1091 : vector<16x1xi32> to vector<16xi32>
        %gather3A_1093 = tpu.dynamic_gather %get3A_1051[%gather3A_1092] in [0] : vector<16xf32>, vector<16xi32> -> vector<16xf32>
        %select_n3A_1094 = arith.select %lt3A_455, %gather3A_1090, %gather3A_1093 : vector<16xi1>, vector<16xf32>
        %swap3A_1095 = arith.index_cast %add3A_1043 : i32 to index
        %swap3A_1096 = arith.constant 48 : index
        %swap3A_1097 = tpu.vector_load %arg13[%swap3A_1095, %swap3A_1096] {strides = array<i32>} : memref<64x128xf32, #tpu.memory_space<vmem>>, vector<1x16xf32>,
        %swap3A_1098 = vector.shape_cast %swap3A_1097 : vector<1x16xf32> to vector<16xf32>
        %swap3A_1099 = vector.shape_cast %select_n3A_1094 : vector<16xf32> to vector<1x16xf32>
        tpu.vector_store %arg13[%swap3A_1095, %swap3A_1096], %swap3A_1099 {strides = array<i32>} : memref<64x128xf32, #tpu.memory_space<vmem>>, vector<1x16xf32>,
        %broadcast_in_dim3A_1100 = vector.shape_cast %and3A_471 : vector<16xi32> to vector<16x1xi32>
        %gather3A_1101 = vector.shape_cast %broadcast_in_dim3A_1100 : vector<16x1xi32> to vector<16xi32>
        %gather3A_1102 = tpu.dynamic_gather %get3A_1047[%gather3A_1101] in [0] : vector<16xf32>, vector<16xi32> -> vector<16xf32>
        %broadcast_in_dim3A_1103 = vector.shape_cast %and3A_471 : vector<16xi32> to vector<16x1xi32>
        %gather3A_1104 = vector.shape_cast %broadcast_in_dim3A_1103 : vector<16x1xi32> to vector<16xi32>
        %gather3A_1105 = tpu.dynamic_gather %get3A_1051[%gather3A_1104] in [0] : vector<16xf32>, vector<16xi32> -> vector<16xf32>
        %select_n3A_1106 = arith.select %lt3A_474, %gather3A_1102, %gather3A_1105 : vector<16xi1>, vector<16xf32>
        %swap3A_1107 = arith.index_cast %add3A_1043 : i32 to index
        %swap3A_1108 = arith.constant 64 : index
        %swap3A_1109 = tpu.vector_load %arg13[%swap3A_1107, %swap3A_1108] {strides = array<i32>} : memref<64x128xf32, #tpu.memory_space<vmem>>, vector<1x16xf32>,
        %swap3A_1110 = vector.shape_cast %swap3A_1109 : vector<1x16xf32> to vector<16xf32>
        %swap3A_1111 = vector.shape_cast %select_n3A_1106 : vector<16xf32> to vector<1x16xf32>
        tpu.vector_store %arg13[%swap3A_1107, %swap3A_1108], %swap3A_1111 {strides = array<i32>} : memref<64x128xf32, #tpu.memory_space<vmem>>, vector<1x16xf32>,
        %broadcast_in_dim3A_1112 = vector.shape_cast %and3A_490 : vector<16xi32> to vector<16x1xi32>
        %gather3A_1113 = vector.shape_cast %broadcast_in_dim3A_1112 : vector<16x1xi32> to vector<16xi32>
        %gather3A_1114 = tpu.dynamic_gather %get3A_1047[%gather3A_1113] in [0] : vector<16xf32>, vector<16xi32> -> vector<16xf32>
        %broadcast_in_dim3A_1115 = vector.shape_cast %and3A_490 : vector<16xi32> to vector<16x1xi32>
        %gather3A_1116 = vector.shape_cast %broadcast_in_dim3A_1115 : vector<16x1xi32> to vector<16xi32>
        %gather3A_1117 = tpu.dynamic_gather %get3A_1051[%gather3A_1116] in [0] : vector<16xf32>, vector<16xi32> -> vector<16xf32>
        %select_n3A_1118 = arith.select %lt3A_493, %gather3A_1114, %gather3A_1117 : vector<16xi1>, vector<16xf32>
        %swap3A_1119 = arith.index_cast %add3A_1043 : i32 to index
        %swap3A_1120 = arith.constant 80 : index
        %swap3A_1121 = tpu.vector_load %arg13[%swap3A_1119, %swap3A_1120] {strides = array<i32>} : memref<64x128xf32, #tpu.memory_space<vmem>>, vector<1x16xf32>,
        %swap3A_1122 = vector.shape_cast %swap3A_1121 : vector<1x16xf32> to vector<16xf32>
        %swap3A_1123 = vector.shape_cast %select_n3A_1118 : vector<16xf32> to vector<1x16xf32>
        tpu.vector_store %arg13[%swap3A_1119, %swap3A_1120], %swap3A_1123 {strides = array<i32>} : memref<64x128xf32, #tpu.memory_space<vmem>>, vector<1x16xf32>,
        %broadcast_in_dim3A_1124 = vector.shape_cast %and3A_509 : vector<16xi32> to vector<16x1xi32>
        %gather3A_1125 = vector.shape_cast %broadcast_in_dim3A_1124 : vector<16x1xi32> to vector<16xi32>
        %gather3A_1126 = tpu.dynamic_gather %get3A_1047[%gather3A_1125] in [0] : vector<16xf32>, vector<16xi32> -> vector<16xf32>
        %broadcast_in_dim3A_1127 = vector.shape_cast %and3A_509 : vector<16xi32> to vector<16x1xi32>
        %gather3A_1128 = vector.shape_cast %broadcast_in_dim3A_1127 : vector<16x1xi32> to vector<16xi32>
        %gather3A_1129 = tpu.dynamic_gather %get3A_1051[%gather3A_1128] in [0] : vector<16xf32>, vector<16xi32> -> vector<16xf32>
        %select_n3A_1130 = arith.select %lt3A_512, %gather3A_1126, %gather3A_1129 : vector<16xi1>, vector<16xf32>
        %swap3A_1131 = arith.index_cast %add3A_1043 : i32 to index
        %swap3A_1132 = arith.constant 96 : index
        %swap3A_1133 = tpu.vector_load %arg13[%swap3A_1131, %swap3A_1132] {strides = array<i32>} : memref<64x128xf32, #tpu.memory_space<vmem>>, vector<1x16xf32>,
        %swap3A_1134 = vector.shape_cast %swap3A_1133 : vector<1x16xf32> to vector<16xf32>
        %swap3A_1135 = vector.shape_cast %select_n3A_1130 : vector<16xf32> to vector<1x16xf32>
        tpu.vector_store %arg13[%swap3A_1131, %swap3A_1132], %swap3A_1135 {strides = array<i32>} : memref<64x128xf32, #tpu.memory_space<vmem>>, vector<1x16xf32>,
        %broadcast_in_dim3A_1136 = vector.shape_cast %and3A_528 : vector<16xi32> to vector<16x1xi32>
        %gather3A_1137 = vector.shape_cast %broadcast_in_dim3A_1136 : vector<16x1xi32> to vector<16xi32>
        %gather3A_1138 = tpu.dynamic_gather %get3A_1047[%gather3A_1137] in [0] : vector<16xf32>, vector<16xi32> -> vector<16xf32>
        %broadcast_in_dim3A_1139 = vector.shape_cast %and3A_528 : vector<16xi32> to vector<16x1xi32>
        %gather3A_1140 = vector.shape_cast %broadcast_in_dim3A_1139 : vector<16x1xi32> to vector<16xi32>
        %gather3A_1141 = tpu.dynamic_gather %get3A_1051[%gather3A_1140] in [0] : vector<16xf32>, vector<16xi32> -> vector<16xf32>
        %select_n3A_1142 = arith.select %lt3A_531, %gather3A_1138, %gather3A_1141 : vector<16xi1>, vector<16xf32>
        %swap3A_1143 = arith.index_cast %add3A_1043 : i32 to index
        %swap3A_1144 = arith.constant 112 : index
        %swap3A_1145 = tpu.vector_load %arg13[%swap3A_1143, %swap3A_1144] {strides = array<i32>} : memref<64x128xf32, #tpu.memory_space<vmem>>, vector<1x16xf32>,
        %swap3A_1146 = vector.shape_cast %swap3A_1145 : vector<1x16xf32> to vector<16xf32>
        %swap3A_1147 = vector.shape_cast %select_n3A_1142 : vector<16xf32> to vector<1x16xf32>
        tpu.vector_store %arg13[%swap3A_1143, %swap3A_1144], %swap3A_1147 {strides = array<i32>} : memref<64x128xf32, #tpu.memory_space<vmem>>, vector<1x16xf32>,
      }
      %scan3A_537 = arith.constant 16 : i32
      %mul3A_538 = arith.constant 128 : i32
      %mul3A_539 = arith.muli %add3A_374, %mul3A_538 : i32
      %add3A_540 = arith.addi %mul3A_2, %mul3A_539 : i32
      %dma_start3A_541 = arith.constant 0 : i32
      %dma_start3A_542 = tpu.memref_slice %arg6[%dma_start3A_541, %add3A_540] : memref<64x262144xf32, #tpu.memory_space<hbm>> -> memref<64x128xf32, #tpu.memory_space<hbm>>
      %dma_start3A_543 = arith.constant 0 : i32
      %dma_start3A_544 = tpu.memref_slice %arg6[%dma_start3A_543, %add3A_540] : memref<64x262144xf32, #tpu.memory_space<hbm>> -> memref<64x128xf32, #tpu.memory_space<hbm>>
      tpu.enqueue_dma source(%arg13 : memref<64x128xf32, #tpu.memory_space<vmem>>) target(%dma_start3A_544 : memref<64x128xf32, #tpu.memory_space<hbm>>) target_semaphore(%arg17 : memref<!tpu.dma_semaphore, #tpu.memory_space<semaphore_mem>>)
      %mul3A_545 = arith.constant 4 : i32
      %mul3A_546 = arith.muli %scan3A_28, %mul3A_545 : i32
      %add3A_547 = arith.constant 3 : i32
      %add3A_548 = arith.addi %mul3A_546, %add3A_547 : i32
      %gt3A_549 = arith.constant 0 : i32
      %gt3A_550 = arith.cmpi sgt, %scan3A_28, %gt3A_549 : i32
      %convert_element_type3A_551 = arith.extui %gt3A_550 : i1 to i32
      %cond3A_552 = arith.constant 0 : i32
      %cond3A_553 = arith.cmpi ne, %convert_element_type3A_551, %cond3A_552 : i32
      scf.if %cond3A_553 {
        %dma_wait3A_719 = arith.constant 0 : i32
        %dma_wait3A_720 = tpu.memref_slice %arg6[%dma_wait3A_719, %mul3A_2] : memref<64x262144xf32, #tpu.memory_space<hbm>> -> memref<64x128xf32, #tpu.memory_space<hbm>>
        %dma_wait3A_721 = arith.constant 0 : i32
        %dma_wait3A_722 = tpu.memref_slice %arg6[%dma_wait3A_721, %mul3A_2] : memref<64x262144xf32, #tpu.memory_space<hbm>> -> memref<64x128xf32, #tpu.memory_space<hbm>>
        tpu.wait_dma2 semaphore(%arg18 : memref<!tpu.dma_semaphore, #tpu.memory_space<semaphore_mem>>) src(%arg14 : memref<64x128xf32, #tpu.memory_space<vmem>>) dst(%dma_wait3A_722 : memref<64x128xf32, #tpu.memory_space<hbm>>)
      } else {
      }
      %mul3A_554 = arith.constant 128 : i32
      %mul3A_555 = arith.muli %add3A_548, %mul3A_554 : i32
      %add3A_556 = arith.constant 0 : i32
      %add3A_557 = arith.addi %mul3A_555, %add3A_556 : i32
      %get3A_558 = arith.index_cast %add3A_557 : i32 to index
      %get3A_559 = tpu.vector_load %arg9[%get3A_558] {strides = array<i32>} : memref<8192xf32, #tpu.memory_space<vmem>>, vector<16xf32>,
      %get3A_560 = vector.shape_cast %get3A_559 : vector<16xf32> to vector<16xf32>
      %mul3A_561 = arith.mulf %get3A_560, %get3A_4 : vector<16xf32>
      %add3A_562 = arith.addf %mul3A_561, %get3A_7 : vector<16xf32>
      %convert_element_type3A_563 = arith.fptosi %add3A_562 : vector<16xf32> to vector<16xi32>
      %and3A_564 = arith.constant 31 : i32
      %and3A_565 = vector.broadcast %and3A_564 : i32 to vector<16xi32>
      %and3A_566 = arith.andi %convert_element_type3A_563, %and3A_565 : vector<16xi32>
      %and3A_567 = arith.constant 15 : i32
      %and3A_568 = vector.broadcast %and3A_567 : i32 to vector<16xi32>
      %and3A_569 = arith.andi %and3A_566, %and3A_568 : vector<16xi32>
      %lt3A_570 = arith.constant 16 : i32
      %lt3A_571 = vector.broadcast %lt3A_570 : i32 to vector<16xi32>
      %lt3A_572 = arith.cmpi slt, %and3A_566, %lt3A_571 : vector<16xi32>
      %mul3A_573 = arith.constant 128 : i32
      %mul3A_574 = arith.muli %add3A_548, %mul3A_573 : i32
      %add3A_575 = arith.constant 16 : i32
      %add3A_576 = arith.addi %mul3A_574, %add3A_575 : i32
      %get3A_577 = arith.index_cast %add3A_576 : i32 to index
      %get3A_578 = tpu.vector_load %arg9[%get3A_577] {strides = array<i32>} : memref<8192xf32, #tpu.memory_space<vmem>>, vector<16xf32>,
      %get3A_579 = vector.shape_cast %get3A_578 : vector<16xf32> to vector<16xf32>
      %mul3A_580 = arith.mulf %get3A_579, %get3A_4 : vector<16xf32>
      %add3A_581 = arith.addf %mul3A_580, %get3A_7 : vector<16xf32>
      %convert_element_type3A_582 = arith.fptosi %add3A_581 : vector<16xf32> to vector<16xi32>
      %and3A_583 = arith.constant 31 : i32
      %and3A_584 = vector.broadcast %and3A_583 : i32 to vector<16xi32>
      %and3A_585 = arith.andi %convert_element_type3A_582, %and3A_584 : vector<16xi32>
      %and3A_586 = arith.constant 15 : i32
      %and3A_587 = vector.broadcast %and3A_586 : i32 to vector<16xi32>
      %and3A_588 = arith.andi %and3A_585, %and3A_587 : vector<16xi32>
      %lt3A_589 = arith.constant 16 : i32
      %lt3A_590 = vector.broadcast %lt3A_589 : i32 to vector<16xi32>
      %lt3A_591 = arith.cmpi slt, %and3A_585, %lt3A_590 : vector<16xi32>
      %mul3A_592 = arith.constant 128 : i32
      %mul3A_593 = arith.muli %add3A_548, %mul3A_592 : i32
      %add3A_594 = arith.constant 32 : i32
      %add3A_595 = arith.addi %mul3A_593, %add3A_594 : i32
      %get3A_596 = arith.index_cast %add3A_595 : i32 to index
      %get3A_597 = tpu.vector_load %arg9[%get3A_596] {strides = array<i32>} : memref<8192xf32, #tpu.memory_space<vmem>>, vector<16xf32>,
      %get3A_598 = vector.shape_cast %get3A_597 : vector<16xf32> to vector<16xf32>
      %mul3A_599 = arith.mulf %get3A_598, %get3A_4 : vector<16xf32>
      %add3A_600 = arith.addf %mul3A_599, %get3A_7 : vector<16xf32>
      %convert_element_type3A_601 = arith.fptosi %add3A_600 : vector<16xf32> to vector<16xi32>
      %and3A_602 = arith.constant 31 : i32
      %and3A_603 = vector.broadcast %and3A_602 : i32 to vector<16xi32>
      %and3A_604 = arith.andi %convert_element_type3A_601, %and3A_603 : vector<16xi32>
      %and3A_605 = arith.constant 15 : i32
      %and3A_606 = vector.broadcast %and3A_605 : i32 to vector<16xi32>
      %and3A_607 = arith.andi %and3A_604, %and3A_606 : vector<16xi32>
      %lt3A_608 = arith.constant 16 : i32
      %lt3A_609 = vector.broadcast %lt3A_608 : i32 to vector<16xi32>
      %lt3A_610 = arith.cmpi slt, %and3A_604, %lt3A_609 : vector<16xi32>
      %mul3A_611 = arith.constant 128 : i32
      %mul3A_612 = arith.muli %add3A_548, %mul3A_611 : i32
      %add3A_613 = arith.constant 48 : i32
      %add3A_614 = arith.addi %mul3A_612, %add3A_613 : i32
      %get3A_615 = arith.index_cast %add3A_614 : i32 to index
      %get3A_616 = tpu.vector_load %arg9[%get3A_615] {strides = array<i32>} : memref<8192xf32, #tpu.memory_space<vmem>>, vector<16xf32>,
      %get3A_617 = vector.shape_cast %get3A_616 : vector<16xf32> to vector<16xf32>
      %mul3A_618 = arith.mulf %get3A_617, %get3A_4 : vector<16xf32>
      %add3A_619 = arith.addf %mul3A_618, %get3A_7 : vector<16xf32>
      %convert_element_type3A_620 = arith.fptosi %add3A_619 : vector<16xf32> to vector<16xi32>
      %and3A_621 = arith.constant 31 : i32
      %and3A_622 = vector.broadcast %and3A_621 : i32 to vector<16xi32>
      %and3A_623 = arith.andi %convert_element_type3A_620, %and3A_622 : vector<16xi32>
      %and3A_624 = arith.constant 15 : i32
      %and3A_625 = vector.broadcast %and3A_624 : i32 to vector<16xi32>
      %and3A_626 = arith.andi %and3A_623, %and3A_625 : vector<16xi32>
      %lt3A_627 = arith.constant 16 : i32
      %lt3A_628 = vector.broadcast %lt3A_627 : i32 to vector<16xi32>
      %lt3A_629 = arith.cmpi slt, %and3A_623, %lt3A_628 : vector<16xi32>
      %mul3A_630 = arith.constant 128 : i32
      %mul3A_631 = arith.muli %add3A_548, %mul3A_630 : i32
      %add3A_632 = arith.constant 64 : i32
      %add3A_633 = arith.addi %mul3A_631, %add3A_632 : i32
      %get3A_634 = arith.index_cast %add3A_633 : i32 to index
      %get3A_635 = tpu.vector_load %arg9[%get3A_634] {strides = array<i32>} : memref<8192xf32, #tpu.memory_space<vmem>>, vector<16xf32>,
      %get3A_636 = vector.shape_cast %get3A_635 : vector<16xf32> to vector<16xf32>
      %mul3A_637 = arith.mulf %get3A_636, %get3A_4 : vector<16xf32>
      %add3A_638 = arith.addf %mul3A_637, %get3A_7 : vector<16xf32>
      %convert_element_type3A_639 = arith.fptosi %add3A_638 : vector<16xf32> to vector<16xi32>
      %and3A_640 = arith.constant 31 : i32
      %and3A_641 = vector.broadcast %and3A_640 : i32 to vector<16xi32>
      %and3A_642 = arith.andi %convert_element_type3A_639, %and3A_641 : vector<16xi32>
      %and3A_643 = arith.constant 15 : i32
      %and3A_644 = vector.broadcast %and3A_643 : i32 to vector<16xi32>
      %and3A_645 = arith.andi %and3A_642, %and3A_644 : vector<16xi32>
      %lt3A_646 = arith.constant 16 : i32
      %lt3A_647 = vector.broadcast %lt3A_646 : i32 to vector<16xi32>
      %lt3A_648 = arith.cmpi slt, %and3A_642, %lt3A_647 : vector<16xi32>
      %mul3A_649 = arith.constant 128 : i32
      %mul3A_650 = arith.muli %add3A_548, %mul3A_649 : i32
      %add3A_651 = arith.constant 80 : i32
      %add3A_652 = arith.addi %mul3A_650, %add3A_651 : i32
      %get3A_653 = arith.index_cast %add3A_652 : i32 to index
      %get3A_654 = tpu.vector_load %arg9[%get3A_653] {strides = array<i32>} : memref<8192xf32, #tpu.memory_space<vmem>>, vector<16xf32>,
      %get3A_655 = vector.shape_cast %get3A_654 : vector<16xf32> to vector<16xf32>
      %mul3A_656 = arith.mulf %get3A_655, %get3A_4 : vector<16xf32>
      %add3A_657 = arith.addf %mul3A_656, %get3A_7 : vector<16xf32>
      %convert_element_type3A_658 = arith.fptosi %add3A_657 : vector<16xf32> to vector<16xi32>
      %and3A_659 = arith.constant 31 : i32
      %and3A_660 = vector.broadcast %and3A_659 : i32 to vector<16xi32>
      %and3A_661 = arith.andi %convert_element_type3A_658, %and3A_660 : vector<16xi32>
      %and3A_662 = arith.constant 15 : i32
      %and3A_663 = vector.broadcast %and3A_662 : i32 to vector<16xi32>
      %and3A_664 = arith.andi %and3A_661, %and3A_663 : vector<16xi32>
      %lt3A_665 = arith.constant 16 : i32
      %lt3A_666 = vector.broadcast %lt3A_665 : i32 to vector<16xi32>
      %lt3A_667 = arith.cmpi slt, %and3A_661, %lt3A_666 : vector<16xi32>
      %mul3A_668 = arith.constant 128 : i32
      %mul3A_669 = arith.muli %add3A_548, %mul3A_668 : i32
      %add3A_670 = arith.constant 96 : i32
      %add3A_671 = arith.addi %mul3A_669, %add3A_670 : i32
      %get3A_672 = arith.index_cast %add3A_671 : i32 to index
      %get3A_673 = tpu.vector_load %arg9[%get3A_672] {strides = array<i32>} : memref<8192xf32, #tpu.memory_space<vmem>>, vector<16xf32>,
      %get3A_674 = vector.shape_cast %get3A_673 : vector<16xf32> to vector<16xf32>
      %mul3A_675 = arith.mulf %get3A_674, %get3A_4 : vector<16xf32>
      %add3A_676 = arith.addf %mul3A_675, %get3A_7 : vector<16xf32>
      %convert_element_type3A_677 = arith.fptosi %add3A_676 : vector<16xf32> to vector<16xi32>
      %and3A_678 = arith.constant 31 : i32
      %and3A_679 = vector.broadcast %and3A_678 : i32 to vector<16xi32>
      %and3A_680 = arith.andi %convert_element_type3A_677, %and3A_679 : vector<16xi32>
      %and3A_681 = arith.constant 15 : i32
      %and3A_682 = vector.broadcast %and3A_681 : i32 to vector<16xi32>
      %and3A_683 = arith.andi %and3A_680, %and3A_682 : vector<16xi32>
      %lt3A_684 = arith.constant 16 : i32
      %lt3A_685 = vector.broadcast %lt3A_684 : i32 to vector<16xi32>
      %lt3A_686 = arith.cmpi slt, %and3A_680, %lt3A_685 : vector<16xi32>
      %mul3A_687 = arith.constant 128 : i32
      %mul3A_688 = arith.muli %add3A_548, %mul3A_687 : i32
      %add3A_689 = arith.constant 112 : i32
      %add3A_690 = arith.addi %mul3A_688, %add3A_689 : i32
      %get3A_691 = arith.index_cast %add3A_690 : i32 to index
      %get3A_692 = tpu.vector_load %arg9[%get3A_691] {strides = array<i32>} : memref<8192xf32, #tpu.memory_space<vmem>>, vector<16xf32>,
      %get3A_693 = vector.shape_cast %get3A_692 : vector<16xf32> to vector<16xf32>
      %mul3A_694 = arith.mulf %get3A_693, %get3A_4 : vector<16xf32>
      %add3A_695 = arith.addf %mul3A_694, %get3A_7 : vector<16xf32>
      %convert_element_type3A_696 = arith.fptosi %add3A_695 : vector<16xf32> to vector<16xi32>
      %and3A_697 = arith.constant 31 : i32
      %and3A_698 = vector.broadcast %and3A_697 : i32 to vector<16xi32>
      %and3A_699 = arith.andi %convert_element_type3A_696, %and3A_698 : vector<16xi32>
      %and3A_700 = arith.constant 15 : i32
      %and3A_701 = vector.broadcast %and3A_700 : i32 to vector<16xi32>
      %and3A_702 = arith.andi %and3A_699, %and3A_701 : vector<16xi32>
      %lt3A_703 = arith.constant 16 : i32
      %lt3A_704 = vector.broadcast %lt3A_703 : i32 to vector<16xi32>
      %lt3A_705 = arith.cmpi slt, %and3A_699, %lt3A_704 : vector<16xi32>
      %scan3A_706 = arith.constant 0 : i32
      %scan3A_707 = arith.constant 0 : i32
      %scan3A_708 = arith.constant 16 : i32
      %scan3A_709 = arith.addi %scan3A_707, %scan3A_708 : i32
      %scan3A_710 = arith.constant 1 : i32
      scf.for %scan3A_719 = %scan3A_707 to %scan3A_709 step %scan3A_710  : i32 {
        %mul3A_720 = arith.constant 4 : i32
        %mul3A_721 = arith.muli %scan3A_719, %mul3A_720 : i32
        %add3A_722 = arith.constant 0 : i32
        %add3A_723 = arith.addi %mul3A_721, %add3A_722 : i32
        %get3A_724 = arith.index_cast %add3A_723 : i32 to index
        %get3A_725 = arith.constant 0 : index
        %get3A_726 = tpu.vector_load %arg10[%get3A_724, %get3A_725] {strides = array<i32>} : memref<64x32xf32, #tpu.memory_space<vmem>>, vector<1x16xf32>,
        %get3A_727 = vector.shape_cast %get3A_726 : vector<1x16xf32> to vector<16xf32>
        %get3A_728 = arith.index_cast %add3A_723 : i32 to index
        %get3A_729 = arith.constant 16 : index
        %get3A_730 = tpu.vector_load %arg10[%get3A_728, %get3A_729] {strides = array<i32>} : memref<64x32xf32, #tpu.memory_space<vmem>>, vector<1x16xf32>,
        %get3A_731 = vector.shape_cast %get3A_730 : vector<1x16xf32> to vector<16xf32>
        %broadcast_in_dim3A = vector.shape_cast %and3A_569 : vector<16xi32> to vector<16x1xi32>
        %gather3A = vector.shape_cast %broadcast_in_dim3A : vector<16x1xi32> to vector<16xi32>
        %gather3A_732 = tpu.dynamic_gather %get3A_727[%gather3A] in [0] : vector<16xf32>, vector<16xi32> -> vector<16xf32>
        %broadcast_in_dim3A_733 = vector.shape_cast %and3A_569 : vector<16xi32> to vector<16x1xi32>
        %gather3A_734 = vector.shape_cast %broadcast_in_dim3A_733 : vector<16x1xi32> to vector<16xi32>
        %gather3A_735 = tpu.dynamic_gather %get3A_731[%gather3A_734] in [0] : vector<16xf32>, vector<16xi32> -> vector<16xf32>
        %select_n3A = arith.select %lt3A_572, %gather3A_732, %gather3A_735 : vector<16xi1>, vector<16xf32>
        %swap3A = arith.index_cast %add3A_723 : i32 to index
        %swap3A_736 = arith.constant 0 : index
        %swap3A_737 = tpu.vector_load %arg14[%swap3A, %swap3A_736] {strides = array<i32>} : memref<64x128xf32, #tpu.memory_space<vmem>>, vector<1x16xf32>,
        %swap3A_738 = vector.shape_cast %swap3A_737 : vector<1x16xf32> to vector<16xf32>
        %swap3A_739 = vector.shape_cast %select_n3A : vector<16xf32> to vector<1x16xf32>
        tpu.vector_store %arg14[%swap3A, %swap3A_736], %swap3A_739 {strides = array<i32>} : memref<64x128xf32, #tpu.memory_space<vmem>>, vector<1x16xf32>,
        %broadcast_in_dim3A_740 = vector.shape_cast %and3A_588 : vector<16xi32> to vector<16x1xi32>
        %gather3A_741 = vector.shape_cast %broadcast_in_dim3A_740 : vector<16x1xi32> to vector<16xi32>
        %gather3A_742 = tpu.dynamic_gather %get3A_727[%gather3A_741] in [0] : vector<16xf32>, vector<16xi32> -> vector<16xf32>
        %broadcast_in_dim3A_743 = vector.shape_cast %and3A_588 : vector<16xi32> to vector<16x1xi32>
        %gather3A_744 = vector.shape_cast %broadcast_in_dim3A_743 : vector<16x1xi32> to vector<16xi32>
        %gather3A_745 = tpu.dynamic_gather %get3A_731[%gather3A_744] in [0] : vector<16xf32>, vector<16xi32> -> vector<16xf32>
        %select_n3A_746 = arith.select %lt3A_591, %gather3A_742, %gather3A_745 : vector<16xi1>, vector<16xf32>
        %swap3A_747 = arith.index_cast %add3A_723 : i32 to index
        %swap3A_748 = arith.constant 16 : index
        %swap3A_749 = tpu.vector_load %arg14[%swap3A_747, %swap3A_748] {strides = array<i32>} : memref<64x128xf32, #tpu.memory_space<vmem>>, vector<1x16xf32>,
        %swap3A_750 = vector.shape_cast %swap3A_749 : vector<1x16xf32> to vector<16xf32>
        %swap3A_751 = vector.shape_cast %select_n3A_746 : vector<16xf32> to vector<1x16xf32>
        tpu.vector_store %arg14[%swap3A_747, %swap3A_748], %swap3A_751 {strides = array<i32>} : memref<64x128xf32, #tpu.memory_space<vmem>>, vector<1x16xf32>,
        %broadcast_in_dim3A_752 = vector.shape_cast %and3A_607 : vector<16xi32> to vector<16x1xi32>
        %gather3A_753 = vector.shape_cast %broadcast_in_dim3A_752 : vector<16x1xi32> to vector<16xi32>
        %gather3A_754 = tpu.dynamic_gather %get3A_727[%gather3A_753] in [0] : vector<16xf32>, vector<16xi32> -> vector<16xf32>
        %broadcast_in_dim3A_755 = vector.shape_cast %and3A_607 : vector<16xi32> to vector<16x1xi32>
        %gather3A_756 = vector.shape_cast %broadcast_in_dim3A_755 : vector<16x1xi32> to vector<16xi32>
        %gather3A_757 = tpu.dynamic_gather %get3A_731[%gather3A_756] in [0] : vector<16xf32>, vector<16xi32> -> vector<16xf32>
        %select_n3A_758 = arith.select %lt3A_610, %gather3A_754, %gather3A_757 : vector<16xi1>, vector<16xf32>
        %swap3A_759 = arith.index_cast %add3A_723 : i32 to index
        %swap3A_760 = arith.constant 32 : index
        %swap3A_761 = tpu.vector_load %arg14[%swap3A_759, %swap3A_760] {strides = array<i32>} : memref<64x128xf32, #tpu.memory_space<vmem>>, vector<1x16xf32>,
        %swap3A_762 = vector.shape_cast %swap3A_761 : vector<1x16xf32> to vector<16xf32>
        %swap3A_763 = vector.shape_cast %select_n3A_758 : vector<16xf32> to vector<1x16xf32>
        tpu.vector_store %arg14[%swap3A_759, %swap3A_760], %swap3A_763 {strides = array<i32>} : memref<64x128xf32, #tpu.memory_space<vmem>>, vector<1x16xf32>,
        %broadcast_in_dim3A_764 = vector.shape_cast %and3A_626 : vector<16xi32> to vector<16x1xi32>
        %gather3A_765 = vector.shape_cast %broadcast_in_dim3A_764 : vector<16x1xi32> to vector<16xi32>
        %gather3A_766 = tpu.dynamic_gather %get3A_727[%gather3A_765] in [0] : vector<16xf32>, vector<16xi32> -> vector<16xf32>
        %broadcast_in_dim3A_767 = vector.shape_cast %and3A_626 : vector<16xi32> to vector<16x1xi32>
        %gather3A_768 = vector.shape_cast %broadcast_in_dim3A_767 : vector<16x1xi32> to vector<16xi32>
        %gather3A_769 = tpu.dynamic_gather %get3A_731[%gather3A_768] in [0] : vector<16xf32>, vector<16xi32> -> vector<16xf32>
        %select_n3A_770 = arith.select %lt3A_629, %gather3A_766, %gather3A_769 : vector<16xi1>, vector<16xf32>
        %swap3A_771 = arith.index_cast %add3A_723 : i32 to index
        %swap3A_772 = arith.constant 48 : index
        %swap3A_773 = tpu.vector_load %arg14[%swap3A_771, %swap3A_772] {strides = array<i32>} : memref<64x128xf32, #tpu.memory_space<vmem>>, vector<1x16xf32>,
        %swap3A_774 = vector.shape_cast %swap3A_773 : vector<1x16xf32> to vector<16xf32>
        %swap3A_775 = vector.shape_cast %select_n3A_770 : vector<16xf32> to vector<1x16xf32>
        tpu.vector_store %arg14[%swap3A_771, %swap3A_772], %swap3A_775 {strides = array<i32>} : memref<64x128xf32, #tpu.memory_space<vmem>>, vector<1x16xf32>,
        %broadcast_in_dim3A_776 = vector.shape_cast %and3A_645 : vector<16xi32> to vector<16x1xi32>
        %gather3A_777 = vector.shape_cast %broadcast_in_dim3A_776 : vector<16x1xi32> to vector<16xi32>
        %gather3A_778 = tpu.dynamic_gather %get3A_727[%gather3A_777] in [0] : vector<16xf32>, vector<16xi32> -> vector<16xf32>
        %broadcast_in_dim3A_779 = vector.shape_cast %and3A_645 : vector<16xi32> to vector<16x1xi32>
        %gather3A_780 = vector.shape_cast %broadcast_in_dim3A_779 : vector<16x1xi32> to vector<16xi32>
        %gather3A_781 = tpu.dynamic_gather %get3A_731[%gather3A_780] in [0] : vector<16xf32>, vector<16xi32> -> vector<16xf32>
        %select_n3A_782 = arith.select %lt3A_648, %gather3A_778, %gather3A_781 : vector<16xi1>, vector<16xf32>
        %swap3A_783 = arith.index_cast %add3A_723 : i32 to index
        %swap3A_784 = arith.constant 64 : index
        %swap3A_785 = tpu.vector_load %arg14[%swap3A_783, %swap3A_784] {strides = array<i32>} : memref<64x128xf32, #tpu.memory_space<vmem>>, vector<1x16xf32>,
        %swap3A_786 = vector.shape_cast %swap3A_785 : vector<1x16xf32> to vector<16xf32>
        %swap3A_787 = vector.shape_cast %select_n3A_782 : vector<16xf32> to vector<1x16xf32>
        tpu.vector_store %arg14[%swap3A_783, %swap3A_784], %swap3A_787 {strides = array<i32>} : memref<64x128xf32, #tpu.memory_space<vmem>>, vector<1x16xf32>,
        %broadcast_in_dim3A_788 = vector.shape_cast %and3A_664 : vector<16xi32> to vector<16x1xi32>
        %gather3A_789 = vector.shape_cast %broadcast_in_dim3A_788 : vector<16x1xi32> to vector<16xi32>
        %gather3A_790 = tpu.dynamic_gather %get3A_727[%gather3A_789] in [0] : vector<16xf32>, vector<16xi32> -> vector<16xf32>
        %broadcast_in_dim3A_791 = vector.shape_cast %and3A_664 : vector<16xi32> to vector<16x1xi32>
        %gather3A_792 = vector.shape_cast %broadcast_in_dim3A_791 : vector<16x1xi32> to vector<16xi32>
        %gather3A_793 = tpu.dynamic_gather %get3A_731[%gather3A_792] in [0] : vector<16xf32>, vector<16xi32> -> vector<16xf32>
        %select_n3A_794 = arith.select %lt3A_667, %gather3A_790, %gather3A_793 : vector<16xi1>, vector<16xf32>
        %swap3A_795 = arith.index_cast %add3A_723 : i32 to index
        %swap3A_796 = arith.constant 80 : index
        %swap3A_797 = tpu.vector_load %arg14[%swap3A_795, %swap3A_796] {strides = array<i32>} : memref<64x128xf32, #tpu.memory_space<vmem>>, vector<1x16xf32>,
        %swap3A_798 = vector.shape_cast %swap3A_797 : vector<1x16xf32> to vector<16xf32>
        %swap3A_799 = vector.shape_cast %select_n3A_794 : vector<16xf32> to vector<1x16xf32>
        tpu.vector_store %arg14[%swap3A_795, %swap3A_796], %swap3A_799 {strides = array<i32>} : memref<64x128xf32, #tpu.memory_space<vmem>>, vector<1x16xf32>,
        %broadcast_in_dim3A_800 = vector.shape_cast %and3A_683 : vector<16xi32> to vector<16x1xi32>
        %gather3A_801 = vector.shape_cast %broadcast_in_dim3A_800 : vector<16x1xi32> to vector<16xi32>
        %gather3A_802 = tpu.dynamic_gather %get3A_727[%gather3A_801] in [0] : vector<16xf32>, vector<16xi32> -> vector<16xf32>
        %broadcast_in_dim3A_803 = vector.shape_cast %and3A_683 : vector<16xi32> to vector<16x1xi32>
        %gather3A_804 = vector.shape_cast %broadcast_in_dim3A_803 : vector<16x1xi32> to vector<16xi32>
        %gather3A_805 = tpu.dynamic_gather %get3A_731[%gather3A_804] in [0] : vector<16xf32>, vector<16xi32> -> vector<16xf32>
        %select_n3A_806 = arith.select %lt3A_686, %gather3A_802, %gather3A_805 : vector<16xi1>, vector<16xf32>
        %swap3A_807 = arith.index_cast %add3A_723 : i32 to index
        %swap3A_808 = arith.constant 96 : index
        %swap3A_809 = tpu.vector_load %arg14[%swap3A_807, %swap3A_808] {strides = array<i32>} : memref<64x128xf32, #tpu.memory_space<vmem>>, vector<1x16xf32>,
        %swap3A_810 = vector.shape_cast %swap3A_809 : vector<1x16xf32> to vector<16xf32>
        %swap3A_811 = vector.shape_cast %select_n3A_806 : vector<16xf32> to vector<1x16xf32>
        tpu.vector_store %arg14[%swap3A_807, %swap3A_808], %swap3A_811 {strides = array<i32>} : memref<64x128xf32, #tpu.memory_space<vmem>>, vector<1x16xf32>,
        %broadcast_in_dim3A_812 = vector.shape_cast %and3A_702 : vector<16xi32> to vector<16x1xi32>
        %gather3A_813 = vector.shape_cast %broadcast_in_dim3A_812 : vector<16x1xi32> to vector<16xi32>
        %gather3A_814 = tpu.dynamic_gather %get3A_727[%gather3A_813] in [0] : vector<16xf32>, vector<16xi32> -> vector<16xf32>
        %broadcast_in_dim3A_815 = vector.shape_cast %and3A_702 : vector<16xi32> to vector<16x1xi32>
        %gather3A_816 = vector.shape_cast %broadcast_in_dim3A_815 : vector<16x1xi32> to vector<16xi32>
        %gather3A_817 = tpu.dynamic_gather %get3A_731[%gather3A_816] in [0] : vector<16xf32>, vector<16xi32> -> vector<16xf32>
        %select_n3A_818 = arith.select %lt3A_705, %gather3A_814, %gather3A_817 : vector<16xi1>, vector<16xf32>
        %swap3A_819 = arith.index_cast %add3A_723 : i32 to index
        %swap3A_820 = arith.constant 112 : index
        %swap3A_821 = tpu.vector_load %arg14[%swap3A_819, %swap3A_820] {strides = array<i32>} : memref<64x128xf32, #tpu.memory_space<vmem>>, vector<1x16xf32>,
        %swap3A_822 = vector.shape_cast %swap3A_821 : vector<1x16xf32> to vector<16xf32>
        %swap3A_823 = vector.shape_cast %select_n3A_818 : vector<16xf32> to vector<1x16xf32>
        tpu.vector_store %arg14[%swap3A_819, %swap3A_820], %swap3A_823 {strides = array<i32>} : memref<64x128xf32, #tpu.memory_space<vmem>>, vector<1x16xf32>,
        %mul3A_824 = arith.constant 4 : i32
        %mul3A_825 = arith.muli %scan3A_719, %mul3A_824 : i32
        %add3A_826 = arith.constant 1 : i32
        %add3A_827 = arith.addi %mul3A_825, %add3A_826 : i32
        %get3A_828 = arith.index_cast %add3A_827 : i32 to index
        %get3A_829 = arith.constant 0 : index
        %get3A_830 = tpu.vector_load %arg10[%get3A_828, %get3A_829] {strides = array<i32>} : memref<64x32xf32, #tpu.memory_space<vmem>>, vector<1x16xf32>,
        %get3A_831 = vector.shape_cast %get3A_830 : vector<1x16xf32> to vector<16xf32>
        %get3A_832 = arith.index_cast %add3A_827 : i32 to index
        %get3A_833 = arith.constant 16 : index
        %get3A_834 = tpu.vector_load %arg10[%get3A_832, %get3A_833] {strides = array<i32>} : memref<64x32xf32, #tpu.memory_space<vmem>>, vector<1x16xf32>,
        %get3A_835 = vector.shape_cast %get3A_834 : vector<1x16xf32> to vector<16xf32>
        %broadcast_in_dim3A_836 = vector.shape_cast %and3A_569 : vector<16xi32> to vector<16x1xi32>
        %gather3A_837 = vector.shape_cast %broadcast_in_dim3A_836 : vector<16x1xi32> to vector<16xi32>
        %gather3A_838 = tpu.dynamic_gather %get3A_831[%gather3A_837] in [0] : vector<16xf32>, vector<16xi32> -> vector<16xf32>
        %broadcast_in_dim3A_839 = vector.shape_cast %and3A_569 : vector<16xi32> to vector<16x1xi32>
        %gather3A_840 = vector.shape_cast %broadcast_in_dim3A_839 : vector<16x1xi32> to vector<16xi32>
        %gather3A_841 = tpu.dynamic_gather %get3A_835[%gather3A_840] in [0] : vector<16xf32>, vector<16xi32> -> vector<16xf32>
        %select_n3A_842 = arith.select %lt3A_572, %gather3A_838, %gather3A_841 : vector<16xi1>, vector<16xf32>
        %swap3A_843 = arith.index_cast %add3A_827 : i32 to index
        %swap3A_844 = arith.constant 0 : index
        %swap3A_845 = tpu.vector_load %arg14[%swap3A_843, %swap3A_844] {strides = array<i32>} : memref<64x128xf32, #tpu.memory_space<vmem>>, vector<1x16xf32>,
        %swap3A_846 = vector.shape_cast %swap3A_845 : vector<1x16xf32> to vector<16xf32>
        %swap3A_847 = vector.shape_cast %select_n3A_842 : vector<16xf32> to vector<1x16xf32>
        tpu.vector_store %arg14[%swap3A_843, %swap3A_844], %swap3A_847 {strides = array<i32>} : memref<64x128xf32, #tpu.memory_space<vmem>>, vector<1x16xf32>,
        %broadcast_in_dim3A_848 = vector.shape_cast %and3A_588 : vector<16xi32> to vector<16x1xi32>
        %gather3A_849 = vector.shape_cast %broadcast_in_dim3A_848 : vector<16x1xi32> to vector<16xi32>
        %gather3A_850 = tpu.dynamic_gather %get3A_831[%gather3A_849] in [0] : vector<16xf32>, vector<16xi32> -> vector<16xf32>
        %broadcast_in_dim3A_851 = vector.shape_cast %and3A_588 : vector<16xi32> to vector<16x1xi32>
        %gather3A_852 = vector.shape_cast %broadcast_in_dim3A_851 : vector<16x1xi32> to vector<16xi32>
        %gather3A_853 = tpu.dynamic_gather %get3A_835[%gather3A_852] in [0] : vector<16xf32>, vector<16xi32> -> vector<16xf32>
        %select_n3A_854 = arith.select %lt3A_591, %gather3A_850, %gather3A_853 : vector<16xi1>, vector<16xf32>
        %swap3A_855 = arith.index_cast %add3A_827 : i32 to index
        %swap3A_856 = arith.constant 16 : index
        %swap3A_857 = tpu.vector_load %arg14[%swap3A_855, %swap3A_856] {strides = array<i32>} : memref<64x128xf32, #tpu.memory_space<vmem>>, vector<1x16xf32>,
        %swap3A_858 = vector.shape_cast %swap3A_857 : vector<1x16xf32> to vector<16xf32>
        %swap3A_859 = vector.shape_cast %select_n3A_854 : vector<16xf32> to vector<1x16xf32>
        tpu.vector_store %arg14[%swap3A_855, %swap3A_856], %swap3A_859 {strides = array<i32>} : memref<64x128xf32, #tpu.memory_space<vmem>>, vector<1x16xf32>,
        %broadcast_in_dim3A_860 = vector.shape_cast %and3A_607 : vector<16xi32> to vector<16x1xi32>
        %gather3A_861 = vector.shape_cast %broadcast_in_dim3A_860 : vector<16x1xi32> to vector<16xi32>
        %gather3A_862 = tpu.dynamic_gather %get3A_831[%gather3A_861] in [0] : vector<16xf32>, vector<16xi32> -> vector<16xf32>
        %broadcast_in_dim3A_863 = vector.shape_cast %and3A_607 : vector<16xi32> to vector<16x1xi32>
        %gather3A_864 = vector.shape_cast %broadcast_in_dim3A_863 : vector<16x1xi32> to vector<16xi32>
        %gather3A_865 = tpu.dynamic_gather %get3A_835[%gather3A_864] in [0] : vector<16xf32>, vector<16xi32> -> vector<16xf32>
        %select_n3A_866 = arith.select %lt3A_610, %gather3A_862, %gather3A_865 : vector<16xi1>, vector<16xf32>
        %swap3A_867 = arith.index_cast %add3A_827 : i32 to index
        %swap3A_868 = arith.constant 32 : index
        %swap3A_869 = tpu.vector_load %arg14[%swap3A_867, %swap3A_868] {strides = array<i32>} : memref<64x128xf32, #tpu.memory_space<vmem>>, vector<1x16xf32>,
        %swap3A_870 = vector.shape_cast %swap3A_869 : vector<1x16xf32> to vector<16xf32>
        %swap3A_871 = vector.shape_cast %select_n3A_866 : vector<16xf32> to vector<1x16xf32>
        tpu.vector_store %arg14[%swap3A_867, %swap3A_868], %swap3A_871 {strides = array<i32>} : memref<64x128xf32, #tpu.memory_space<vmem>>, vector<1x16xf32>,
        %broadcast_in_dim3A_872 = vector.shape_cast %and3A_626 : vector<16xi32> to vector<16x1xi32>
        %gather3A_873 = vector.shape_cast %broadcast_in_dim3A_872 : vector<16x1xi32> to vector<16xi32>
        %gather3A_874 = tpu.dynamic_gather %get3A_831[%gather3A_873] in [0] : vector<16xf32>, vector<16xi32> -> vector<16xf32>
        %broadcast_in_dim3A_875 = vector.shape_cast %and3A_626 : vector<16xi32> to vector<16x1xi32>
        %gather3A_876 = vector.shape_cast %broadcast_in_dim3A_875 : vector<16x1xi32> to vector<16xi32>
        %gather3A_877 = tpu.dynamic_gather %get3A_835[%gather3A_876] in [0] : vector<16xf32>, vector<16xi32> -> vector<16xf32>
        %select_n3A_878 = arith.select %lt3A_629, %gather3A_874, %gather3A_877 : vector<16xi1>, vector<16xf32>
        %swap3A_879 = arith.index_cast %add3A_827 : i32 to index
        %swap3A_880 = arith.constant 48 : index
        %swap3A_881 = tpu.vector_load %arg14[%swap3A_879, %swap3A_880] {strides = array<i32>} : memref<64x128xf32, #tpu.memory_space<vmem>>, vector<1x16xf32>,
        %swap3A_882 = vector.shape_cast %swap3A_881 : vector<1x16xf32> to vector<16xf32>
        %swap3A_883 = vector.shape_cast %select_n3A_878 : vector<16xf32> to vector<1x16xf32>
        tpu.vector_store %arg14[%swap3A_879, %swap3A_880], %swap3A_883 {strides = array<i32>} : memref<64x128xf32, #tpu.memory_space<vmem>>, vector<1x16xf32>,
        %broadcast_in_dim3A_884 = vector.shape_cast %and3A_645 : vector<16xi32> to vector<16x1xi32>
        %gather3A_885 = vector.shape_cast %broadcast_in_dim3A_884 : vector<16x1xi32> to vector<16xi32>
        %gather3A_886 = tpu.dynamic_gather %get3A_831[%gather3A_885] in [0] : vector<16xf32>, vector<16xi32> -> vector<16xf32>
        %broadcast_in_dim3A_887 = vector.shape_cast %and3A_645 : vector<16xi32> to vector<16x1xi32>
        %gather3A_888 = vector.shape_cast %broadcast_in_dim3A_887 : vector<16x1xi32> to vector<16xi32>
        %gather3A_889 = tpu.dynamic_gather %get3A_835[%gather3A_888] in [0] : vector<16xf32>, vector<16xi32> -> vector<16xf32>
        %select_n3A_890 = arith.select %lt3A_648, %gather3A_886, %gather3A_889 : vector<16xi1>, vector<16xf32>
        %swap3A_891 = arith.index_cast %add3A_827 : i32 to index
        %swap3A_892 = arith.constant 64 : index
        %swap3A_893 = tpu.vector_load %arg14[%swap3A_891, %swap3A_892] {strides = array<i32>} : memref<64x128xf32, #tpu.memory_space<vmem>>, vector<1x16xf32>,
        %swap3A_894 = vector.shape_cast %swap3A_893 : vector<1x16xf32> to vector<16xf32>
        %swap3A_895 = vector.shape_cast %select_n3A_890 : vector<16xf32> to vector<1x16xf32>
        tpu.vector_store %arg14[%swap3A_891, %swap3A_892], %swap3A_895 {strides = array<i32>} : memref<64x128xf32, #tpu.memory_space<vmem>>, vector<1x16xf32>,
        %broadcast_in_dim3A_896 = vector.shape_cast %and3A_664 : vector<16xi32> to vector<16x1xi32>
        %gather3A_897 = vector.shape_cast %broadcast_in_dim3A_896 : vector<16x1xi32> to vector<16xi32>
        %gather3A_898 = tpu.dynamic_gather %get3A_831[%gather3A_897] in [0] : vector<16xf32>, vector<16xi32> -> vector<16xf32>
        %broadcast_in_dim3A_899 = vector.shape_cast %and3A_664 : vector<16xi32> to vector<16x1xi32>
        %gather3A_900 = vector.shape_cast %broadcast_in_dim3A_899 : vector<16x1xi32> to vector<16xi32>
        %gather3A_901 = tpu.dynamic_gather %get3A_835[%gather3A_900] in [0] : vector<16xf32>, vector<16xi32> -> vector<16xf32>
        %select_n3A_902 = arith.select %lt3A_667, %gather3A_898, %gather3A_901 : vector<16xi1>, vector<16xf32>
        %swap3A_903 = arith.index_cast %add3A_827 : i32 to index
        %swap3A_904 = arith.constant 80 : index
        %swap3A_905 = tpu.vector_load %arg14[%swap3A_903, %swap3A_904] {strides = array<i32>} : memref<64x128xf32, #tpu.memory_space<vmem>>, vector<1x16xf32>,
        %swap3A_906 = vector.shape_cast %swap3A_905 : vector<1x16xf32> to vector<16xf32>
        %swap3A_907 = vector.shape_cast %select_n3A_902 : vector<16xf32> to vector<1x16xf32>
        tpu.vector_store %arg14[%swap3A_903, %swap3A_904], %swap3A_907 {strides = array<i32>} : memref<64x128xf32, #tpu.memory_space<vmem>>, vector<1x16xf32>,
        %broadcast_in_dim3A_908 = vector.shape_cast %and3A_683 : vector<16xi32> to vector<16x1xi32>
        %gather3A_909 = vector.shape_cast %broadcast_in_dim3A_908 : vector<16x1xi32> to vector<16xi32>
        %gather3A_910 = tpu.dynamic_gather %get3A_831[%gather3A_909] in [0] : vector<16xf32>, vector<16xi32> -> vector<16xf32>
        %broadcast_in_dim3A_911 = vector.shape_cast %and3A_683 : vector<16xi32> to vector<16x1xi32>
        %gather3A_912 = vector.shape_cast %broadcast_in_dim3A_911 : vector<16x1xi32> to vector<16xi32>
        %gather3A_913 = tpu.dynamic_gather %get3A_835[%gather3A_912] in [0] : vector<16xf32>, vector<16xi32> -> vector<16xf32>
        %select_n3A_914 = arith.select %lt3A_686, %gather3A_910, %gather3A_913 : vector<16xi1>, vector<16xf32>
        %swap3A_915 = arith.index_cast %add3A_827 : i32 to index
        %swap3A_916 = arith.constant 96 : index
        %swap3A_917 = tpu.vector_load %arg14[%swap3A_915, %swap3A_916] {strides = array<i32>} : memref<64x128xf32, #tpu.memory_space<vmem>>, vector<1x16xf32>,
        %swap3A_918 = vector.shape_cast %swap3A_917 : vector<1x16xf32> to vector<16xf32>
        %swap3A_919 = vector.shape_cast %select_n3A_914 : vector<16xf32> to vector<1x16xf32>
        tpu.vector_store %arg14[%swap3A_915, %swap3A_916], %swap3A_919 {strides = array<i32>} : memref<64x128xf32, #tpu.memory_space<vmem>>, vector<1x16xf32>,
        %broadcast_in_dim3A_920 = vector.shape_cast %and3A_702 : vector<16xi32> to vector<16x1xi32>
        %gather3A_921 = vector.shape_cast %broadcast_in_dim3A_920 : vector<16x1xi32> to vector<16xi32>
        %gather3A_922 = tpu.dynamic_gather %get3A_831[%gather3A_921] in [0] : vector<16xf32>, vector<16xi32> -> vector<16xf32>
        %broadcast_in_dim3A_923 = vector.shape_cast %and3A_702 : vector<16xi32> to vector<16x1xi32>
        %gather3A_924 = vector.shape_cast %broadcast_in_dim3A_923 : vector<16x1xi32> to vector<16xi32>
        %gather3A_925 = tpu.dynamic_gather %get3A_835[%gather3A_924] in [0] : vector<16xf32>, vector<16xi32> -> vector<16xf32>
        %select_n3A_926 = arith.select %lt3A_705, %gather3A_922, %gather3A_925 : vector<16xi1>, vector<16xf32>
        %swap3A_927 = arith.index_cast %add3A_827 : i32 to index
        %swap3A_928 = arith.constant 112 : index
        %swap3A_929 = tpu.vector_load %arg14[%swap3A_927, %swap3A_928] {strides = array<i32>} : memref<64x128xf32, #tpu.memory_space<vmem>>, vector<1x16xf32>,
        %swap3A_930 = vector.shape_cast %swap3A_929 : vector<1x16xf32> to vector<16xf32>
        %swap3A_931 = vector.shape_cast %select_n3A_926 : vector<16xf32> to vector<1x16xf32>
        tpu.vector_store %arg14[%swap3A_927, %swap3A_928], %swap3A_931 {strides = array<i32>} : memref<64x128xf32, #tpu.memory_space<vmem>>, vector<1x16xf32>,
        %mul3A_932 = arith.constant 4 : i32
        %mul3A_933 = arith.muli %scan3A_719, %mul3A_932 : i32
        %add3A_934 = arith.constant 2 : i32
        %add3A_935 = arith.addi %mul3A_933, %add3A_934 : i32
        %get3A_936 = arith.index_cast %add3A_935 : i32 to index
        %get3A_937 = arith.constant 0 : index
        %get3A_938 = tpu.vector_load %arg10[%get3A_936, %get3A_937] {strides = array<i32>} : memref<64x32xf32, #tpu.memory_space<vmem>>, vector<1x16xf32>,
        %get3A_939 = vector.shape_cast %get3A_938 : vector<1x16xf32> to vector<16xf32>
        %get3A_940 = arith.index_cast %add3A_935 : i32 to index
        %get3A_941 = arith.constant 16 : index
        %get3A_942 = tpu.vector_load %arg10[%get3A_940, %get3A_941] {strides = array<i32>} : memref<64x32xf32, #tpu.memory_space<vmem>>, vector<1x16xf32>,
        %get3A_943 = vector.shape_cast %get3A_942 : vector<1x16xf32> to vector<16xf32>
        %broadcast_in_dim3A_944 = vector.shape_cast %and3A_569 : vector<16xi32> to vector<16x1xi32>
        %gather3A_945 = vector.shape_cast %broadcast_in_dim3A_944 : vector<16x1xi32> to vector<16xi32>
        %gather3A_946 = tpu.dynamic_gather %get3A_939[%gather3A_945] in [0] : vector<16xf32>, vector<16xi32> -> vector<16xf32>
        %broadcast_in_dim3A_947 = vector.shape_cast %and3A_569 : vector<16xi32> to vector<16x1xi32>
        %gather3A_948 = vector.shape_cast %broadcast_in_dim3A_947 : vector<16x1xi32> to vector<16xi32>
        %gather3A_949 = tpu.dynamic_gather %get3A_943[%gather3A_948] in [0] : vector<16xf32>, vector<16xi32> -> vector<16xf32>
        %select_n3A_950 = arith.select %lt3A_572, %gather3A_946, %gather3A_949 : vector<16xi1>, vector<16xf32>
        %swap3A_951 = arith.index_cast %add3A_935 : i32 to index
        %swap3A_952 = arith.constant 0 : index
        %swap3A_953 = tpu.vector_load %arg14[%swap3A_951, %swap3A_952] {strides = array<i32>} : memref<64x128xf32, #tpu.memory_space<vmem>>, vector<1x16xf32>,
        %swap3A_954 = vector.shape_cast %swap3A_953 : vector<1x16xf32> to vector<16xf32>
        %swap3A_955 = vector.shape_cast %select_n3A_950 : vector<16xf32> to vector<1x16xf32>
        tpu.vector_store %arg14[%swap3A_951, %swap3A_952], %swap3A_955 {strides = array<i32>} : memref<64x128xf32, #tpu.memory_space<vmem>>, vector<1x16xf32>,
        %broadcast_in_dim3A_956 = vector.shape_cast %and3A_588 : vector<16xi32> to vector<16x1xi32>
        %gather3A_957 = vector.shape_cast %broadcast_in_dim3A_956 : vector<16x1xi32> to vector<16xi32>
        %gather3A_958 = tpu.dynamic_gather %get3A_939[%gather3A_957] in [0] : vector<16xf32>, vector<16xi32> -> vector<16xf32>
        %broadcast_in_dim3A_959 = vector.shape_cast %and3A_588 : vector<16xi32> to vector<16x1xi32>
        %gather3A_960 = vector.shape_cast %broadcast_in_dim3A_959 : vector<16x1xi32> to vector<16xi32>
        %gather3A_961 = tpu.dynamic_gather %get3A_943[%gather3A_960] in [0] : vector<16xf32>, vector<16xi32> -> vector<16xf32>
        %select_n3A_962 = arith.select %lt3A_591, %gather3A_958, %gather3A_961 : vector<16xi1>, vector<16xf32>
        %swap3A_963 = arith.index_cast %add3A_935 : i32 to index
        %swap3A_964 = arith.constant 16 : index
        %swap3A_965 = tpu.vector_load %arg14[%swap3A_963, %swap3A_964] {strides = array<i32>} : memref<64x128xf32, #tpu.memory_space<vmem>>, vector<1x16xf32>,
        %swap3A_966 = vector.shape_cast %swap3A_965 : vector<1x16xf32> to vector<16xf32>
        %swap3A_967 = vector.shape_cast %select_n3A_962 : vector<16xf32> to vector<1x16xf32>
        tpu.vector_store %arg14[%swap3A_963, %swap3A_964], %swap3A_967 {strides = array<i32>} : memref<64x128xf32, #tpu.memory_space<vmem>>, vector<1x16xf32>,
        %broadcast_in_dim3A_968 = vector.shape_cast %and3A_607 : vector<16xi32> to vector<16x1xi32>
        %gather3A_969 = vector.shape_cast %broadcast_in_dim3A_968 : vector<16x1xi32> to vector<16xi32>
        %gather3A_970 = tpu.dynamic_gather %get3A_939[%gather3A_969] in [0] : vector<16xf32>, vector<16xi32> -> vector<16xf32>
        %broadcast_in_dim3A_971 = vector.shape_cast %and3A_607 : vector<16xi32> to vector<16x1xi32>
        %gather3A_972 = vector.shape_cast %broadcast_in_dim3A_971 : vector<16x1xi32> to vector<16xi32>
        %gather3A_973 = tpu.dynamic_gather %get3A_943[%gather3A_972] in [0] : vector<16xf32>, vector<16xi32> -> vector<16xf32>
        %select_n3A_974 = arith.select %lt3A_610, %gather3A_970, %gather3A_973 : vector<16xi1>, vector<16xf32>
        %swap3A_975 = arith.index_cast %add3A_935 : i32 to index
        %swap3A_976 = arith.constant 32 : index
        %swap3A_977 = tpu.vector_load %arg14[%swap3A_975, %swap3A_976] {strides = array<i32>} : memref<64x128xf32, #tpu.memory_space<vmem>>, vector<1x16xf32>,
        %swap3A_978 = vector.shape_cast %swap3A_977 : vector<1x16xf32> to vector<16xf32>
        %swap3A_979 = vector.shape_cast %select_n3A_974 : vector<16xf32> to vector<1x16xf32>
        tpu.vector_store %arg14[%swap3A_975, %swap3A_976], %swap3A_979 {strides = array<i32>} : memref<64x128xf32, #tpu.memory_space<vmem>>, vector<1x16xf32>,
        %broadcast_in_dim3A_980 = vector.shape_cast %and3A_626 : vector<16xi32> to vector<16x1xi32>
        %gather3A_981 = vector.shape_cast %broadcast_in_dim3A_980 : vector<16x1xi32> to vector<16xi32>
        %gather3A_982 = tpu.dynamic_gather %get3A_939[%gather3A_981] in [0] : vector<16xf32>, vector<16xi32> -> vector<16xf32>
        %broadcast_in_dim3A_983 = vector.shape_cast %and3A_626 : vector<16xi32> to vector<16x1xi32>
        %gather3A_984 = vector.shape_cast %broadcast_in_dim3A_983 : vector<16x1xi32> to vector<16xi32>
        %gather3A_985 = tpu.dynamic_gather %get3A_943[%gather3A_984] in [0] : vector<16xf32>, vector<16xi32> -> vector<16xf32>
        %select_n3A_986 = arith.select %lt3A_629, %gather3A_982, %gather3A_985 : vector<16xi1>, vector<16xf32>
        %swap3A_987 = arith.index_cast %add3A_935 : i32 to index
        %swap3A_988 = arith.constant 48 : index
        %swap3A_989 = tpu.vector_load %arg14[%swap3A_987, %swap3A_988] {strides = array<i32>} : memref<64x128xf32, #tpu.memory_space<vmem>>, vector<1x16xf32>,
        %swap3A_990 = vector.shape_cast %swap3A_989 : vector<1x16xf32> to vector<16xf32>
        %swap3A_991 = vector.shape_cast %select_n3A_986 : vector<16xf32> to vector<1x16xf32>
        tpu.vector_store %arg14[%swap3A_987, %swap3A_988], %swap3A_991 {strides = array<i32>} : memref<64x128xf32, #tpu.memory_space<vmem>>, vector<1x16xf32>,
        %broadcast_in_dim3A_992 = vector.shape_cast %and3A_645 : vector<16xi32> to vector<16x1xi32>
        %gather3A_993 = vector.shape_cast %broadcast_in_dim3A_992 : vector<16x1xi32> to vector<16xi32>
        %gather3A_994 = tpu.dynamic_gather %get3A_939[%gather3A_993] in [0] : vector<16xf32>, vector<16xi32> -> vector<16xf32>
        %broadcast_in_dim3A_995 = vector.shape_cast %and3A_645 : vector<16xi32> to vector<16x1xi32>
        %gather3A_996 = vector.shape_cast %broadcast_in_dim3A_995 : vector<16x1xi32> to vector<16xi32>
        %gather3A_997 = tpu.dynamic_gather %get3A_943[%gather3A_996] in [0] : vector<16xf32>, vector<16xi32> -> vector<16xf32>
        %select_n3A_998 = arith.select %lt3A_648, %gather3A_994, %gather3A_997 : vector<16xi1>, vector<16xf32>
        %swap3A_999 = arith.index_cast %add3A_935 : i32 to index
        %swap3A_1000 = arith.constant 64 : index
        %swap3A_1001 = tpu.vector_load %arg14[%swap3A_999, %swap3A_1000] {strides = array<i32>} : memref<64x128xf32, #tpu.memory_space<vmem>>, vector<1x16xf32>,
        %swap3A_1002 = vector.shape_cast %swap3A_1001 : vector<1x16xf32> to vector<16xf32>
        %swap3A_1003 = vector.shape_cast %select_n3A_998 : vector<16xf32> to vector<1x16xf32>
        tpu.vector_store %arg14[%swap3A_999, %swap3A_1000], %swap3A_1003 {strides = array<i32>} : memref<64x128xf32, #tpu.memory_space<vmem>>, vector<1x16xf32>,
        %broadcast_in_dim3A_1004 = vector.shape_cast %and3A_664 : vector<16xi32> to vector<16x1xi32>
        %gather3A_1005 = vector.shape_cast %broadcast_in_dim3A_1004 : vector<16x1xi32> to vector<16xi32>
        %gather3A_1006 = tpu.dynamic_gather %get3A_939[%gather3A_1005] in [0] : vector<16xf32>, vector<16xi32> -> vector<16xf32>
        %broadcast_in_dim3A_1007 = vector.shape_cast %and3A_664 : vector<16xi32> to vector<16x1xi32>
        %gather3A_1008 = vector.shape_cast %broadcast_in_dim3A_1007 : vector<16x1xi32> to vector<16xi32>
        %gather3A_1009 = tpu.dynamic_gather %get3A_943[%gather3A_1008] in [0] : vector<16xf32>, vector<16xi32> -> vector<16xf32>
        %select_n3A_1010 = arith.select %lt3A_667, %gather3A_1006, %gather3A_1009 : vector<16xi1>, vector<16xf32>
        %swap3A_1011 = arith.index_cast %add3A_935 : i32 to index
        %swap3A_1012 = arith.constant 80 : index
        %swap3A_1013 = tpu.vector_load %arg14[%swap3A_1011, %swap3A_1012] {strides = array<i32>} : memref<64x128xf32, #tpu.memory_space<vmem>>, vector<1x16xf32>,
        %swap3A_1014 = vector.shape_cast %swap3A_1013 : vector<1x16xf32> to vector<16xf32>
        %swap3A_1015 = vector.shape_cast %select_n3A_1010 : vector<16xf32> to vector<1x16xf32>
        tpu.vector_store %arg14[%swap3A_1011, %swap3A_1012], %swap3A_1015 {strides = array<i32>} : memref<64x128xf32, #tpu.memory_space<vmem>>, vector<1x16xf32>,
        %broadcast_in_dim3A_1016 = vector.shape_cast %and3A_683 : vector<16xi32> to vector<16x1xi32>
        %gather3A_1017 = vector.shape_cast %broadcast_in_dim3A_1016 : vector<16x1xi32> to vector<16xi32>
        %gather3A_1018 = tpu.dynamic_gather %get3A_939[%gather3A_1017] in [0] : vector<16xf32>, vector<16xi32> -> vector<16xf32>
        %broadcast_in_dim3A_1019 = vector.shape_cast %and3A_683 : vector<16xi32> to vector<16x1xi32>
        %gather3A_1020 = vector.shape_cast %broadcast_in_dim3A_1019 : vector<16x1xi32> to vector<16xi32>
        %gather3A_1021 = tpu.dynamic_gather %get3A_943[%gather3A_1020] in [0] : vector<16xf32>, vector<16xi32> -> vector<16xf32>
        %select_n3A_1022 = arith.select %lt3A_686, %gather3A_1018, %gather3A_1021 : vector<16xi1>, vector<16xf32>
        %swap3A_1023 = arith.index_cast %add3A_935 : i32 to index
        %swap3A_1024 = arith.constant 96 : index
        %swap3A_1025 = tpu.vector_load %arg14[%swap3A_1023, %swap3A_1024] {strides = array<i32>} : memref<64x128xf32, #tpu.memory_space<vmem>>, vector<1x16xf32>,
        %swap3A_1026 = vector.shape_cast %swap3A_1025 : vector<1x16xf32> to vector<16xf32>
        %swap3A_1027 = vector.shape_cast %select_n3A_1022 : vector<16xf32> to vector<1x16xf32>
        tpu.vector_store %arg14[%swap3A_1023, %swap3A_1024], %swap3A_1027 {strides = array<i32>} : memref<64x128xf32, #tpu.memory_space<vmem>>, vector<1x16xf32>,
        %broadcast_in_dim3A_1028 = vector.shape_cast %and3A_702 : vector<16xi32> to vector<16x1xi32>
        %gather3A_1029 = vector.shape_cast %broadcast_in_dim3A_1028 : vector<16x1xi32> to vector<16xi32>
        %gather3A_1030 = tpu.dynamic_gather %get3A_939[%gather3A_1029] in [0] : vector<16xf32>, vector<16xi32> -> vector<16xf32>
        %broadcast_in_dim3A_1031 = vector.shape_cast %and3A_702 : vector<16xi32> to vector<16x1xi32>
        %gather3A_1032 = vector.shape_cast %broadcast_in_dim3A_1031 : vector<16x1xi32> to vector<16xi32>
        %gather3A_1033 = tpu.dynamic_gather %get3A_943[%gather3A_1032] in [0] : vector<16xf32>, vector<16xi32> -> vector<16xf32>
        %select_n3A_1034 = arith.select %lt3A_705, %gather3A_1030, %gather3A_1033 : vector<16xi1>, vector<16xf32>
        %swap3A_1035 = arith.index_cast %add3A_935 : i32 to index
        %swap3A_1036 = arith.constant 112 : index
        %swap3A_1037 = tpu.vector_load %arg14[%swap3A_1035, %swap3A_1036] {strides = array<i32>} : memref<64x128xf32, #tpu.memory_space<vmem>>, vector<1x16xf32>,
        %swap3A_1038 = vector.shape_cast %swap3A_1037 : vector<1x16xf32> to vector<16xf32>
        %swap3A_1039 = vector.shape_cast %select_n3A_1034 : vector<16xf32> to vector<1x16xf32>
        tpu.vector_store %arg14[%swap3A_1035, %swap3A_1036], %swap3A_1039 {strides = array<i32>} : memref<64x128xf32, #tpu.memory_space<vmem>>, vector<1x16xf32>,
        %mul3A_1040 = arith.constant 4 : i32
        %mul3A_1041 = arith.muli %scan3A_719, %mul3A_1040 : i32
        %add3A_1042 = arith.constant 3 : i32
        %add3A_1043 = arith.addi %mul3A_1041, %add3A_1042 : i32
        %get3A_1044 = arith.index_cast %add3A_1043 : i32 to index
        %get3A_1045 = arith.constant 0 : index
        %get3A_1046 = tpu.vector_load %arg10[%get3A_1044, %get3A_1045] {strides = array<i32>} : memref<64x32xf32, #tpu.memory_space<vmem>>, vector<1x16xf32>,
        %get3A_1047 = vector.shape_cast %get3A_1046 : vector<1x16xf32> to vector<16xf32>
        %get3A_1048 = arith.index_cast %add3A_1043 : i32 to index
        %get3A_1049 = arith.constant 16 : index
        %get3A_1050 = tpu.vector_load %arg10[%get3A_1048, %get3A_1049] {strides = array<i32>} : memref<64x32xf32, #tpu.memory_space<vmem>>, vector<1x16xf32>,
        %get3A_1051 = vector.shape_cast %get3A_1050 : vector<1x16xf32> to vector<16xf32>
        %broadcast_in_dim3A_1052 = vector.shape_cast %and3A_569 : vector<16xi32> to vector<16x1xi32>
        %gather3A_1053 = vector.shape_cast %broadcast_in_dim3A_1052 : vector<16x1xi32> to vector<16xi32>
        %gather3A_1054 = tpu.dynamic_gather %get3A_1047[%gather3A_1053] in [0] : vector<16xf32>, vector<16xi32> -> vector<16xf32>
        %broadcast_in_dim3A_1055 = vector.shape_cast %and3A_569 : vector<16xi32> to vector<16x1xi32>
        %gather3A_1056 = vector.shape_cast %broadcast_in_dim3A_1055 : vector<16x1xi32> to vector<16xi32>
        %gather3A_1057 = tpu.dynamic_gather %get3A_1051[%gather3A_1056] in [0] : vector<16xf32>, vector<16xi32> -> vector<16xf32>
        %select_n3A_1058 = arith.select %lt3A_572, %gather3A_1054, %gather3A_1057 : vector<16xi1>, vector<16xf32>
        %swap3A_1059 = arith.index_cast %add3A_1043 : i32 to index
        %swap3A_1060 = arith.constant 0 : index
        %swap3A_1061 = tpu.vector_load %arg14[%swap3A_1059, %swap3A_1060] {strides = array<i32>} : memref<64x128xf32, #tpu.memory_space<vmem>>, vector<1x16xf32>,
        %swap3A_1062 = vector.shape_cast %swap3A_1061 : vector<1x16xf32> to vector<16xf32>
        %swap3A_1063 = vector.shape_cast %select_n3A_1058 : vector<16xf32> to vector<1x16xf32>
        tpu.vector_store %arg14[%swap3A_1059, %swap3A_1060], %swap3A_1063 {strides = array<i32>} : memref<64x128xf32, #tpu.memory_space<vmem>>, vector<1x16xf32>,
        %broadcast_in_dim3A_1064 = vector.shape_cast %and3A_588 : vector<16xi32> to vector<16x1xi32>
        %gather3A_1065 = vector.shape_cast %broadcast_in_dim3A_1064 : vector<16x1xi32> to vector<16xi32>
        %gather3A_1066 = tpu.dynamic_gather %get3A_1047[%gather3A_1065] in [0] : vector<16xf32>, vector<16xi32> -> vector<16xf32>
        %broadcast_in_dim3A_1067 = vector.shape_cast %and3A_588 : vector<16xi32> to vector<16x1xi32>
        %gather3A_1068 = vector.shape_cast %broadcast_in_dim3A_1067 : vector<16x1xi32> to vector<16xi32>
        %gather3A_1069 = tpu.dynamic_gather %get3A_1051[%gather3A_1068] in [0] : vector<16xf32>, vector<16xi32> -> vector<16xf32>
        %select_n3A_1070 = arith.select %lt3A_591, %gather3A_1066, %gather3A_1069 : vector<16xi1>, vector<16xf32>
        %swap3A_1071 = arith.index_cast %add3A_1043 : i32 to index
        %swap3A_1072 = arith.constant 16 : index
        %swap3A_1073 = tpu.vector_load %arg14[%swap3A_1071, %swap3A_1072] {strides = array<i32>} : memref<64x128xf32, #tpu.memory_space<vmem>>, vector<1x16xf32>,
        %swap3A_1074 = vector.shape_cast %swap3A_1073 : vector<1x16xf32> to vector<16xf32>
        %swap3A_1075 = vector.shape_cast %select_n3A_1070 : vector<16xf32> to vector<1x16xf32>
        tpu.vector_store %arg14[%swap3A_1071, %swap3A_1072], %swap3A_1075 {strides = array<i32>} : memref<64x128xf32, #tpu.memory_space<vmem>>, vector<1x16xf32>,
        %broadcast_in_dim3A_1076 = vector.shape_cast %and3A_607 : vector<16xi32> to vector<16x1xi32>
        %gather3A_1077 = vector.shape_cast %broadcast_in_dim3A_1076 : vector<16x1xi32> to vector<16xi32>
        %gather3A_1078 = tpu.dynamic_gather %get3A_1047[%gather3A_1077] in [0] : vector<16xf32>, vector<16xi32> -> vector<16xf32>
        %broadcast_in_dim3A_1079 = vector.shape_cast %and3A_607 : vector<16xi32> to vector<16x1xi32>
        %gather3A_1080 = vector.shape_cast %broadcast_in_dim3A_1079 : vector<16x1xi32> to vector<16xi32>
        %gather3A_1081 = tpu.dynamic_gather %get3A_1051[%gather3A_1080] in [0] : vector<16xf32>, vector<16xi32> -> vector<16xf32>
        %select_n3A_1082 = arith.select %lt3A_610, %gather3A_1078, %gather3A_1081 : vector<16xi1>, vector<16xf32>
        %swap3A_1083 = arith.index_cast %add3A_1043 : i32 to index
        %swap3A_1084 = arith.constant 32 : index
        %swap3A_1085 = tpu.vector_load %arg14[%swap3A_1083, %swap3A_1084] {strides = array<i32>} : memref<64x128xf32, #tpu.memory_space<vmem>>, vector<1x16xf32>,
        %swap3A_1086 = vector.shape_cast %swap3A_1085 : vector<1x16xf32> to vector<16xf32>
        %swap3A_1087 = vector.shape_cast %select_n3A_1082 : vector<16xf32> to vector<1x16xf32>
        tpu.vector_store %arg14[%swap3A_1083, %swap3A_1084], %swap3A_1087 {strides = array<i32>} : memref<64x128xf32, #tpu.memory_space<vmem>>, vector<1x16xf32>,
        %broadcast_in_dim3A_1088 = vector.shape_cast %and3A_626 : vector<16xi32> to vector<16x1xi32>
        %gather3A_1089 = vector.shape_cast %broadcast_in_dim3A_1088 : vector<16x1xi32> to vector<16xi32>
        %gather3A_1090 = tpu.dynamic_gather %get3A_1047[%gather3A_1089] in [0] : vector<16xf32>, vector<16xi32> -> vector<16xf32>
        %broadcast_in_dim3A_1091 = vector.shape_cast %and3A_626 : vector<16xi32> to vector<16x1xi32>
        %gather3A_1092 = vector.shape_cast %broadcast_in_dim3A_1091 : vector<16x1xi32> to vector<16xi32>
        %gather3A_1093 = tpu.dynamic_gather %get3A_1051[%gather3A_1092] in [0] : vector<16xf32>, vector<16xi32> -> vector<16xf32>
        %select_n3A_1094 = arith.select %lt3A_629, %gather3A_1090, %gather3A_1093 : vector<16xi1>, vector<16xf32>
        %swap3A_1095 = arith.index_cast %add3A_1043 : i32 to index
        %swap3A_1096 = arith.constant 48 : index
        %swap3A_1097 = tpu.vector_load %arg14[%swap3A_1095, %swap3A_1096] {strides = array<i32>} : memref<64x128xf32, #tpu.memory_space<vmem>>, vector<1x16xf32>,
        %swap3A_1098 = vector.shape_cast %swap3A_1097 : vector<1x16xf32> to vector<16xf32>
        %swap3A_1099 = vector.shape_cast %select_n3A_1094 : vector<16xf32> to vector<1x16xf32>
        tpu.vector_store %arg14[%swap3A_1095, %swap3A_1096], %swap3A_1099 {strides = array<i32>} : memref<64x128xf32, #tpu.memory_space<vmem>>, vector<1x16xf32>,
        %broadcast_in_dim3A_1100 = vector.shape_cast %and3A_645 : vector<16xi32> to vector<16x1xi32>
        %gather3A_1101 = vector.shape_cast %broadcast_in_dim3A_1100 : vector<16x1xi32> to vector<16xi32>
        %gather3A_1102 = tpu.dynamic_gather %get3A_1047[%gather3A_1101] in [0] : vector<16xf32>, vector<16xi32> -> vector<16xf32>
        %broadcast_in_dim3A_1103 = vector.shape_cast %and3A_645 : vector<16xi32> to vector<16x1xi32>
        %gather3A_1104 = vector.shape_cast %broadcast_in_dim3A_1103 : vector<16x1xi32> to vector<16xi32>
        %gather3A_1105 = tpu.dynamic_gather %get3A_1051[%gather3A_1104] in [0] : vector<16xf32>, vector<16xi32> -> vector<16xf32>
        %select_n3A_1106 = arith.select %lt3A_648, %gather3A_1102, %gather3A_1105 : vector<16xi1>, vector<16xf32>
        %swap3A_1107 = arith.index_cast %add3A_1043 : i32 to index
        %swap3A_1108 = arith.constant 64 : index
        %swap3A_1109 = tpu.vector_load %arg14[%swap3A_1107, %swap3A_1108] {strides = array<i32>} : memref<64x128xf32, #tpu.memory_space<vmem>>, vector<1x16xf32>,
        %swap3A_1110 = vector.shape_cast %swap3A_1109 : vector<1x16xf32> to vector<16xf32>
        %swap3A_1111 = vector.shape_cast %select_n3A_1106 : vector<16xf32> to vector<1x16xf32>
        tpu.vector_store %arg14[%swap3A_1107, %swap3A_1108], %swap3A_1111 {strides = array<i32>} : memref<64x128xf32, #tpu.memory_space<vmem>>, vector<1x16xf32>,
        %broadcast_in_dim3A_1112 = vector.shape_cast %and3A_664 : vector<16xi32> to vector<16x1xi32>
        %gather3A_1113 = vector.shape_cast %broadcast_in_dim3A_1112 : vector<16x1xi32> to vector<16xi32>
        %gather3A_1114 = tpu.dynamic_gather %get3A_1047[%gather3A_1113] in [0] : vector<16xf32>, vector<16xi32> -> vector<16xf32>
        %broadcast_in_dim3A_1115 = vector.shape_cast %and3A_664 : vector<16xi32> to vector<16x1xi32>
        %gather3A_1116 = vector.shape_cast %broadcast_in_dim3A_1115 : vector<16x1xi32> to vector<16xi32>
        %gather3A_1117 = tpu.dynamic_gather %get3A_1051[%gather3A_1116] in [0] : vector<16xf32>, vector<16xi32> -> vector<16xf32>
        %select_n3A_1118 = arith.select %lt3A_667, %gather3A_1114, %gather3A_1117 : vector<16xi1>, vector<16xf32>
        %swap3A_1119 = arith.index_cast %add3A_1043 : i32 to index
        %swap3A_1120 = arith.constant 80 : index
        %swap3A_1121 = tpu.vector_load %arg14[%swap3A_1119, %swap3A_1120] {strides = array<i32>} : memref<64x128xf32, #tpu.memory_space<vmem>>, vector<1x16xf32>,
        %swap3A_1122 = vector.shape_cast %swap3A_1121 : vector<1x16xf32> to vector<16xf32>
        %swap3A_1123 = vector.shape_cast %select_n3A_1118 : vector<16xf32> to vector<1x16xf32>
        tpu.vector_store %arg14[%swap3A_1119, %swap3A_1120], %swap3A_1123 {strides = array<i32>} : memref<64x128xf32, #tpu.memory_space<vmem>>, vector<1x16xf32>,
        %broadcast_in_dim3A_1124 = vector.shape_cast %and3A_683 : vector<16xi32> to vector<16x1xi32>
        %gather3A_1125 = vector.shape_cast %broadcast_in_dim3A_1124 : vector<16x1xi32> to vector<16xi32>
        %gather3A_1126 = tpu.dynamic_gather %get3A_1047[%gather3A_1125] in [0] : vector<16xf32>, vector<16xi32> -> vector<16xf32>
        %broadcast_in_dim3A_1127 = vector.shape_cast %and3A_683 : vector<16xi32> to vector<16x1xi32>
        %gather3A_1128 = vector.shape_cast %broadcast_in_dim3A_1127 : vector<16x1xi32> to vector<16xi32>
        %gather3A_1129 = tpu.dynamic_gather %get3A_1051[%gather3A_1128] in [0] : vector<16xf32>, vector<16xi32> -> vector<16xf32>
        %select_n3A_1130 = arith.select %lt3A_686, %gather3A_1126, %gather3A_1129 : vector<16xi1>, vector<16xf32>
        %swap3A_1131 = arith.index_cast %add3A_1043 : i32 to index
        %swap3A_1132 = arith.constant 96 : index
        %swap3A_1133 = tpu.vector_load %arg14[%swap3A_1131, %swap3A_1132] {strides = array<i32>} : memref<64x128xf32, #tpu.memory_space<vmem>>, vector<1x16xf32>,
        %swap3A_1134 = vector.shape_cast %swap3A_1133 : vector<1x16xf32> to vector<16xf32>
        %swap3A_1135 = vector.shape_cast %select_n3A_1130 : vector<16xf32> to vector<1x16xf32>
        tpu.vector_store %arg14[%swap3A_1131, %swap3A_1132], %swap3A_1135 {strides = array<i32>} : memref<64x128xf32, #tpu.memory_space<vmem>>, vector<1x16xf32>,
        %broadcast_in_dim3A_1136 = vector.shape_cast %and3A_702 : vector<16xi32> to vector<16x1xi32>
        %gather3A_1137 = vector.shape_cast %broadcast_in_dim3A_1136 : vector<16x1xi32> to vector<16xi32>
        %gather3A_1138 = tpu.dynamic_gather %get3A_1047[%gather3A_1137] in [0] : vector<16xf32>, vector<16xi32> -> vector<16xf32>
        %broadcast_in_dim3A_1139 = vector.shape_cast %and3A_702 : vector<16xi32> to vector<16x1xi32>
        %gather3A_1140 = vector.shape_cast %broadcast_in_dim3A_1139 : vector<16x1xi32> to vector<16xi32>
        %gather3A_1141 = tpu.dynamic_gather %get3A_1051[%gather3A_1140] in [0] : vector<16xf32>, vector<16xi32> -> vector<16xf32>
        %select_n3A_1142 = arith.select %lt3A_705, %gather3A_1138, %gather3A_1141 : vector<16xi1>, vector<16xf32>
        %swap3A_1143 = arith.index_cast %add3A_1043 : i32 to index
        %swap3A_1144 = arith.constant 112 : index
        %swap3A_1145 = tpu.vector_load %arg14[%swap3A_1143, %swap3A_1144] {strides = array<i32>} : memref<64x128xf32, #tpu.memory_space<vmem>>, vector<1x16xf32>,
        %swap3A_1146 = vector.shape_cast %swap3A_1145 : vector<1x16xf32> to vector<16xf32>
        %swap3A_1147 = vector.shape_cast %select_n3A_1142 : vector<16xf32> to vector<1x16xf32>
        tpu.vector_store %arg14[%swap3A_1143, %swap3A_1144], %swap3A_1147 {strides = array<i32>} : memref<64x128xf32, #tpu.memory_space<vmem>>, vector<1x16xf32>,
      }
      %scan3A_711 = arith.constant 16 : i32
      %mul3A_712 = arith.constant 128 : i32
      %mul3A_713 = arith.muli %add3A_548, %mul3A_712 : i32
      %add3A_714 = arith.addi %mul3A_2, %mul3A_713 : i32
      %dma_start3A_715 = arith.constant 0 : i32
      %dma_start3A_716 = tpu.memref_slice %arg6[%dma_start3A_715, %add3A_714] : memref<64x262144xf32, #tpu.memory_space<hbm>> -> memref<64x128xf32, #tpu.memory_space<hbm>>
      %dma_start3A_717 = arith.constant 0 : i32
      %dma_start3A_718 = tpu.memref_slice %arg6[%dma_start3A_717, %add3A_714] : memref<64x262144xf32, #tpu.memory_space<hbm>> -> memref<64x128xf32, #tpu.memory_space<hbm>>
      tpu.enqueue_dma source(%arg14 : memref<64x128xf32, #tpu.memory_space<vmem>>) target(%dma_start3A_718 : memref<64x128xf32, #tpu.memory_space<hbm>>) target_semaphore(%arg18 : memref<!tpu.dma_semaphore, #tpu.memory_space<semaphore_mem>>)
    }
    %scan3A_12 = arith.constant 16 : i32
    %dma_wait3A = arith.constant 0 : i32
    %dma_wait3A_13 = tpu.memref_slice %arg6[%dma_wait3A, %mul3A_2] : memref<64x262144xf32, #tpu.memory_space<hbm>> -> memref<64x128xf32, #tpu.memory_space<hbm>>
    %dma_wait3A_14 = arith.constant 0 : i32
    %dma_wait3A_15 = tpu.memref_slice %arg6[%dma_wait3A_14, %mul3A_2] : memref<64x262144xf32, #tpu.memory_space<hbm>> -> memref<64x128xf32, #tpu.memory_space<hbm>>
    tpu.wait_dma2 semaphore(%arg15 : memref<!tpu.dma_semaphore, #tpu.memory_space<semaphore_mem>>) src(%arg11 : memref<64x128xf32, #tpu.memory_space<vmem>>) dst(%dma_wait3A_15 : memref<64x128xf32, #tpu.memory_space<hbm>>)
    %dma_wait3A_16 = arith.constant 0 : i32
    %dma_wait3A_17 = tpu.memref_slice %arg6[%dma_wait3A_16, %mul3A_2] : memref<64x262144xf32, #tpu.memory_space<hbm>> -> memref<64x128xf32, #tpu.memory_space<hbm>>
    %dma_wait3A_18 = arith.constant 0 : i32
    %dma_wait3A_19 = tpu.memref_slice %arg6[%dma_wait3A_18, %mul3A_2] : memref<64x262144xf32, #tpu.memory_space<hbm>> -> memref<64x128xf32, #tpu.memory_space<hbm>>
    tpu.wait_dma2 semaphore(%arg16 : memref<!tpu.dma_semaphore, #tpu.memory_space<semaphore_mem>>) src(%arg12 : memref<64x128xf32, #tpu.memory_space<vmem>>) dst(%dma_wait3A_19 : memref<64x128xf32, #tpu.memory_space<hbm>>)
    %dma_wait3A_20 = arith.constant 0 : i32
    %dma_wait3A_21 = tpu.memref_slice %arg6[%dma_wait3A_20, %mul3A_2] : memref<64x262144xf32, #tpu.memory_space<hbm>> -> memref<64x128xf32, #tpu.memory_space<hbm>>
    %dma_wait3A_22 = arith.constant 0 : i32
    %dma_wait3A_23 = tpu.memref_slice %arg6[%dma_wait3A_22, %mul3A_2] : memref<64x262144xf32, #tpu.memory_space<hbm>> -> memref<64x128xf32, #tpu.memory_space<hbm>>
    tpu.wait_dma2 semaphore(%arg17 : memref<!tpu.dma_semaphore, #tpu.memory_space<semaphore_mem>>) src(%arg13 : memref<64x128xf32, #tpu.memory_space<vmem>>) dst(%dma_wait3A_23 : memref<64x128xf32, #tpu.memory_space<hbm>>)
    %dma_wait3A_24 = arith.constant 0 : i32
    %dma_wait3A_25 = tpu.memref_slice %arg6[%dma_wait3A_24, %mul3A_2] : memref<64x262144xf32, #tpu.memory_space<hbm>> -> memref<64x128xf32, #tpu.memory_space<hbm>>
    %dma_wait3A_26 = arith.constant 0 : i32
    %dma_wait3A_27 = tpu.memref_slice %arg6[%dma_wait3A_26, %mul3A_2] : memref<64x262144xf32, #tpu.memory_space<hbm>> -> memref<64x128xf32, #tpu.memory_space<hbm>>
    tpu.wait_dma2 semaphore(%arg18 : memref<!tpu.dma_semaphore, #tpu.memory_space<semaphore_mem>>) src(%arg14 : memref<64x128xf32, #tpu.memory_space<vmem>>) dst(%dma_wait3A_27 : memref<64x128xf32, #tpu.memory_space<hbm>>)
    return
  }
}

</mosaic_0001>

<sc_bundles>
// kernel: kernel.3.cloned.1.call-start
scs
__scs_entry_jumppad:
0x0: {  	(pc) =	sbr.rel $0x88, $3  }
0x1: {  	(tag) =	ssettag $0x0;
	lr =	simm.s32 $0x1  }
0x2: {  	[smem:$0x3F9C] =	sst lr;
	_ =	strace $0xD0000000  }
0x3: {  	_ = 	snop  }
0x4: {  	_ = 	snop  }
0x5: {  	_ = 	snop  }
0x6: {  	_ = 	snop  }
0x7: {  	_ = 	snop  }
__scs_overlays_trampoline_lowered:
0x8: {  	[smem:$0x3FAB] =	sst s0  }
0x9: {  	[smem:$0x3FAC] =	sst s1  }
0xa: {  	[smem:$0x3FAD] =	sst s2  }
0xb: {  	[smem:$0x3FAE] =	sst s3  }
0xc: {  	[smem:$0x3FAF] =	sst s4  }
0xd: {  	[smem:$0x3FB0] =	sst s5  }
0xe: {  	[smem:$0x3FB1] =	sst s6  }
0xf: {  	[smem:$0x3FB2] =	sst s7  }
0x10: {  	[smem:$0x3FB3] =	sst s8  }
0x11: {  	[smem:$0x3FB4] =	sst s9;
	s0 =	simm.s32 @!p0 $0x0  }
0x12: {  	s1 =	sld [smem:$0x3F9A];
	s0 =	simm.s32 @p0 $0x1  }
0x13: {  	[smem:$0x3FB5] =	sst s0;
	s0 =	simm.s32 @!p1 $0x0  }
0x14: {  	s2 =	sld [smem:$0x3F99];
	s0 =	simm.s32 @p1 $0x1  }
0x15: {  	[smem:$0x3FB6] =	sst s0;
	s0 =	simm.s32 @!p2 $0x0  }
0x16: {  	s3 =	sld [smem:$0x3FDB];
	s0 =	simm.s32 @p2 $0x1  }
0x17: {  	s4 =	simm.s32 $0x1BF5;
	[smem:$0x3FB8] =	sst s0  }
0x18: {  	s0 =	sld [smem:$0x3F9B];
	_ =	swait.ge [sflag:s4], $0x0  }
0x19: {  	s7 =	sld [smem:$0x3F9C]  }
0x1a: {  	s8 =	sadd.s32 $0xFFFFE003, lr  }
0x1b: {  	s9 =	sadd.s32 $0xFFFFFEF7, lr;
	s5 =	simm.s32 $0xFFFFFFFF;
	p2 =	slt.u32 s8, $0xFFFFF086  }
0x1c: {  	p1 =	slt.u32 s9, $0xF7A;
	s5 =	simm.s32 @!p2 $0x0  }
0x1d: {  	s5 =	simm.s32 @p1 $0x1;
	p0 =	seq.s32 s7, s2  }
0x1e: {  	s7 =	smul.u32 @!p0 $0xF7A, s2;
	p2 =	seq.s32 @!p0 s5, $0x0  }
0x1f: {  	s9 =	smul.u32 $0xF7A, s1;
	s8 =	simm.s32 @!p0 $0x1BF5;
	p2 =	por !p2, p0  }
0x20: {  	[sflag:s8] =	ssyncset.s32 @!p0 $0xFFFFF086;
	s6 =	sadd.s32 @!p0 s3, s7;
	s7 =	simm.s32 @!p0 $0x108  }
0x21: {  	s3 =	sadd.s32 s3, s9;
	s6 =	sadd.s32 @!p0 $0x88, s6;
	s7 =	simm.s32 @p2 $0x1082  }
0x22: {  	[simem:s7], [sflag:s8] =	dma.local @!p0 [hbm:s6], $0xF7A  }
0x23: {  	s9 =	sor.u32 $0xD0000000, s2;
	s6 =	simm.s32 $0x108;
	_ =	swait.ge @!p0 [sflag:s8], $0x0  }
0x24: {  	s3 =	sadd.s32 $0x88, s3;
	s6 =	simm.s32 @!p1 $0x1082;
	[sflag:s4] =	ssyncset.s32 $0xFFFFF086  }
0x25: {  	[simem:s6], [sflag:s4] =	dma.local [hbm:s3], $0xF7A  }
0x26: {  	[smem:$0x3F9C] =	sst s1;
	(tag) =	ssettag s2;
	_ =	strace s9  }
0x27: {  	s1 =	sld [smem:$0x3FAC]  }
0x28: {  	s2 =	sld [smem:$0x3FAD]  }
0x29: {  	s4 =	sld [smem:$0x3FAF]  }
0x2a: {  	p0 =	seq.s32 s5, $0x0;
	s5 =	sld [smem:$0x3FB0]  }
0x2b: {  	s6 =	sld [smem:$0x3FB1]  }
0x2c: {  	s7 =	sld [smem:$0x3FB2]  }
0x2d: {  	s3 =	simm.s32 $0x108;
	s8 =	sld [smem:$0x3FB3]  }
0x2e: {  	s3 =	simm.s32 @!p0 $0x1082;
	s9 =	sld [smem:$0x3FB4]  }
0x2f: {  	lr =	sadd.s32 s0, s3;
	s0 =	sld [smem:$0x3FAB]  }
0x30: {  	s3 =	sld [smem:$0x3FAE]  }
0x31: {  	[smem:$0x3FB7] =	sst s10  }
0x32: {  	s10 =	sld [smem:$0x3FB5];
	_ =	sdelay $0x3  }
0x33: {  	p0 =	seq.s32 s10, $0x1;
	s10 =	sld [smem:$0x3FB7];
	_ =	sdelay $0x3  }
0x34: {  	[smem:$0x3FB7] =	sst s10  }
0x35: {  	s10 =	sld [smem:$0x3FB6];
	_ =	sdelay $0x3  }
0x36: {  	p1 =	seq.s32 s10, $0x1;
	s10 =	sld [smem:$0x3FB7];
	_ =	sdelay $0x3  }
0x37: {  	[smem:$0x3FB7] =	sst s10  }
0x38: {  	s10 =	sld [smem:$0x3FB8]  }
0x39: {  	_ = 	snop;
	(pc) =	sbr.ind lr, $3  }
0x3a: {  	_ = 	snop  }
0x3b: {  	_ = 	snop  }
0x3c: {  	p2 =	seq.s32 s10, $0x1;
	s10 =	sld [smem:$0x3FB7]  }
0x3d: {  	_ =	shalt  }
0x3e: {  	_ =	shalt  }
0x3f: {  	_ =	shalt  }
0x40: {  	_ =	shalt  }
0x41: {  	_ =	shalt  }
0x42: {  	_ =	shalt  }
0x43: {  	_ =	shalt  }
0x44: {  	_ =	shalt  }
0x45: {  	_ =	shalt  }
0x46: {  	_ =	shalt  }
0x47: {  	_ =	shalt  }
0x48: {  	_ =	shalt  }
0x49: {  	_ =	shalt  }
0x4a: {  	_ =	shalt  }
0x4b: {  	_ =	shalt  }
0x4c: {  	_ =	shalt  }
0x4d: {  	_ =	shalt  }
0x4e: {  	_ =	shalt  }
0x4f: {  	_ =	shalt  }
0x50: {  	_ =	shalt  }
0x51: {  	_ =	shalt  }
0x52: {  	_ =	shalt  }
0x53: {  	_ =	shalt  }
0x54: {  	_ =	shalt  }
0x55: {  	_ =	shalt  }
0x56: {  	_ =	shalt  }
0x57: {  	_ =	shalt  }
0x58: {  	_ =	shalt  }
0x59: {  	_ =	shalt  }
0x5a: {  	_ =	shalt  }
0x5b: {  	_ =	shalt  }
0x5c: {  	_ =	shalt  }
0x5d: {  	_ =	shalt  }
0x5e: {  	_ =	shalt  }
0x5f: {  	_ =	shalt  }
0x60: {  	_ =	shalt  }
0x61: {  	_ =	shalt  }
0x62: {  	_ =	shalt  }
0x63: {  	_ =	shalt  }
0x64: {  	_ =	shalt  }
0x65: {  	_ =	shalt  }
0x66: {  	_ =	shalt  }
0x67: {  	_ =	shalt  }
0x68: {  	_ =	shalt  }
0x69: {  	_ =	shalt  }
0x6a: {  	_ =	shalt  }
0x6b: {  	_ =	shalt  }
0x6c: {  	_ =	shalt  }
0x6d: {  	_ =	shalt  }
0x6e: {  	_ =	shalt  }
0x6f: {  	_ =	shalt  }
0x70: {  	_ =	shalt  }
0x71: {  	_ =	shalt  }
0x72: {  	_ =	shalt  }
0x73: {  	_ =	shalt  }
0x74: {  	_ =	shalt  }
0x75: {  	_ =	shalt  }
0x76: {  	_ =	shalt  }
0x77: {  	_ =	shalt  }
0x78: {  	_ =	shalt  }
0x79: {  	_ =	shalt  }
0x7a: {  	_ =	shalt  }
0x7b: {  	_ =	shalt  }
0x7c: {  	_ =	shalt  }
0x7d: {  	_ =	shalt  }
0x7e: {  	_ =	shalt  }
0x7f: {  	_ =	shalt  }
0x80: {  	_ =	shalt  }
0x81: {  	_ =	shalt  }
0x82: {  	_ =	shalt  }
0x83: {  	_ =	shalt  }
0x84: {  	_ =	shalt  }
0x85: {  	_ =	shalt  }
0x86: {  	_ =	shalt  }
0x87: {  	_ =	shalt  }
.Lfunc_end0:
.L_simem_size_0:
called_computation_lowered:
.L_overlay_start_0:
0x88: {  	s2 =	sld [smem:$0x3FD9]  }
0x89: {  	s3 =	sld [smem:$0x3FFE];
	_ =	sdelay $0x1  }
0x8a: {  	s1 =	srdreg.scid  }
0x8b: {  	s0 =	sand.u32 $0x1, s1  }
0x8c: {  	s17 =	sshll.u32 s0, $0xA;
	s2 =	sadd.s32 s3, s2  }
0x8d: {  	s2 =	sadd.s32 s2, s17  }
0x8e: {  	[smem:$0x3FC3] =	sst s2  }
0x8f: {  	_ = 	snop  }
0x90: {  	s2 =	sld [smem:$0x3FC5]  }
0x91: {  	s18 =	sld [smem:$0x3FD0];
	(tm) =	ssettm $0x1  }
0x92: {  	s4 =	sld [smem:$0x3FFB];
	_ =	sdelay $0x3  }
0x93: {  	_ =	strace s4  }
0x94: {  	s4 =	sld [smem:$0x3FFC];
	_ =	sdelay $0x3  }
0x95: {  	_ =	strace s4  }
0x96: {  	s4 =	sld [smem:$0x3FFD];
	_ =	sdelay $0x3  }
0x97: {  	_ =	strace s4  }
0x98: {  	_ =	strace $0x8FFFFFFF  }
0x99: {  	s19 =	sld [smem:$0x3FDB];
	_ =	sdelay $0x1  }
0x9a: {  	s5 =	simm.s32 $_scs_section_size  }
0x9b: {  	s6 =	simm.s32 $_size__tile_overlayer_lowered;
	s7 =	simm.s32 $_tile_overlayer_lowered  }
0x9c: {  	s22 =	simm.s32 $0x1BFF;
	s21 =	sshll.u32 s7, $0x1;
	s4 =	sadd.s32 s5, s19  }
0x9d: {  	s8 =	simm.s32 $0x0;
	s20 =	sshll.u32 s6, $0x1;
	s6 =	sadd.s32 s21, s4  }
0x9e: {  	[timem:s8], [sflag:s22] =	dma.local [hbm:s6], s20  }
0x9f: {  	_ =	swait.ge [sflag:s22], s20  }
0xa0: {  	s5 =	ssub.s32 $0x0, s20;
	[sflag:s22] =	ssyncset.done $0x0  }
0xa1: {  	[sflag:s22] =	ssyncadd.s32 s5;
	_ =	sdelay $0x1  }
0xa2: {  	s23 =	simm.s32 $0x1B8B  }
0xa3: {  	_ =	swait.ge [sflag:s23], $0x1  }
0xa4: {  	[sflag:s23] =	ssyncset.done $0x0  }
0xa5: {  	s25 =	simm.s32 $0x1B8E;
	s24 =	sld [smem:$0x3FFE];
	[sflag:s23] =	ssyncadd.s32 $0xFFFFFFFF  }
0xa6: {  	s26 =	simm.s32 $execute0_lowered;
	[smem:$0x3FD2] =	sst s25  }
0xa7: {  	s6 =	sshll.u32 s26, $0x1;
	_ =	strace $0x80000046;
	[dreg:$0x1] =	wrdreg $0xFFFFFFFF  }
0xa8: {  	s28 =	simm.s32 $_size_execute0_lowered;
	s4 =	sadd.s32 s4, s6;
	[dreg:$0x0] =	wrdreg $0x0  }
0xa9: {  	s6 =	sshll.u32 s28, $0x1;
	[dreg:$0x2] =	wrdreg s4  }
0xaa: {  	[dreg:$0x3] =	wrdreg s6  }
0xab: {  	[dreg:$0x4] =	wrdreg $0xC0  }
0xac: {  	_ =	task [dreg:s8], $0x5FFFF  }
0xad: {  	[dreg:$0x1] =	wrdreg $0xFFFFFFFF  }
0xae: {  	[dreg:$0x0] =	wrdreg $0x60  }
0xaf: {  	[dreg:$0x2] =	wrdreg s24  }
0xb0: {  	[dreg:$0x3] =	wrdreg s2  }
0xb1: {  	[dreg:$0x4] =	wrdreg s18  }
0xb2: {  	[dreg:$0x5] =	wrdreg $0x9  }
0xb3: {  	_ =	task.clear_ibuf [dreg:s8], $0x6FFFF;
	_ =	strace $0x90000046  }
0xb4: {  	s29 =	simm.s32 $0x9;
	_ =	strace $0x80000048  }
0xb5: {  	_ =	swait.ge [sflag:s29], $0x1  }
0xb6: {  	[sflag:s29] =	ssyncadd.s32 $0xFFFFFFFF  }
0xb7: {  	_ =	strace $0x90000048  }
0xb8: {  	_ =	sfence  }
0xb9: {  	s30 =	sld [smem:$0x0];
	_ =	sdelay $0x2  }
0xba: {  	s31 =	sshll.u32 s1, $0xD;
	s1 =	sshrl.u32 s1, $0x2  }
0xbb: {  	s3 =	sand.u32 $0x4000, s31;
	s1 =	sadd.s32 s1, s30  }
0xbc: {  	s0 =	sor.u32 s3, s0;
	s1 =	sshll.u32 s1, $0x11  }
0xbd: {  	s0 =	sor.u32 s1, s0  }
0xbe: {  	s0 =	sadd.s32 $0x8F2B, s0  }
0xbf: {  	[sflag:s0] =	ssyncadd.remote.s32 $0x1  }
0xc0: {  	_ =	sfence.sel $0xFFFF  }
0xc1: {  	[dreg:$0x0] =	wrdreg $0xFFFFFFFF;
	(pc) =	sbr.abs _section_cstart, $3  }
0xc2: {  	[dreg:$0x1] =	wrdreg $0xFFFFFFFF  }
0xc3: {  	_ =	task.clear_ibuf [dreg:s8], $0x2FFFF;
	_ =	strace $0x9FFFFFFF  }
0xc4: {  	(tm) =	ssettm $0x7FFFFFFF  }
0xc5: {  	_ =	shalt  }
tec
execute0_lowered:
.L_overlay_start_1:
0x0: {  	(tag) =	ssettag $0x1  }
0x1: {  	s5 =	rddreg [dreg:$0x0]  }
0x2: {  	s6 =	rddreg [dreg:$0x1]  }
0x3: {  	s7 =	rddreg [dreg:$0x2]  }
0x4: {  	s0 =	rddreg [dreg:$0x3];
	s1 =	simm.s32 $0x0  }
0x5: {  	s4 =	srdreg.scid;
	s2 =	stileid.u32;
	s12 =	simm.s32 $0x100  }
0x6: {  	s13 =	simm.s32 $0x400;
	s14 =	simm.s32 $0x200000;
	s15 =	simm.s32 $0x4100  }
0x7: {  	s16 =	simm.s32 $0x6100;
	s17 =	simm.s32 $0x8100;
	s18 =	simm.s32 $0xA100  }
0x8: {  	s19 =	simm.s32 $0x1;
	s20 =	simm.s32 $0x2;
	s21 =	simm.s32 $0x3  }
0x9: {  	s22 =	simm.s32 $0x4;
	s23 =	simm.s32 $0x0;
	[smem:$0x7FF] =	sst s1  }
0xa: {  	s3 =	sadd.s32 $0xC00, s5;
	s4 =	sand.u32 $0x1, s4;
	s9 =	sshll.u32 s2, $0xE  }
0xb: {  	_ =	strace $0x80000047;
	s8 =	ssub.s32 $0x2, s4;
	s10 =	sshll.u32 s4, $0xD  }
0xc: {  	s4 =	sadd.s32 $0xE00, s5;
	s11 =	sshrl.u32 s8, $0x1;
	s9 =	sor.u32 s10, s9  }
0xd: {  	s5 =	sadd.s32 $0x800, s5;
	s8 =	ssub.s32 s8, s11;
	s10 =	sshrl.u32 s9, $0x3  }
0xe: {  	s7 =	sadd.s32 s7, s9;
	s9 =	simm.s32 $0x5;
	s11 =	simm.s32 $0x2100  }
0xf: {  	s6 =	sadd.s32 s6, s10;
	s8 =	smax.u32 s8, $0x1;
	s10 =	simm.s32 $0x80  }
.LBB2_1:
0x10: {  	[tilespmem:s1], [sflag:$0x5] =	stream.linear.gather [hbm4b:s3+s1], $0x80, $0x38;
	[tilespmem:$0xC100] =	vst v63  }
0x11: {  	_ =	swait.ge [sflag:s9], $0x80  }
0x12: {  	[sflag:s9] =	ssyncset.done $0x0  }
0x13: {  	[sflag:s9] =	ssyncadd.s32 $0xFFFFFF80  }
0x14: {  	[tilespmem:s10], [sflag:$0x5] =	stream.linear.gather [hbm4b:s4+s1], $0x80, $0x38;
	[tilespmem:$0xC100] =	vst v63  }
0x15: {  	_ =	swait.ge [sflag:s9], $0x80  }
0x16: {  	[sflag:s9] =	ssyncset.done $0x0  }
0x17: {  	[sflag:s9] =	ssyncadd.s32 $0xFFFFFF80  }
0x18: {  	[tilespmem:s11], [sflag:$0x5] =	stream.linear.gather [hbm4b:s5+s1], $0x2000, $0x38;
	[tilespmem:$0xC100] =	vst v63  }
0x19: {  	_ =	swait.ge [sflag:s9], $0x2000  }
0x1a: {  	[sflag:s9] =	ssyncset.done $0x0  }
0x1b: {  	[sflag:s9] =	ssyncadd.s32 $0xFFFFE000  }
0x1c: {  	[tilespmem:s12], [sflag:$0x5] =	stream.linear.gather [hbm4b:s6+s1], $0x2000, $0x38;
	[tilespmem:$0xC100] =	vst v63  }
0x1d: {  	_ =	swait.ge [sflag:s9], $0x2000  }
0x1e: {  	[sflag:s9] =	ssyncset.done $0x0  }
0x1f: {  	[sflag:s9] =	ssyncadd.s32 $0xFFFFE000  }
0x20: {  	v0 =	vld [tilespmem:$0x0]  }
0x21: {  	s24 =	simm.s32 $0x0;
	v1 =	vld [tilespmem:$0x80]  }
.LBB2_2:
0x22: {  	p0 =	seq.s32 s24, $0x0  }
0x23: {  	s25 =	simm.s32 @!p0 $0x1  }
0x24: {  	_ =	swait.ge @!p0 [sflag:s25], $0x2000  }
0x25: {  	[sflag:s25] =	ssyncset.done @!p0 $0x0  }
0x26: {  	[sflag:s25] =	ssyncadd.s32 @!p0 $0xFFFFE000;
	s25 =	sshll.u32 s24, $0x9  }
0x27: {  	v2 =	vld [tilespmem:s25+$0x100]  }
0x28: {  	v3 =	vld [tilespmem:s25+$0x110]  }
0x29: {  	v4 =	vld [tilespmem:s25+$0x120]  }
0x2a: {  	v5 =	vld [tilespmem:s25+$0x130]  }
0x2b: {  	v6 =	vld [tilespmem:s25+$0x140]  }
0x2c: {  	v7 =	vld [tilespmem:s25+$0x150]  }
0x2d: {  	v8 =	vld [tilespmem:s25+$0x160]  }
0x2e: {  	v9 =	vld [tilespmem:s25+$0x170]  }
0x2f: {  	v2 =	vmul.f32 v2, v0;
	v3 =	vmul.f32 v3, v0  }
0x30: {  	v4 =	vmul.f32 v4, v0;
	v5 =	vmul.f32 v5, v0  }
0x31: {  	v6 =	vmul.f32 v6, v0;
	v7 =	vmul.f32 v7, v0  }
0x32: {  	v8 =	vmul.f32 v8, v0;
	v2 =	vadd.f32 v2, v1;
	v3 =	vadd.f32 v3, v1  }
0x33: {  	v9 =	vmul.f32 v9, v0;
	v4 =	vadd.f32 v4, v1;
	v5 =	vadd.f32 v5, v1  }
0x34: {  	v6 =	vadd.f32 v6, v1;
	v7 =	vadd.f32 v7, v1;
	v2 =	vtrunc.f32 v2  }
0x35: {  	v8 =	vadd.f32 v8, v1;
	v3 =	vtrunc.f32 v3;
	v4 =	vtrunc.f32 v4  }
0x36: {  	v9 =	vadd.f32 v9, v1;
	v5 =	vtrunc.f32 v5;
	v6 =	vtrunc.f32 v6  }
0x37: {  	v7 =	vtrunc.f32 v7;
	v8 =	vtrunc.f32 v8  }
0x38: {  	v9 =	vtrunc.f32 v9;
	v2 =	vcvt.f32.s32 v2  }
0x39: {  	v3 =	vcvt.f32.s32 v3;
	v4 =	vcvt.f32.s32 v4  }
0x3a: {  	v5 =	vcvt.f32.s32 v5;
	v6 =	vcvt.f32.s32 v6  }
0x3b: {  	v7 =	vcvt.f32.s32 v7;
	v17 =	vcvt.f32.s32 v8  }
0x3c: {  	s26 =	simm.s32 $0x0;
	v9 =	vcvt.f32.s32 v9;
	v14 =	vand.u32 $0x10, v2;
	v2 =	vand.u32 $0xF, v2  }
0x3d: {  	v10 =	vld [tilespmem:s26+$0x2280];
	v15 =	vand.u32 $0x10, v3;
	v3 =	vand.u32 $0xF, v3;
	v12 =	vand.u32 $0x10, v4  }
0x3e: {  	v11 =	vld [tilespmem:s26+$0x2290];
	v4 =	vand.u32 $0xF, v4;
	v13 =	vand.u32 $0x10, v5;
	v5 =	vand.u32 $0xF, v5  }
0x3f: {  	v19 =	vld [tilespmem:s26+$0x2100];
	v16 =	vand.u32 $0x10, v6;
	v8 =	vand.u32 $0xF, v6;
	v18 =	vand.u32 $0x10, v7  }
0x40: {  	v21 =	vld [tilespmem:s26+$0x2110];
	v20 =	vand.u32 $0x10, v17;
	v6 =	vand.u32 $0xF, v17;
	v17 =	vand.u32 $0x10, v9  }
0x41: {  	v7 =	vand.u32 $0xF, v7;
	v9 =	vand.u32 $0xF, v9;
	vm5 =	veq.s32 v17, $0x0  }
0x42: {  	vm0 =	veq.s32 v20, $0x0;
	vm1 =	veq.s32 v18, $0x0;
	vm3 =	veq.s32 v13, $0x0  }
0x43: {  	vm4 =	veq.s32 v12, $0x0;
	v13 =	vperm.xlane v10, v2;
	v12 =	vperm.xlane v10, v3  }
0x44: {  	vm2 =	veq.s32 v16, $0x0;
	v17 =	vperm.xlane v10, v9;
	v18 =	vperm.xlane v11, v9  }
0x45: {  	vm6 =	veq.s32 v15, $0x0;
	v20 =	vperm.xlane v19, v2;
	v22 =	vperm.xlane v21, v2  }
0x46: {  	vm7 =	veq.s32 v14, $0x0;
	v23 =	vperm.xlane v19, v3;
	v25 =	vperm.xlane v21, v3  }
0x47: {  	v16 =	vld [tilespmem:s26+$0x2180];
	v26 =	vperm.xlane v21, v4;
	v62 =	vperm.xlane v21, v8;
	v17 =	vsel vm5, v17, v18  }
0x48: {  	v15 =	vld [tilespmem:s26+$0x2190];
	v63 =	vperm.xlane v21, v7;
	v18 =	vperm.xlane v19, v4;
	[tilespmem:s26+$0x42F0] =	vst v17;
	v17 =	vsel vm7, v20, v22  }
0x49: {  	v20 =	vperm.xlane v19, v5;
	v22 =	vperm.xlane v21, v5;
	[tilespmem:s26+$0x4100] =	vst v17;
	v17 =	vsel vm6, v23, v25  }
0x4a: {  	v23 =	vperm.xlane v19, v8;
	[tilespmem:s26+$0x4110] =	vst v17;
	v17 =	vsel vm4, v18, v26;
	v18 =	vperm.xlane v19, v7  }
0x4b: {  	[tilespmem:s26+$0x4120] =	vst v17;
	v17 =	vsel vm3, v20, v22;
	v20 =	vperm.xlane v19, v6;
	v22 =	vperm.xlane v21, v6  }
0x4c: {  	v19 =	vperm.xlane v19, v9;
	v21 =	vperm.xlane v21, v9;
	[tilespmem:s26+$0x4130] =	vst v17;
	v17 =	vsel vm2, v23, v62  }
0x4d: {  	v23 =	vperm.xlane v15, v2;
	[tilespmem:s26+$0x4140] =	vst v17;
	v17 =	vsel vm1, v18, v63;
	v18 =	vperm.xlane v16, v2  }
0x4e: {  	[tilespmem:s26+$0x4150] =	vst v17;
	v17 =	vsel vm0, v20, v22;
	v20 =	vperm.xlane v16, v3;
	v22 =	vperm.xlane v15, v3  }
0x4f: {  	v24 =	vld [tilespmem:s26+$0x2210];
	[tilespmem:s26+$0x4160] =	vst v17;
	v17 =	vsel vm5, v19, v21;
	v19 =	vperm.xlane v16, v4;
	v21 =	vperm.xlane v15, v4  }
0x50: {  	v14 =	vld [tilespmem:s26+$0x2200];
	[tilespmem:s26+$0x4170] =	vst v17;
	v17 =	vsel vm7, v18, v23;
	v18 =	vperm.xlane v16, v5;
	v23 =	vperm.xlane v15, v5  }
0x51: {  	[tilespmem:s26+$0x4180] =	vst v17;
	v17 =	vsel vm6, v20, v22;
	v20 =	vperm.xlane v16, v8;
	v22 =	vperm.xlane v15, v8  }
0x52: {  	[tilespmem:s26+$0x4190] =	vst v17;
	v17 =	vsel vm4, v19, v21;
	v19 =	vperm.xlane v16, v7;
	v21 =	vperm.xlane v15, v7  }
0x53: {  	[tilespmem:s26+$0x41A0] =	vst v17;
	v17 =	vsel vm3, v18, v23;
	v18 =	vperm.xlane v16, v6;
	v23 =	vperm.xlane v15, v6  }
0x54: {  	v16 =	vperm.xlane v16, v9;
	v15 =	vperm.xlane v15, v9;
	[tilespmem:s26+$0x41B0] =	vst v17;
	v17 =	vsel vm2, v20, v22  }
0x55: {  	v20 =	vperm.xlane v24, v2;
	v22 =	vperm.xlane v14, v9;
	[tilespmem:s26+$0x41C0] =	vst v17;
	v17 =	vsel vm1, v19, v21  }
0x56: {  	v19 =	vperm.xlane v14, v2;
	v21 =	vperm.xlane v24, v3;
	v15 =	vsel vm5, v16, v15;
	[tilespmem:s26+$0x41D0] =	vst v17  }
0x57: {  	v16 =	vperm.xlane v14, v4;
	v17 =	vsel vm0, v18, v23;
	v18 =	vperm.xlane v14, v3;
	[tilespmem:s26+$0x41F0] =	vst v15  }
0x58: {  	v23 =	vperm.xlane v24, v9;
	[tilespmem:s26+$0x41E0] =	vst v17;
	v17 =	vperm.xlane v24, v4;
	v15 =	vsel vm7, v19, v20  }
0x59: {  	v19 =	vperm.xlane v14, v5;
	v20 =	vperm.xlane v24, v5;
	[tilespmem:s26+$0x4200] =	vst v15;
	v15 =	vsel vm6, v18, v21  }
0x5a: {  	v18 =	vperm.xlane v14, v8;
	v21 =	vperm.xlane v24, v8;
	[tilespmem:s26+$0x4210] =	vst v15;
	v15 =	vsel vm4, v16, v17  }
0x5b: {  	v16 =	vperm.xlane v14, v7;
	v17 =	vperm.xlane v24, v7;
	[tilespmem:s26+$0x4220] =	vst v15;
	v15 =	vsel vm3, v19, v20  }
0x5c: {  	v19 =	vperm.xlane v14, v6;
	v20 =	vperm.xlane v24, v6;
	[tilespmem:s26+$0x4230] =	vst v15;
	v15 =	vsel vm2, v18, v21  }
0x5d: {  	v14 =	vsel vm1, v16, v17;
	v21 =	vperm.xlane v11, v2;
	v16 =	vperm.xlane v11, v3;
	[tilespmem:s26+$0x4240] =	vst v15  }
0x5e: {  	s28 =	simm.s32 $0x200;
	v17 =	vperm.xlane v10, v4;
	v18 =	vperm.xlane v11, v4;
	[tilespmem:s26+$0x4250] =	vst v14;
	v15 =	vsel vm0, v19, v20  }
0x5f: {  	s29 =	simm.s32 $0x1000;
	v22 =	vsel vm5, v22, v23;
	v19 =	vperm.xlane v10, v5;
	v20 =	vperm.xlane v11, v5;
	v14 =	vld [tilespmem:s28+$0x2280];
	[tilespmem:s26+$0x4260] =	vst v15  }
.LBB2_3:
0x60: {  	p1 =	sne.s32 s29, $0x7800;
	v15 =	vld [tilespmem:s28+$0x2290];
	[tilespmem:s26+$0x4270] =	vst v22;
	v13 =	vsel vm7, v13, v21;
	v21 =	vperm.xlane v10, v8;
	v22 =	vperm.xlane v11, v8  }
0x61: {  	v12 =	vsel vm6, v12, v16;
	v16 =	vperm.xlane v11, v7;
	v23 =	vld [tilespmem:s28+$0x2100];
	[tilespmem:s26+$0x4280] =	vst v13;
	v13 =	vperm.xlane v10, v7  }
0x62: {  	v27 =	vperm.xlane v10, v6;
	v26 =	vperm.xlane v11, v6;
	v24 =	vld [tilespmem:s28+$0x2110];
	[tilespmem:s26+$0x4290] =	vst v12;
	v12 =	vsel vm4, v17, v18  }
0x63: {  	v18 =	vsel vm3, v19, v20;
	v19 =	vsel vm2, v21, v22;
	v17 =	vld [tilespmem:s28+$0x2180];
	[tilespmem:s26+$0x42A0] =	vst v12;
	v16 =	vsel vm1, v13, v16  }
0x64: {  	v20 =	vld [tilespmem:s28+$0x2190];
	v13 =	vperm.xlane v14, v2;
	v12 =	vperm.xlane v14, v3;
	[tilespmem:s26+$0x42B0] =	vst v18;
	v18 =	vsel vm0, v27, v26  }
0x65: {  	v22 =	vperm.xlane v14, v9;
	v10 =	vmovc v14;
	v21 =	vld [tilespmem:s28+$0x2200];
	v25 =	vperm.xlane v15, v9;
	[tilespmem:s26+$0x42C0] =	vst v19;
	v11 =	vmov v15  }
0x66: {  	v14 =	vperm.xlane v23, v2;
	v15 =	vperm.xlane v23, v3;
	v19 =	vld [tilespmem:s28+$0x2210];
	[tilespmem:s26+$0x42D0] =	vst v16  }
0x67: {  	v16 =	vperm.xlane v24, v2;
	v26 =	vperm.xlane v24, v3;
	v22 =	vsel vm5, v22, v25;
	[tilespmem:s26+$0x42E0] =	vst v18;
	s26 =	smov.u32 s28  }
0x68: {  	v18 =	vperm.xlane v23, v4;
	v25 =	vperm.xlane v24, v4;
	[tilespmem:s26+$0x42F0] =	vst v22  }
0x69: {  	v22 =	vperm.xlane v24, v5;
	v14 =	vsel vm7, v14, v16;
	v16 =	vperm.xlane v23, v5  }
0x6a: {  	[tilespmem:s26+$0x4100] =	vst v14;
	v14 =	vsel vm6, v15, v26;
	v15 =	vperm.xlane v23, v8;
	v26 =	vperm.xlane v24, v8  }
0x6b: {  	[tilespmem:s26+$0x4110] =	vst v14;
	v14 =	vsel vm4, v18, v25;
	v18 =	vperm.xlane v23, v7;
	v25 =	vperm.xlane v24, v7  }
0x6c: {  	[tilespmem:s26+$0x4120] =	vst v14;
	v14 =	vsel vm3, v16, v22;
	v16 =	vperm.xlane v23, v6;
	v22 =	vperm.xlane v24, v6  }
0x6d: {  	[tilespmem:s26+$0x4130] =	vst v14;
	v14 =	vsel vm2, v15, v26;
	v15 =	vperm.xlane v23, v9;
	v23 =	vperm.xlane v24, v9  }
0x6e: {  	v24 =	vperm.xlane v20, v2;
	[tilespmem:s26+$0x4140] =	vst v14;
	v14 =	vsel vm1, v18, v25;
	v18 =	vperm.xlane v17, v2  }
0x6f: {  	[tilespmem:s26+$0x4150] =	vst v14;
	v14 =	vsel vm0, v16, v22;
	v16 =	vperm.xlane v17, v3;
	v22 =	vperm.xlane v20, v3  }
0x70: {  	[tilespmem:s26+$0x4160] =	vst v14;
	v14 =	vsel vm5, v15, v23;
	v15 =	vperm.xlane v17, v4;
	v23 =	vperm.xlane v20, v4  }
0x71: {  	[tilespmem:s26+$0x4170] =	vst v14;
	v14 =	vsel vm7, v18, v24;
	v18 =	vperm.xlane v17, v5;
	v24 =	vperm.xlane v20, v5  }
0x72: {  	[tilespmem:s26+$0x4180] =	vst v14;
	v14 =	vsel vm6, v16, v22;
	v16 =	vperm.xlane v17, v8;
	v22 =	vperm.xlane v20, v8  }
0x73: {  	[tilespmem:s26+$0x4190] =	vst v14;
	v14 =	vsel vm4, v15, v23;
	v15 =	vperm.xlane v17, v7;
	v23 =	vperm.xlane v20, v7  }
0x74: {  	[tilespmem:s26+$0x41A0] =	vst v14;
	v14 =	vsel vm3, v18, v24;
	v18 =	vperm.xlane v17, v6;
	v24 =	vperm.xlane v20, v6  }
0x75: {  	[tilespmem:s26+$0x41B0] =	vst v14;
	v14 =	vsel vm2, v16, v22;
	v16 =	vperm.xlane v17, v9;
	v17 =	vperm.xlane v20, v9  }
0x76: {  	v20 =	vperm.xlane v19, v2;
	[tilespmem:s26+$0x41C0] =	vst v14;
	v14 =	vsel vm1, v15, v23;
	v15 =	vperm.xlane v21, v2  }
0x77: {  	v22 =	vperm.xlane v19, v3;
	[tilespmem:s26+$0x41D0] =	vst v14;
	v14 =	vsel vm0, v18, v24;
	v18 =	vperm.xlane v21, v3  }
0x78: {  	[tilespmem:s26+$0x41E0] =	vst v14;
	v14 =	vsel vm5, v16, v17;
	v16 =	vperm.xlane v21, v4;
	v17 =	vperm.xlane v19, v4  }
0x79: {  	[tilespmem:s26+$0x41F0] =	vst v14;
	v14 =	vsel vm7, v15, v20;
	v15 =	vperm.xlane v21, v5;
	v20 =	vperm.xlane v19, v5  }
0x7a: {  	[tilespmem:s26+$0x4200] =	vst v14;
	v14 =	vsel vm6, v18, v22;
	v18 =	vperm.xlane v21, v8;
	v22 =	vperm.xlane v19, v8  }
0x7b: {  	[tilespmem:s26+$0x4210] =	vst v14;
	v14 =	vsel vm4, v16, v17;
	v16 =	vperm.xlane v21, v7;
	v17 =	vperm.xlane v19, v7  }
.Ltmp0:
0x7c: {  	[tilespmem:s26+$0x4220] =	vst v14;
	v14 =	vsel vm3, v15, v20;
	v15 =	vperm.xlane v21, v6;
	v20 =	vperm.xlane v19, v6;
	(pc) =	sbr.rel @p1 .LBB2_3-.Ltmp0, $4  }
0x7d: {  	v19 =	vperm.xlane v19, v9;
	[tilespmem:s26+$0x4230] =	vst v14;
	v14 =	vsel vm2, v18, v22;
	v22 =	vperm.xlane v21, v9  }
0x7e: {  	v21 =	vperm.xlane v11, v2;
	[tilespmem:s26+$0x4240] =	vst v14;
	v14 =	vsel vm1, v16, v17;
	v16 =	vperm.xlane v11, v3  }
0x7f: {  	s28 =	sshra.s32 s29, $0x2;
	v18 =	vperm.xlane v11, v4;
	v15 =	vsel vm0, v15, v20;
	v17 =	vperm.xlane v10, v4;
	[tilespmem:s26+$0x4250] =	vst v14  }
0x80: {  	s29 =	sadd.s32 $0x800, s29;
	v20 =	vperm.xlane v11, v5;
	v22 =	vsel vm5, v22, v19;
	v19 =	vperm.xlane v10, v5;
	v14 =	vld [tilespmem:s28+$0x2280];
	[tilespmem:s26+$0x4260] =	vst v15  }
0x81: {  	v15 =	vld [tilespmem:s28+$0x2290];
	[tilespmem:s26+$0x4270] =	vst v22;
	v13 =	vsel vm7, v13, v21  }
0x82: {  	v12 =	vsel vm6, v12, v16;
	v21 =	vld [tilespmem:s28+$0x2100];
	[tilespmem:s26+$0x4280] =	vst v13  }
0x83: {  	v13 =	vld [tilespmem:s28+$0x2110];
	[tilespmem:s26+$0x4290] =	vst v12;
	v12 =	vsel vm4, v17, v18  }
0x84: {  	v17 =	vperm.xlane v11, v8;
	v18 =	vsel vm3, v19, v20;
	v16 =	vld [tilespmem:s28+$0x2180];
	[tilespmem:s26+$0x42A0] =	vst v12;
	v12 =	vperm.xlane v10, v8  }
0x85: {  	v20 =	vperm.xlane v11, v7;
	v19 =	vld [tilespmem:s28+$0x2190];
	[tilespmem:s26+$0x42B0] =	vst v18;
	v18 =	vperm.xlane v10, v7  }
0x86: {  	v11 =	vperm.xlane v11, v6;
	v10 =	vperm.xlane v10, v6;
	v12 =	vsel vm2, v12, v17  }
0x87: {  	v17 =	vld [tilespmem:s28+$0x2200];
	[tilespmem:s26+$0x42C0] =	vst v12;
	v12 =	vsel vm1, v18, v20;
	v18 =	vperm.xlane v14, v9;
	v20 =	vperm.xlane v15, v9  }
0x88: {  	v10 =	vsel vm0, v10, v11;
	v11 =	vperm.xlane v21, v2;
	v22 =	vld [tilespmem:s28+$0x2210];
	[tilespmem:s26+$0x42D0] =	vst v12;
	v12 =	vperm.xlane v13, v2  }
0x89: {  	v23 =	vperm.xlane v21, v3;
	v24 =	vperm.xlane v13, v3;
	[tilespmem:s26+$0x42E0] =	vst v10;
	v18 =	vsel vm5, v18, v20  }
0x8a: {  	v10 =	vperm.xlane v21, v4;
	v20 =	vperm.xlane v13, v4;
	[tilespmem:s28+$0x42F0] =	vst v18;
	v11 =	vsel vm7, v11, v12  }
0x8b: {  	v12 =	vperm.xlane v21, v5;
	v18 =	vperm.xlane v13, v5;
	[tilespmem:s28+$0x4100] =	vst v11;
	v11 =	vsel vm6, v23, v24  }
0x8c: {  	v60 =	vperm.xlane v13, v8;
	v23 =	vperm.xlane v21, v8;
	v10 =	vsel vm4, v10, v20;
	[tilespmem:s28+$0x4110] =	vst v11  }
0x8d: {  	v20 =	vperm.xlane v13, v7;
	v11 =	vperm.xlane v21, v7;
	[tilespmem:s28+$0x4120] =	vst v10;
	v10 =	vsel vm3, v12, v18  }
0x8e: {  	v12 =	vperm.xlane v21, v6;
	v18 =	vperm.xlane v13, v6;
	[tilespmem:s28+$0x4130] =	vst v10;
	v10 =	vsel vm2, v23, v60  }
0x8f: {  	v21 =	vperm.xlane v21, v9;
	v13 =	vperm.xlane v13, v9;
	[tilespmem:s28+$0x4140] =	vst v10;
	v10 =	vsel vm1, v11, v20  }
0x90: {  	v11 =	vperm.xlane v16, v2;
	v20 =	vperm.xlane v19, v2;
	[tilespmem:s28+$0x4150] =	vst v10;
	v10 =	vsel vm0, v12, v18  }
0x91: {  	v12 =	vperm.xlane v16, v3;
	v18 =	vperm.xlane v19, v3;
	[tilespmem:s28+$0x4160] =	vst v10;
	v10 =	vsel vm5, v21, v13  }
0x92: {  	v13 =	vperm.xlane v16, v4;
	v21 =	vperm.xlane v19, v4;
	[tilespmem:s28+$0x4170] =	vst v10;
	v10 =	vsel vm7, v11, v20  }
0x93: {  	v11 =	vperm.xlane v16, v5;
	v20 =	vperm.xlane v19, v5;
	[tilespmem:s28+$0x4180] =	vst v10;
	v10 =	vsel vm6, v12, v18  }
0x94: {  	v12 =	vperm.xlane v16, v8;
	v18 =	vperm.xlane v19, v8;
	[tilespmem:s28+$0x4190] =	vst v10;
	v10 =	vsel vm4, v13, v21  }
0x95: {  	v13 =	vperm.xlane v16, v7;
	v21 =	vperm.xlane v19, v7;
	[tilespmem:s28+$0x41A0] =	vst v10;
	v10 =	vsel vm3, v11, v20  }
0x96: {  	v11 =	vperm.xlane v16, v6;
	v20 =	vperm.xlane v19, v6;
	[tilespmem:s28+$0x41B0] =	vst v10;
	v10 =	vsel vm2, v12, v18  }
0x97: {  	v12 =	vperm.xlane v16, v9;
	v16 =	vperm.xlane v19, v9;
	[tilespmem:s28+$0x41C0] =	vst v10;
	v10 =	vsel vm1, v13, v21  }
0x98: {  	v18 =	vperm.xlane v22, v2;
	v13 =	vperm.xlane v17, v2;
	[tilespmem:s28+$0x41D0] =	vst v10;
	v10 =	vsel vm0, v11, v20  }
0x99: {  	v19 =	vperm.xlane v22, v3;
	v11 =	vperm.xlane v17, v3;
	[tilespmem:s28+$0x41E0] =	vst v10;
	v10 =	vsel vm5, v12, v16  }
0x9a: {  	v12 =	vperm.xlane v17, v4;
	v16 =	vperm.xlane v22, v4;
	[tilespmem:s28+$0x41F0] =	vst v10;
	v10 =	vsel vm7, v13, v18  }
0x9b: {  	v13 =	vperm.xlane v17, v5;
	v18 =	vperm.xlane v22, v5;
	[tilespmem:s28+$0x4200] =	vst v10;
	v10 =	vsel vm6, v11, v19  }
0x9c: {  	v11 =	vperm.xlane v17, v8;
	v19 =	vperm.xlane v22, v8;
	[tilespmem:s28+$0x4210] =	vst v10;
	v10 =	vsel vm4, v12, v16  }
0x9d: {  	v12 =	vperm.xlane v17, v7;
	v16 =	vperm.xlane v22, v7;
	[tilespmem:s28+$0x4220] =	vst v10;
	v10 =	vsel vm3, v13, v18  }
0x9e: {  	v13 =	vperm.xlane v17, v6;
	v18 =	vperm.xlane v22, v6;
	[tilespmem:s28+$0x4230] =	vst v10;
	v10 =	vsel vm2, v11, v19  }
0x9f: {  	v11 =	vperm.xlane v17, v9;
	v9 =	vperm.xlane v22, v9;
	[tilespmem:s28+$0x4240] =	vst v10;
	v10 =	vsel vm1, v12, v16  }
0xa0: {  	v12 =	vperm.xlane v14, v2;
	v2 =	vperm.xlane v15, v2;
	[tilespmem:s28+$0x4250] =	vst v10;
	v10 =	vsel vm0, v13, v18  }
0xa1: {  	v13 =	vperm.xlane v14, v3;
	v3 =	vperm.xlane v15, v3;
	v9 =	vsel vm5, v11, v9;
	[tilespmem:s28+$0x4260] =	vst v10  }
0xa2: {  	v10 =	vperm.xlane v14, v4;
	v4 =	vperm.xlane v15, v4;
	[tilespmem:s28+$0x4270] =	vst v9;
	v2 =	vsel vm7, v12, v2  }
0xa3: {  	v9 =	vperm.xlane v14, v5;
	v5 =	vperm.xlane v15, v5;
	[tilespmem:s28+$0x4280] =	vst v2;
	v2 =	vsel vm6, v13, v3  }
0xa4: {  	v3 =	vperm.xlane v14, v8;
	v8 =	vperm.xlane v15, v8;
	[tilespmem:s28+$0x4290] =	vst v2;
	v2 =	vsel vm4, v10, v4  }
0xa5: {  	v4 =	vperm.xlane v14, v7;
	v7 =	vperm.xlane v15, v7;
	[tilespmem:s28+$0x42A0] =	vst v2;
	v2 =	vsel vm3, v9, v5  }
0xa6: {  	v5 =	vperm.xlane v14, v6;
	v6 =	vperm.xlane v15, v6;
	v3 =	vsel vm2, v3, v8;
	[tilespmem:s28+$0x42B0] =	vst v2  }
0xa7: {  	v2 =	vsel vm1, v4, v7;
	[tilespmem:s28+$0x42C0] =	vst v3  }
0xa8: {  	v3 =	vsel vm0, v5, v6;
	[tilespmem:s28+$0x42D0] =	vst v2  }
0xa9: {  	s31 =	sadd.s32 s25, s7;
	s26 =	simm.s32 @!p0 $0x2;
	[tilespmem:s28+$0x42E0] =	vst v3  }
0xaa: {  	[hbm4b:s31+s13] =	stream.strided.scatter [tilespmem:s15], [sflag:$0x1], $0x2000, s14, s13, $0x38;
	[tilespmem:$0xC100] =	vst v63  }
0xab: {  	_ =	swait.ge @!p0 [sflag:s26], $0x2000  }
0xac: {  	[sflag:s26] =	ssyncset.done @!p0 $0x0  }
0xad: {  	[sflag:s26] =	ssyncadd.s32 @!p0 $0xFFFFE000  }
0xae: {  	v2 =	vld [tilespmem:s25+$0x180]  }
0xaf: {  	v3 =	vld [tilespmem:s25+$0x190]  }
0xb0: {  	v4 =	vld [tilespmem:s25+$0x1A0]  }
0xb1: {  	v5 =	vld [tilespmem:s25+$0x1B0]  }
0xb2: {  	v6 =	vld [tilespmem:s25+$0x1C0]  }
0xb3: {  	v7 =	vld [tilespmem:s25+$0x1D0]  }
0xb4: {  	v8 =	vld [tilespmem:s25+$0x1E0]  }
0xb5: {  	v9 =	vld [tilespmem:s25+$0x1F0]  }
0xb6: {  	v2 =	vmul.f32 v2, v0;
	v3 =	vmul.f32 v3, v0  }
0xb7: {  	v4 =	vmul.f32 v4, v0;
	v5 =	vmul.f32 v5, v0  }
0xb8: {  	v6 =	vmul.f32 v6, v0;
	v7 =	vmul.f32 v7, v0  }
0xb9: {  	v8 =	vmul.f32 v8, v0;
	v2 =	vadd.f32 v2, v1;
	v3 =	vadd.f32 v3, v1  }
0xba: {  	v9 =	vmul.f32 v9, v0;
	v4 =	vadd.f32 v4, v1;
	v5 =	vadd.f32 v5, v1  }
0xbb: {  	v6 =	vadd.f32 v6, v1;
	v7 =	vadd.f32 v7, v1;
	v2 =	vtrunc.f32 v2  }
0xbc: {  	v8 =	vadd.f32 v8, v1;
	v3 =	vtrunc.f32 v3;
	v4 =	vtrunc.f32 v4  }
0xbd: {  	v9 =	vadd.f32 v9, v1;
	v5 =	vtrunc.f32 v5;
	v6 =	vtrunc.f32 v6  }
0xbe: {  	v7 =	vtrunc.f32 v7;
	v8 =	vtrunc.f32 v8  }
0xbf: {  	v9 =	vtrunc.f32 v9;
	v2 =	vcvt.f32.s32 v2  }
0xc0: {  	v3 =	vcvt.f32.s32 v3;
	v4 =	vcvt.f32.s32 v4  }
0xc1: {  	v5 =	vcvt.f32.s32 v5;
	v6 =	vcvt.f32.s32 v6  }
0xc2: {  	v7 =	vcvt.f32.s32 v7;
	v17 =	vcvt.f32.s32 v8  }
0xc3: {  	s26 =	simm.s32 $0x0;
	v9 =	vcvt.f32.s32 v9;
	v14 =	vand.u32 $0x10, v2;
	v2 =	vand.u32 $0xF, v2  }
0xc4: {  	v10 =	vld [tilespmem:s26+$0x2280];
	v15 =	vand.u32 $0x10, v3;
	v3 =	vand.u32 $0xF, v3;
	v12 =	vand.u32 $0x10, v4  }
0xc5: {  	v11 =	vld [tilespmem:s26+$0x2290];
	v4 =	vand.u32 $0xF, v4;
	v13 =	vand.u32 $0x10, v5;
	v5 =	vand.u32 $0xF, v5  }
0xc6: {  	v19 =	vld [tilespmem:s26+$0x2100];
	v16 =	vand.u32 $0x10, v6;
	v8 =	vand.u32 $0xF, v6;
	v18 =	vand.u32 $0x10, v7  }
0xc7: {  	v21 =	vld [tilespmem:s26+$0x2110];
	v20 =	vand.u32 $0x10, v17;
	v6 =	vand.u32 $0xF, v17;
	v17 =	vand.u32 $0x10, v9  }
0xc8: {  	v7 =	vand.u32 $0xF, v7;
	v9 =	vand.u32 $0xF, v9;
	vm5 =	veq.s32 v17, $0x0  }
0xc9: {  	vm0 =	veq.s32 v20, $0x0;
	vm1 =	veq.s32 v18, $0x0;
	vm3 =	veq.s32 v13, $0x0  }
0xca: {  	vm4 =	veq.s32 v12, $0x0;
	v13 =	vperm.xlane v10, v2;
	v12 =	vperm.xlane v10, v3  }
0xcb: {  	vm2 =	veq.s32 v16, $0x0;
	v17 =	vperm.xlane v10, v9;
	v18 =	vperm.xlane v11, v9  }
0xcc: {  	vm6 =	veq.s32 v15, $0x0;
	v20 =	vperm.xlane v19, v2;
	v22 =	vperm.xlane v21, v2  }
0xcd: {  	vm7 =	veq.s32 v14, $0x0;
	v23 =	vperm.xlane v19, v3;
	v25 =	vperm.xlane v21, v3  }
0xce: {  	v16 =	vld [tilespmem:s26+$0x2180];
	v26 =	vperm.xlane v21, v4;
	v62 =	vperm.xlane v21, v8;
	v17 =	vsel vm5, v17, v18  }
0xcf: {  	v15 =	vld [tilespmem:s26+$0x2190];
	v63 =	vperm.xlane v21, v7;
	v18 =	vperm.xlane v19, v4;
	[tilespmem:s26+$0x62F0] =	vst v17;
	v17 =	vsel vm7, v20, v22  }
0xd0: {  	v20 =	vperm.xlane v19, v5;
	v22 =	vperm.xlane v21, v5;
	[tilespmem:s26+$0x6100] =	vst v17;
	v17 =	vsel vm6, v23, v25  }
0xd1: {  	v23 =	vperm.xlane v19, v8;
	[tilespmem:s26+$0x6110] =	vst v17;
	v17 =	vsel vm4, v18, v26;
	v18 =	vperm.xlane v19, v7  }
0xd2: {  	[tilespmem:s26+$0x6120] =	vst v17;
	v17 =	vsel vm3, v20, v22;
	v20 =	vperm.xlane v19, v6;
	v22 =	vperm.xlane v21, v6  }
0xd3: {  	v19 =	vperm.xlane v19, v9;
	v21 =	vperm.xlane v21, v9;
	[tilespmem:s26+$0x6130] =	vst v17;
	v17 =	vsel vm2, v23, v62  }
0xd4: {  	v23 =	vperm.xlane v15, v2;
	[tilespmem:s26+$0x6140] =	vst v17;
	v17 =	vsel vm1, v18, v63;
	v18 =	vperm.xlane v16, v2  }
0xd5: {  	[tilespmem:s26+$0x6150] =	vst v17;
	v17 =	vsel vm0, v20, v22;
	v20 =	vperm.xlane v16, v3;
	v22 =	vperm.xlane v15, v3  }
0xd6: {  	v61 =	vld [tilespmem:s26+$0x2210];
	[tilespmem:s26+$0x6160] =	vst v17;
	v17 =	vsel vm5, v19, v21;
	v19 =	vperm.xlane v16, v4;
	v21 =	vperm.xlane v15, v4  }
0xd7: {  	v14 =	vld [tilespmem:s26+$0x2200];
	[tilespmem:s26+$0x6170] =	vst v17;
	v17 =	vsel vm7, v18, v23;
	v18 =	vperm.xlane v16, v5;
	v23 =	vperm.xlane v15, v5  }
0xd8: {  	[tilespmem:s26+$0x6180] =	vst v17;
	v17 =	vsel vm6, v20, v22;
	v20 =	vperm.xlane v16, v8;
	v22 =	vperm.xlane v15, v8  }
0xd9: {  	[tilespmem:s26+$0x6190] =	vst v17;
	v17 =	vsel vm4, v19, v21;
	v19 =	vperm.xlane v16, v7;
	v21 =	vperm.xlane v15, v7  }
0xda: {  	[tilespmem:s26+$0x61A0] =	vst v17;
	v17 =	vsel vm3, v18, v23;
	v18 =	vperm.xlane v16, v6;
	v23 =	vperm.xlane v15, v6  }
0xdb: {  	v16 =	vperm.xlane v16, v9;
	v15 =	vperm.xlane v15, v9;
	[tilespmem:s26+$0x61B0] =	vst v17;
	v17 =	vsel vm2, v20, v22  }
0xdc: {  	v20 =	vperm.xlane v61, v2;
	v22 =	vperm.xlane v14, v9;
	[tilespmem:s26+$0x61C0] =	vst v17;
	v17 =	vsel vm1, v19, v21  }
0xdd: {  	v19 =	vperm.xlane v14, v2;
	v21 =	vperm.xlane v61, v3;
	v15 =	vsel vm5, v16, v15;
	[tilespmem:s26+$0x61D0] =	vst v17  }
0xde: {  	v16 =	vperm.xlane v14, v4;
	v17 =	vsel vm0, v18, v23;
	v18 =	vperm.xlane v14, v3;
	[tilespmem:s26+$0x61F0] =	vst v15  }
0xdf: {  	v23 =	vperm.xlane v61, v9;
	[tilespmem:s26+$0x61E0] =	vst v17;
	v17 =	vperm.xlane v61, v4;
	v15 =	vsel vm7, v19, v20  }
0xe0: {  	v19 =	vperm.xlane v14, v5;
	v20 =	vperm.xlane v61, v5;
	[tilespmem:s26+$0x6200] =	vst v15;
	v15 =	vsel vm6, v18, v21  }
0xe1: {  	v18 =	vperm.xlane v14, v8;
	v21 =	vperm.xlane v61, v8;
	[tilespmem:s26+$0x6210] =	vst v15;
	v15 =	vsel vm4, v16, v17  }
0xe2: {  	v16 =	vperm.xlane v14, v7;
	v17 =	vperm.xlane v61, v7;
	[tilespmem:s26+$0x6220] =	vst v15;
	v15 =	vsel vm3, v19, v20  }
0xe3: {  	v19 =	vperm.xlane v14, v6;
	v20 =	vperm.xlane v61, v6;
	[tilespmem:s26+$0x6230] =	vst v15;
	v15 =	vsel vm2, v18, v21  }
0xe4: {  	v14 =	vsel vm1, v16, v17;
	v21 =	vperm.xlane v11, v2;
	v16 =	vperm.xlane v11, v3;
	[tilespmem:s26+$0x6240] =	vst v15  }
0xe5: {  	s29 =	simm.s32 $0x200;
	v17 =	vperm.xlane v10, v4;
	v18 =	vperm.xlane v11, v4;
	[tilespmem:s26+$0x6250] =	vst v14;
	v15 =	vsel vm0, v19, v20  }
0xe6: {  	s30 =	simm.s32 $0x1000;
	s28 =	sor.u32 $0x80, s25;
	v22 =	vsel vm5, v22, v23;
	v19 =	vperm.xlane v10, v5;
	v20 =	vperm.xlane v11, v5;
	v14 =	vld [tilespmem:s29+$0x2280];
	[tilespmem:s26+$0x6260] =	vst v15  }
.LBB2_5:
0xe7: {  	p1 =	sne.s32 s30, $0x7800;
	v15 =	vld [tilespmem:s29+$0x2290];
	[tilespmem:s26+$0x6270] =	vst v22;
	v13 =	vsel vm7, v13, v21;
	v21 =	vperm.xlane v10, v8;
	v22 =	vperm.xlane v11, v8  }
0xe8: {  	v12 =	vsel vm6, v12, v16;
	v16 =	vperm.xlane v11, v7;
	v23 =	vld [tilespmem:s29+$0x2100];
	[tilespmem:s26+$0x6280] =	vst v13;
	v13 =	vperm.xlane v10, v7  }
0xe9: {  	v27 =	vperm.xlane v10, v6;
	v26 =	vperm.xlane v11, v6;
	v24 =	vld [tilespmem:s29+$0x2110];
	[tilespmem:s26+$0x6290] =	vst v12;
	v12 =	vsel vm4, v17, v18  }
0xea: {  	v18 =	vsel vm3, v19, v20;
	v19 =	vsel vm2, v21, v22;
	v17 =	vld [tilespmem:s29+$0x2180];
	[tilespmem:s26+$0x62A0] =	vst v12;
	v16 =	vsel vm1, v13, v16  }
0xeb: {  	v20 =	vld [tilespmem:s29+$0x2190];
	v13 =	vperm.xlane v14, v2;
	v12 =	vperm.xlane v14, v3;
	[tilespmem:s26+$0x62B0] =	vst v18;
	v18 =	vsel vm0, v27, v26  }
0xec: {  	v22 =	vperm.xlane v14, v9;
	v10 =	vmovc v14;
	v21 =	vld [tilespmem:s29+$0x2200];
	v25 =	vperm.xlane v15, v9;
	[tilespmem:s26+$0x62C0] =	vst v19;
	v11 =	vmov v15  }
0xed: {  	v14 =	vperm.xlane v23, v2;
	v15 =	vperm.xlane v23, v3;
	v19 =	vld [tilespmem:s29+$0x2210];
	[tilespmem:s26+$0x62D0] =	vst v16  }
0xee: {  	v16 =	vperm.xlane v24, v2;
	v26 =	vperm.xlane v24, v3;
	v22 =	vsel vm5, v22, v25;
	[tilespmem:s26+$0x62E0] =	vst v18;
	s26 =	smov.u32 s29  }
0xef: {  	v18 =	vperm.xlane v23, v4;
	v25 =	vperm.xlane v24, v4;
	[tilespmem:s26+$0x62F0] =	vst v22  }
0xf0: {  	v22 =	vperm.xlane v24, v5;
	v14 =	vsel vm7, v14, v16;
	v16 =	vperm.xlane v23, v5  }
0xf1: {  	[tilespmem:s26+$0x6100] =	vst v14;
	v14 =	vsel vm6, v15, v26;
	v15 =	vperm.xlane v23, v8;
	v26 =	vperm.xlane v24, v8  }
0xf2: {  	[tilespmem:s26+$0x6110] =	vst v14;
	v14 =	vsel vm4, v18, v25;
	v18 =	vperm.xlane v23, v7;
	v25 =	vperm.xlane v24, v7  }
0xf3: {  	[tilespmem:s26+$0x6120] =	vst v14;
	v14 =	vsel vm3, v16, v22;
	v16 =	vperm.xlane v23, v6;
	v22 =	vperm.xlane v24, v6  }
0xf4: {  	[tilespmem:s26+$0x6130] =	vst v14;
	v14 =	vsel vm2, v15, v26;
	v15 =	vperm.xlane v23, v9;
	v23 =	vperm.xlane v24, v9  }
0xf5: {  	v24 =	vperm.xlane v20, v2;
	[tilespmem:s26+$0x6140] =	vst v14;
	v14 =	vsel vm1, v18, v25;
	v18 =	vperm.xlane v17, v2  }
0xf6: {  	[tilespmem:s26+$0x6150] =	vst v14;
	v14 =	vsel vm0, v16, v22;
	v16 =	vperm.xlane v17, v3;
	v22 =	vperm.xlane v20, v3  }
0xf7: {  	[tilespmem:s26+$0x6160] =	vst v14;
	v14 =	vsel vm5, v15, v23;
	v15 =	vperm.xlane v17, v4;
	v23 =	vperm.xlane v20, v4  }
0xf8: {  	[tilespmem:s26+$0x6170] =	vst v14;
	v14 =	vsel vm7, v18, v24;
	v18 =	vperm.xlane v17, v5;
	v24 =	vperm.xlane v20, v5  }
0xf9: {  	[tilespmem:s26+$0x6180] =	vst v14;
	v14 =	vsel vm6, v16, v22;
	v16 =	vperm.xlane v17, v8;
	v22 =	vperm.xlane v20, v8  }
0xfa: {  	[tilespmem:s26+$0x6190] =	vst v14;
	v14 =	vsel vm4, v15, v23;
	v15 =	vperm.xlane v17, v7;
	v23 =	vperm.xlane v20, v7  }
0xfb: {  	[tilespmem:s26+$0x61A0] =	vst v14;
	v14 =	vsel vm3, v18, v24;
	v18 =	vperm.xlane v17, v6;
	v24 =	vperm.xlane v20, v6  }
0xfc: {  	[tilespmem:s26+$0x61B0] =	vst v14;
	v14 =	vsel vm2, v16, v22;
	v16 =	vperm.xlane v17, v9;
	v17 =	vperm.xlane v20, v9  }
0xfd: {  	v20 =	vperm.xlane v19, v2;
	[tilespmem:s26+$0x61C0] =	vst v14;
	v14 =	vsel vm1, v15, v23;
	v15 =	vperm.xlane v21, v2  }
0xfe: {  	v22 =	vperm.xlane v19, v3;
	[tilespmem:s26+$0x61D0] =	vst v14;
	v14 =	vsel vm0, v18, v24;
	v18 =	vperm.xlane v21, v3  }
0xff: {  	[tilespmem:s26+$0x61E0] =	vst v14;
	v14 =	vsel vm5, v16, v17;
	v16 =	vperm.xlane v21, v4;
	v17 =	vperm.xlane v19, v4  }
0x100: {  	[tilespmem:s26+$0x61F0] =	vst v14;
	v14 =	vsel vm7, v15, v20;
	v15 =	vperm.xlane v21, v5;
	v20 =	vperm.xlane v19, v5  }
0x101: {  	[tilespmem:s26+$0x6200] =	vst v14;
	v14 =	vsel vm6, v18, v22;
	v18 =	vperm.xlane v21, v8;
	v22 =	vperm.xlane v19, v8  }
0x102: {  	[tilespmem:s26+$0x6210] =	vst v14;
	v14 =	vsel vm4, v16, v17;
	v16 =	vperm.xlane v21, v7;
	v17 =	vperm.xlane v19, v7  }
.Ltmp1:
0x103: {  	[tilespmem:s26+$0x6220] =	vst v14;
	v14 =	vsel vm3, v15, v20;
	v15 =	vperm.xlane v21, v6;
	v20 =	vperm.xlane v19, v6;
	(pc) =	sbr.rel @p1 .LBB2_5-.Ltmp1, $4  }
0x104: {  	v19 =	vperm.xlane v19, v9;
	[tilespmem:s26+$0x6230] =	vst v14;
	v14 =	vsel vm2, v18, v22;
	v22 =	vperm.xlane v21, v9  }
0x105: {  	v21 =	vperm.xlane v11, v2;
	[tilespmem:s26+$0x6240] =	vst v14;
	v14 =	vsel vm1, v16, v17;
	v16 =	vperm.xlane v11, v3  }
0x106: {  	s29 =	sshra.s32 s30, $0x2;
	v18 =	vperm.xlane v11, v4;
	v15 =	vsel vm0, v15, v20;
	v17 =	vperm.xlane v10, v4;
	[tilespmem:s26+$0x6250] =	vst v14  }
0x107: {  	s30 =	sadd.s32 $0x800, s30;
	v20 =	vperm.xlane v11, v5;
	v22 =	vsel vm5, v22, v19;
	v19 =	vperm.xlane v10, v5;
	v14 =	vld [tilespmem:s29+$0x2280];
	[tilespmem:s26+$0x6260] =	vst v15  }
0x108: {  	v15 =	vld [tilespmem:s29+$0x2290];
	[tilespmem:s26+$0x6270] =	vst v22;
	v13 =	vsel vm7, v13, v21  }
0x109: {  	v12 =	vsel vm6, v12, v16;
	v21 =	vld [tilespmem:s29+$0x2100];
	[tilespmem:s26+$0x6280] =	vst v13  }
0x10a: {  	v13 =	vld [tilespmem:s29+$0x2110];
	[tilespmem:s26+$0x6290] =	vst v12;
	v12 =	vsel vm4, v17, v18  }
0x10b: {  	v17 =	vperm.xlane v11, v8;
	v18 =	vsel vm3, v19, v20;
	v16 =	vld [tilespmem:s29+$0x2180];
	[tilespmem:s26+$0x62A0] =	vst v12;
	v12 =	vperm.xlane v10, v8  }
0x10c: {  	v20 =	vperm.xlane v11, v7;
	v19 =	vld [tilespmem:s29+$0x2190];
	[tilespmem:s26+$0x62B0] =	vst v18;
	v18 =	vperm.xlane v10, v7  }
0x10d: {  	v11 =	vperm.xlane v11, v6;
	v10 =	vperm.xlane v10, v6;
	v12 =	vsel vm2, v12, v17  }
0x10e: {  	v17 =	vld [tilespmem:s29+$0x2200];
	[tilespmem:s26+$0x62C0] =	vst v12;
	v12 =	vsel vm1, v18, v20;
	v18 =	vperm.xlane v14, v9;
	v20 =	vperm.xlane v15, v9  }
0x10f: {  	v10 =	vsel vm0, v10, v11;
	v11 =	vperm.xlane v21, v2;
	v22 =	vld [tilespmem:s29+$0x2210];
	[tilespmem:s26+$0x62D0] =	vst v12;
	v12 =	vperm.xlane v13, v2  }
0x110: {  	v23 =	vperm.xlane v21, v3;
	v24 =	vperm.xlane v13, v3;
	[tilespmem:s26+$0x62E0] =	vst v10;
	v18 =	vsel vm5, v18, v20  }
0x111: {  	v10 =	vperm.xlane v21, v4;
	v20 =	vperm.xlane v13, v4;
	[tilespmem:s29+$0x62F0] =	vst v18;
	v11 =	vsel vm7, v11, v12  }
0x112: {  	v12 =	vperm.xlane v21, v5;
	v18 =	vperm.xlane v13, v5;
	[tilespmem:s29+$0x6100] =	vst v11;
	v11 =	vsel vm6, v23, v24  }
0x113: {  	v60 =	vperm.xlane v13, v8;
	v23 =	vperm.xlane v21, v8;
	v10 =	vsel vm4, v10, v20;
	[tilespmem:s29+$0x6110] =	vst v11  }
0x114: {  	v20 =	vperm.xlane v13, v7;
	v11 =	vperm.xlane v21, v7;
	[tilespmem:s29+$0x6120] =	vst v10;
	v10 =	vsel vm3, v12, v18  }
0x115: {  	v12 =	vperm.xlane v21, v6;
	v18 =	vperm.xlane v13, v6;
	[tilespmem:s29+$0x6130] =	vst v10;
	v10 =	vsel vm2, v23, v60  }
0x116: {  	v21 =	vperm.xlane v21, v9;
	v13 =	vperm.xlane v13, v9;
	[tilespmem:s29+$0x6140] =	vst v10;
	v10 =	vsel vm1, v11, v20  }
0x117: {  	v11 =	vperm.xlane v16, v2;
	v20 =	vperm.xlane v19, v2;
	[tilespmem:s29+$0x6150] =	vst v10;
	v10 =	vsel vm0, v12, v18  }
0x118: {  	v12 =	vperm.xlane v16, v3;
	v18 =	vperm.xlane v19, v3;
	[tilespmem:s29+$0x6160] =	vst v10;
	v10 =	vsel vm5, v21, v13  }
0x119: {  	v13 =	vperm.xlane v16, v4;
	v21 =	vperm.xlane v19, v4;
	[tilespmem:s29+$0x6170] =	vst v10;
	v10 =	vsel vm7, v11, v20  }
0x11a: {  	v11 =	vperm.xlane v16, v5;
	v20 =	vperm.xlane v19, v5;
	[tilespmem:s29+$0x6180] =	vst v10;
	v10 =	vsel vm6, v12, v18  }
0x11b: {  	v12 =	vperm.xlane v16, v8;
	v18 =	vperm.xlane v19, v8;
	[tilespmem:s29+$0x6190] =	vst v10;
	v10 =	vsel vm4, v13, v21  }
0x11c: {  	v13 =	vperm.xlane v16, v7;
	v21 =	vperm.xlane v19, v7;
	[tilespmem:s29+$0x61A0] =	vst v10;
	v10 =	vsel vm3, v11, v20  }
0x11d: {  	v11 =	vperm.xlane v16, v6;
	v20 =	vperm.xlane v19, v6;
	[tilespmem:s29+$0x61B0] =	vst v10;
	v10 =	vsel vm2, v12, v18  }
0x11e: {  	v12 =	vperm.xlane v16, v9;
	v16 =	vperm.xlane v19, v9;
	[tilespmem:s29+$0x61C0] =	vst v10;
	v10 =	vsel vm1, v13, v21  }
0x11f: {  	v18 =	vperm.xlane v22, v2;
	v13 =	vperm.xlane v17, v2;
	[tilespmem:s29+$0x61D0] =	vst v10;
	v10 =	vsel vm0, v11, v20  }
0x120: {  	v19 =	vperm.xlane v22, v3;
	v11 =	vperm.xlane v17, v3;
	[tilespmem:s29+$0x61E0] =	vst v10;
	v10 =	vsel vm5, v12, v16  }
0x121: {  	v12 =	vperm.xlane v17, v4;
	v16 =	vperm.xlane v22, v4;
	[tilespmem:s29+$0x61F0] =	vst v10;
	v10 =	vsel vm7, v13, v18  }
0x122: {  	v13 =	vperm.xlane v17, v5;
	v18 =	vperm.xlane v22, v5;
	[tilespmem:s29+$0x6200] =	vst v10;
	v10 =	vsel vm6, v11, v19  }
0x123: {  	v11 =	vperm.xlane v17, v8;
	v19 =	vperm.xlane v22, v8;
	[tilespmem:s29+$0x6210] =	vst v10;
	v10 =	vsel vm4, v12, v16  }
0x124: {  	v12 =	vperm.xlane v17, v7;
	v16 =	vperm.xlane v22, v7;
	[tilespmem:s29+$0x6220] =	vst v10;
	v10 =	vsel vm3, v13, v18  }
0x125: {  	v13 =	vperm.xlane v17, v6;
	v18 =	vperm.xlane v22, v6;
	[tilespmem:s29+$0x6230] =	vst v10;
	v10 =	vsel vm2, v11, v19  }
0x126: {  	v11 =	vperm.xlane v17, v9;
	v9 =	vperm.xlane v22, v9;
	[tilespmem:s29+$0x6240] =	vst v10;
	v10 =	vsel vm1, v12, v16  }
0x127: {  	v12 =	vperm.xlane v14, v2;
	v2 =	vperm.xlane v15, v2;
	[tilespmem:s29+$0x6250] =	vst v10;
	v10 =	vsel vm0, v13, v18  }
0x128: {  	v13 =	vperm.xlane v14, v3;
	v3 =	vperm.xlane v15, v3;
	v9 =	vsel vm5, v11, v9;
	[tilespmem:s29+$0x6260] =	vst v10  }
0x129: {  	v10 =	vperm.xlane v14, v4;
	v4 =	vperm.xlane v15, v4;
	[tilespmem:s29+$0x6270] =	vst v9;
	v2 =	vsel vm7, v12, v2  }
0x12a: {  	v9 =	vperm.xlane v14, v5;
	v5 =	vperm.xlane v15, v5;
	[tilespmem:s29+$0x6280] =	vst v2;
	v2 =	vsel vm6, v13, v3  }
0x12b: {  	v3 =	vperm.xlane v14, v8;
	v8 =	vperm.xlane v15, v8;
	[tilespmem:s29+$0x6290] =	vst v2;
	v2 =	vsel vm4, v10, v4  }
0x12c: {  	v4 =	vperm.xlane v14, v7;
	v7 =	vperm.xlane v15, v7;
	[tilespmem:s29+$0x62A0] =	vst v2;
	v2 =	vsel vm3, v9, v5  }
0x12d: {  	v5 =	vperm.xlane v14, v6;
	v6 =	vperm.xlane v15, v6;
	v3 =	vsel vm2, v3, v8;
	[tilespmem:s29+$0x62B0] =	vst v2  }
0x12e: {  	v2 =	vsel vm1, v4, v7;
	[tilespmem:s29+$0x62C0] =	vst v3  }
0x12f: {  	v3 =	vsel vm0, v5, v6;
	[tilespmem:s29+$0x62D0] =	vst v2  }
0x130: {  	s31 =	sadd.s32 s28, s7;
	s26 =	simm.s32 @!p0 $0x3;
	[tilespmem:s29+$0x62E0] =	vst v3  }
0x131: {  	[hbm4b:s31+s13] =	stream.strided.scatter [tilespmem:s16], [sflag:$0x2], $0x2000, s14, s13, $0x38;
	[tilespmem:$0xC100] =	vst v63  }
0x132: {  	_ =	swait.ge @!p0 [sflag:s26], $0x2000  }
0x133: {  	[sflag:s26] =	ssyncset.done @!p0 $0x0  }
0x134: {  	[sflag:s26] =	ssyncadd.s32 @!p0 $0xFFFFE000  }
0x135: {  	v2 =	vld [tilespmem:s25+$0x200]  }
0x136: {  	v3 =	vld [tilespmem:s25+$0x210]  }
0x137: {  	v4 =	vld [tilespmem:s25+$0x220]  }
0x138: {  	v5 =	vld [tilespmem:s25+$0x230]  }
0x139: {  	v6 =	vld [tilespmem:s25+$0x240]  }
0x13a: {  	v7 =	vld [tilespmem:s25+$0x250]  }
0x13b: {  	v8 =	vld [tilespmem:s25+$0x260]  }
0x13c: {  	v9 =	vld [tilespmem:s25+$0x270]  }
0x13d: {  	v2 =	vmul.f32 v2, v0;
	v3 =	vmul.f32 v3, v0  }
0x13e: {  	v4 =	vmul.f32 v4, v0;
	v5 =	vmul.f32 v5, v0  }
0x13f: {  	v6 =	vmul.f32 v6, v0;
	v7 =	vmul.f32 v7, v0  }
0x140: {  	v8 =	vmul.f32 v8, v0;
	v2 =	vadd.f32 v2, v1;
	v3 =	vadd.f32 v3, v1  }
0x141: {  	v9 =	vmul.f32 v9, v0;
	v4 =	vadd.f32 v4, v1;
	v5 =	vadd.f32 v5, v1  }
0x142: {  	v6 =	vadd.f32 v6, v1;
	v7 =	vadd.f32 v7, v1;
	v2 =	vtrunc.f32 v2  }
0x143: {  	v8 =	vadd.f32 v8, v1;
	v3 =	vtrunc.f32 v3;
	v4 =	vtrunc.f32 v4  }
0x144: {  	v9 =	vadd.f32 v9, v1;
	v5 =	vtrunc.f32 v5;
	v6 =	vtrunc.f32 v6  }
0x145: {  	v7 =	vtrunc.f32 v7;
	v8 =	vtrunc.f32 v8  }
0x146: {  	v9 =	vtrunc.f32 v9;
	v2 =	vcvt.f32.s32 v2  }
0x147: {  	v3 =	vcvt.f32.s32 v3;
	v4 =	vcvt.f32.s32 v4  }
0x148: {  	v5 =	vcvt.f32.s32 v5;
	v6 =	vcvt.f32.s32 v6  }
0x149: {  	v7 =	vcvt.f32.s32 v7;
	v17 =	vcvt.f32.s32 v8  }
0x14a: {  	s26 =	simm.s32 $0x0;
	v9 =	vcvt.f32.s32 v9;
	v14 =	vand.u32 $0x10, v2;
	v2 =	vand.u32 $0xF, v2  }
0x14b: {  	v10 =	vld [tilespmem:s26+$0x2280];
	v15 =	vand.u32 $0x10, v3;
	v3 =	vand.u32 $0xF, v3;
	v12 =	vand.u32 $0x10, v4  }
0x14c: {  	v11 =	vld [tilespmem:s26+$0x2290];
	v4 =	vand.u32 $0xF, v4;
	v13 =	vand.u32 $0x10, v5;
	v5 =	vand.u32 $0xF, v5  }
0x14d: {  	v19 =	vld [tilespmem:s26+$0x2100];
	v16 =	vand.u32 $0x10, v6;
	v8 =	vand.u32 $0xF, v6;
	v18 =	vand.u32 $0x10, v7  }
0x14e: {  	v21 =	vld [tilespmem:s26+$0x2110];
	v20 =	vand.u32 $0x10, v17;
	v6 =	vand.u32 $0xF, v17;
	v17 =	vand.u32 $0x10, v9  }
0x14f: {  	v7 =	vand.u32 $0xF, v7;
	v9 =	vand.u32 $0xF, v9;
	vm5 =	veq.s32 v17, $0x0  }
0x150: {  	vm0 =	veq.s32 v20, $0x0;
	vm1 =	veq.s32 v18, $0x0;
	vm3 =	veq.s32 v13, $0x0  }
0x151: {  	vm4 =	veq.s32 v12, $0x0;
	v13 =	vperm.xlane v10, v2;
	v12 =	vperm.xlane v10, v3  }
0x152: {  	vm2 =	veq.s32 v16, $0x0;
	v17 =	vperm.xlane v10, v9;
	v18 =	vperm.xlane v11, v9  }
0x153: {  	vm6 =	veq.s32 v15, $0x0;
	v20 =	vperm.xlane v19, v2;
	v22 =	vperm.xlane v21, v2  }
0x154: {  	vm7 =	veq.s32 v14, $0x0;
	v23 =	vperm.xlane v19, v3;
	v25 =	vperm.xlane v21, v3  }
0x155: {  	v16 =	vld [tilespmem:s26+$0x2180];
	v26 =	vperm.xlane v21, v4;
	v62 =	vperm.xlane v21, v8;
	v17 =	vsel vm5, v17, v18  }
0x156: {  	v15 =	vld [tilespmem:s26+$0x2190];
	v63 =	vperm.xlane v21, v7;
	v18 =	vperm.xlane v19, v4;
	[tilespmem:s26+$0x82F0] =	vst v17;
	v17 =	vsel vm7, v20, v22  }
0x157: {  	v20 =	vperm.xlane v19, v5;
	v22 =	vperm.xlane v21, v5;
	[tilespmem:s26+$0x8100] =	vst v17;
	v17 =	vsel vm6, v23, v25  }
0x158: {  	v23 =	vperm.xlane v19, v8;
	[tilespmem:s26+$0x8110] =	vst v17;
	v17 =	vsel vm4, v18, v26;
	v18 =	vperm.xlane v19, v7  }
0x159: {  	[tilespmem:s26+$0x8120] =	vst v17;
	v17 =	vsel vm3, v20, v22;
	v20 =	vperm.xlane v19, v6;
	v22 =	vperm.xlane v21, v6  }
0x15a: {  	v19 =	vperm.xlane v19, v9;
	v21 =	vperm.xlane v21, v9;
	[tilespmem:s26+$0x8130] =	vst v17;
	v17 =	vsel vm2, v23, v62  }
0x15b: {  	v23 =	vperm.xlane v15, v2;
	[tilespmem:s26+$0x8140] =	vst v17;
	v17 =	vsel vm1, v18, v63;
	v18 =	vperm.xlane v16, v2  }
0x15c: {  	[tilespmem:s26+$0x8150] =	vst v17;
	v17 =	vsel vm0, v20, v22;
	v20 =	vperm.xlane v16, v3;
	v22 =	vperm.xlane v15, v3  }
0x15d: {  	v61 =	vld [tilespmem:s26+$0x2210];
	[tilespmem:s26+$0x8160] =	vst v17;
	v17 =	vsel vm5, v19, v21;
	v19 =	vperm.xlane v16, v4;
	v21 =	vperm.xlane v15, v4  }
0x15e: {  	v14 =	vld [tilespmem:s26+$0x2200];
	[tilespmem:s26+$0x8170] =	vst v17;
	v17 =	vsel vm7, v18, v23;
	v18 =	vperm.xlane v16, v5;
	v23 =	vperm.xlane v15, v5  }
0x15f: {  	[tilespmem:s26+$0x8180] =	vst v17;
	v17 =	vsel vm6, v20, v22;
	v20 =	vperm.xlane v16, v8;
	v22 =	vperm.xlane v15, v8  }
0x160: {  	[tilespmem:s26+$0x8190] =	vst v17;
	v17 =	vsel vm4, v19, v21;
	v19 =	vperm.xlane v16, v7;
	v21 =	vperm.xlane v15, v7  }
0x161: {  	[tilespmem:s26+$0x81A0] =	vst v17;
	v17 =	vsel vm3, v18, v23;
	v18 =	vperm.xlane v16, v6;
	v23 =	vperm.xlane v15, v6  }
0x162: {  	v16 =	vperm.xlane v16, v9;
	v15 =	vperm.xlane v15, v9;
	[tilespmem:s26+$0x81B0] =	vst v17;
	v17 =	vsel vm2, v20, v22  }
0x163: {  	v20 =	vperm.xlane v61, v2;
	v22 =	vperm.xlane v14, v9;
	[tilespmem:s26+$0x81C0] =	vst v17;
	v17 =	vsel vm1, v19, v21  }
0x164: {  	v19 =	vperm.xlane v14, v2;
	v21 =	vperm.xlane v61, v3;
	v15 =	vsel vm5, v16, v15;
	[tilespmem:s26+$0x81D0] =	vst v17  }
0x165: {  	v16 =	vperm.xlane v14, v4;
	v17 =	vsel vm0, v18, v23;
	v18 =	vperm.xlane v14, v3;
	[tilespmem:s26+$0x81F0] =	vst v15  }
0x166: {  	v23 =	vperm.xlane v61, v9;
	[tilespmem:s26+$0x81E0] =	vst v17;
	v17 =	vperm.xlane v61, v4;
	v15 =	vsel vm7, v19, v20  }
0x167: {  	v19 =	vperm.xlane v14, v5;
	v20 =	vperm.xlane v61, v5;
	[tilespmem:s26+$0x8200] =	vst v15;
	v15 =	vsel vm6, v18, v21  }
0x168: {  	v18 =	vperm.xlane v14, v8;
	v21 =	vperm.xlane v61, v8;
	[tilespmem:s26+$0x8210] =	vst v15;
	v15 =	vsel vm4, v16, v17  }
0x169: {  	v16 =	vperm.xlane v14, v7;
	v17 =	vperm.xlane v61, v7;
	[tilespmem:s26+$0x8220] =	vst v15;
	v15 =	vsel vm3, v19, v20  }
0x16a: {  	v19 =	vperm.xlane v14, v6;
	v20 =	vperm.xlane v61, v6;
	[tilespmem:s26+$0x8230] =	vst v15;
	v15 =	vsel vm2, v18, v21  }
0x16b: {  	v14 =	vsel vm1, v16, v17;
	v21 =	vperm.xlane v11, v2;
	v16 =	vperm.xlane v11, v3;
	[tilespmem:s26+$0x8240] =	vst v15  }
0x16c: {  	s29 =	simm.s32 $0x200;
	v17 =	vperm.xlane v10, v4;
	v18 =	vperm.xlane v11, v4;
	[tilespmem:s26+$0x8250] =	vst v14;
	v15 =	vsel vm0, v19, v20  }
0x16d: {  	s28 =	sor.u32 $0x100, s25;
	s30 =	simm.s32 $0x1000;
	v22 =	vsel vm5, v22, v23;
	v19 =	vperm.xlane v10, v5;
	v20 =	vperm.xlane v11, v5;
	v14 =	vld [tilespmem:s29+$0x2280];
	[tilespmem:s26+$0x8260] =	vst v15  }
.LBB2_7:
0x16e: {  	p1 =	sne.s32 s30, $0x7800;
	v15 =	vld [tilespmem:s29+$0x2290];
	[tilespmem:s26+$0x8270] =	vst v22;
	v13 =	vsel vm7, v13, v21;
	v21 =	vperm.xlane v10, v8;
	v22 =	vperm.xlane v11, v8  }
0x16f: {  	v12 =	vsel vm6, v12, v16;
	v16 =	vperm.xlane v11, v7;
	v23 =	vld [tilespmem:s29+$0x2100];
	[tilespmem:s26+$0x8280] =	vst v13;
	v13 =	vperm.xlane v10, v7  }
0x170: {  	v27 =	vperm.xlane v10, v6;
	v26 =	vperm.xlane v11, v6;
	v24 =	vld [tilespmem:s29+$0x2110];
	[tilespmem:s26+$0x8290] =	vst v12;
	v12 =	vsel vm4, v17, v18  }
0x171: {  	v18 =	vsel vm3, v19, v20;
	v19 =	vsel vm2, v21, v22;
	v17 =	vld [tilespmem:s29+$0x2180];
	[tilespmem:s26+$0x82A0] =	vst v12;
	v16 =	vsel vm1, v13, v16  }
0x172: {  	v20 =	vld [tilespmem:s29+$0x2190];
	v13 =	vperm.xlane v14, v2;
	v12 =	vperm.xlane v14, v3;
	[tilespmem:s26+$0x82B0] =	vst v18;
	v18 =	vsel vm0, v27, v26  }
0x173: {  	v22 =	vperm.xlane v14, v9;
	v10 =	vmovc v14;
	v21 =	vld [tilespmem:s29+$0x2200];
	v25 =	vperm.xlane v15, v9;
	[tilespmem:s26+$0x82C0] =	vst v19;
	v11 =	vmov v15  }
0x174: {  	v14 =	vperm.xlane v23, v2;
	v15 =	vperm.xlane v23, v3;
	v19 =	vld [tilespmem:s29+$0x2210];
	[tilespmem:s26+$0x82D0] =	vst v16  }
0x175: {  	v16 =	vperm.xlane v24, v2;
	v26 =	vperm.xlane v24, v3;
	v22 =	vsel vm5, v22, v25;
	[tilespmem:s26+$0x82E0] =	vst v18;
	s26 =	smov.u32 s29  }
0x176: {  	v18 =	vperm.xlane v23, v4;
	v25 =	vperm.xlane v24, v4;
	[tilespmem:s26+$0x82F0] =	vst v22  }
0x177: {  	v22 =	vperm.xlane v24, v5;
	v14 =	vsel vm7, v14, v16;
	v16 =	vperm.xlane v23, v5  }
0x178: {  	[tilespmem:s26+$0x8100] =	vst v14;
	v14 =	vsel vm6, v15, v26;
	v15 =	vperm.xlane v23, v8;
	v26 =	vperm.xlane v24, v8  }
0x179: {  	[tilespmem:s26+$0x8110] =	vst v14;
	v14 =	vsel vm4, v18, v25;
	v18 =	vperm.xlane v23, v7;
	v25 =	vperm.xlane v24, v7  }
0x17a: {  	[tilespmem:s26+$0x8120] =	vst v14;
	v14 =	vsel vm3, v16, v22;
	v16 =	vperm.xlane v23, v6;
	v22 =	vperm.xlane v24, v6  }
0x17b: {  	[tilespmem:s26+$0x8130] =	vst v14;
	v14 =	vsel vm2, v15, v26;
	v15 =	vperm.xlane v23, v9;
	v23 =	vperm.xlane v24, v9  }
0x17c: {  	v24 =	vperm.xlane v20, v2;
	[tilespmem:s26+$0x8140] =	vst v14;
	v14 =	vsel vm1, v18, v25;
	v18 =	vperm.xlane v17, v2  }
0x17d: {  	[tilespmem:s26+$0x8150] =	vst v14;
	v14 =	vsel vm0, v16, v22;
	v16 =	vperm.xlane v17, v3;
	v22 =	vperm.xlane v20, v3  }
0x17e: {  	[tilespmem:s26+$0x8160] =	vst v14;
	v14 =	vsel vm5, v15, v23;
	v15 =	vperm.xlane v17, v4;
	v23 =	vperm.xlane v20, v4  }
0x17f: {  	[tilespmem:s26+$0x8170] =	vst v14;
	v14 =	vsel vm7, v18, v24;
	v18 =	vperm.xlane v17, v5;
	v24 =	vperm.xlane v20, v5  }
0x180: {  	[tilespmem:s26+$0x8180] =	vst v14;
	v14 =	vsel vm6, v16, v22;
	v16 =	vperm.xlane v17, v8;
	v22 =	vperm.xlane v20, v8  }
0x181: {  	[tilespmem:s26+$0x8190] =	vst v14;
	v14 =	vsel vm4, v15, v23;
	v15 =	vperm.xlane v17, v7;
	v23 =	vperm.xlane v20, v7  }
0x182: {  	[tilespmem:s26+$0x81A0] =	vst v14;
	v14 =	vsel vm3, v18, v24;
	v18 =	vperm.xlane v17, v6;
	v24 =	vperm.xlane v20, v6  }
0x183: {  	[tilespmem:s26+$0x81B0] =	vst v14;
	v14 =	vsel vm2, v16, v22;
	v16 =	vperm.xlane v17, v9;
	v17 =	vperm.xlane v20, v9  }
0x184: {  	v20 =	vperm.xlane v19, v2;
	[tilespmem:s26+$0x81C0] =	vst v14;
	v14 =	vsel vm1, v15, v23;
	v15 =	vperm.xlane v21, v2  }
0x185: {  	v22 =	vperm.xlane v19, v3;
	[tilespmem:s26+$0x81D0] =	vst v14;
	v14 =	vsel vm0, v18, v24;
	v18 =	vperm.xlane v21, v3  }
0x186: {  	[tilespmem:s26+$0x81E0] =	vst v14;
	v14 =	vsel vm5, v16, v17;
	v16 =	vperm.xlane v21, v4;
	v17 =	vperm.xlane v19, v4  }
0x187: {  	[tilespmem:s26+$0x81F0] =	vst v14;
	v14 =	vsel vm7, v15, v20;
	v15 =	vperm.xlane v21, v5;
	v20 =	vperm.xlane v19, v5  }
0x188: {  	[tilespmem:s26+$0x8200] =	vst v14;
	v14 =	vsel vm6, v18, v22;
	v18 =	vperm.xlane v21, v8;
	v22 =	vperm.xlane v19, v8  }
0x189: {  	[tilespmem:s26+$0x8210] =	vst v14;
	v14 =	vsel vm4, v16, v17;
	v16 =	vperm.xlane v21, v7;
	v17 =	vperm.xlane v19, v7  }
.Ltmp2:
0x18a: {  	[tilespmem:s26+$0x8220] =	vst v14;
	v14 =	vsel vm3, v15, v20;
	v15 =	vperm.xlane v21, v6;
	v20 =	vperm.xlane v19, v6;
	(pc) =	sbr.rel @p1 .LBB2_7-.Ltmp2, $4  }
0x18b: {  	v19 =	vperm.xlane v19, v9;
	[tilespmem:s26+$0x8230] =	vst v14;
	v14 =	vsel vm2, v18, v22;
	v22 =	vperm.xlane v21, v9  }
0x18c: {  	v21 =	vperm.xlane v11, v2;
	[tilespmem:s26+$0x8240] =	vst v14;
	v14 =	vsel vm1, v16, v17;
	v16 =	vperm.xlane v11, v3  }
0x18d: {  	s29 =	sshra.s32 s30, $0x2;
	v18 =	vperm.xlane v11, v4;
	v15 =	vsel vm0, v15, v20;
	v17 =	vperm.xlane v10, v4;
	[tilespmem:s26+$0x8250] =	vst v14  }
0x18e: {  	s30 =	sadd.s32 $0x800, s30;
	v20 =	vperm.xlane v11, v5;
	v22 =	vsel vm5, v22, v19;
	v19 =	vperm.xlane v10, v5;
	v14 =	vld [tilespmem:s29+$0x2280];
	[tilespmem:s26+$0x8260] =	vst v15  }
0x18f: {  	v15 =	vld [tilespmem:s29+$0x2290];
	[tilespmem:s26+$0x8270] =	vst v22;
	v13 =	vsel vm7, v13, v21  }
0x190: {  	v12 =	vsel vm6, v12, v16;
	v21 =	vld [tilespmem:s29+$0x2100];
	[tilespmem:s26+$0x8280] =	vst v13  }
0x191: {  	v13 =	vld [tilespmem:s29+$0x2110];
	[tilespmem:s26+$0x8290] =	vst v12;
	v12 =	vsel vm4, v17, v18  }
0x192: {  	v17 =	vperm.xlane v11, v8;
	v18 =	vsel vm3, v19, v20;
	v16 =	vld [tilespmem:s29+$0x2180];
	[tilespmem:s26+$0x82A0] =	vst v12;
	v12 =	vperm.xlane v10, v8  }
0x193: {  	v20 =	vperm.xlane v11, v7;
	v19 =	vld [tilespmem:s29+$0x2190];
	[tilespmem:s26+$0x82B0] =	vst v18;
	v18 =	vperm.xlane v10, v7  }
0x194: {  	v11 =	vperm.xlane v11, v6;
	v10 =	vperm.xlane v10, v6;
	v12 =	vsel vm2, v12, v17  }
0x195: {  	v17 =	vld [tilespmem:s29+$0x2200];
	[tilespmem:s26+$0x82C0] =	vst v12;
	v12 =	vsel vm1, v18, v20;
	v18 =	vperm.xlane v14, v9;
	v20 =	vperm.xlane v15, v9  }
0x196: {  	v10 =	vsel vm0, v10, v11;
	v11 =	vperm.xlane v21, v2;
	v22 =	vld [tilespmem:s29+$0x2210];
	[tilespmem:s26+$0x82D0] =	vst v12;
	v12 =	vperm.xlane v13, v2  }
0x197: {  	v23 =	vperm.xlane v21, v3;
	v24 =	vperm.xlane v13, v3;
	[tilespmem:s26+$0x82E0] =	vst v10;
	v18 =	vsel vm5, v18, v20  }
0x198: {  	v10 =	vperm.xlane v21, v4;
	v20 =	vperm.xlane v13, v4;
	[tilespmem:s29+$0x82F0] =	vst v18;
	v11 =	vsel vm7, v11, v12  }
0x199: {  	v12 =	vperm.xlane v21, v5;
	v18 =	vperm.xlane v13, v5;
	[tilespmem:s29+$0x8100] =	vst v11;
	v11 =	vsel vm6, v23, v24  }
0x19a: {  	v60 =	vperm.xlane v13, v8;
	v23 =	vperm.xlane v21, v8;
	v10 =	vsel vm4, v10, v20;
	[tilespmem:s29+$0x8110] =	vst v11  }
0x19b: {  	v20 =	vperm.xlane v13, v7;
	v11 =	vperm.xlane v21, v7;
	[tilespmem:s29+$0x8120] =	vst v10;
	v10 =	vsel vm3, v12, v18  }
0x19c: {  	v12 =	vperm.xlane v21, v6;
	v18 =	vperm.xlane v13, v6;
	[tilespmem:s29+$0x8130] =	vst v10;
	v10 =	vsel vm2, v23, v60  }
0x19d: {  	v21 =	vperm.xlane v21, v9;
	v13 =	vperm.xlane v13, v9;
	[tilespmem:s29+$0x8140] =	vst v10;
	v10 =	vsel vm1, v11, v20  }
0x19e: {  	v11 =	vperm.xlane v16, v2;
	v20 =	vperm.xlane v19, v2;
	[tilespmem:s29+$0x8150] =	vst v10;
	v10 =	vsel vm0, v12, v18  }
0x19f: {  	v12 =	vperm.xlane v16, v3;
	v18 =	vperm.xlane v19, v3;
	[tilespmem:s29+$0x8160] =	vst v10;
	v10 =	vsel vm5, v21, v13  }
0x1a0: {  	v13 =	vperm.xlane v16, v4;
	v21 =	vperm.xlane v19, v4;
	[tilespmem:s29+$0x8170] =	vst v10;
	v10 =	vsel vm7, v11, v20  }
0x1a1: {  	v11 =	vperm.xlane v16, v5;
	v20 =	vperm.xlane v19, v5;
	[tilespmem:s29+$0x8180] =	vst v10;
	v10 =	vsel vm6, v12, v18  }
0x1a2: {  	v12 =	vperm.xlane v16, v8;
	v18 =	vperm.xlane v19, v8;
	[tilespmem:s29+$0x8190] =	vst v10;
	v10 =	vsel vm4, v13, v21  }
0x1a3: {  	v13 =	vperm.xlane v16, v7;
	v21 =	vperm.xlane v19, v7;
	[tilespmem:s29+$0x81A0] =	vst v10;
	v10 =	vsel vm3, v11, v20  }
0x1a4: {  	v11 =	vperm.xlane v16, v6;
	v20 =	vperm.xlane v19, v6;
	[tilespmem:s29+$0x81B0] =	vst v10;
	v10 =	vsel vm2, v12, v18  }
0x1a5: {  	v12 =	vperm.xlane v16, v9;
	v16 =	vperm.xlane v19, v9;
	[tilespmem:s29+$0x81C0] =	vst v10;
	v10 =	vsel vm1, v13, v21  }
0x1a6: {  	v18 =	vperm.xlane v22, v2;
	v13 =	vperm.xlane v17, v2;
	[tilespmem:s29+$0x81D0] =	vst v10;
	v10 =	vsel vm0, v11, v20  }
0x1a7: {  	v19 =	vperm.xlane v22, v3;
	v11 =	vperm.xlane v17, v3;
	[tilespmem:s29+$0x81E0] =	vst v10;
	v10 =	vsel vm5, v12, v16  }
0x1a8: {  	v12 =	vperm.xlane v17, v4;
	v16 =	vperm.xlane v22, v4;
	[tilespmem:s29+$0x81F0] =	vst v10;
	v10 =	vsel vm7, v13, v18  }
0x1a9: {  	v13 =	vperm.xlane v17, v5;
	v18 =	vperm.xlane v22, v5;
	[tilespmem:s29+$0x8200] =	vst v10;
	v10 =	vsel vm6, v11, v19  }
0x1aa: {  	v11 =	vperm.xlane v17, v8;
	v19 =	vperm.xlane v22, v8;
	[tilespmem:s29+$0x8210] =	vst v10;
	v10 =	vsel vm4, v12, v16  }
0x1ab: {  	v12 =	vperm.xlane v17, v7;
	v16 =	vperm.xlane v22, v7;
	[tilespmem:s29+$0x8220] =	vst v10;
	v10 =	vsel vm3, v13, v18  }
0x1ac: {  	v13 =	vperm.xlane v17, v6;
	v18 =	vperm.xlane v22, v6;
	[tilespmem:s29+$0x8230] =	vst v10;
	v10 =	vsel vm2, v11, v19  }
0x1ad: {  	v11 =	vperm.xlane v17, v9;
	v9 =	vperm.xlane v22, v9;
	[tilespmem:s29+$0x8240] =	vst v10;
	v10 =	vsel vm1, v12, v16  }
0x1ae: {  	v12 =	vperm.xlane v14, v2;
	v2 =	vperm.xlane v15, v2;
	[tilespmem:s29+$0x8250] =	vst v10;
	v10 =	vsel vm0, v13, v18  }
0x1af: {  	v13 =	vperm.xlane v14, v3;
	v3 =	vperm.xlane v15, v3;
	v9 =	vsel vm5, v11, v9;
	[tilespmem:s29+$0x8260] =	vst v10  }
0x1b0: {  	v10 =	vperm.xlane v14, v4;
	v4 =	vperm.xlane v15, v4;
	[tilespmem:s29+$0x8270] =	vst v9;
	v2 =	vsel vm7, v12, v2  }
0x1b1: {  	v9 =	vperm.xlane v14, v5;
	v5 =	vperm.xlane v15, v5;
	[tilespmem:s29+$0x8280] =	vst v2;
	v2 =	vsel vm6, v13, v3  }
0x1b2: {  	v3 =	vperm.xlane v14, v8;
	v8 =	vperm.xlane v15, v8;
	[tilespmem:s29+$0x8290] =	vst v2;
	v2 =	vsel vm4, v10, v4  }
0x1b3: {  	v4 =	vperm.xlane v14, v7;
	v7 =	vperm.xlane v15, v7;
	[tilespmem:s29+$0x82A0] =	vst v2;
	v2 =	vsel vm3, v9, v5  }
0x1b4: {  	v5 =	vperm.xlane v14, v6;
	v6 =	vperm.xlane v15, v6;
	v3 =	vsel vm2, v3, v8;
	[tilespmem:s29+$0x82B0] =	vst v2  }
0x1b5: {  	v2 =	vsel vm1, v4, v7;
	[tilespmem:s29+$0x82C0] =	vst v3  }
0x1b6: {  	v3 =	vsel vm0, v5, v6;
	[tilespmem:s29+$0x82D0] =	vst v2  }
0x1b7: {  	s31 =	sadd.s32 s28, s7;
	s28 =	simm.s32 @!p0 $0x4;
	[tilespmem:s29+$0x82E0] =	vst v3  }
0x1b8: {  	[hbm4b:s31+s13] =	stream.strided.scatter [tilespmem:s17], [sflag:$0x3], $0x2000, s14, s13, $0x38;
	[tilespmem:$0xC100] =	vst v63  }
0x1b9: {  	_ =	swait.ge @!p0 [sflag:s28], $0x2000  }
0x1ba: {  	[sflag:s28] =	ssyncset.done @!p0 $0x0  }
0x1bb: {  	s26 =	sor.u32 $0x180, s25;
	[sflag:s28] =	ssyncadd.s32 @!p0 $0xFFFFE000  }
0x1bc: {  	v2 =	vld [tilespmem:s26+$0x100]  }
0x1bd: {  	v3 =	vld [tilespmem:s25+$0x290]  }
0x1be: {  	v4 =	vld [tilespmem:s25+$0x2A0]  }
0x1bf: {  	v5 =	vld [tilespmem:s25+$0x2B0]  }
0x1c0: {  	v6 =	vld [tilespmem:s25+$0x2C0]  }
0x1c1: {  	v7 =	vld [tilespmem:s25+$0x2D0]  }
0x1c2: {  	v8 =	vld [tilespmem:s25+$0x2E0]  }
0x1c3: {  	v9 =	vld [tilespmem:s25+$0x2F0]  }
0x1c4: {  	v2 =	vmul.f32 v2, v0;
	v3 =	vmul.f32 v3, v0  }
0x1c5: {  	v4 =	vmul.f32 v4, v0;
	v5 =	vmul.f32 v5, v0  }
0x1c6: {  	v6 =	vmul.f32 v6, v0;
	v7 =	vmul.f32 v7, v0  }
0x1c7: {  	v8 =	vmul.f32 v8, v0;
	v2 =	vadd.f32 v2, v1;
	v3 =	vadd.f32 v3, v1  }
0x1c8: {  	v9 =	vmul.f32 v9, v0;
	v4 =	vadd.f32 v4, v1;
	v5 =	vadd.f32 v5, v1  }
0x1c9: {  	v6 =	vadd.f32 v6, v1;
	v7 =	vadd.f32 v7, v1;
	v2 =	vtrunc.f32 v2  }
0x1ca: {  	v8 =	vadd.f32 v8, v1;
	v3 =	vtrunc.f32 v3;
	v4 =	vtrunc.f32 v4  }
0x1cb: {  	v9 =	vadd.f32 v9, v1;
	v5 =	vtrunc.f32 v5;
	v6 =	vtrunc.f32 v6  }
0x1cc: {  	v7 =	vtrunc.f32 v7;
	v8 =	vtrunc.f32 v8  }
0x1cd: {  	v9 =	vtrunc.f32 v9;
	v2 =	vcvt.f32.s32 v2  }
0x1ce: {  	v3 =	vcvt.f32.s32 v3;
	v4 =	vcvt.f32.s32 v4  }
0x1cf: {  	v5 =	vcvt.f32.s32 v5;
	v6 =	vcvt.f32.s32 v6  }
0x1d0: {  	v7 =	vcvt.f32.s32 v7;
	v17 =	vcvt.f32.s32 v8  }
0x1d1: {  	s25 =	simm.s32 $0x0;
	v9 =	vcvt.f32.s32 v9;
	v14 =	vand.u32 $0x10, v2;
	v2 =	vand.u32 $0xF, v2  }
0x1d2: {  	v10 =	vld [tilespmem:s25+$0x2280];
	v15 =	vand.u32 $0x10, v3;
	v3 =	vand.u32 $0xF, v3;
	v12 =	vand.u32 $0x10, v4  }
0x1d3: {  	v11 =	vld [tilespmem:s25+$0x2290];
	v4 =	vand.u32 $0xF, v4;
	v13 =	vand.u32 $0x10, v5;
	v5 =	vand.u32 $0xF, v5  }
0x1d4: {  	v19 =	vld [tilespmem:s25+$0x2100];
	v16 =	vand.u32 $0x10, v6;
	v8 =	vand.u32 $0xF, v6;
	v18 =	vand.u32 $0x10, v7  }
0x1d5: {  	v21 =	vld [tilespmem:s25+$0x2110];
	v20 =	vand.u32 $0x10, v17;
	v6 =	vand.u32 $0xF, v17;
	v17 =	vand.u32 $0x10, v9  }
0x1d6: {  	v7 =	vand.u32 $0xF, v7;
	v9 =	vand.u32 $0xF, v9;
	vm5 =	veq.s32 v17, $0x0  }
0x1d7: {  	vm0 =	veq.s32 v20, $0x0;
	vm1 =	veq.s32 v18, $0x0;
	vm3 =	veq.s32 v13, $0x0  }
0x1d8: {  	vm4 =	veq.s32 v12, $0x0;
	v13 =	vperm.xlane v10, v2;
	v12 =	vperm.xlane v10, v3  }
0x1d9: {  	vm2 =	veq.s32 v16, $0x0;
	v17 =	vperm.xlane v10, v9;
	v18 =	vperm.xlane v11, v9  }
0x1da: {  	vm6 =	veq.s32 v15, $0x0;
	v20 =	vperm.xlane v19, v2;
	v22 =	vperm.xlane v21, v2  }
0x1db: {  	vm7 =	veq.s32 v14, $0x0;
	v23 =	vperm.xlane v19, v3;
	v25 =	vperm.xlane v21, v3  }
0x1dc: {  	v16 =	vld [tilespmem:s25+$0x2180];
	v26 =	vperm.xlane v21, v4;
	v62 =	vperm.xlane v21, v8;
	v17 =	vsel vm5, v17, v18  }
0x1dd: {  	v15 =	vld [tilespmem:s25+$0x2190];
	v63 =	vperm.xlane v21, v7;
	v18 =	vperm.xlane v19, v4;
	[tilespmem:s25+$0xA2F0] =	vst v17;
	v17 =	vsel vm7, v20, v22  }
0x1de: {  	v20 =	vperm.xlane v19, v5;
	v22 =	vperm.xlane v21, v5;
	[tilespmem:s25+$0xA100] =	vst v17;
	v17 =	vsel vm6, v23, v25  }
0x1df: {  	v23 =	vperm.xlane v19, v8;
	[tilespmem:s25+$0xA110] =	vst v17;
	v17 =	vsel vm4, v18, v26;
	v18 =	vperm.xlane v19, v7  }
0x1e0: {  	[tilespmem:s25+$0xA120] =	vst v17;
	v17 =	vsel vm3, v20, v22;
	v20 =	vperm.xlane v19, v6;
	v22 =	vperm.xlane v21, v6  }
0x1e1: {  	v19 =	vperm.xlane v19, v9;
	v21 =	vperm.xlane v21, v9;
	[tilespmem:s25+$0xA130] =	vst v17;
	v17 =	vsel vm2, v23, v62  }
0x1e2: {  	v23 =	vperm.xlane v15, v2;
	[tilespmem:s25+$0xA140] =	vst v17;
	v17 =	vsel vm1, v18, v63;
	v18 =	vperm.xlane v16, v2  }
0x1e3: {  	[tilespmem:s25+$0xA150] =	vst v17;
	v17 =	vsel vm0, v20, v22;
	v20 =	vperm.xlane v16, v3;
	v22 =	vperm.xlane v15, v3  }
0x1e4: {  	v61 =	vld [tilespmem:s25+$0x2210];
	[tilespmem:s25+$0xA160] =	vst v17;
	v17 =	vsel vm5, v19, v21;
	v19 =	vperm.xlane v16, v4;
	v21 =	vperm.xlane v15, v4  }
0x1e5: {  	v14 =	vld [tilespmem:s25+$0x2200];
	[tilespmem:s25+$0xA170] =	vst v17;
	v17 =	vsel vm7, v18, v23;
	v18 =	vperm.xlane v16, v5;
	v23 =	vperm.xlane v15, v5  }
0x1e6: {  	[tilespmem:s25+$0xA180] =	vst v17;
	v17 =	vsel vm6, v20, v22;
	v20 =	vperm.xlane v16, v8;
	v22 =	vperm.xlane v15, v8  }
0x1e7: {  	[tilespmem:s25+$0xA190] =	vst v17;
	v17 =	vsel vm4, v19, v21;
	v19 =	vperm.xlane v16, v7;
	v21 =	vperm.xlane v15, v7  }
0x1e8: {  	[tilespmem:s25+$0xA1A0] =	vst v17;
	v17 =	vsel vm3, v18, v23;
	v18 =	vperm.xlane v16, v6;
	v23 =	vperm.xlane v15, v6  }
0x1e9: {  	v16 =	vperm.xlane v16, v9;
	v15 =	vperm.xlane v15, v9;
	[tilespmem:s25+$0xA1B0] =	vst v17;
	v17 =	vsel vm2, v20, v22  }
0x1ea: {  	v20 =	vperm.xlane v61, v2;
	v22 =	vperm.xlane v14, v9;
	[tilespmem:s25+$0xA1C0] =	vst v17;
	v17 =	vsel vm1, v19, v21  }
0x1eb: {  	v19 =	vperm.xlane v14, v2;
	v21 =	vperm.xlane v61, v3;
	v15 =	vsel vm5, v16, v15;
	[tilespmem:s25+$0xA1D0] =	vst v17  }
0x1ec: {  	v16 =	vperm.xlane v14, v4;
	v17 =	vsel vm0, v18, v23;
	v18 =	vperm.xlane v14, v3;
	[tilespmem:s25+$0xA1F0] =	vst v15  }
0x1ed: {  	v23 =	vperm.xlane v61, v9;
	[tilespmem:s25+$0xA1E0] =	vst v17;
	v17 =	vperm.xlane v61, v4;
	v15 =	vsel vm7, v19, v20  }
0x1ee: {  	v19 =	vperm.xlane v14, v5;
	v20 =	vperm.xlane v61, v5;
	[tilespmem:s25+$0xA200] =	vst v15;
	v15 =	vsel vm6, v18, v21  }
0x1ef: {  	v18 =	vperm.xlane v14, v8;
	v21 =	vperm.xlane v61, v8;
	[tilespmem:s25+$0xA210] =	vst v15;
	v15 =	vsel vm4, v16, v17  }
0x1f0: {  	v16 =	vperm.xlane v14, v7;
	v17 =	vperm.xlane v61, v7;
	[tilespmem:s25+$0xA220] =	vst v15;
	v15 =	vsel vm3, v19, v20  }
0x1f1: {  	v19 =	vperm.xlane v14, v6;
	v20 =	vperm.xlane v61, v6;
	[tilespmem:s25+$0xA230] =	vst v15;
	v15 =	vsel vm2, v18, v21  }
0x1f2: {  	v14 =	vsel vm1, v16, v17;
	v21 =	vperm.xlane v11, v2;
	v16 =	vperm.xlane v11, v3;
	[tilespmem:s25+$0xA240] =	vst v15  }
0x1f3: {  	s28 =	simm.s32 $0x200;
	v17 =	vperm.xlane v10, v4;
	v18 =	vperm.xlane v11, v4;
	[tilespmem:s25+$0xA250] =	vst v14;
	v15 =	vsel vm0, v19, v20  }
0x1f4: {  	s29 =	simm.s32 $0x1000;
	v22 =	vsel vm5, v22, v23;
	v19 =	vperm.xlane v10, v5;
	v20 =	vperm.xlane v11, v5;
	v14 =	vld [tilespmem:s28+$0x2280];
	[tilespmem:s25+$0xA260] =	vst v15  }
.LBB2_9:
0x1f5: {  	p0 =	sne.s32 s29, $0x7800;
	v15 =	vld [tilespmem:s28+$0x2290];
	[tilespmem:s25+$0xA270] =	vst v22;
	v13 =	vsel vm7, v13, v21;
	v21 =	vperm.xlane v10, v8;
	v22 =	vperm.xlane v11, v8  }
0x1f6: {  	v12 =	vsel vm6, v12, v16;
	v16 =	vperm.xlane v11, v7;
	v23 =	vld [tilespmem:s28+$0x2100];
	[tilespmem:s25+$0xA280] =	vst v13;
	v13 =	vperm.xlane v10, v7  }
0x1f7: {  	v27 =	vperm.xlane v10, v6;
	v26 =	vperm.xlane v11, v6;
	v24 =	vld [tilespmem:s28+$0x2110];
	[tilespmem:s25+$0xA290] =	vst v12;
	v12 =	vsel vm4, v17, v18  }
0x1f8: {  	v18 =	vsel vm3, v19, v20;
	v19 =	vsel vm2, v21, v22;
	v17 =	vld [tilespmem:s28+$0x2180];
	[tilespmem:s25+$0xA2A0] =	vst v12;
	v16 =	vsel vm1, v13, v16  }
0x1f9: {  	v20 =	vld [tilespmem:s28+$0x2190];
	v13 =	vperm.xlane v14, v2;
	v12 =	vperm.xlane v14, v3;
	[tilespmem:s25+$0xA2B0] =	vst v18;
	v18 =	vsel vm0, v27, v26  }
0x1fa: {  	v22 =	vperm.xlane v14, v9;
	v10 =	vmovc v14;
	v21 =	vld [tilespmem:s28+$0x2200];
	v25 =	vperm.xlane v15, v9;
	[tilespmem:s25+$0xA2C0] =	vst v19;
	v11 =	vmov v15  }
0x1fb: {  	v14 =	vperm.xlane v23, v2;
	v15 =	vperm.xlane v23, v3;
	v19 =	vld [tilespmem:s28+$0x2210];
	[tilespmem:s25+$0xA2D0] =	vst v16  }
0x1fc: {  	v16 =	vperm.xlane v24, v2;
	v26 =	vperm.xlane v24, v3;
	v22 =	vsel vm5, v22, v25;
	[tilespmem:s25+$0xA2E0] =	vst v18;
	s25 =	smov.u32 s28  }
0x1fd: {  	v18 =	vperm.xlane v23, v4;
	v25 =	vperm.xlane v24, v4;
	[tilespmem:s25+$0xA2F0] =	vst v22  }
0x1fe: {  	v22 =	vperm.xlane v24, v5;
	v14 =	vsel vm7, v14, v16;
	v16 =	vperm.xlane v23, v5  }
0x1ff: {  	[tilespmem:s25+$0xA100] =	vst v14;
	v14 =	vsel vm6, v15, v26;
	v15 =	vperm.xlane v23, v8;
	v26 =	vperm.xlane v24, v8  }
0x200: {  	[tilespmem:s25+$0xA110] =	vst v14;
	v14 =	vsel vm4, v18, v25;
	v18 =	vperm.xlane v23, v7;
	v25 =	vperm.xlane v24, v7  }
0x201: {  	[tilespmem:s25+$0xA120] =	vst v14;
	v14 =	vsel vm3, v16, v22;
	v16 =	vperm.xlane v23, v6;
	v22 =	vperm.xlane v24, v6  }
0x202: {  	[tilespmem:s25+$0xA130] =	vst v14;
	v14 =	vsel vm2, v15, v26;
	v15 =	vperm.xlane v23, v9;
	v23 =	vperm.xlane v24, v9  }
0x203: {  	v24 =	vperm.xlane v20, v2;
	[tilespmem:s25+$0xA140] =	vst v14;
	v14 =	vsel vm1, v18, v25;
	v18 =	vperm.xlane v17, v2  }
0x204: {  	[tilespmem:s25+$0xA150] =	vst v14;
	v14 =	vsel vm0, v16, v22;
	v16 =	vperm.xlane v17, v3;
	v22 =	vperm.xlane v20, v3  }
0x205: {  	[tilespmem:s25+$0xA160] =	vst v14;
	v14 =	vsel vm5, v15, v23;
	v15 =	vperm.xlane v17, v4;
	v23 =	vperm.xlane v20, v4  }
0x206: {  	[tilespmem:s25+$0xA170] =	vst v14;
	v14 =	vsel vm7, v18, v24;
	v18 =	vperm.xlane v17, v5;
	v24 =	vperm.xlane v20, v5  }
0x207: {  	[tilespmem:s25+$0xA180] =	vst v14;
	v14 =	vsel vm6, v16, v22;
	v16 =	vperm.xlane v17, v8;
	v22 =	vperm.xlane v20, v8  }
0x208: {  	[tilespmem:s25+$0xA190] =	vst v14;
	v14 =	vsel vm4, v15, v23;
	v15 =	vperm.xlane v17, v7;
	v23 =	vperm.xlane v20, v7  }
0x209: {  	[tilespmem:s25+$0xA1A0] =	vst v14;
	v14 =	vsel vm3, v18, v24;
	v18 =	vperm.xlane v17, v6;
	v24 =	vperm.xlane v20, v6  }
0x20a: {  	[tilespmem:s25+$0xA1B0] =	vst v14;
	v14 =	vsel vm2, v16, v22;
	v16 =	vperm.xlane v17, v9;
	v17 =	vperm.xlane v20, v9  }
0x20b: {  	v20 =	vperm.xlane v19, v2;
	[tilespmem:s25+$0xA1C0] =	vst v14;
	v14 =	vsel vm1, v15, v23;
	v15 =	vperm.xlane v21, v2  }
0x20c: {  	v22 =	vperm.xlane v19, v3;
	[tilespmem:s25+$0xA1D0] =	vst v14;
	v14 =	vsel vm0, v18, v24;
	v18 =	vperm.xlane v21, v3  }
0x20d: {  	[tilespmem:s25+$0xA1E0] =	vst v14;
	v14 =	vsel vm5, v16, v17;
	v16 =	vperm.xlane v21, v4;
	v17 =	vperm.xlane v19, v4  }
0x20e: {  	[tilespmem:s25+$0xA1F0] =	vst v14;
	v14 =	vsel vm7, v15, v20;
	v15 =	vperm.xlane v21, v5;
	v20 =	vperm.xlane v19, v5  }
0x20f: {  	[tilespmem:s25+$0xA200] =	vst v14;
	v14 =	vsel vm6, v18, v22;
	v18 =	vperm.xlane v21, v8;
	v22 =	vperm.xlane v19, v8  }
0x210: {  	[tilespmem:s25+$0xA210] =	vst v14;
	v14 =	vsel vm4, v16, v17;
	v16 =	vperm.xlane v21, v7;
	v17 =	vperm.xlane v19, v7  }
.Ltmp3:
0x211: {  	[tilespmem:s25+$0xA220] =	vst v14;
	v14 =	vsel vm3, v15, v20;
	v15 =	vperm.xlane v21, v6;
	v20 =	vperm.xlane v19, v6;
	(pc) =	sbr.rel @p0 .LBB2_9-.Ltmp3, $4  }
0x212: {  	v19 =	vperm.xlane v19, v9;
	[tilespmem:s25+$0xA230] =	vst v14;
	v14 =	vsel vm2, v18, v22;
	v22 =	vperm.xlane v21, v9  }
0x213: {  	v21 =	vperm.xlane v11, v2;
	[tilespmem:s25+$0xA240] =	vst v14;
	v14 =	vsel vm1, v16, v17;
	v16 =	vperm.xlane v11, v3  }
0x214: {  	s28 =	sshra.s32 s29, $0x2;
	v18 =	vperm.xlane v11, v4;
	v15 =	vsel vm0, v15, v20;
	v17 =	vperm.xlane v10, v4;
	[tilespmem:s25+$0xA250] =	vst v14  }
0x215: {  	s29 =	sadd.s32 $0x800, s29;
	v20 =	vperm.xlane v11, v5;
	v22 =	vsel vm5, v22, v19;
	v19 =	vperm.xlane v10, v5;
	v14 =	vld [tilespmem:s28+$0x2280];
	[tilespmem:s25+$0xA260] =	vst v15  }
0x216: {  	v15 =	vld [tilespmem:s28+$0x2290];
	[tilespmem:s25+$0xA270] =	vst v22;
	v13 =	vsel vm7, v13, v21  }
0x217: {  	v52 =	vld [tilespmem:s28+$0x2100];
	[tilespmem:s25+$0xA280] =	vst v13  }
0x218: {  	v12 =	vsel vm6, v12, v16;
	v13 =	vld [tilespmem:s28+$0x2110]  }
0x219: {  	v53 =	vsel vm4, v17, v18;
	v54 =	vperm.xlane v10, v8;
	v55 =	vperm.xlane v11, v8;
	[tilespmem:s25+$0xA290] =	vst v12  }
0x21a: {  	v57 =	vperm.xlane v10, v7;
	v58 =	vperm.xlane v11, v7;
	v56 =	vsel vm3, v19, v20;
	v16 =	vld [tilespmem:s28+$0x2180];
	[tilespmem:s25+$0xA2A0] =	vst v53  }
0x21b: {  	v59 =	vperm.xlane v10, v6;
	v60 =	vperm.xlane v11, v6;
	v12 =	vsel vm2, v54, v55;
	v19 =	vld [tilespmem:s28+$0x2190];
	[tilespmem:s25+$0xA2B0] =	vst v56  }
0x21c: {  	v61 =	vsel vm1, v57, v58;
	v62 =	vperm.xlane v14, v9;
	v17 =	vld [tilespmem:s28+$0x2200];
	[tilespmem:s25+$0xA2C0] =	vst v12;
	v63 =	vperm.xlane v15, v9  }
0x21d: {  	v10 =	vsel vm0, v59, v60;
	v22 =	vld [tilespmem:s28+$0x2210];
	v28 =	vperm.xlane v52, v2;
	[tilespmem:s25+$0xA2D0] =	vst v61;
	v29 =	vperm.xlane v13, v2  }
0x21e: {  	v23 =	vperm.xlane v52, v3;
	[tilespmem:s25+$0xA2E0] =	vst v10;
	v24 =	vperm.xlane v13, v3;
	v18 =	vsel vm5, v62, v63  }
0x21f: {  	v30 =	vperm.xlane v52, v4;
	v31 =	vperm.xlane v13, v4;
	[tilespmem:s28+$0xA2F0] =	vst v18;
	v11 =	vsel vm7, v28, v29  }
0x220: {  	v32 =	vperm.xlane v52, v5;
	v33 =	vperm.xlane v13, v5;
	v34 =	vsel vm6, v23, v24;
	[tilespmem:s28+$0xA100] =	vst v11  }
0x221: {  	v35 =	vperm.xlane v52, v8;
	v36 =	vperm.xlane v13, v8;
	v10 =	vsel vm4, v30, v31;
	[tilespmem:s28+$0xA110] =	vst v34  }
0x222: {  	v37 =	vperm.xlane v52, v7;
	v38 =	vperm.xlane v13, v7;
	v39 =	vsel vm3, v32, v33;
	[tilespmem:s28+$0xA120] =	vst v10  }
0x223: {  	v40 =	vperm.xlane v52, v6;
	v41 =	vperm.xlane v13, v6;
	v42 =	vsel vm2, v35, v36;
	[tilespmem:s28+$0xA130] =	vst v39  }
0x224: {  	v21 =	vperm.xlane v52, v9;
	v13 =	vperm.xlane v13, v9;
	v43 =	vsel vm1, v37, v38;
	[tilespmem:s28+$0xA140] =	vst v42  }
0x225: {  	v44 =	vperm.xlane v16, v2;
	v45 =	vperm.xlane v19, v2;
	v46 =	vsel vm0, v40, v41;
	[tilespmem:s28+$0xA150] =	vst v43  }
0x226: {  	v47 =	vperm.xlane v16, v3;
	v48 =	vperm.xlane v19, v3;
	v49 =	vsel vm5, v21, v13;
	[tilespmem:s28+$0xA160] =	vst v46  }
0x227: {  	v50 =	vperm.xlane v16, v4;
	v51 =	vperm.xlane v19, v4;
	[tilespmem:s28+$0xA170] =	vst v49;
	v52 =	vsel vm7, v44, v45  }
0x228: {  	v53 =	vperm.xlane v16, v5;
	v54 =	vperm.xlane v19, v5;
	v55 =	vsel vm6, v47, v48;
	[tilespmem:s28+$0xA180] =	vst v52  }
0x229: {  	v56 =	vperm.xlane v16, v8;
	v57 =	vperm.xlane v19, v8;
	v58 =	vsel vm4, v50, v51;
	[tilespmem:s28+$0xA190] =	vst v55  }
0x22a: {  	v59 =	vperm.xlane v16, v7;
	v60 =	vperm.xlane v19, v7;
	v61 =	vsel vm3, v53, v54;
	[tilespmem:s28+$0xA1A0] =	vst v58  }
0x22b: {  	v62 =	vperm.xlane v16, v6;
	v63 =	vperm.xlane v19, v6;
	v24 =	vsel vm2, v56, v57;
	[tilespmem:s28+$0xA1B0] =	vst v61  }
0x22c: {  	v25 =	vperm.xlane v16, v9;
	v26 =	vperm.xlane v19, v9;
	v27 =	vsel vm1, v59, v60;
	[tilespmem:s28+$0xA1C0] =	vst v24  }
0x22d: {  	v28 =	vperm.xlane v17, v2;
	v29 =	vperm.xlane v22, v2;
	v30 =	vsel vm0, v62, v63;
	[tilespmem:s28+$0xA1D0] =	vst v27  }
0x22e: {  	v31 =	vperm.xlane v17, v3;
	v32 =	vperm.xlane v22, v3;
	v33 =	vsel vm5, v25, v26;
	[tilespmem:s28+$0xA1E0] =	vst v30  }
0x22f: {  	v34 =	vperm.xlane v17, v4;
	v35 =	vperm.xlane v22, v4;
	[tilespmem:s28+$0xA1F0] =	vst v33;
	v36 =	vsel vm7, v28, v29  }
0x230: {  	v37 =	vperm.xlane v17, v5;
	v38 =	vperm.xlane v22, v5;
	v39 =	vsel vm6, v31, v32;
	[tilespmem:s28+$0xA200] =	vst v36  }
0x231: {  	v40 =	vperm.xlane v17, v8;
	v41 =	vperm.xlane v22, v8;
	v42 =	vsel vm4, v34, v35;
	[tilespmem:s28+$0xA210] =	vst v39  }
0x232: {  	v43 =	vperm.xlane v17, v7;
	v44 =	vperm.xlane v22, v7;
	v45 =	vsel vm3, v37, v38;
	[tilespmem:s28+$0xA220] =	vst v42  }
0x233: {  	v46 =	vperm.xlane v17, v6;
	v47 =	vperm.xlane v22, v6;
	v48 =	vsel vm2, v40, v41;
	[tilespmem:s28+$0xA230] =	vst v45  }
0x234: {  	v49 =	vperm.xlane v17, v9;
	v50 =	vperm.xlane v22, v9;
	v51 =	vsel vm1, v43, v44;
	[tilespmem:s28+$0xA240] =	vst v48  }
0x235: {  	v52 =	vperm.xlane v14, v2;
	v2 =	vperm.xlane v15, v2;
	v53 =	vsel vm0, v46, v47;
	[tilespmem:s28+$0xA250] =	vst v51  }
0x236: {  	v54 =	vperm.xlane v14, v3;
	v3 =	vperm.xlane v15, v3;
	v9 =	vsel vm5, v49, v50;
	[tilespmem:s28+$0xA260] =	vst v53  }
0x237: {  	v56 =	vperm.xlane v15, v4;
	v55 =	vperm.xlane v14, v4;
	[tilespmem:s28+$0xA270] =	vst v9;
	v2 =	vsel vm7, v52, v2  }
0x238: {  	v57 =	vperm.xlane v14, v5;
	v58 =	vperm.xlane v15, v5;
	[tilespmem:s28+$0xA280] =	vst v2;
	v2 =	vsel vm6, v54, v3  }
0x239: {  	s24 =	sadd.s32 $0x1, s24;
	v59 =	vperm.xlane v15, v8;
	v3 =	vperm.xlane v14, v8;
	[tilespmem:s28+$0xA290] =	vst v2;
	v2 =	vsel vm4, v55, v56  }
0x23a: {  	p0 =	sne.s32 s24, $0x10;
	v60 =	vperm.xlane v14, v7;
	v61 =	vperm.xlane v15, v7;
	[tilespmem:s28+$0xA2A0] =	vst v2;
	v2 =	vsel vm3, v57, v58  }
.Ltmp4:
0x23b: {  	v62 =	vperm.xlane v14, v6;
	v63 =	vperm.xlane v15, v6;
	v3 =	vsel vm2, v3, v59;
	[tilespmem:s28+$0xA2B0] =	vst v2;
	(pc) =	sbr.rel @p0 .LBB2_2-.Ltmp4, $4  }
0x23c: {  	v2 =	vsel vm1, v60, v61;
	[tilespmem:s28+$0xA2C0] =	vst v3  }
0x23d: {  	v3 =	vsel vm0, v62, v63;
	[tilespmem:s28+$0xA2D0] =	vst v2  }
0x23e: {  	s31 =	sadd.s32 s26, s7;
	[tilespmem:s28+$0xA2E0] =	vst v3  }
0x23f: {  	[hbm4b:s31+s13] =	stream.strided.scatter [tilespmem:s18], [sflag:$0x4], $0x2000, s14, s13, $0x38;
	[tilespmem:$0xC100] =	vst v63  }
0x240: {  	_ =	swait.ge [sflag:s19], $0x2000  }
0x241: {  	[sflag:s19] =	ssyncset.done $0x0  }
0x242: {  	[sflag:s19] =	ssyncadd.s32 $0xFFFFE000  }
0x243: {  	_ =	swait.ge [sflag:s20], $0x2000  }
0x244: {  	[sflag:s20] =	ssyncset.done $0x0  }
0x245: {  	s23 =	sadd.s32 $0x1, s23;
	[sflag:s20] =	ssyncadd.s32 $0xFFFFE000  }
0x246: {  	p0 =	sne.s32 s23, s8;
	_ =	swait.ge [sflag:s21], $0x2000  }
.Ltmp5:
0x247: {  	[sflag:s21] =	ssyncset.done $0x0;
	(pc) =	sbr.rel @p0 .LBB2_1-.Ltmp5, $4  }
0x248: {  	[sflag:s21] =	ssyncadd.s32 $0xFFFFE000  }
0x249: {  	_ =	swait.ge [sflag:s22], $0x2000  }
0x24a: {  	[sflag:s22] =	ssyncset.done $0x0  }
0x24b: {  	[sflag:s22] =	ssyncadd.s32 $0xFFFFE000  }
0x24c: {  	_ =	sfence.sel $0x180000  }
0x24d: {  	[bflag:$0x0] =	sbarrier.arrive $0xFFFF  }
0x24e: {  	p0 =	sne.s32 s2, $0x0;
	_ =	strace $0x90000047  }
0x24f: {  	s0 =	sadd.s32 @!p0 $0x100000, s0;
	[bflag:$0x2] =	sbarrier.arrive $0xFFFF  }
0x250: {  	[sflag:s0] =	ssyncadd.tile.s32 @!p0 $0x1;
	_ =	shalt  }
.Lfunc_end2:
_tile_overlayer_lowered:
.L_overlay_start_2:
0x251: {  	(tag) =	ssettag $0x2  }
0x252: {  	s0 =	rddreg [dreg:$0x0];
	s2 =	stileid.u32  }
0x253: {  	s1 =	rddreg [dreg:$0x1];
	p0 =	sne.s32 s2, $0x0  }
0x254: {  	s3 =	rddreg [dreg:$0x2];
	[bflag:$0x3] =	sbarrier.arrive $0xFFFF;
	s2 =	simm.s32 @!p0 $0x1C05  }
0x255: {  	[timem:s3], [sflag:s2] =	dma.local @!p0 [hbm:s0], s1  }
0x256: {  	s0 =	simm.s32 @!p0 $0x5  }
0x257: {  	_ =	swait.ge @!p0 [sflag:s0], s1  }
0x258: {  	s1 =	ssub.s32 @!p0 $0x0, s1;
	[sflag:s0] =	ssyncset.done @!p0 $0x0  }
0x259: {  	[sflag:s0] =	ssyncadd.s32 @!p0 s1  }
0x25a: {  	[bflag:$0x3] =	sbarrier.arrive $0xFFFF  }
0x25b: {  	_ =	shalt  }

</sc_bundles>
